<compile_context>
chip_gen: v7x
topology: tpu7x:2x2x1
jax: 0.10.2.dev20260603
libtpu: 0.0.44.dev20260713+nightly
codegen_flags: <defaults>
</compile_context>

<pallas_src>
import jax
import jax.numpy as jnp
from jax import lax
from jax.experimental import pallas as pl
from jax.experimental.pallas import tpu as pltpu
from jax.experimental.pallas import tpu_sc as plsc

N = 100000
D = 128
DP = D // 2
L = 16
NC, NS = 2, 16
NW = NC * NS

C = 112
CHUNKS = 28
ROWS_PER_TILE = C * CHUNKS
LAST_BASE = N - ROWS_PER_TILE
NBUF = 4
NOBUF = 2
SUB = C // L

ROWS_A = 119 * 10 * 11
ROWS_B = 12 * 9 * 5 * 8 * 2 * 2
MULT_A = (10 * 11, 11, 1)
MULT_B = (9 * 5 * 8 * 2 * 2, 5 * 8 * 2 * 2, 8 * 2 * 2, 2 * 2, 2, 1)


def _body(x_hbm, tbl_hbm, out_hbm, xslab, idx_a, idx_b, rows_a, rows_b,
          obuf, gsem0, gsem1, gsem2, gsem3, osem0, osem1):
    gsems = (gsem0, gsem1, gsem2, gsem3)
    osems = (osem0, osem1)
    wid = lax.axis_index("s") * NC + lax.axis_index("c")
    base = jnp.minimum(wid * ROWS_PER_TILE, LAST_BASE)

    for f in range(9):
        pltpu.sync_copy(x_hbm.at[pl.ds(f * N + base, ROWS_PER_TILE)],
                        xslab.at[pl.ds(f * ROWS_PER_TILE, ROWS_PER_TILE)])

    def idx_body(ci, _):
        for k in range(SUB):
            def col(f):
                return xslab[pl.ds(f * ROWS_PER_TILE + ci * C + k * L, L)]

            s = pl.ds(k * L, L)
            ga = col(0) * MULT_A[0]
            for t in range(1, 3):
                ga = ga + col(t) * MULT_A[t]
            idx_a[ci, s] = ga
            gb = col(3) * MULT_B[0]
            for t in range(1, 6):
                gb = gb + col(3 + t) * MULT_B[t]
            idx_b[ci, s] = gb + ROWS_A
        return 0

    lax.fori_loop(0, CHUNKS, idx_body, 0)

    def gather_descs(ci, buf):
        ds = []
        for k in range(SUB):
            s = pl.ds(k * L, L)
            ds.append(pltpu.make_async_copy(tbl_hbm.at[idx_a.at[ci, s]],
                                            rows_a.at[buf, s], gsems[buf]))
            ds.append(pltpu.make_async_copy(tbl_hbm.at[idx_b.at[ci, s]],
                                            rows_b.at[buf, s], gsems[buf]))
        return tuple(ds)

    def start_gather(ci, buf):
        for d in gather_descs(ci, buf):
            d.start()

    def drain_gather(ci, buf):
        for d in gather_descs(ci, buf):
            d.wait()

    def add_pass(buf, ob):
        def _row(r, _):
            for j in range(DP // L):
                s = pl.ds(j * L, L)
                wa = plsc.bitcast(rows_a[buf, r, s], jnp.int32)
                wb = plsc.bitcast(rows_b[buf, r, s], jnp.int32)
                lo = (plsc.bitcast(wa << 16, jnp.float32)
                      + plsc.bitcast(wb << 16, jnp.float32))
                hi = (plsc.bitcast(wa & -65536, jnp.float32)
                      + plsc.bitcast(wb & -65536, jnp.float32))
                obuf[ob, r, pl.ds(j * L, L)] = lo
                obuf[ob, r, pl.ds(DP + j * L, L)] = hi
            return 0

        lax.fori_loop(0, C, _row, 0)

    def out_op(ci, ob, start):
        cbase = base + ci * C
        d = pltpu.make_async_copy(obuf.at[ob],
                                  out_hbm.at[pl.ds(cbase, C)],
                                  osems[ob])
        d.start() if start else d.wait()

    for k in range(NBUF - 1):
        start_gather(k, k)

    def group_body(g, _):
        for half in range(NBUF):
            ci = g * NBUF + half
            buf = half
            ob = half % NOBUF
            la = (half + NBUF - 1) % NBUF

            @pl.when(ci + NBUF - 1 < CHUNKS)
            def _():
                start_gather(ci + NBUF - 1, la)

            drain_gather(ci, buf)

            @pl.when(ci >= NOBUF)
            def _():
                out_op(ci - NOBUF, ob, start=False)

            add_pass(buf, ob)
            out_op(ci, ob, start=True)
        return 0

    lax.fori_loop(0, CHUNKS // NBUF, group_body, 0)
    for k in range(NOBUF):
        out_op(CHUNKS - NOBUF + k, (CHUNKS - NOBUF + k) % NOBUF, start=False)


@jax.jit
def _encode(x_flat, tbl_packed):
    mesh = plsc.VectorSubcoreMesh(core_axis_name="c", subcore_axis_name="s",
                                  num_cores=NC, num_subcores=NS)
    f = pl.kernel(
        _body,
        out_type=jax.ShapeDtypeStruct((N, D), jnp.float32),
        mesh=mesh,
        compiler_params=pltpu.CompilerParams(use_tc_tiling_on_sc=False,
                                             needs_layout_passes=False),
        scratch_types=[
            pltpu.VMEM((9 * ROWS_PER_TILE,), jnp.int32),
            pltpu.VMEM((CHUNKS, C), jnp.int32),
            pltpu.VMEM((CHUNKS, C), jnp.int32),
            pltpu.VMEM((NBUF, C, DP), jnp.float32),
            pltpu.VMEM((NBUF, C, DP), jnp.float32),
            pltpu.VMEM((NOBUF, C, D), jnp.float32),
            pltpu.SemaphoreType.DMA,
            pltpu.SemaphoreType.DMA,
            pltpu.SemaphoreType.DMA,
            pltpu.SemaphoreType.DMA,
            pltpu.SemaphoreType.DMA,
            pltpu.SemaphoreType.DMA,
        ],
    )
    return f(x_flat, tbl_packed)


def kernel(x, W0, W1, W2, W3, W4, W5, W6, W7, W8):
    ta = (W0[:, None, None, :] + W1[None, :, None, :] + W2[None, None, :, :])
    tb = (W3[:, None, None, None, None, None, :]
          + W4[None, :, None, None, None, None, :]
          + W5[None, None, :, None, None, None, :]
          + W6[None, None, None, :, None, None, :]
          + W7[None, None, None, None, :, None, :]
          + W8[None, None, None, None, None, :, :])
    def pack(t):
        bits = lax.bitcast_convert_type(t.astype(jnp.bfloat16), jnp.uint16)
        bits = bits.astype(jnp.uint32)
        return lax.bitcast_convert_type(
            (bits[:, DP:] << 16) | bits[:, :DP], jnp.float32)

    tbl_packed = jnp.concatenate(
        [pack(ta.reshape(ROWS_A, D)), pack(tb.reshape(ROWS_B, D))], axis=0)
    return _encode(jnp.transpose(x.astype(jnp.int32)).reshape(9 * N),
                   tbl_packed)

# --- scband reference (transcript-rebuilt; emitter-appended) ---
"""Pipeline reference for scband-atom-encoder-19095424598469 (READ-ONLY COPY).

The authoritative reference and input builder live on the scoring server;
editing this copy changes nothing except your own understanding.
"""

import jax, jax.numpy as jnp
import numpy as np

VOCABS = [119, 10, 11, 12, 9, 5, 8, 2, 2]
N = 100000
D = 128


def setup_inputs(seed: int = 0) -> dict:
    key = jax.random.key(seed)
    ks = jax.random.split(key, 2 * len(VOCABS))
    # per-column indices, each in-range for its vocab
    cols = [jax.random.randint(ks[i], (N,), 0, VOCABS[i], dtype=jnp.int32) for i in range(len(VOCABS))]
    x = jnp.stack(cols, axis=1)
    inp = {"x": x}
    for i, v in enumerate(VOCABS):
        inp[f"W{i}"] = jax.random.normal(ks[len(VOCABS) + i], (v, D), dtype=jnp.float32) * 0.02
    return inp


def reference(x, W0, W1, W2, W3, W4, W5, W6, W7, W8):
    Ws = [W0, W1, W2, W3, W4, W5, W6, W7, W8]
    out = jnp.zeros((x.shape[0], Ws[0].shape[1]), dtype=jnp.float32)
    for i in range(x.shape[1]):
        out = out + jnp.take(Ws[i], x[:, i], axis=0)
    return out

if __name__ == "__main__":
    import jax
    _d = setup_inputs()
    print(jax.jit(kernel)(*tuple(_d.values())))

</pallas_src>

<mosaic_0001>
#map = affine_map<(d0, d1) -> (0)>
#map1 = affine_map<(d0, d1) -> (0, 0)>
module attributes {stable_mosaic.version = 14 : i64} {
  func.func @_body(%arg0: i32, %arg1: i32, %arg2: memref<900000xi32, #tpu.memory_space<hbm>>, %arg3: memref<30370x64xf32, #tpu.memory_space<hbm>>, %arg4: memref<100000x128xf32, #tpu.memory_space<hbm>>, %arg5: memref<28224xi32, #tpu.memory_space<vmem>>, %arg6: memref<28x112xi32, #tpu.memory_space<vmem>>, %arg7: memref<28x112xi32, #tpu.memory_space<vmem>>, %arg8: memref<4x112x64xf32, #tpu.memory_space<vmem>>, %arg9: memref<4x112x64xf32, #tpu.memory_space<vmem>>, %arg10: memref<2x112x128xf32, #tpu.memory_space<vmem>>, %arg11: memref<!tpu.dma_semaphore, #tpu.memory_space<semaphore_mem>>, %arg12: memref<!tpu.dma_semaphore, #tpu.memory_space<semaphore_mem>>, %arg13: memref<!tpu.dma_semaphore, #tpu.memory_space<semaphore_mem>>, %arg14: memref<!tpu.dma_semaphore, #tpu.memory_space<semaphore_mem>>, %arg15: memref<!tpu.dma_semaphore, #tpu.memory_space<semaphore_mem>>, %arg16: memref<!tpu.dma_semaphore, #tpu.memory_space<semaphore_mem>>) attributes {dimension_semantics = [#tpu.dimension_semantics<core_parallel>, #tpu.dimension_semantics<subcore_parallel>], iteration_bounds = array<i64: 2, 16>, scalar_prefetch = 0 : i64, scratch_operands = 12 : i64, tpu.core_type = #tpu.core_type<sc_vector_subcore>, window_params = [{transform_indices = #map}, {transform_indices = #map1}, {transform_indices = #map1}]} {
    %mul3A = arith.constant 2 : i32
    %mul3A_0 = arith.muli %arg1, %mul3A : i32
    %add3A = arith.addi %mul3A_0, %arg0 : i32
    %mul3A_1 = arith.constant 3136 : i32
    %mul3A_2 = arith.muli %add3A, %mul3A_1 : i32
    %min3A = arith.constant 96864 : i32
    %min3A_3 = arith.minsi %mul3A_2, %min3A : i32
    %add3A_4 = arith.constant 0 : i32
    %add3A_5 = arith.addi %add3A_4, %min3A_3 : i32
    "tpu.region"() ({
      %run_scoped3A = tpu.sem_alloc : memref<!tpu.dma_semaphore, #tpu.memory_space<semaphore_mem>>
      %dma_start3A_567 = arith.constant 0 : i32
      %dma_start3A_568 = tpu.memref_slice %arg5[%dma_start3A_567] : memref<28224xi32, #tpu.memory_space<vmem>> -> memref<3136xi32, #tpu.memory_space<vmem>>
      %dma_start3A_569 = tpu.memref_slice %arg2[%add3A_5] : memref<900000xi32, #tpu.memory_space<hbm>> -> memref<3136xi32, #tpu.memory_space<hbm>>
      %dma_start3A_570 = arith.constant 0 : i32
      %dma_start3A_571 = tpu.memref_slice %arg5[%dma_start3A_570] : memref<28224xi32, #tpu.memory_space<vmem>> -> memref<3136xi32, #tpu.memory_space<vmem>>
      %dma_start3A_572 = tpu.memref_slice %arg2[%add3A_5] : memref<900000xi32, #tpu.memory_space<hbm>> -> memref<3136xi32, #tpu.memory_space<hbm>>
      tpu.enqueue_dma source(%dma_start3A_572 : memref<3136xi32, #tpu.memory_space<hbm>>) target(%dma_start3A_571 : memref<3136xi32, #tpu.memory_space<vmem>>) target_semaphore(%run_scoped3A : memref<!tpu.dma_semaphore, #tpu.memory_space<semaphore_mem>>)
      %dma_wait3A_573 = arith.constant 0 : i32
      %dma_wait3A_574 = tpu.memref_slice %arg5[%dma_wait3A_573] : memref<28224xi32, #tpu.memory_space<vmem>> -> memref<3136xi32, #tpu.memory_space<vmem>>
      %dma_wait3A_575 = tpu.memref_slice %arg2[%add3A_5] : memref<900000xi32, #tpu.memory_space<hbm>> -> memref<3136xi32, #tpu.memory_space<hbm>>
      %dma_wait3A_576 = arith.constant 0 : i32
      %dma_wait3A_577 = tpu.memref_slice %arg5[%dma_wait3A_576] : memref<28224xi32, #tpu.memory_space<vmem>> -> memref<3136xi32, #tpu.memory_space<vmem>>
      %dma_wait3A_578 = tpu.memref_slice %arg2[%add3A_5] : memref<900000xi32, #tpu.memory_space<hbm>> -> memref<3136xi32, #tpu.memory_space<hbm>>
      tpu.wait_dma2 semaphore(%run_scoped3A : memref<!tpu.dma_semaphore, #tpu.memory_space<semaphore_mem>>) src(%dma_wait3A_578 : memref<3136xi32, #tpu.memory_space<hbm>>) dst(%dma_wait3A_577 : memref<3136xi32, #tpu.memory_space<vmem>>)
      tpu.yield
    }) : () -> ()
    %add3A_6 = arith.constant 100000 : i32
    %add3A_7 = arith.addi %add3A_6, %min3A_3 : i32
    "tpu.region"() ({
      %run_scoped3A = tpu.sem_alloc : memref<!tpu.dma_semaphore, #tpu.memory_space<semaphore_mem>>
      %dma_start3A_567 = arith.constant 3136 : i32
      %dma_start3A_568 = tpu.memref_slice %arg5[%dma_start3A_567] : memref<28224xi32, #tpu.memory_space<vmem>> -> memref<3136xi32, #tpu.memory_space<vmem>>
      %dma_start3A_569 = tpu.memref_slice %arg2[%add3A_7] : memref<900000xi32, #tpu.memory_space<hbm>> -> memref<3136xi32, #tpu.memory_space<hbm>>
      %dma_start3A_570 = arith.constant 3136 : i32
      %dma_start3A_571 = tpu.memref_slice %arg5[%dma_start3A_570] : memref<28224xi32, #tpu.memory_space<vmem>> -> memref<3136xi32, #tpu.memory_space<vmem>>
      %dma_start3A_572 = tpu.memref_slice %arg2[%add3A_7] : memref<900000xi32, #tpu.memory_space<hbm>> -> memref<3136xi32, #tpu.memory_space<hbm>>
      tpu.enqueue_dma source(%dma_start3A_572 : memref<3136xi32, #tpu.memory_space<hbm>>) target(%dma_start3A_571 : memref<3136xi32, #tpu.memory_space<vmem>>) target_semaphore(%run_scoped3A : memref<!tpu.dma_semaphore, #tpu.memory_space<semaphore_mem>>)
      %dma_wait3A_573 = arith.constant 3136 : i32
      %dma_wait3A_574 = tpu.memref_slice %arg5[%dma_wait3A_573] : memref<28224xi32, #tpu.memory_space<vmem>> -> memref<3136xi32, #tpu.memory_space<vmem>>
      %dma_wait3A_575 = tpu.memref_slice %arg2[%add3A_7] : memref<900000xi32, #tpu.memory_space<hbm>> -> memref<3136xi32, #tpu.memory_space<hbm>>
      %dma_wait3A_576 = arith.constant 3136 : i32
      %dma_wait3A_577 = tpu.memref_slice %arg5[%dma_wait3A_576] : memref<28224xi32, #tpu.memory_space<vmem>> -> memref<3136xi32, #tpu.memory_space<vmem>>
      %dma_wait3A_578 = tpu.memref_slice %arg2[%add3A_7] : memref<900000xi32, #tpu.memory_space<hbm>> -> memref<3136xi32, #tpu.memory_space<hbm>>
      tpu.wait_dma2 semaphore(%run_scoped3A : memref<!tpu.dma_semaphore, #tpu.memory_space<semaphore_mem>>) src(%dma_wait3A_578 : memref<3136xi32, #tpu.memory_space<hbm>>) dst(%dma_wait3A_577 : memref<3136xi32, #tpu.memory_space<vmem>>)
      tpu.yield
    }) : () -> ()
    %add3A_8 = arith.constant 200000 : i32
    %add3A_9 = arith.addi %add3A_8, %min3A_3 : i32
    "tpu.region"() ({
      %run_scoped3A = tpu.sem_alloc : memref<!tpu.dma_semaphore, #tpu.memory_space<semaphore_mem>>
      %dma_start3A_567 = arith.constant 6272 : i32
      %dma_start3A_568 = tpu.memref_slice %arg5[%dma_start3A_567] : memref<28224xi32, #tpu.memory_space<vmem>> -> memref<3136xi32, #tpu.memory_space<vmem>>
      %dma_start3A_569 = tpu.memref_slice %arg2[%add3A_9] : memref<900000xi32, #tpu.memory_space<hbm>> -> memref<3136xi32, #tpu.memory_space<hbm>>
      %dma_start3A_570 = arith.constant 6272 : i32
      %dma_start3A_571 = tpu.memref_slice %arg5[%dma_start3A_570] : memref<28224xi32, #tpu.memory_space<vmem>> -> memref<3136xi32, #tpu.memory_space<vmem>>
      %dma_start3A_572 = tpu.memref_slice %arg2[%add3A_9] : memref<900000xi32, #tpu.memory_space<hbm>> -> memref<3136xi32, #tpu.memory_space<hbm>>
      tpu.enqueue_dma source(%dma_start3A_572 : memref<3136xi32, #tpu.memory_space<hbm>>) target(%dma_start3A_571 : memref<3136xi32, #tpu.memory_space<vmem>>) target_semaphore(%run_scoped3A : memref<!tpu.dma_semaphore, #tpu.memory_space<semaphore_mem>>)
      %dma_wait3A_573 = arith.constant 6272 : i32
      %dma_wait3A_574 = tpu.memref_slice %arg5[%dma_wait3A_573] : memref<28224xi32, #tpu.memory_space<vmem>> -> memref<3136xi32, #tpu.memory_space<vmem>>
      %dma_wait3A_575 = tpu.memref_slice %arg2[%add3A_9] : memref<900000xi32, #tpu.memory_space<hbm>> -> memref<3136xi32, #tpu.memory_space<hbm>>
      %dma_wait3A_576 = arith.constant 6272 : i32
      %dma_wait3A_577 = tpu.memref_slice %arg5[%dma_wait3A_576] : memref<28224xi32, #tpu.memory_space<vmem>> -> memref<3136xi32, #tpu.memory_space<vmem>>
      %dma_wait3A_578 = tpu.memref_slice %arg2[%add3A_9] : memref<900000xi32, #tpu.memory_space<hbm>> -> memref<3136xi32, #tpu.memory_space<hbm>>
      tpu.wait_dma2 semaphore(%run_scoped3A : memref<!tpu.dma_semaphore, #tpu.memory_space<semaphore_mem>>) src(%dma_wait3A_578 : memref<3136xi32, #tpu.memory_space<hbm>>) dst(%dma_wait3A_577 : memref<3136xi32, #tpu.memory_space<vmem>>)
      tpu.yield
    }) : () -> ()
    %add3A_10 = arith.constant 300000 : i32
    %add3A_11 = arith.addi %add3A_10, %min3A_3 : i32
    "tpu.region"() ({
      %run_scoped3A = tpu.sem_alloc : memref<!tpu.dma_semaphore, #tpu.memory_space<semaphore_mem>>
      %dma_start3A_567 = arith.constant 9408 : i32
      %dma_start3A_568 = tpu.memref_slice %arg5[%dma_start3A_567] : memref<28224xi32, #tpu.memory_space<vmem>> -> memref<3136xi32, #tpu.memory_space<vmem>>
      %dma_start3A_569 = tpu.memref_slice %arg2[%add3A_11] : memref<900000xi32, #tpu.memory_space<hbm>> -> memref<3136xi32, #tpu.memory_space<hbm>>
      %dma_start3A_570 = arith.constant 9408 : i32
      %dma_start3A_571 = tpu.memref_slice %arg5[%dma_start3A_570] : memref<28224xi32, #tpu.memory_space<vmem>> -> memref<3136xi32, #tpu.memory_space<vmem>>
      %dma_start3A_572 = tpu.memref_slice %arg2[%add3A_11] : memref<900000xi32, #tpu.memory_space<hbm>> -> memref<3136xi32, #tpu.memory_space<hbm>>
      tpu.enqueue_dma source(%dma_start3A_572 : memref<3136xi32, #tpu.memory_space<hbm>>) target(%dma_start3A_571 : memref<3136xi32, #tpu.memory_space<vmem>>) target_semaphore(%run_scoped3A : memref<!tpu.dma_semaphore, #tpu.memory_space<semaphore_mem>>)
      %dma_wait3A_573 = arith.constant 9408 : i32
      %dma_wait3A_574 = tpu.memref_slice %arg5[%dma_wait3A_573] : memref<28224xi32, #tpu.memory_space<vmem>> -> memref<3136xi32, #tpu.memory_space<vmem>>
      %dma_wait3A_575 = tpu.memref_slice %arg2[%add3A_11] : memref<900000xi32, #tpu.memory_space<hbm>> -> memref<3136xi32, #tpu.memory_space<hbm>>
      %dma_wait3A_576 = arith.constant 9408 : i32
      %dma_wait3A_577 = tpu.memref_slice %arg5[%dma_wait3A_576] : memref<28224xi32, #tpu.memory_space<vmem>> -> memref<3136xi32, #tpu.memory_space<vmem>>
      %dma_wait3A_578 = tpu.memref_slice %arg2[%add3A_11] : memref<900000xi32, #tpu.memory_space<hbm>> -> memref<3136xi32, #tpu.memory_space<hbm>>
      tpu.wait_dma2 semaphore(%run_scoped3A : memref<!tpu.dma_semaphore, #tpu.memory_space<semaphore_mem>>) src(%dma_wait3A_578 : memref<3136xi32, #tpu.memory_space<hbm>>) dst(%dma_wait3A_577 : memref<3136xi32, #tpu.memory_space<vmem>>)
      tpu.yield
    }) : () -> ()
    %add3A_12 = arith.constant 400000 : i32
    %add3A_13 = arith.addi %add3A_12, %min3A_3 : i32
    "tpu.region"() ({
      %run_scoped3A = tpu.sem_alloc : memref<!tpu.dma_semaphore, #tpu.memory_space<semaphore_mem>>
      %dma_start3A_567 = arith.constant 12544 : i32
      %dma_start3A_568 = tpu.memref_slice %arg5[%dma_start3A_567] : memref<28224xi32, #tpu.memory_space<vmem>> -> memref<3136xi32, #tpu.memory_space<vmem>>
      %dma_start3A_569 = tpu.memref_slice %arg2[%add3A_13] : memref<900000xi32, #tpu.memory_space<hbm>> -> memref<3136xi32, #tpu.memory_space<hbm>>
      %dma_start3A_570 = arith.constant 12544 : i32
      %dma_start3A_571 = tpu.memref_slice %arg5[%dma_start3A_570] : memref<28224xi32, #tpu.memory_space<vmem>> -> memref<3136xi32, #tpu.memory_space<vmem>>
      %dma_start3A_572 = tpu.memref_slice %arg2[%add3A_13] : memref<900000xi32, #tpu.memory_space<hbm>> -> memref<3136xi32, #tpu.memory_space<hbm>>
      tpu.enqueue_dma source(%dma_start3A_572 : memref<3136xi32, #tpu.memory_space<hbm>>) target(%dma_start3A_571 : memref<3136xi32, #tpu.memory_space<vmem>>) target_semaphore(%run_scoped3A : memref<!tpu.dma_semaphore, #tpu.memory_space<semaphore_mem>>)
      %dma_wait3A_573 = arith.constant 12544 : i32
      %dma_wait3A_574 = tpu.memref_slice %arg5[%dma_wait3A_573] : memref<28224xi32, #tpu.memory_space<vmem>> -> memref<3136xi32, #tpu.memory_space<vmem>>
      %dma_wait3A_575 = tpu.memref_slice %arg2[%add3A_13] : memref<900000xi32, #tpu.memory_space<hbm>> -> memref<3136xi32, #tpu.memory_space<hbm>>
      %dma_wait3A_576 = arith.constant 12544 : i32
      %dma_wait3A_577 = tpu.memref_slice %arg5[%dma_wait3A_576] : memref<28224xi32, #tpu.memory_space<vmem>> -> memref<3136xi32, #tpu.memory_space<vmem>>
      %dma_wait3A_578 = tpu.memref_slice %arg2[%add3A_13] : memref<900000xi32, #tpu.memory_space<hbm>> -> memref<3136xi32, #tpu.memory_space<hbm>>
      tpu.wait_dma2 semaphore(%run_scoped3A : memref<!tpu.dma_semaphore, #tpu.memory_space<semaphore_mem>>) src(%dma_wait3A_578 : memref<3136xi32, #tpu.memory_space<hbm>>) dst(%dma_wait3A_577 : memref<3136xi32, #tpu.memory_space<vmem>>)
      tpu.yield
    }) : () -> ()
    %add3A_14 = arith.constant 500000 : i32
    %add3A_15 = arith.addi %add3A_14, %min3A_3 : i32
    "tpu.region"() ({
      %run_scoped3A = tpu.sem_alloc : memref<!tpu.dma_semaphore, #tpu.memory_space<semaphore_mem>>
      %dma_start3A_567 = arith.constant 15680 : i32
      %dma_start3A_568 = tpu.memref_slice %arg5[%dma_start3A_567] : memref<28224xi32, #tpu.memory_space<vmem>> -> memref<3136xi32, #tpu.memory_space<vmem>>
      %dma_start3A_569 = tpu.memref_slice %arg2[%add3A_15] : memref<900000xi32, #tpu.memory_space<hbm>> -> memref<3136xi32, #tpu.memory_space<hbm>>
      %dma_start3A_570 = arith.constant 15680 : i32
      %dma_start3A_571 = tpu.memref_slice %arg5[%dma_start3A_570] : memref<28224xi32, #tpu.memory_space<vmem>> -> memref<3136xi32, #tpu.memory_space<vmem>>
      %dma_start3A_572 = tpu.memref_slice %arg2[%add3A_15] : memref<900000xi32, #tpu.memory_space<hbm>> -> memref<3136xi32, #tpu.memory_space<hbm>>
      tpu.enqueue_dma source(%dma_start3A_572 : memref<3136xi32, #tpu.memory_space<hbm>>) target(%dma_start3A_571 : memref<3136xi32, #tpu.memory_space<vmem>>) target_semaphore(%run_scoped3A : memref<!tpu.dma_semaphore, #tpu.memory_space<semaphore_mem>>)
      %dma_wait3A_573 = arith.constant 15680 : i32
      %dma_wait3A_574 = tpu.memref_slice %arg5[%dma_wait3A_573] : memref<28224xi32, #tpu.memory_space<vmem>> -> memref<3136xi32, #tpu.memory_space<vmem>>
      %dma_wait3A_575 = tpu.memref_slice %arg2[%add3A_15] : memref<900000xi32, #tpu.memory_space<hbm>> -> memref<3136xi32, #tpu.memory_space<hbm>>
      %dma_wait3A_576 = arith.constant 15680 : i32
      %dma_wait3A_577 = tpu.memref_slice %arg5[%dma_wait3A_576] : memref<28224xi32, #tpu.memory_space<vmem>> -> memref<3136xi32, #tpu.memory_space<vmem>>
      %dma_wait3A_578 = tpu.memref_slice %arg2[%add3A_15] : memref<900000xi32, #tpu.memory_space<hbm>> -> memref<3136xi32, #tpu.memory_space<hbm>>
      tpu.wait_dma2 semaphore(%run_scoped3A : memref<!tpu.dma_semaphore, #tpu.memory_space<semaphore_mem>>) src(%dma_wait3A_578 : memref<3136xi32, #tpu.memory_space<hbm>>) dst(%dma_wait3A_577 : memref<3136xi32, #tpu.memory_space<vmem>>)
      tpu.yield
    }) : () -> ()
    %add3A_16 = arith.constant 600000 : i32
    %add3A_17 = arith.addi %add3A_16, %min3A_3 : i32
    "tpu.region"() ({
      %run_scoped3A = tpu.sem_alloc : memref<!tpu.dma_semaphore, #tpu.memory_space<semaphore_mem>>
      %dma_start3A_567 = arith.constant 18816 : i32
      %dma_start3A_568 = tpu.memref_slice %arg5[%dma_start3A_567] : memref<28224xi32, #tpu.memory_space<vmem>> -> memref<3136xi32, #tpu.memory_space<vmem>>
      %dma_start3A_569 = tpu.memref_slice %arg2[%add3A_17] : memref<900000xi32, #tpu.memory_space<hbm>> -> memref<3136xi32, #tpu.memory_space<hbm>>
      %dma_start3A_570 = arith.constant 18816 : i32
      %dma_start3A_571 = tpu.memref_slice %arg5[%dma_start3A_570] : memref<28224xi32, #tpu.memory_space<vmem>> -> memref<3136xi32, #tpu.memory_space<vmem>>
      %dma_start3A_572 = tpu.memref_slice %arg2[%add3A_17] : memref<900000xi32, #tpu.memory_space<hbm>> -> memref<3136xi32, #tpu.memory_space<hbm>>
      tpu.enqueue_dma source(%dma_start3A_572 : memref<3136xi32, #tpu.memory_space<hbm>>) target(%dma_start3A_571 : memref<3136xi32, #tpu.memory_space<vmem>>) target_semaphore(%run_scoped3A : memref<!tpu.dma_semaphore, #tpu.memory_space<semaphore_mem>>)
      %dma_wait3A_573 = arith.constant 18816 : i32
      %dma_wait3A_574 = tpu.memref_slice %arg5[%dma_wait3A_573] : memref<28224xi32, #tpu.memory_space<vmem>> -> memref<3136xi32, #tpu.memory_space<vmem>>
      %dma_wait3A_575 = tpu.memref_slice %arg2[%add3A_17] : memref<900000xi32, #tpu.memory_space<hbm>> -> memref<3136xi32, #tpu.memory_space<hbm>>
      %dma_wait3A_576 = arith.constant 18816 : i32
      %dma_wait3A_577 = tpu.memref_slice %arg5[%dma_wait3A_576] : memref<28224xi32, #tpu.memory_space<vmem>> -> memref<3136xi32, #tpu.memory_space<vmem>>
      %dma_wait3A_578 = tpu.memref_slice %arg2[%add3A_17] : memref<900000xi32, #tpu.memory_space<hbm>> -> memref<3136xi32, #tpu.memory_space<hbm>>
      tpu.wait_dma2 semaphore(%run_scoped3A : memref<!tpu.dma_semaphore, #tpu.memory_space<semaphore_mem>>) src(%dma_wait3A_578 : memref<3136xi32, #tpu.memory_space<hbm>>) dst(%dma_wait3A_577 : memref<3136xi32, #tpu.memory_space<vmem>>)
      tpu.yield
    }) : () -> ()
    %add3A_18 = arith.constant 700000 : i32
    %add3A_19 = arith.addi %add3A_18, %min3A_3 : i32
    "tpu.region"() ({
      %run_scoped3A = tpu.sem_alloc : memref<!tpu.dma_semaphore, #tpu.memory_space<semaphore_mem>>
      %dma_start3A_567 = arith.constant 21952 : i32
      %dma_start3A_568 = tpu.memref_slice %arg5[%dma_start3A_567] : memref<28224xi32, #tpu.memory_space<vmem>> -> memref<3136xi32, #tpu.memory_space<vmem>>
      %dma_start3A_569 = tpu.memref_slice %arg2[%add3A_19] : memref<900000xi32, #tpu.memory_space<hbm>> -> memref<3136xi32, #tpu.memory_space<hbm>>
      %dma_start3A_570 = arith.constant 21952 : i32
      %dma_start3A_571 = tpu.memref_slice %arg5[%dma_start3A_570] : memref<28224xi32, #tpu.memory_space<vmem>> -> memref<3136xi32, #tpu.memory_space<vmem>>
      %dma_start3A_572 = tpu.memref_slice %arg2[%add3A_19] : memref<900000xi32, #tpu.memory_space<hbm>> -> memref<3136xi32, #tpu.memory_space<hbm>>
      tpu.enqueue_dma source(%dma_start3A_572 : memref<3136xi32, #tpu.memory_space<hbm>>) target(%dma_start3A_571 : memref<3136xi32, #tpu.memory_space<vmem>>) target_semaphore(%run_scoped3A : memref<!tpu.dma_semaphore, #tpu.memory_space<semaphore_mem>>)
      %dma_wait3A_573 = arith.constant 21952 : i32
      %dma_wait3A_574 = tpu.memref_slice %arg5[%dma_wait3A_573] : memref<28224xi32, #tpu.memory_space<vmem>> -> memref<3136xi32, #tpu.memory_space<vmem>>
      %dma_wait3A_575 = tpu.memref_slice %arg2[%add3A_19] : memref<900000xi32, #tpu.memory_space<hbm>> -> memref<3136xi32, #tpu.memory_space<hbm>>
      %dma_wait3A_576 = arith.constant 21952 : i32
      %dma_wait3A_577 = tpu.memref_slice %arg5[%dma_wait3A_576] : memref<28224xi32, #tpu.memory_space<vmem>> -> memref<3136xi32, #tpu.memory_space<vmem>>
      %dma_wait3A_578 = tpu.memref_slice %arg2[%add3A_19] : memref<900000xi32, #tpu.memory_space<hbm>> -> memref<3136xi32, #tpu.memory_space<hbm>>
      tpu.wait_dma2 semaphore(%run_scoped3A : memref<!tpu.dma_semaphore, #tpu.memory_space<semaphore_mem>>) src(%dma_wait3A_578 : memref<3136xi32, #tpu.memory_space<hbm>>) dst(%dma_wait3A_577 : memref<3136xi32, #tpu.memory_space<vmem>>)
      tpu.yield
    }) : () -> ()
    %add3A_20 = arith.constant 800000 : i32
    %add3A_21 = arith.addi %add3A_20, %min3A_3 : i32
    "tpu.region"() ({
      %run_scoped3A = tpu.sem_alloc : memref<!tpu.dma_semaphore, #tpu.memory_space<semaphore_mem>>
      %dma_start3A_567 = arith.constant 25088 : i32
      %dma_start3A_568 = tpu.memref_slice %arg5[%dma_start3A_567] : memref<28224xi32, #tpu.memory_space<vmem>> -> memref<3136xi32, #tpu.memory_space<vmem>>
      %dma_start3A_569 = tpu.memref_slice %arg2[%add3A_21] : memref<900000xi32, #tpu.memory_space<hbm>> -> memref<3136xi32, #tpu.memory_space<hbm>>
      %dma_start3A_570 = arith.constant 25088 : i32
      %dma_start3A_571 = tpu.memref_slice %arg5[%dma_start3A_570] : memref<28224xi32, #tpu.memory_space<vmem>> -> memref<3136xi32, #tpu.memory_space<vmem>>
      %dma_start3A_572 = tpu.memref_slice %arg2[%add3A_21] : memref<900000xi32, #tpu.memory_space<hbm>> -> memref<3136xi32, #tpu.memory_space<hbm>>
      tpu.enqueue_dma source(%dma_start3A_572 : memref<3136xi32, #tpu.memory_space<hbm>>) target(%dma_start3A_571 : memref<3136xi32, #tpu.memory_space<vmem>>) target_semaphore(%run_scoped3A : memref<!tpu.dma_semaphore, #tpu.memory_space<semaphore_mem>>)
      %dma_wait3A_573 = arith.constant 25088 : i32
      %dma_wait3A_574 = tpu.memref_slice %arg5[%dma_wait3A_573] : memref<28224xi32, #tpu.memory_space<vmem>> -> memref<3136xi32, #tpu.memory_space<vmem>>
      %dma_wait3A_575 = tpu.memref_slice %arg2[%add3A_21] : memref<900000xi32, #tpu.memory_space<hbm>> -> memref<3136xi32, #tpu.memory_space<hbm>>
      %dma_wait3A_576 = arith.constant 25088 : i32
      %dma_wait3A_577 = tpu.memref_slice %arg5[%dma_wait3A_576] : memref<28224xi32, #tpu.memory_space<vmem>> -> memref<3136xi32, #tpu.memory_space<vmem>>
      %dma_wait3A_578 = tpu.memref_slice %arg2[%add3A_21] : memref<900000xi32, #tpu.memory_space<hbm>> -> memref<3136xi32, #tpu.memory_space<hbm>>
      tpu.wait_dma2 semaphore(%run_scoped3A : memref<!tpu.dma_semaphore, #tpu.memory_space<semaphore_mem>>) src(%dma_wait3A_578 : memref<3136xi32, #tpu.memory_space<hbm>>) dst(%dma_wait3A_577 : memref<3136xi32, #tpu.memory_space<vmem>>)
      tpu.yield
    }) : () -> ()
    %scan3A = arith.constant 0 : i32
    %scan3A_22 = arith.constant 0 : i32
    %scan3A_23 = arith.constant 28 : i32
    %scan3A_24 = arith.addi %scan3A_22, %scan3A_23 : i32
    %scan3A_25 = arith.constant 1 : i32
    %scan3A_26 = scf.for %scan3A_567 = %scan3A_22 to %scan3A_24 step %scan3A_25 iter_args(%scan3A_568 = %scan3A) -> (i32)  : i32 {
      %mul3A_569 = arith.constant 112 : i32
      %mul3A_570 = arith.muli %scan3A_567, %mul3A_569 : i32
      %add3A_571 = arith.constant 0 : i32
      %add3A_572 = arith.addi %add3A_571, %mul3A_570 : i32
      %add3A_573 = arith.constant 0 : i32
      %add3A_574 = arith.addi %add3A_572, %add3A_573 : i32
      %get3A = arith.index_cast %add3A_574 : i32 to index
      %get3A_575 = tpu.vector_load %arg5[%get3A] {strides = array<i32>} : memref<28224xi32, #tpu.memory_space<vmem>>, vector<16xi32>,
      %mul3A_576 = arith.constant 110 : i32
      %mul3A_577 = vector.broadcast %mul3A_576 : i32 to vector<16xi32>
      %mul3A_578 = arith.muli %get3A_575, %mul3A_577 : vector<16xi32>
      %mul3A_579 = arith.constant 112 : i32
      %mul3A_580 = arith.muli %scan3A_567, %mul3A_579 : i32
      %add3A_581 = arith.constant 3136 : i32
      %add3A_582 = arith.addi %add3A_581, %mul3A_580 : i32
      %add3A_583 = arith.constant 0 : i32
      %add3A_584 = arith.addi %add3A_582, %add3A_583 : i32
      %get3A_585 = arith.index_cast %add3A_584 : i32 to index
      %get3A_586 = tpu.vector_load %arg5[%get3A_585] {strides = array<i32>} : memref<28224xi32, #tpu.memory_space<vmem>>, vector<16xi32>,
      %mul3A_587 = arith.constant 11 : i32
      %mul3A_588 = vector.broadcast %mul3A_587 : i32 to vector<16xi32>
      %mul3A_589 = arith.muli %get3A_586, %mul3A_588 : vector<16xi32>
      %add3A_590 = arith.addi %mul3A_578, %mul3A_589 : vector<16xi32>
      %mul3A_591 = arith.constant 112 : i32
      %mul3A_592 = arith.muli %scan3A_567, %mul3A_591 : i32
      %add3A_593 = arith.constant 6272 : i32
      %add3A_594 = arith.addi %add3A_593, %mul3A_592 : i32
      %add3A_595 = arith.constant 0 : i32
      %add3A_596 = arith.addi %add3A_594, %add3A_595 : i32
      %get3A_597 = arith.index_cast %add3A_596 : i32 to index
      %get3A_598 = tpu.vector_load %arg5[%get3A_597] {strides = array<i32>} : memref<28224xi32, #tpu.memory_space<vmem>>, vector<16xi32>,
      %mul3A_599 = arith.constant 1 : i32
      %mul3A_600 = vector.broadcast %mul3A_599 : i32 to vector<16xi32>
      %mul3A_601 = arith.muli %get3A_598, %mul3A_600 : vector<16xi32>
      %add3A_602 = arith.addi %add3A_590, %mul3A_601 : vector<16xi32>
      %swap3A = arith.index_cast %scan3A_567 : i32 to index
      %swap3A_603 = arith.constant 0 : index
      %swap3A_604 = tpu.vector_load %arg6[%swap3A, %swap3A_603] {strides = array<i32>} : memref<28x112xi32, #tpu.memory_space<vmem>>, vector<16xi32>,
      tpu.vector_store %arg6[%swap3A, %swap3A_603], %add3A_602 {strides = array<i32>} : memref<28x112xi32, #tpu.memory_space<vmem>>, vector<16xi32>,
      %mul3A_605 = arith.constant 112 : i32
      %mul3A_606 = arith.muli %scan3A_567, %mul3A_605 : i32
      %add3A_607 = arith.constant 9408 : i32
      %add3A_608 = arith.addi %add3A_607, %mul3A_606 : i32
      %add3A_609 = arith.constant 0 : i32
      %add3A_610 = arith.addi %add3A_608, %add3A_609 : i32
      %get3A_611 = arith.index_cast %add3A_610 : i32 to index
      %get3A_612 = tpu.vector_load %arg5[%get3A_611] {strides = array<i32>} : memref<28224xi32, #tpu.memory_space<vmem>>, vector<16xi32>,
      %mul3A_613 = arith.constant 1440 : i32
      %mul3A_614 = vector.broadcast %mul3A_613 : i32 to vector<16xi32>
      %mul3A_615 = arith.muli %get3A_612, %mul3A_614 : vector<16xi32>
      %mul3A_616 = arith.constant 112 : i32
      %mul3A_617 = arith.muli %scan3A_567, %mul3A_616 : i32
      %add3A_618 = arith.constant 12544 : i32
      %add3A_619 = arith.addi %add3A_618, %mul3A_617 : i32
      %add3A_620 = arith.constant 0 : i32
      %add3A_621 = arith.addi %add3A_619, %add3A_620 : i32
      %get3A_622 = arith.index_cast %add3A_621 : i32 to index
      %get3A_623 = tpu.vector_load %arg5[%get3A_622] {strides = array<i32>} : memref<28224xi32, #tpu.memory_space<vmem>>, vector<16xi32>,
      %mul3A_624 = arith.constant 160 : i32
      %mul3A_625 = vector.broadcast %mul3A_624 : i32 to vector<16xi32>
      %mul3A_626 = arith.muli %get3A_623, %mul3A_625 : vector<16xi32>
      %add3A_627 = arith.addi %mul3A_615, %mul3A_626 : vector<16xi32>
      %mul3A_628 = arith.constant 112 : i32
      %mul3A_629 = arith.muli %scan3A_567, %mul3A_628 : i32
      %add3A_630 = arith.constant 15680 : i32
      %add3A_631 = arith.addi %add3A_630, %mul3A_629 : i32
      %add3A_632 = arith.constant 0 : i32
      %add3A_633 = arith.addi %add3A_631, %add3A_632 : i32
      %get3A_634 = arith.index_cast %add3A_633 : i32 to index
      %get3A_635 = tpu.vector_load %arg5[%get3A_634] {strides = array<i32>} : memref<28224xi32, #tpu.memory_space<vmem>>, vector<16xi32>,
      %mul3A_636 = arith.constant 32 : i32
      %mul3A_637 = vector.broadcast %mul3A_636 : i32 to vector<16xi32>
      %mul3A_638 = arith.muli %get3A_635, %mul3A_637 : vector<16xi32>
      %add3A_639 = arith.addi %add3A_627, %mul3A_638 : vector<16xi32>
      %mul3A_640 = arith.constant 112 : i32
      %mul3A_641 = arith.muli %scan3A_567, %mul3A_640 : i32
      %add3A_642 = arith.constant 18816 : i32
      %add3A_643 = arith.addi %add3A_642, %mul3A_641 : i32
      %add3A_644 = arith.constant 0 : i32
      %add3A_645 = arith.addi %add3A_643, %add3A_644 : i32
      %get3A_646 = arith.index_cast %add3A_645 : i32 to index
      %get3A_647 = tpu.vector_load %arg5[%get3A_646] {strides = array<i32>} : memref<28224xi32, #tpu.memory_space<vmem>>, vector<16xi32>,
      %mul3A_648 = arith.constant 4 : i32
      %mul3A_649 = vector.broadcast %mul3A_648 : i32 to vector<16xi32>
      %mul3A_650 = arith.muli %get3A_647, %mul3A_649 : vector<16xi32>
      %add3A_651 = arith.addi %add3A_639, %mul3A_650 : vector<16xi32>
      %mul3A_652 = arith.constant 112 : i32
      %mul3A_653 = arith.muli %scan3A_567, %mul3A_652 : i32
      %add3A_654 = arith.constant 21952 : i32
      %add3A_655 = arith.addi %add3A_654, %mul3A_653 : i32
      %add3A_656 = arith.constant 0 : i32
      %add3A_657 = arith.addi %add3A_655, %add3A_656 : i32
      %get3A_658 = arith.index_cast %add3A_657 : i32 to index
      %get3A_659 = tpu.vector_load %arg5[%get3A_658] {strides = array<i32>} : memref<28224xi32, #tpu.memory_space<vmem>>, vector<16xi32>,
      %mul3A_660 = arith.constant 2 : i32
      %mul3A_661 = vector.broadcast %mul3A_660 : i32 to vector<16xi32>
      %mul3A_662 = arith.muli %get3A_659, %mul3A_661 : vector<16xi32>
      %add3A_663 = arith.addi %add3A_651, %mul3A_662 : vector<16xi32>
      %mul3A_664 = arith.constant 112 : i32
      %mul3A_665 = arith.muli %scan3A_567, %mul3A_664 : i32
      %add3A_666 = arith.constant 25088 : i32
      %add3A_667 = arith.addi %add3A_666, %mul3A_665 : i32
      %add3A_668 = arith.constant 0 : i32
      %add3A_669 = arith.addi %add3A_667, %add3A_668 : i32
      %get3A_670 = arith.index_cast %add3A_669 : i32 to index
      %get3A_671 = tpu.vector_load %arg5[%get3A_670] {strides = array<i32>} : memref<28224xi32, #tpu.memory_space<vmem>>, vector<16xi32>,
      %mul3A_672 = arith.constant 1 : i32
      %mul3A_673 = vector.broadcast %mul3A_672 : i32 to vector<16xi32>
      %mul3A_674 = arith.muli %get3A_671, %mul3A_673 : vector<16xi32>
      %add3A_675 = arith.addi %add3A_663, %mul3A_674 : vector<16xi32>
      %add3A_676 = arith.constant 13090 : i32
      %add3A_677 = vector.broadcast %add3A_676 : i32 to vector<16xi32>
      %add3A_678 = arith.addi %add3A_675, %add3A_677 : vector<16xi32>
      %swap3A_679 = arith.index_cast %scan3A_567 : i32 to index
      %swap3A_680 = arith.constant 0 : index
      %swap3A_681 = tpu.vector_load %arg7[%swap3A_679, %swap3A_680] {strides = array<i32>} : memref<28x112xi32, #tpu.memory_space<vmem>>, vector<16xi32>,
      tpu.vector_store %arg7[%swap3A_679, %swap3A_680], %add3A_678 {strides = array<i32>} : memref<28x112xi32, #tpu.memory_space<vmem>>, vector<16xi32>,
      %mul3A_682 = arith.constant 112 : i32
      %mul3A_683 = arith.muli %scan3A_567, %mul3A_682 : i32
      %add3A_684 = arith.constant 0 : i32
      %add3A_685 = arith.addi %add3A_684, %mul3A_683 : i32
      %add3A_686 = arith.constant 16 : i32
      %add3A_687 = arith.addi %add3A_685, %add3A_686 : i32
      %get3A_688 = arith.index_cast %add3A_687 : i32 to index
      %get3A_689 = tpu.vector_load %arg5[%get3A_688] {strides = array<i32>} : memref<28224xi32, #tpu.memory_space<vmem>>, vector<16xi32>,
      %mul3A_690 = arith.constant 110 : i32
      %mul3A_691 = vector.broadcast %mul3A_690 : i32 to vector<16xi32>
      %mul3A_692 = arith.muli %get3A_689, %mul3A_691 : vector<16xi32>
      %mul3A_693 = arith.constant 112 : i32
      %mul3A_694 = arith.muli %scan3A_567, %mul3A_693 : i32
      %add3A_695 = arith.constant 3136 : i32
      %add3A_696 = arith.addi %add3A_695, %mul3A_694 : i32
      %add3A_697 = arith.constant 16 : i32
      %add3A_698 = arith.addi %add3A_696, %add3A_697 : i32
      %get3A_699 = arith.index_cast %add3A_698 : i32 to index
      %get3A_700 = tpu.vector_load %arg5[%get3A_699] {strides = array<i32>} : memref<28224xi32, #tpu.memory_space<vmem>>, vector<16xi32>,
      %mul3A_701 = arith.constant 11 : i32
      %mul3A_702 = vector.broadcast %mul3A_701 : i32 to vector<16xi32>
      %mul3A_703 = arith.muli %get3A_700, %mul3A_702 : vector<16xi32>
      %add3A_704 = arith.addi %mul3A_692, %mul3A_703 : vector<16xi32>
      %mul3A_705 = arith.constant 112 : i32
      %mul3A_706 = arith.muli %scan3A_567, %mul3A_705 : i32
      %add3A_707 = arith.constant 6272 : i32
      %add3A_708 = arith.addi %add3A_707, %mul3A_706 : i32
      %add3A_709 = arith.constant 16 : i32
      %add3A_710 = arith.addi %add3A_708, %add3A_709 : i32
      %get3A_711 = arith.index_cast %add3A_710 : i32 to index
      %get3A_712 = tpu.vector_load %arg5[%get3A_711] {strides = array<i32>} : memref<28224xi32, #tpu.memory_space<vmem>>, vector<16xi32>,
      %mul3A_713 = arith.constant 1 : i32
      %mul3A_714 = vector.broadcast %mul3A_713 : i32 to vector<16xi32>
      %mul3A_715 = arith.muli %get3A_712, %mul3A_714 : vector<16xi32>
      %add3A_716 = arith.addi %add3A_704, %mul3A_715 : vector<16xi32>
      %swap3A_717 = arith.index_cast %scan3A_567 : i32 to index
      %swap3A_718 = arith.constant 16 : index
      %swap3A_719 = tpu.vector_load %arg6[%swap3A_717, %swap3A_718] {strides = array<i32>} : memref<28x112xi32, #tpu.memory_space<vmem>>, vector<16xi32>,
      tpu.vector_store %arg6[%swap3A_717, %swap3A_718], %add3A_716 {strides = array<i32>} : memref<28x112xi32, #tpu.memory_space<vmem>>, vector<16xi32>,
      %mul3A_720 = arith.constant 112 : i32
      %mul3A_721 = arith.muli %scan3A_567, %mul3A_720 : i32
      %add3A_722 = arith.constant 9408 : i32
      %add3A_723 = arith.addi %add3A_722, %mul3A_721 : i32
      %add3A_724 = arith.constant 16 : i32
      %add3A_725 = arith.addi %add3A_723, %add3A_724 : i32
      %get3A_726 = arith.index_cast %add3A_725 : i32 to index
      %get3A_727 = tpu.vector_load %arg5[%get3A_726] {strides = array<i32>} : memref<28224xi32, #tpu.memory_space<vmem>>, vector<16xi32>,
      %mul3A_728 = arith.constant 1440 : i32
      %mul3A_729 = vector.broadcast %mul3A_728 : i32 to vector<16xi32>
      %mul3A_730 = arith.muli %get3A_727, %mul3A_729 : vector<16xi32>
      %mul3A_731 = arith.constant 112 : i32
      %mul3A_732 = arith.muli %scan3A_567, %mul3A_731 : i32
      %add3A_733 = arith.constant 12544 : i32
      %add3A_734 = arith.addi %add3A_733, %mul3A_732 : i32
      %add3A_735 = arith.constant 16 : i32
      %add3A_736 = arith.addi %add3A_734, %add3A_735 : i32
      %get3A_737 = arith.index_cast %add3A_736 : i32 to index
      %get3A_738 = tpu.vector_load %arg5[%get3A_737] {strides = array<i32>} : memref<28224xi32, #tpu.memory_space<vmem>>, vector<16xi32>,
      %mul3A_739 = arith.constant 160 : i32
      %mul3A_740 = vector.broadcast %mul3A_739 : i32 to vector<16xi32>
      %mul3A_741 = arith.muli %get3A_738, %mul3A_740 : vector<16xi32>
      %add3A_742 = arith.addi %mul3A_730, %mul3A_741 : vector<16xi32>
      %mul3A_743 = arith.constant 112 : i32
      %mul3A_744 = arith.muli %scan3A_567, %mul3A_743 : i32
      %add3A_745 = arith.constant 15680 : i32
      %add3A_746 = arith.addi %add3A_745, %mul3A_744 : i32
      %add3A_747 = arith.constant 16 : i32
      %add3A_748 = arith.addi %add3A_746, %add3A_747 : i32
      %get3A_749 = arith.index_cast %add3A_748 : i32 to index
      %get3A_750 = tpu.vector_load %arg5[%get3A_749] {strides = array<i32>} : memref<28224xi32, #tpu.memory_space<vmem>>, vector<16xi32>,
      %mul3A_751 = arith.constant 32 : i32
      %mul3A_752 = vector.broadcast %mul3A_751 : i32 to vector<16xi32>
      %mul3A_753 = arith.muli %get3A_750, %mul3A_752 : vector<16xi32>
      %add3A_754 = arith.addi %add3A_742, %mul3A_753 : vector<16xi32>
      %mul3A_755 = arith.constant 112 : i32
      %mul3A_756 = arith.muli %scan3A_567, %mul3A_755 : i32
      %add3A_757 = arith.constant 18816 : i32
      %add3A_758 = arith.addi %add3A_757, %mul3A_756 : i32
      %add3A_759 = arith.constant 16 : i32
      %add3A_760 = arith.addi %add3A_758, %add3A_759 : i32
      %get3A_761 = arith.index_cast %add3A_760 : i32 to index
      %get3A_762 = tpu.vector_load %arg5[%get3A_761] {strides = array<i32>} : memref<28224xi32, #tpu.memory_space<vmem>>, vector<16xi32>,
      %mul3A_763 = arith.constant 4 : i32
      %mul3A_764 = vector.broadcast %mul3A_763 : i32 to vector<16xi32>
      %mul3A_765 = arith.muli %get3A_762, %mul3A_764 : vector<16xi32>
      %add3A_766 = arith.addi %add3A_754, %mul3A_765 : vector<16xi32>
      %mul3A_767 = arith.constant 112 : i32
      %mul3A_768 = arith.muli %scan3A_567, %mul3A_767 : i32
      %add3A_769 = arith.constant 21952 : i32
      %add3A_770 = arith.addi %add3A_769, %mul3A_768 : i32
      %add3A_771 = arith.constant 16 : i32
      %add3A_772 = arith.addi %add3A_770, %add3A_771 : i32
      %get3A_773 = arith.index_cast %add3A_772 : i32 to index
      %get3A_774 = tpu.vector_load %arg5[%get3A_773] {strides = array<i32>} : memref<28224xi32, #tpu.memory_space<vmem>>, vector<16xi32>,
      %mul3A_775 = arith.constant 2 : i32
      %mul3A_776 = vector.broadcast %mul3A_775 : i32 to vector<16xi32>
      %mul3A_777 = arith.muli %get3A_774, %mul3A_776 : vector<16xi32>
      %add3A_778 = arith.addi %add3A_766, %mul3A_777 : vector<16xi32>
      %mul3A_779 = arith.constant 112 : i32
      %mul3A_780 = arith.muli %scan3A_567, %mul3A_779 : i32
      %add3A_781 = arith.constant 25088 : i32
      %add3A_782 = arith.addi %add3A_781, %mul3A_780 : i32
      %add3A_783 = arith.constant 16 : i32
      %add3A_784 = arith.addi %add3A_782, %add3A_783 : i32
      %get3A_785 = arith.index_cast %add3A_784 : i32 to index
      %get3A_786 = tpu.vector_load %arg5[%get3A_785] {strides = array<i32>} : memref<28224xi32, #tpu.memory_space<vmem>>, vector<16xi32>,
      %mul3A_787 = arith.constant 1 : i32
      %mul3A_788 = vector.broadcast %mul3A_787 : i32 to vector<16xi32>
      %mul3A_789 = arith.muli %get3A_786, %mul3A_788 : vector<16xi32>
      %add3A_790 = arith.addi %add3A_778, %mul3A_789 : vector<16xi32>
      %add3A_791 = arith.constant 13090 : i32
      %add3A_792 = vector.broadcast %add3A_791 : i32 to vector<16xi32>
      %add3A_793 = arith.addi %add3A_790, %add3A_792 : vector<16xi32>
      %swap3A_794 = arith.index_cast %scan3A_567 : i32 to index
      %swap3A_795 = arith.constant 16 : index
      %swap3A_796 = tpu.vector_load %arg7[%swap3A_794, %swap3A_795] {strides = array<i32>} : memref<28x112xi32, #tpu.memory_space<vmem>>, vector<16xi32>,
      tpu.vector_store %arg7[%swap3A_794, %swap3A_795], %add3A_793 {strides = array<i32>} : memref<28x112xi32, #tpu.memory_space<vmem>>, vector<16xi32>,
      %mul3A_797 = arith.constant 112 : i32
      %mul3A_798 = arith.muli %scan3A_567, %mul3A_797 : i32
      %add3A_799 = arith.constant 0 : i32
      %add3A_800 = arith.addi %add3A_799, %mul3A_798 : i32
      %add3A_801 = arith.constant 32 : i32
      %add3A_802 = arith.addi %add3A_800, %add3A_801 : i32
      %get3A_803 = arith.index_cast %add3A_802 : i32 to index
      %get3A_804 = tpu.vector_load %arg5[%get3A_803] {strides = array<i32>} : memref<28224xi32, #tpu.memory_space<vmem>>, vector<16xi32>,
      %mul3A_805 = arith.constant 110 : i32
      %mul3A_806 = vector.broadcast %mul3A_805 : i32 to vector<16xi32>
      %mul3A_807 = arith.muli %get3A_804, %mul3A_806 : vector<16xi32>
      %mul3A_808 = arith.constant 112 : i32
      %mul3A_809 = arith.muli %scan3A_567, %mul3A_808 : i32
      %add3A_810 = arith.constant 3136 : i32
      %add3A_811 = arith.addi %add3A_810, %mul3A_809 : i32
      %add3A_812 = arith.constant 32 : i32
      %add3A_813 = arith.addi %add3A_811, %add3A_812 : i32
      %get3A_814 = arith.index_cast %add3A_813 : i32 to index
      %get3A_815 = tpu.vector_load %arg5[%get3A_814] {strides = array<i32>} : memref<28224xi32, #tpu.memory_space<vmem>>, vector<16xi32>,
      %mul3A_816 = arith.constant 11 : i32
      %mul3A_817 = vector.broadcast %mul3A_816 : i32 to vector<16xi32>
      %mul3A_818 = arith.muli %get3A_815, %mul3A_817 : vector<16xi32>
      %add3A_819 = arith.addi %mul3A_807, %mul3A_818 : vector<16xi32>
      %mul3A_820 = arith.constant 112 : i32
      %mul3A_821 = arith.muli %scan3A_567, %mul3A_820 : i32
      %add3A_822 = arith.constant 6272 : i32
      %add3A_823 = arith.addi %add3A_822, %mul3A_821 : i32
      %add3A_824 = arith.constant 32 : i32
      %add3A_825 = arith.addi %add3A_823, %add3A_824 : i32
      %get3A_826 = arith.index_cast %add3A_825 : i32 to index
      %get3A_827 = tpu.vector_load %arg5[%get3A_826] {strides = array<i32>} : memref<28224xi32, #tpu.memory_space<vmem>>, vector<16xi32>,
      %mul3A_828 = arith.constant 1 : i32
      %mul3A_829 = vector.broadcast %mul3A_828 : i32 to vector<16xi32>
      %mul3A_830 = arith.muli %get3A_827, %mul3A_829 : vector<16xi32>
      %add3A_831 = arith.addi %add3A_819, %mul3A_830 : vector<16xi32>
      %swap3A_832 = arith.index_cast %scan3A_567 : i32 to index
      %swap3A_833 = arith.constant 32 : index
      %swap3A_834 = tpu.vector_load %arg6[%swap3A_832, %swap3A_833] {strides = array<i32>} : memref<28x112xi32, #tpu.memory_space<vmem>>, vector<16xi32>,
      tpu.vector_store %arg6[%swap3A_832, %swap3A_833], %add3A_831 {strides = array<i32>} : memref<28x112xi32, #tpu.memory_space<vmem>>, vector<16xi32>,
      %mul3A_835 = arith.constant 112 : i32
      %mul3A_836 = arith.muli %scan3A_567, %mul3A_835 : i32
      %add3A_837 = arith.constant 9408 : i32
      %add3A_838 = arith.addi %add3A_837, %mul3A_836 : i32
      %add3A_839 = arith.constant 32 : i32
      %add3A_840 = arith.addi %add3A_838, %add3A_839 : i32
      %get3A_841 = arith.index_cast %add3A_840 : i32 to index
      %get3A_842 = tpu.vector_load %arg5[%get3A_841] {strides = array<i32>} : memref<28224xi32, #tpu.memory_space<vmem>>, vector<16xi32>,
      %mul3A_843 = arith.constant 1440 : i32
      %mul3A_844 = vector.broadcast %mul3A_843 : i32 to vector<16xi32>
      %mul3A_845 = arith.muli %get3A_842, %mul3A_844 : vector<16xi32>
      %mul3A_846 = arith.constant 112 : i32
      %mul3A_847 = arith.muli %scan3A_567, %mul3A_846 : i32
      %add3A_848 = arith.constant 12544 : i32
      %add3A_849 = arith.addi %add3A_848, %mul3A_847 : i32
      %add3A_850 = arith.constant 32 : i32
      %add3A_851 = arith.addi %add3A_849, %add3A_850 : i32
      %get3A_852 = arith.index_cast %add3A_851 : i32 to index
      %get3A_853 = tpu.vector_load %arg5[%get3A_852] {strides = array<i32>} : memref<28224xi32, #tpu.memory_space<vmem>>, vector<16xi32>,
      %mul3A_854 = arith.constant 160 : i32
      %mul3A_855 = vector.broadcast %mul3A_854 : i32 to vector<16xi32>
      %mul3A_856 = arith.muli %get3A_853, %mul3A_855 : vector<16xi32>
      %add3A_857 = arith.addi %mul3A_845, %mul3A_856 : vector<16xi32>
      %mul3A_858 = arith.constant 112 : i32
      %mul3A_859 = arith.muli %scan3A_567, %mul3A_858 : i32
      %add3A_860 = arith.constant 15680 : i32
      %add3A_861 = arith.addi %add3A_860, %mul3A_859 : i32
      %add3A_862 = arith.constant 32 : i32
      %add3A_863 = arith.addi %add3A_861, %add3A_862 : i32
      %get3A_864 = arith.index_cast %add3A_863 : i32 to index
      %get3A_865 = tpu.vector_load %arg5[%get3A_864] {strides = array<i32>} : memref<28224xi32, #tpu.memory_space<vmem>>, vector<16xi32>,
      %mul3A_866 = arith.constant 32 : i32
      %mul3A_867 = vector.broadcast %mul3A_866 : i32 to vector<16xi32>
      %mul3A_868 = arith.muli %get3A_865, %mul3A_867 : vector<16xi32>
      %add3A_869 = arith.addi %add3A_857, %mul3A_868 : vector<16xi32>
      %mul3A_870 = arith.constant 112 : i32
      %mul3A_871 = arith.muli %scan3A_567, %mul3A_870 : i32
      %add3A_872 = arith.constant 18816 : i32
      %add3A_873 = arith.addi %add3A_872, %mul3A_871 : i32
      %add3A_874 = arith.constant 32 : i32
      %add3A_875 = arith.addi %add3A_873, %add3A_874 : i32
      %get3A_876 = arith.index_cast %add3A_875 : i32 to index
      %get3A_877 = tpu.vector_load %arg5[%get3A_876] {strides = array<i32>} : memref<28224xi32, #tpu.memory_space<vmem>>, vector<16xi32>,
      %mul3A_878 = arith.constant 4 : i32
      %mul3A_879 = vector.broadcast %mul3A_878 : i32 to vector<16xi32>
      %mul3A_880 = arith.muli %get3A_877, %mul3A_879 : vector<16xi32>
      %add3A_881 = arith.addi %add3A_869, %mul3A_880 : vector<16xi32>
      %mul3A_882 = arith.constant 112 : i32
      %mul3A_883 = arith.muli %scan3A_567, %mul3A_882 : i32
      %add3A_884 = arith.constant 21952 : i32
      %add3A_885 = arith.addi %add3A_884, %mul3A_883 : i32
      %add3A_886 = arith.constant 32 : i32
      %add3A_887 = arith.addi %add3A_885, %add3A_886 : i32
      %get3A_888 = arith.index_cast %add3A_887 : i32 to index
      %get3A_889 = tpu.vector_load %arg5[%get3A_888] {strides = array<i32>} : memref<28224xi32, #tpu.memory_space<vmem>>, vector<16xi32>,
      %mul3A_890 = arith.constant 2 : i32
      %mul3A_891 = vector.broadcast %mul3A_890 : i32 to vector<16xi32>
      %mul3A_892 = arith.muli %get3A_889, %mul3A_891 : vector<16xi32>
      %add3A_893 = arith.addi %add3A_881, %mul3A_892 : vector<16xi32>
      %mul3A_894 = arith.constant 112 : i32
      %mul3A_895 = arith.muli %scan3A_567, %mul3A_894 : i32
      %add3A_896 = arith.constant 25088 : i32
      %add3A_897 = arith.addi %add3A_896, %mul3A_895 : i32
      %add3A_898 = arith.constant 32 : i32
      %add3A_899 = arith.addi %add3A_897, %add3A_898 : i32
      %get3A_900 = arith.index_cast %add3A_899 : i32 to index
      %get3A_901 = tpu.vector_load %arg5[%get3A_900] {strides = array<i32>} : memref<28224xi32, #tpu.memory_space<vmem>>, vector<16xi32>,
      %mul3A_902 = arith.constant 1 : i32
      %mul3A_903 = vector.broadcast %mul3A_902 : i32 to vector<16xi32>
      %mul3A_904 = arith.muli %get3A_901, %mul3A_903 : vector<16xi32>
      %add3A_905 = arith.addi %add3A_893, %mul3A_904 : vector<16xi32>
      %add3A_906 = arith.constant 13090 : i32
      %add3A_907 = vector.broadcast %add3A_906 : i32 to vector<16xi32>
      %add3A_908 = arith.addi %add3A_905, %add3A_907 : vector<16xi32>
      %swap3A_909 = arith.index_cast %scan3A_567 : i32 to index
      %swap3A_910 = arith.constant 32 : index
      %swap3A_911 = tpu.vector_load %arg7[%swap3A_909, %swap3A_910] {strides = array<i32>} : memref<28x112xi32, #tpu.memory_space<vmem>>, vector<16xi32>,
      tpu.vector_store %arg7[%swap3A_909, %swap3A_910], %add3A_908 {strides = array<i32>} : memref<28x112xi32, #tpu.memory_space<vmem>>, vector<16xi32>,
      %mul3A_912 = arith.constant 112 : i32
      %mul3A_913 = arith.muli %scan3A_567, %mul3A_912 : i32
      %add3A_914 = arith.constant 0 : i32
      %add3A_915 = arith.addi %add3A_914, %mul3A_913 : i32
      %add3A_916 = arith.constant 48 : i32
      %add3A_917 = arith.addi %add3A_915, %add3A_916 : i32
      %get3A_918 = arith.index_cast %add3A_917 : i32 to index
      %get3A_919 = tpu.vector_load %arg5[%get3A_918] {strides = array<i32>} : memref<28224xi32, #tpu.memory_space<vmem>>, vector<16xi32>,
      %mul3A_920 = arith.constant 110 : i32
      %mul3A_921 = vector.broadcast %mul3A_920 : i32 to vector<16xi32>
      %mul3A_922 = arith.muli %get3A_919, %mul3A_921 : vector<16xi32>
      %mul3A_923 = arith.constant 112 : i32
      %mul3A_924 = arith.muli %scan3A_567, %mul3A_923 : i32
      %add3A_925 = arith.constant 3136 : i32
      %add3A_926 = arith.addi %add3A_925, %mul3A_924 : i32
      %add3A_927 = arith.constant 48 : i32
      %add3A_928 = arith.addi %add3A_926, %add3A_927 : i32
      %get3A_929 = arith.index_cast %add3A_928 : i32 to index
      %get3A_930 = tpu.vector_load %arg5[%get3A_929] {strides = array<i32>} : memref<28224xi32, #tpu.memory_space<vmem>>, vector<16xi32>,
      %mul3A_931 = arith.constant 11 : i32
      %mul3A_932 = vector.broadcast %mul3A_931 : i32 to vector<16xi32>
      %mul3A_933 = arith.muli %get3A_930, %mul3A_932 : vector<16xi32>
      %add3A_934 = arith.addi %mul3A_922, %mul3A_933 : vector<16xi32>
      %mul3A_935 = arith.constant 112 : i32
      %mul3A_936 = arith.muli %scan3A_567, %mul3A_935 : i32
      %add3A_937 = arith.constant 6272 : i32
      %add3A_938 = arith.addi %add3A_937, %mul3A_936 : i32
      %add3A_939 = arith.constant 48 : i32
      %add3A_940 = arith.addi %add3A_938, %add3A_939 : i32
      %get3A_941 = arith.index_cast %add3A_940 : i32 to index
      %get3A_942 = tpu.vector_load %arg5[%get3A_941] {strides = array<i32>} : memref<28224xi32, #tpu.memory_space<vmem>>, vector<16xi32>,
      %mul3A_943 = arith.constant 1 : i32
      %mul3A_944 = vector.broadcast %mul3A_943 : i32 to vector<16xi32>
      %mul3A_945 = arith.muli %get3A_942, %mul3A_944 : vector<16xi32>
      %add3A_946 = arith.addi %add3A_934, %mul3A_945 : vector<16xi32>
      %swap3A_947 = arith.index_cast %scan3A_567 : i32 to index
      %swap3A_948 = arith.constant 48 : index
      %swap3A_949 = tpu.vector_load %arg6[%swap3A_947, %swap3A_948] {strides = array<i32>} : memref<28x112xi32, #tpu.memory_space<vmem>>, vector<16xi32>,
      tpu.vector_store %arg6[%swap3A_947, %swap3A_948], %add3A_946 {strides = array<i32>} : memref<28x112xi32, #tpu.memory_space<vmem>>, vector<16xi32>,
      %mul3A_950 = arith.constant 112 : i32
      %mul3A_951 = arith.muli %scan3A_567, %mul3A_950 : i32
      %add3A_952 = arith.constant 9408 : i32
      %add3A_953 = arith.addi %add3A_952, %mul3A_951 : i32
      %add3A_954 = arith.constant 48 : i32
      %add3A_955 = arith.addi %add3A_953, %add3A_954 : i32
      %get3A_956 = arith.index_cast %add3A_955 : i32 to index
      %get3A_957 = tpu.vector_load %arg5[%get3A_956] {strides = array<i32>} : memref<28224xi32, #tpu.memory_space<vmem>>, vector<16xi32>,
      %mul3A_958 = arith.constant 1440 : i32
      %mul3A_959 = vector.broadcast %mul3A_958 : i32 to vector<16xi32>
      %mul3A_960 = arith.muli %get3A_957, %mul3A_959 : vector<16xi32>
      %mul3A_961 = arith.constant 112 : i32
      %mul3A_962 = arith.muli %scan3A_567, %mul3A_961 : i32
      %add3A_963 = arith.constant 12544 : i32
      %add3A_964 = arith.addi %add3A_963, %mul3A_962 : i32
      %add3A_965 = arith.constant 48 : i32
      %add3A_966 = arith.addi %add3A_964, %add3A_965 : i32
      %get3A_967 = arith.index_cast %add3A_966 : i32 to index
      %get3A_968 = tpu.vector_load %arg5[%get3A_967] {strides = array<i32>} : memref<28224xi32, #tpu.memory_space<vmem>>, vector<16xi32>,
      %mul3A_969 = arith.constant 160 : i32
      %mul3A_970 = vector.broadcast %mul3A_969 : i32 to vector<16xi32>
      %mul3A_971 = arith.muli %get3A_968, %mul3A_970 : vector<16xi32>
      %add3A_972 = arith.addi %mul3A_960, %mul3A_971 : vector<16xi32>
      %mul3A_973 = arith.constant 112 : i32
      %mul3A_974 = arith.muli %scan3A_567, %mul3A_973 : i32
      %add3A_975 = arith.constant 15680 : i32
      %add3A_976 = arith.addi %add3A_975, %mul3A_974 : i32
      %add3A_977 = arith.constant 48 : i32
      %add3A_978 = arith.addi %add3A_976, %add3A_977 : i32
      %get3A_979 = arith.index_cast %add3A_978 : i32 to index
      %get3A_980 = tpu.vector_load %arg5[%get3A_979] {strides = array<i32>} : memref<28224xi32, #tpu.memory_space<vmem>>, vector<16xi32>,
      %mul3A_981 = arith.constant 32 : i32
      %mul3A_982 = vector.broadcast %mul3A_981 : i32 to vector<16xi32>
      %mul3A_983 = arith.muli %get3A_980, %mul3A_982 : vector<16xi32>
      %add3A_984 = arith.addi %add3A_972, %mul3A_983 : vector<16xi32>
      %mul3A_985 = arith.constant 112 : i32
      %mul3A_986 = arith.muli %scan3A_567, %mul3A_985 : i32
      %add3A_987 = arith.constant 18816 : i32
      %add3A_988 = arith.addi %add3A_987, %mul3A_986 : i32
      %add3A_989 = arith.constant 48 : i32
      %add3A_990 = arith.addi %add3A_988, %add3A_989 : i32
      %get3A_991 = arith.index_cast %add3A_990 : i32 to index
      %get3A_992 = tpu.vector_load %arg5[%get3A_991] {strides = array<i32>} : memref<28224xi32, #tpu.memory_space<vmem>>, vector<16xi32>,
      %mul3A_993 = arith.constant 4 : i32
      %mul3A_994 = vector.broadcast %mul3A_993 : i32 to vector<16xi32>
      %mul3A_995 = arith.muli %get3A_992, %mul3A_994 : vector<16xi32>
      %add3A_996 = arith.addi %add3A_984, %mul3A_995 : vector<16xi32>
      %mul3A_997 = arith.constant 112 : i32
      %mul3A_998 = arith.muli %scan3A_567, %mul3A_997 : i32
      %add3A_999 = arith.constant 21952 : i32
      %add3A_1000 = arith.addi %add3A_999, %mul3A_998 : i32
      %add3A_1001 = arith.constant 48 : i32
      %add3A_1002 = arith.addi %add3A_1000, %add3A_1001 : i32
      %get3A_1003 = arith.index_cast %add3A_1002 : i32 to index
      %get3A_1004 = tpu.vector_load %arg5[%get3A_1003] {strides = array<i32>} : memref<28224xi32, #tpu.memory_space<vmem>>, vector<16xi32>,
      %mul3A_1005 = arith.constant 2 : i32
      %mul3A_1006 = vector.broadcast %mul3A_1005 : i32 to vector<16xi32>
      %mul3A_1007 = arith.muli %get3A_1004, %mul3A_1006 : vector<16xi32>
      %add3A_1008 = arith.addi %add3A_996, %mul3A_1007 : vector<16xi32>
      %mul3A_1009 = arith.constant 112 : i32
      %mul3A_1010 = arith.muli %scan3A_567, %mul3A_1009 : i32
      %add3A_1011 = arith.constant 25088 : i32
      %add3A_1012 = arith.addi %add3A_1011, %mul3A_1010 : i32
      %add3A_1013 = arith.constant 48 : i32
      %add3A_1014 = arith.addi %add3A_1012, %add3A_1013 : i32
      %get3A_1015 = arith.index_cast %add3A_1014 : i32 to index
      %get3A_1016 = tpu.vector_load %arg5[%get3A_1015] {strides = array<i32>} : memref<28224xi32, #tpu.memory_space<vmem>>, vector<16xi32>,
      %mul3A_1017 = arith.constant 1 : i32
      %mul3A_1018 = vector.broadcast %mul3A_1017 : i32 to vector<16xi32>
      %mul3A_1019 = arith.muli %get3A_1016, %mul3A_1018 : vector<16xi32>
      %add3A_1020 = arith.addi %add3A_1008, %mul3A_1019 : vector<16xi32>
      %add3A_1021 = arith.constant 13090 : i32
      %add3A_1022 = vector.broadcast %add3A_1021 : i32 to vector<16xi32>
      %add3A_1023 = arith.addi %add3A_1020, %add3A_1022 : vector<16xi32>
      %swap3A_1024 = arith.index_cast %scan3A_567 : i32 to index
      %swap3A_1025 = arith.constant 48 : index
      %swap3A_1026 = tpu.vector_load %arg7[%swap3A_1024, %swap3A_1025] {strides = array<i32>} : memref<28x112xi32, #tpu.memory_space<vmem>>, vector<16xi32>,
      tpu.vector_store %arg7[%swap3A_1024, %swap3A_1025], %add3A_1023 {strides = array<i32>} : memref<28x112xi32, #tpu.memory_space<vmem>>, vector<16xi32>,
      %mul3A_1027 = arith.constant 112 : i32
      %mul3A_1028 = arith.muli %scan3A_567, %mul3A_1027 : i32
      %add3A_1029 = arith.constant 0 : i32
      %add3A_1030 = arith.addi %add3A_1029, %mul3A_1028 : i32
      %add3A_1031 = arith.constant 64 : i32
      %add3A_1032 = arith.addi %add3A_1030, %add3A_1031 : i32
      %get3A_1033 = arith.index_cast %add3A_1032 : i32 to index
      %get3A_1034 = tpu.vector_load %arg5[%get3A_1033] {strides = array<i32>} : memref<28224xi32, #tpu.memory_space<vmem>>, vector<16xi32>,
      %mul3A_1035 = arith.constant 110 : i32
      %mul3A_1036 = vector.broadcast %mul3A_1035 : i32 to vector<16xi32>
      %mul3A_1037 = arith.muli %get3A_1034, %mul3A_1036 : vector<16xi32>
      %mul3A_1038 = arith.constant 112 : i32
      %mul3A_1039 = arith.muli %scan3A_567, %mul3A_1038 : i32
      %add3A_1040 = arith.constant 3136 : i32
      %add3A_1041 = arith.addi %add3A_1040, %mul3A_1039 : i32
      %add3A_1042 = arith.constant 64 : i32
      %add3A_1043 = arith.addi %add3A_1041, %add3A_1042 : i32
      %get3A_1044 = arith.index_cast %add3A_1043 : i32 to index
      %get3A_1045 = tpu.vector_load %arg5[%get3A_1044] {strides = array<i32>} : memref<28224xi32, #tpu.memory_space<vmem>>, vector<16xi32>,
      %mul3A_1046 = arith.constant 11 : i32
      %mul3A_1047 = vector.broadcast %mul3A_1046 : i32 to vector<16xi32>
      %mul3A_1048 = arith.muli %get3A_1045, %mul3A_1047 : vector<16xi32>
      %add3A_1049 = arith.addi %mul3A_1037, %mul3A_1048 : vector<16xi32>
      %mul3A_1050 = arith.constant 112 : i32
      %mul3A_1051 = arith.muli %scan3A_567, %mul3A_1050 : i32
      %add3A_1052 = arith.constant 6272 : i32
      %add3A_1053 = arith.addi %add3A_1052, %mul3A_1051 : i32
      %add3A_1054 = arith.constant 64 : i32
      %add3A_1055 = arith.addi %add3A_1053, %add3A_1054 : i32
      %get3A_1056 = arith.index_cast %add3A_1055 : i32 to index
      %get3A_1057 = tpu.vector_load %arg5[%get3A_1056] {strides = array<i32>} : memref<28224xi32, #tpu.memory_space<vmem>>, vector<16xi32>,
      %mul3A_1058 = arith.constant 1 : i32
      %mul3A_1059 = vector.broadcast %mul3A_1058 : i32 to vector<16xi32>
      %mul3A_1060 = arith.muli %get3A_1057, %mul3A_1059 : vector<16xi32>
      %add3A_1061 = arith.addi %add3A_1049, %mul3A_1060 : vector<16xi32>
      %swap3A_1062 = arith.index_cast %scan3A_567 : i32 to index
      %swap3A_1063 = arith.constant 64 : index
      %swap3A_1064 = tpu.vector_load %arg6[%swap3A_1062, %swap3A_1063] {strides = array<i32>} : memref<28x112xi32, #tpu.memory_space<vmem>>, vector<16xi32>,
      tpu.vector_store %arg6[%swap3A_1062, %swap3A_1063], %add3A_1061 {strides = array<i32>} : memref<28x112xi32, #tpu.memory_space<vmem>>, vector<16xi32>,
      %mul3A_1065 = arith.constant 112 : i32
      %mul3A_1066 = arith.muli %scan3A_567, %mul3A_1065 : i32
      %add3A_1067 = arith.constant 9408 : i32
      %add3A_1068 = arith.addi %add3A_1067, %mul3A_1066 : i32
      %add3A_1069 = arith.constant 64 : i32
      %add3A_1070 = arith.addi %add3A_1068, %add3A_1069 : i32
      %get3A_1071 = arith.index_cast %add3A_1070 : i32 to index
      %get3A_1072 = tpu.vector_load %arg5[%get3A_1071] {strides = array<i32>} : memref<28224xi32, #tpu.memory_space<vmem>>, vector<16xi32>,
      %mul3A_1073 = arith.constant 1440 : i32
      %mul3A_1074 = vector.broadcast %mul3A_1073 : i32 to vector<16xi32>
      %mul3A_1075 = arith.muli %get3A_1072, %mul3A_1074 : vector<16xi32>
      %mul3A_1076 = arith.constant 112 : i32
      %mul3A_1077 = arith.muli %scan3A_567, %mul3A_1076 : i32
      %add3A_1078 = arith.constant 12544 : i32
      %add3A_1079 = arith.addi %add3A_1078, %mul3A_1077 : i32
      %add3A_1080 = arith.constant 64 : i32
      %add3A_1081 = arith.addi %add3A_1079, %add3A_1080 : i32
      %get3A_1082 = arith.index_cast %add3A_1081 : i32 to index
      %get3A_1083 = tpu.vector_load %arg5[%get3A_1082] {strides = array<i32>} : memref<28224xi32, #tpu.memory_space<vmem>>, vector<16xi32>,
      %mul3A_1084 = arith.constant 160 : i32
      %mul3A_1085 = vector.broadcast %mul3A_1084 : i32 to vector<16xi32>
      %mul3A_1086 = arith.muli %get3A_1083, %mul3A_1085 : vector<16xi32>
      %add3A_1087 = arith.addi %mul3A_1075, %mul3A_1086 : vector<16xi32>
      %mul3A_1088 = arith.constant 112 : i32
      %mul3A_1089 = arith.muli %scan3A_567, %mul3A_1088 : i32
      %add3A_1090 = arith.constant 15680 : i32
      %add3A_1091 = arith.addi %add3A_1090, %mul3A_1089 : i32
      %add3A_1092 = arith.constant 64 : i32
      %add3A_1093 = arith.addi %add3A_1091, %add3A_1092 : i32
      %get3A_1094 = arith.index_cast %add3A_1093 : i32 to index
      %get3A_1095 = tpu.vector_load %arg5[%get3A_1094] {strides = array<i32>} : memref<28224xi32, #tpu.memory_space<vmem>>, vector<16xi32>,
      %mul3A_1096 = arith.constant 32 : i32
      %mul3A_1097 = vector.broadcast %mul3A_1096 : i32 to vector<16xi32>
      %mul3A_1098 = arith.muli %get3A_1095, %mul3A_1097 : vector<16xi32>
      %add3A_1099 = arith.addi %add3A_1087, %mul3A_1098 : vector<16xi32>
      %mul3A_1100 = arith.constant 112 : i32
      %mul3A_1101 = arith.muli %scan3A_567, %mul3A_1100 : i32
      %add3A_1102 = arith.constant 18816 : i32
      %add3A_1103 = arith.addi %add3A_1102, %mul3A_1101 : i32
      %add3A_1104 = arith.constant 64 : i32
      %add3A_1105 = arith.addi %add3A_1103, %add3A_1104 : i32
      %get3A_1106 = arith.index_cast %add3A_1105 : i32 to index
      %get3A_1107 = tpu.vector_load %arg5[%get3A_1106] {strides = array<i32>} : memref<28224xi32, #tpu.memory_space<vmem>>, vector<16xi32>,
      %mul3A_1108 = arith.constant 4 : i32
      %mul3A_1109 = vector.broadcast %mul3A_1108 : i32 to vector<16xi32>
      %mul3A_1110 = arith.muli %get3A_1107, %mul3A_1109 : vector<16xi32>
      %add3A_1111 = arith.addi %add3A_1099, %mul3A_1110 : vector<16xi32>
      %mul3A_1112 = arith.constant 112 : i32
      %mul3A_1113 = arith.muli %scan3A_567, %mul3A_1112 : i32
      %add3A_1114 = arith.constant 21952 : i32
      %add3A_1115 = arith.addi %add3A_1114, %mul3A_1113 : i32
      %add3A_1116 = arith.constant 64 : i32
      %add3A_1117 = arith.addi %add3A_1115, %add3A_1116 : i32
      %get3A_1118 = arith.index_cast %add3A_1117 : i32 to index
      %get3A_1119 = tpu.vector_load %arg5[%get3A_1118] {strides = array<i32>} : memref<28224xi32, #tpu.memory_space<vmem>>, vector<16xi32>,
      %mul3A_1120 = arith.constant 2 : i32
      %mul3A_1121 = vector.broadcast %mul3A_1120 : i32 to vector<16xi32>
      %mul3A_1122 = arith.muli %get3A_1119, %mul3A_1121 : vector<16xi32>
      %add3A_1123 = arith.addi %add3A_1111, %mul3A_1122 : vector<16xi32>
      %mul3A_1124 = arith.constant 112 : i32
      %mul3A_1125 = arith.muli %scan3A_567, %mul3A_1124 : i32
      %add3A_1126 = arith.constant 25088 : i32
      %add3A_1127 = arith.addi %add3A_1126, %mul3A_1125 : i32
      %add3A_1128 = arith.constant 64 : i32
      %add3A_1129 = arith.addi %add3A_1127, %add3A_1128 : i32
      %get3A_1130 = arith.index_cast %add3A_1129 : i32 to index
      %get3A_1131 = tpu.vector_load %arg5[%get3A_1130] {strides = array<i32>} : memref<28224xi32, #tpu.memory_space<vmem>>, vector<16xi32>,
      %mul3A_1132 = arith.constant 1 : i32
      %mul3A_1133 = vector.broadcast %mul3A_1132 : i32 to vector<16xi32>
      %mul3A_1134 = arith.muli %get3A_1131, %mul3A_1133 : vector<16xi32>
      %add3A_1135 = arith.addi %add3A_1123, %mul3A_1134 : vector<16xi32>
      %add3A_1136 = arith.constant 13090 : i32
      %add3A_1137 = vector.broadcast %add3A_1136 : i32 to vector<16xi32>
      %add3A_1138 = arith.addi %add3A_1135, %add3A_1137 : vector<16xi32>
      %swap3A_1139 = arith.index_cast %scan3A_567 : i32 to index
      %swap3A_1140 = arith.constant 64 : index
      %swap3A_1141 = tpu.vector_load %arg7[%swap3A_1139, %swap3A_1140] {strides = array<i32>} : memref<28x112xi32, #tpu.memory_space<vmem>>, vector<16xi32>,
      tpu.vector_store %arg7[%swap3A_1139, %swap3A_1140], %add3A_1138 {strides = array<i32>} : memref<28x112xi32, #tpu.memory_space<vmem>>, vector<16xi32>,
      %mul3A_1142 = arith.constant 112 : i32
      %mul3A_1143 = arith.muli %scan3A_567, %mul3A_1142 : i32
      %add3A_1144 = arith.constant 0 : i32
      %add3A_1145 = arith.addi %add3A_1144, %mul3A_1143 : i32
      %add3A_1146 = arith.constant 80 : i32
      %add3A_1147 = arith.addi %add3A_1145, %add3A_1146 : i32
      %get3A_1148 = arith.index_cast %add3A_1147 : i32 to index
      %get3A_1149 = tpu.vector_load %arg5[%get3A_1148] {strides = array<i32>} : memref<28224xi32, #tpu.memory_space<vmem>>, vector<16xi32>,
      %mul3A_1150 = arith.constant 110 : i32
      %mul3A_1151 = vector.broadcast %mul3A_1150 : i32 to vector<16xi32>
      %mul3A_1152 = arith.muli %get3A_1149, %mul3A_1151 : vector<16xi32>
      %mul3A_1153 = arith.constant 112 : i32
      %mul3A_1154 = arith.muli %scan3A_567, %mul3A_1153 : i32
      %add3A_1155 = arith.constant 3136 : i32
      %add3A_1156 = arith.addi %add3A_1155, %mul3A_1154 : i32
      %add3A_1157 = arith.constant 80 : i32
      %add3A_1158 = arith.addi %add3A_1156, %add3A_1157 : i32
      %get3A_1159 = arith.index_cast %add3A_1158 : i32 to index
      %get3A_1160 = tpu.vector_load %arg5[%get3A_1159] {strides = array<i32>} : memref<28224xi32, #tpu.memory_space<vmem>>, vector<16xi32>,
      %mul3A_1161 = arith.constant 11 : i32
      %mul3A_1162 = vector.broadcast %mul3A_1161 : i32 to vector<16xi32>
      %mul3A_1163 = arith.muli %get3A_1160, %mul3A_1162 : vector<16xi32>
      %add3A_1164 = arith.addi %mul3A_1152, %mul3A_1163 : vector<16xi32>
      %mul3A_1165 = arith.constant 112 : i32
      %mul3A_1166 = arith.muli %scan3A_567, %mul3A_1165 : i32
      %add3A_1167 = arith.constant 6272 : i32
      %add3A_1168 = arith.addi %add3A_1167, %mul3A_1166 : i32
      %add3A_1169 = arith.constant 80 : i32
      %add3A_1170 = arith.addi %add3A_1168, %add3A_1169 : i32
      %get3A_1171 = arith.index_cast %add3A_1170 : i32 to index
      %get3A_1172 = tpu.vector_load %arg5[%get3A_1171] {strides = array<i32>} : memref<28224xi32, #tpu.memory_space<vmem>>, vector<16xi32>,
      %mul3A_1173 = arith.constant 1 : i32
      %mul3A_1174 = vector.broadcast %mul3A_1173 : i32 to vector<16xi32>
      %mul3A_1175 = arith.muli %get3A_1172, %mul3A_1174 : vector<16xi32>
      %add3A_1176 = arith.addi %add3A_1164, %mul3A_1175 : vector<16xi32>
      %swap3A_1177 = arith.index_cast %scan3A_567 : i32 to index
      %swap3A_1178 = arith.constant 80 : index
      %swap3A_1179 = tpu.vector_load %arg6[%swap3A_1177, %swap3A_1178] {strides = array<i32>} : memref<28x112xi32, #tpu.memory_space<vmem>>, vector<16xi32>,
      tpu.vector_store %arg6[%swap3A_1177, %swap3A_1178], %add3A_1176 {strides = array<i32>} : memref<28x112xi32, #tpu.memory_space<vmem>>, vector<16xi32>,
      %mul3A_1180 = arith.constant 112 : i32
      %mul3A_1181 = arith.muli %scan3A_567, %mul3A_1180 : i32
      %add3A_1182 = arith.constant 9408 : i32
      %add3A_1183 = arith.addi %add3A_1182, %mul3A_1181 : i32
      %add3A_1184 = arith.constant 80 : i32
      %add3A_1185 = arith.addi %add3A_1183, %add3A_1184 : i32
      %get3A_1186 = arith.index_cast %add3A_1185 : i32 to index
      %get3A_1187 = tpu.vector_load %arg5[%get3A_1186] {strides = array<i32>} : memref<28224xi32, #tpu.memory_space<vmem>>, vector<16xi32>,
      %mul3A_1188 = arith.constant 1440 : i32
      %mul3A_1189 = vector.broadcast %mul3A_1188 : i32 to vector<16xi32>
      %mul3A_1190 = arith.muli %get3A_1187, %mul3A_1189 : vector<16xi32>
      %mul3A_1191 = arith.constant 112 : i32
      %mul3A_1192 = arith.muli %scan3A_567, %mul3A_1191 : i32
      %add3A_1193 = arith.constant 12544 : i32
      %add3A_1194 = arith.addi %add3A_1193, %mul3A_1192 : i32
      %add3A_1195 = arith.constant 80 : i32
      %add3A_1196 = arith.addi %add3A_1194, %add3A_1195 : i32
      %get3A_1197 = arith.index_cast %add3A_1196 : i32 to index
      %get3A_1198 = tpu.vector_load %arg5[%get3A_1197] {strides = array<i32>} : memref<28224xi32, #tpu.memory_space<vmem>>, vector<16xi32>,
      %mul3A_1199 = arith.constant 160 : i32
      %mul3A_1200 = vector.broadcast %mul3A_1199 : i32 to vector<16xi32>
      %mul3A_1201 = arith.muli %get3A_1198, %mul3A_1200 : vector<16xi32>
      %add3A_1202 = arith.addi %mul3A_1190, %mul3A_1201 : vector<16xi32>
      %mul3A_1203 = arith.constant 112 : i32
      %mul3A_1204 = arith.muli %scan3A_567, %mul3A_1203 : i32
      %add3A_1205 = arith.constant 15680 : i32
      %add3A_1206 = arith.addi %add3A_1205, %mul3A_1204 : i32
      %add3A_1207 = arith.constant 80 : i32
      %add3A_1208 = arith.addi %add3A_1206, %add3A_1207 : i32
      %get3A_1209 = arith.index_cast %add3A_1208 : i32 to index
      %get3A_1210 = tpu.vector_load %arg5[%get3A_1209] {strides = array<i32>} : memref<28224xi32, #tpu.memory_space<vmem>>, vector<16xi32>,
      %mul3A_1211 = arith.constant 32 : i32
      %mul3A_1212 = vector.broadcast %mul3A_1211 : i32 to vector<16xi32>
      %mul3A_1213 = arith.muli %get3A_1210, %mul3A_1212 : vector<16xi32>
      %add3A_1214 = arith.addi %add3A_1202, %mul3A_1213 : vector<16xi32>
      %mul3A_1215 = arith.constant 112 : i32
      %mul3A_1216 = arith.muli %scan3A_567, %mul3A_1215 : i32
      %add3A_1217 = arith.constant 18816 : i32
      %add3A_1218 = arith.addi %add3A_1217, %mul3A_1216 : i32
      %add3A_1219 = arith.constant 80 : i32
      %add3A_1220 = arith.addi %add3A_1218, %add3A_1219 : i32
      %get3A_1221 = arith.index_cast %add3A_1220 : i32 to index
      %get3A_1222 = tpu.vector_load %arg5[%get3A_1221] {strides = array<i32>} : memref<28224xi32, #tpu.memory_space<vmem>>, vector<16xi32>,
      %mul3A_1223 = arith.constant 4 : i32
      %mul3A_1224 = vector.broadcast %mul3A_1223 : i32 to vector<16xi32>
      %mul3A_1225 = arith.muli %get3A_1222, %mul3A_1224 : vector<16xi32>
      %add3A_1226 = arith.addi %add3A_1214, %mul3A_1225 : vector<16xi32>
      %mul3A_1227 = arith.constant 112 : i32
      %mul3A_1228 = arith.muli %scan3A_567, %mul3A_1227 : i32
      %add3A_1229 = arith.constant 21952 : i32
      %add3A_1230 = arith.addi %add3A_1229, %mul3A_1228 : i32
      %add3A_1231 = arith.constant 80 : i32
      %add3A_1232 = arith.addi %add3A_1230, %add3A_1231 : i32
      %get3A_1233 = arith.index_cast %add3A_1232 : i32 to index
      %get3A_1234 = tpu.vector_load %arg5[%get3A_1233] {strides = array<i32>} : memref<28224xi32, #tpu.memory_space<vmem>>, vector<16xi32>,
      %mul3A_1235 = arith.constant 2 : i32
      %mul3A_1236 = vector.broadcast %mul3A_1235 : i32 to vector<16xi32>
      %mul3A_1237 = arith.muli %get3A_1234, %mul3A_1236 : vector<16xi32>
      %add3A_1238 = arith.addi %add3A_1226, %mul3A_1237 : vector<16xi32>
      %mul3A_1239 = arith.constant 112 : i32
      %mul3A_1240 = arith.muli %scan3A_567, %mul3A_1239 : i32
      %add3A_1241 = arith.constant 25088 : i32
      %add3A_1242 = arith.addi %add3A_1241, %mul3A_1240 : i32
      %add3A_1243 = arith.constant 80 : i32
      %add3A_1244 = arith.addi %add3A_1242, %add3A_1243 : i32
      %get3A_1245 = arith.index_cast %add3A_1244 : i32 to index
      %get3A_1246 = tpu.vector_load %arg5[%get3A_1245] {strides = array<i32>} : memref<28224xi32, #tpu.memory_space<vmem>>, vector<16xi32>,
      %mul3A_1247 = arith.constant 1 : i32
      %mul3A_1248 = vector.broadcast %mul3A_1247 : i32 to vector<16xi32>
      %mul3A_1249 = arith.muli %get3A_1246, %mul3A_1248 : vector<16xi32>
      %add3A_1250 = arith.addi %add3A_1238, %mul3A_1249 : vector<16xi32>
      %add3A_1251 = arith.constant 13090 : i32
      %add3A_1252 = vector.broadcast %add3A_1251 : i32 to vector<16xi32>
      %add3A_1253 = arith.addi %add3A_1250, %add3A_1252 : vector<16xi32>
      %swap3A_1254 = arith.index_cast %scan3A_567 : i32 to index
      %swap3A_1255 = arith.constant 80 : index
      %swap3A_1256 = tpu.vector_load %arg7[%swap3A_1254, %swap3A_1255] {strides = array<i32>} : memref<28x112xi32, #tpu.memory_space<vmem>>, vector<16xi32>,
      tpu.vector_store %arg7[%swap3A_1254, %swap3A_1255], %add3A_1253 {strides = array<i32>} : memref<28x112xi32, #tpu.memory_space<vmem>>, vector<16xi32>,
      %mul3A_1257 = arith.constant 112 : i32
      %mul3A_1258 = arith.muli %scan3A_567, %mul3A_1257 : i32
      %add3A_1259 = arith.constant 0 : i32
      %add3A_1260 = arith.addi %add3A_1259, %mul3A_1258 : i32
      %add3A_1261 = arith.constant 96 : i32
      %add3A_1262 = arith.addi %add3A_1260, %add3A_1261 : i32
      %get3A_1263 = arith.index_cast %add3A_1262 : i32 to index
      %get3A_1264 = tpu.vector_load %arg5[%get3A_1263] {strides = array<i32>} : memref<28224xi32, #tpu.memory_space<vmem>>, vector<16xi32>,
      %mul3A_1265 = arith.constant 110 : i32
      %mul3A_1266 = vector.broadcast %mul3A_1265 : i32 to vector<16xi32>
      %mul3A_1267 = arith.muli %get3A_1264, %mul3A_1266 : vector<16xi32>
      %mul3A_1268 = arith.constant 112 : i32
      %mul3A_1269 = arith.muli %scan3A_567, %mul3A_1268 : i32
      %add3A_1270 = arith.constant 3136 : i32
      %add3A_1271 = arith.addi %add3A_1270, %mul3A_1269 : i32
      %add3A_1272 = arith.constant 96 : i32
      %add3A_1273 = arith.addi %add3A_1271, %add3A_1272 : i32
      %get3A_1274 = arith.index_cast %add3A_1273 : i32 to index
      %get3A_1275 = tpu.vector_load %arg5[%get3A_1274] {strides = array<i32>} : memref<28224xi32, #tpu.memory_space<vmem>>, vector<16xi32>,
      %mul3A_1276 = arith.constant 11 : i32
      %mul3A_1277 = vector.broadcast %mul3A_1276 : i32 to vector<16xi32>
      %mul3A_1278 = arith.muli %get3A_1275, %mul3A_1277 : vector<16xi32>
      %add3A_1279 = arith.addi %mul3A_1267, %mul3A_1278 : vector<16xi32>
      %mul3A_1280 = arith.constant 112 : i32
      %mul3A_1281 = arith.muli %scan3A_567, %mul3A_1280 : i32
      %add3A_1282 = arith.constant 6272 : i32
      %add3A_1283 = arith.addi %add3A_1282, %mul3A_1281 : i32
      %add3A_1284 = arith.constant 96 : i32
      %add3A_1285 = arith.addi %add3A_1283, %add3A_1284 : i32
      %get3A_1286 = arith.index_cast %add3A_1285 : i32 to index
      %get3A_1287 = tpu.vector_load %arg5[%get3A_1286] {strides = array<i32>} : memref<28224xi32, #tpu.memory_space<vmem>>, vector<16xi32>,
      %mul3A_1288 = arith.constant 1 : i32
      %mul3A_1289 = vector.broadcast %mul3A_1288 : i32 to vector<16xi32>
      %mul3A_1290 = arith.muli %get3A_1287, %mul3A_1289 : vector<16xi32>
      %add3A_1291 = arith.addi %add3A_1279, %mul3A_1290 : vector<16xi32>
      %swap3A_1292 = arith.index_cast %scan3A_567 : i32 to index
      %swap3A_1293 = arith.constant 96 : index
      %swap3A_1294 = tpu.vector_load %arg6[%swap3A_1292, %swap3A_1293] {strides = array<i32>} : memref<28x112xi32, #tpu.memory_space<vmem>>, vector<16xi32>,
      tpu.vector_store %arg6[%swap3A_1292, %swap3A_1293], %add3A_1291 {strides = array<i32>} : memref<28x112xi32, #tpu.memory_space<vmem>>, vector<16xi32>,
      %mul3A_1295 = arith.constant 112 : i32
      %mul3A_1296 = arith.muli %scan3A_567, %mul3A_1295 : i32
      %add3A_1297 = arith.constant 9408 : i32
      %add3A_1298 = arith.addi %add3A_1297, %mul3A_1296 : i32
      %add3A_1299 = arith.constant 96 : i32
      %add3A_1300 = arith.addi %add3A_1298, %add3A_1299 : i32
      %get3A_1301 = arith.index_cast %add3A_1300 : i32 to index
      %get3A_1302 = tpu.vector_load %arg5[%get3A_1301] {strides = array<i32>} : memref<28224xi32, #tpu.memory_space<vmem>>, vector<16xi32>,
      %mul3A_1303 = arith.constant 1440 : i32
      %mul3A_1304 = vector.broadcast %mul3A_1303 : i32 to vector<16xi32>
      %mul3A_1305 = arith.muli %get3A_1302, %mul3A_1304 : vector<16xi32>
      %mul3A_1306 = arith.constant 112 : i32
      %mul3A_1307 = arith.muli %scan3A_567, %mul3A_1306 : i32
      %add3A_1308 = arith.constant 12544 : i32
      %add3A_1309 = arith.addi %add3A_1308, %mul3A_1307 : i32
      %add3A_1310 = arith.constant 96 : i32
      %add3A_1311 = arith.addi %add3A_1309, %add3A_1310 : i32
      %get3A_1312 = arith.index_cast %add3A_1311 : i32 to index
      %get3A_1313 = tpu.vector_load %arg5[%get3A_1312] {strides = array<i32>} : memref<28224xi32, #tpu.memory_space<vmem>>, vector<16xi32>,
      %mul3A_1314 = arith.constant 160 : i32
      %mul3A_1315 = vector.broadcast %mul3A_1314 : i32 to vector<16xi32>
      %mul3A_1316 = arith.muli %get3A_1313, %mul3A_1315 : vector<16xi32>
      %add3A_1317 = arith.addi %mul3A_1305, %mul3A_1316 : vector<16xi32>
      %mul3A_1318 = arith.constant 112 : i32
      %mul3A_1319 = arith.muli %scan3A_567, %mul3A_1318 : i32
      %add3A_1320 = arith.constant 15680 : i32
      %add3A_1321 = arith.addi %add3A_1320, %mul3A_1319 : i32
      %add3A_1322 = arith.constant 96 : i32
      %add3A_1323 = arith.addi %add3A_1321, %add3A_1322 : i32
      %get3A_1324 = arith.index_cast %add3A_1323 : i32 to index
      %get3A_1325 = tpu.vector_load %arg5[%get3A_1324] {strides = array<i32>} : memref<28224xi32, #tpu.memory_space<vmem>>, vector<16xi32>,
      %mul3A_1326 = arith.constant 32 : i32
      %mul3A_1327 = vector.broadcast %mul3A_1326 : i32 to vector<16xi32>
      %mul3A_1328 = arith.muli %get3A_1325, %mul3A_1327 : vector<16xi32>
      %add3A_1329 = arith.addi %add3A_1317, %mul3A_1328 : vector<16xi32>
      %mul3A_1330 = arith.constant 112 : i32
      %mul3A_1331 = arith.muli %scan3A_567, %mul3A_1330 : i32
      %add3A_1332 = arith.constant 18816 : i32
      %add3A_1333 = arith.addi %add3A_1332, %mul3A_1331 : i32
      %add3A_1334 = arith.constant 96 : i32
      %add3A_1335 = arith.addi %add3A_1333, %add3A_1334 : i32
      %get3A_1336 = arith.index_cast %add3A_1335 : i32 to index
      %get3A_1337 = tpu.vector_load %arg5[%get3A_1336] {strides = array<i32>} : memref<28224xi32, #tpu.memory_space<vmem>>, vector<16xi32>,
      %mul3A_1338 = arith.constant 4 : i32
      %mul3A_1339 = vector.broadcast %mul3A_1338 : i32 to vector<16xi32>
      %mul3A_1340 = arith.muli %get3A_1337, %mul3A_1339 : vector<16xi32>
      %add3A_1341 = arith.addi %add3A_1329, %mul3A_1340 : vector<16xi32>
      %mul3A_1342 = arith.constant 112 : i32
      %mul3A_1343 = arith.muli %scan3A_567, %mul3A_1342 : i32
      %add3A_1344 = arith.constant 21952 : i32
      %add3A_1345 = arith.addi %add3A_1344, %mul3A_1343 : i32
      %add3A_1346 = arith.constant 96 : i32
      %add3A_1347 = arith.addi %add3A_1345, %add3A_1346 : i32
      %get3A_1348 = arith.index_cast %add3A_1347 : i32 to index
      %get3A_1349 = tpu.vector_load %arg5[%get3A_1348] {strides = array<i32>} : memref<28224xi32, #tpu.memory_space<vmem>>, vector<16xi32>,
      %mul3A_1350 = arith.constant 2 : i32
      %mul3A_1351 = vector.broadcast %mul3A_1350 : i32 to vector<16xi32>
      %mul3A_1352 = arith.muli %get3A_1349, %mul3A_1351 : vector<16xi32>
      %add3A_1353 = arith.addi %add3A_1341, %mul3A_1352 : vector<16xi32>
      %mul3A_1354 = arith.constant 112 : i32
      %mul3A_1355 = arith.muli %scan3A_567, %mul3A_1354 : i32
      %add3A_1356 = arith.constant 25088 : i32
      %add3A_1357 = arith.addi %add3A_1356, %mul3A_1355 : i32
      %add3A_1358 = arith.constant 96 : i32
      %add3A_1359 = arith.addi %add3A_1357, %add3A_1358 : i32
      %get3A_1360 = arith.index_cast %add3A_1359 : i32 to index
      %get3A_1361 = tpu.vector_load %arg5[%get3A_1360] {strides = array<i32>} : memref<28224xi32, #tpu.memory_space<vmem>>, vector<16xi32>,
      %mul3A_1362 = arith.constant 1 : i32
      %mul3A_1363 = vector.broadcast %mul3A_1362 : i32 to vector<16xi32>
      %mul3A_1364 = arith.muli %get3A_1361, %mul3A_1363 : vector<16xi32>
      %add3A_1365 = arith.addi %add3A_1353, %mul3A_1364 : vector<16xi32>
      %add3A_1366 = arith.constant 13090 : i32
      %add3A_1367 = vector.broadcast %add3A_1366 : i32 to vector<16xi32>
      %add3A_1368 = arith.addi %add3A_1365, %add3A_1367 : vector<16xi32>
      %swap3A_1369 = arith.index_cast %scan3A_567 : i32 to index
      %swap3A_1370 = arith.constant 96 : index
      %swap3A_1371 = tpu.vector_load %arg7[%swap3A_1369, %swap3A_1370] {strides = array<i32>} : memref<28x112xi32, #tpu.memory_space<vmem>>, vector<16xi32>,
      tpu.vector_store %arg7[%swap3A_1369, %swap3A_1370], %add3A_1368 {strides = array<i32>} : memref<28x112xi32, #tpu.memory_space<vmem>>, vector<16xi32>,
      %scan3A_1372 = arith.constant 0 : i32
      scf.yield %scan3A_1372 : i32
    }
    %scan3A_27 = arith.constant 28 : i32
    %dma_start3A = arith.constant 0 : i32
    %dma_start3A_28 = arith.constant 0 : i32
    %dma_start3A_29 = arith.constant 0 : i32
    %dma_start3A_30 = arith.constant 0 : i32
    %dma_start3A_31 = tpu.memref_slice %arg8[%dma_start3A_28, %dma_start3A_29, %dma_start3A_30] : memref<4x112x64xf32, #tpu.memory_space<vmem>> -> memref<1x16x64xf32, #tpu.memory_space<vmem>>
    %dma_start3A_32 = tpu.memref_squeeze %dma_start3A_31 : memref<1x16x64xf32, #tpu.memory_space<vmem>> -> memref<16x64xf32, #tpu.memory_space<vmem>>
    %dma_start3A_33 = arith.constant 0 : i32
    %dma_start3A_34 = tpu.memref_slice %arg6[%dma_start3A, %dma_start3A_33] : memref<28x112xi32, #tpu.memory_space<vmem>> -> memref<1x16xi32, #tpu.memory_space<vmem>>
    %dma_start3A_35 = tpu.memref_squeeze %dma_start3A_34 : memref<1x16xi32, #tpu.memory_space<vmem>> -> memref<16xi32, #tpu.memory_space<vmem>>
    %dma_start3A_36 = arith.constant 0 : i32
    %dma_start3A_37 = arith.constant 0 : i32
    %dma_start3A_38 = tpu.memref_slice %arg3[%dma_start3A_36, %dma_start3A_37] : memref<30370x64xf32, #tpu.memory_space<hbm>> -> memref<30370x64xf32, #tpu.memory_space<hbm>>
    tpu.enqueue_indirect_dma source(%dma_start3A_38 : memref<30370x64xf32, #tpu.memory_space<hbm>>) target(%dma_start3A_32 : memref<16x64xf32, #tpu.memory_space<vmem>>) offsets(%dma_start3A_35 : memref<16xi32, #tpu.memory_space<vmem>>) semaphore(%arg11 : memref<!tpu.dma_semaphore, #tpu.memory_space<semaphore_mem>>)
    %dma_start3A_39 = arith.constant 0 : i32
    %dma_start3A_40 = arith.constant 0 : i32
    %dma_start3A_41 = arith.constant 0 : i32
    %dma_start3A_42 = arith.constant 0 : i32
    %dma_start3A_43 = tpu.memref_slice %arg9[%dma_start3A_40, %dma_start3A_41, %dma_start3A_42] : memref<4x112x64xf32, #tpu.memory_space<vmem>> -> memref<1x16x64xf32, #tpu.memory_space<vmem>>
    %dma_start3A_44 = tpu.memref_squeeze %dma_start3A_43 : memref<1x16x64xf32, #tpu.memory_space<vmem>> -> memref<16x64xf32, #tpu.memory_space<vmem>>
    %dma_start3A_45 = arith.constant 0 : i32
    %dma_start3A_46 = tpu.memref_slice %arg7[%dma_start3A_39, %dma_start3A_45] : memref<28x112xi32, #tpu.memory_space<vmem>> -> memref<1x16xi32, #tpu.memory_space<vmem>>
    %dma_start3A_47 = tpu.memref_squeeze %dma_start3A_46 : memref<1x16xi32, #tpu.memory_space<vmem>> -> memref<16xi32, #tpu.memory_space<vmem>>
    %dma_start3A_48 = arith.constant 0 : i32
    %dma_start3A_49 = arith.constant 0 : i32
    %dma_start3A_50 = tpu.memref_slice %arg3[%dma_start3A_48, %dma_start3A_49] : memref<30370x64xf32, #tpu.memory_space<hbm>> -> memref<30370x64xf32, #tpu.memory_space<hbm>>
    tpu.enqueue_indirect_dma source(%dma_start3A_50 : memref<30370x64xf32, #tpu.memory_space<hbm>>) target(%dma_start3A_44 : memref<16x64xf32, #tpu.memory_space<vmem>>) offsets(%dma_start3A_47 : memref<16xi32, #tpu.memory_space<vmem>>) semaphore(%arg11 : memref<!tpu.dma_semaphore, #tpu.memory_space<semaphore_mem>>)
    %dma_start3A_51 = arith.constant 0 : i32
    %dma_start3A_52 = arith.constant 0 : i32
    %dma_start3A_53 = arith.constant 16 : i32
    %dma_start3A_54 = arith.constant 0 : i32
    %dma_start3A_55 = tpu.memref_slice %arg8[%dma_start3A_52, %dma_start3A_53, %dma_start3A_54] : memref<4x112x64xf32, #tpu.memory_space<vmem>> -> memref<1x16x64xf32, #tpu.memory_space<vmem>>
    %dma_start3A_56 = tpu.memref_squeeze %dma_start3A_55 : memref<1x16x64xf32, #tpu.memory_space<vmem>> -> memref<16x64xf32, #tpu.memory_space<vmem>>
    %dma_start3A_57 = arith.constant 16 : i32
    %dma_start3A_58 = tpu.memref_slice %arg6[%dma_start3A_51, %dma_start3A_57] : memref<28x112xi32, #tpu.memory_space<vmem>> -> memref<1x16xi32, #tpu.memory_space<vmem>>
    %dma_start3A_59 = tpu.memref_squeeze %dma_start3A_58 : memref<1x16xi32, #tpu.memory_space<vmem>> -> memref<16xi32, #tpu.memory_space<vmem>>
    %dma_start3A_60 = arith.constant 0 : i32
    %dma_start3A_61 = arith.constant 0 : i32
    %dma_start3A_62 = tpu.memref_slice %arg3[%dma_start3A_60, %dma_start3A_61] : memref<30370x64xf32, #tpu.memory_space<hbm>> -> memref<30370x64xf32, #tpu.memory_space<hbm>>
    tpu.enqueue_indirect_dma source(%dma_start3A_62 : memref<30370x64xf32, #tpu.memory_space<hbm>>) target(%dma_start3A_56 : memref<16x64xf32, #tpu.memory_space<vmem>>) offsets(%dma_start3A_59 : memref<16xi32, #tpu.memory_space<vmem>>) semaphore(%arg11 : memref<!tpu.dma_semaphore, #tpu.memory_space<semaphore_mem>>)
    %dma_start3A_63 = arith.constant 0 : i32
    %dma_start3A_64 = arith.constant 0 : i32
    %dma_start3A_65 = arith.constant 16 : i32
    %dma_start3A_66 = arith.constant 0 : i32
    %dma_start3A_67 = tpu.memref_slice %arg9[%dma_start3A_64, %dma_start3A_65, %dma_start3A_66] : memref<4x112x64xf32, #tpu.memory_space<vmem>> -> memref<1x16x64xf32, #tpu.memory_space<vmem>>
    %dma_start3A_68 = tpu.memref_squeeze %dma_start3A_67 : memref<1x16x64xf32, #tpu.memory_space<vmem>> -> memref<16x64xf32, #tpu.memory_space<vmem>>
    %dma_start3A_69 = arith.constant 16 : i32
    %dma_start3A_70 = tpu.memref_slice %arg7[%dma_start3A_63, %dma_start3A_69] : memref<28x112xi32, #tpu.memory_space<vmem>> -> memref<1x16xi32, #tpu.memory_space<vmem>>
    %dma_start3A_71 = tpu.memref_squeeze %dma_start3A_70 : memref<1x16xi32, #tpu.memory_space<vmem>> -> memref<16xi32, #tpu.memory_space<vmem>>
    %dma_start3A_72 = arith.constant 0 : i32
    %dma_start3A_73 = arith.constant 0 : i32
    %dma_start3A_74 = tpu.memref_slice %arg3[%dma_start3A_72, %dma_start3A_73] : memref<30370x64xf32, #tpu.memory_space<hbm>> -> memref<30370x64xf32, #tpu.memory_space<hbm>>
    tpu.enqueue_indirect_dma source(%dma_start3A_74 : memref<30370x64xf32, #tpu.memory_space<hbm>>) target(%dma_start3A_68 : memref<16x64xf32, #tpu.memory_space<vmem>>) offsets(%dma_start3A_71 : memref<16xi32, #tpu.memory_space<vmem>>) semaphore(%arg11 : memref<!tpu.dma_semaphore, #tpu.memory_space<semaphore_mem>>)
    %dma_start3A_75 = arith.constant 0 : i32
    %dma_start3A_76 = arith.constant 0 : i32
    %dma_start3A_77 = arith.constant 32 : i32
    %dma_start3A_78 = arith.constant 0 : i32
    %dma_start3A_79 = tpu.memref_slice %arg8[%dma_start3A_76, %dma_start3A_77, %dma_start3A_78] : memref<4x112x64xf32, #tpu.memory_space<vmem>> -> memref<1x16x64xf32, #tpu.memory_space<vmem>>
    %dma_start3A_80 = tpu.memref_squeeze %dma_start3A_79 : memref<1x16x64xf32, #tpu.memory_space<vmem>> -> memref<16x64xf32, #tpu.memory_space<vmem>>
    %dma_start3A_81 = arith.constant 32 : i32
    %dma_start3A_82 = tpu.memref_slice %arg6[%dma_start3A_75, %dma_start3A_81] : memref<28x112xi32, #tpu.memory_space<vmem>> -> memref<1x16xi32, #tpu.memory_space<vmem>>
    %dma_start3A_83 = tpu.memref_squeeze %dma_start3A_82 : memref<1x16xi32, #tpu.memory_space<vmem>> -> memref<16xi32, #tpu.memory_space<vmem>>
    %dma_start3A_84 = arith.constant 0 : i32
    %dma_start3A_85 = arith.constant 0 : i32
    %dma_start3A_86 = tpu.memref_slice %arg3[%dma_start3A_84, %dma_start3A_85] : memref<30370x64xf32, #tpu.memory_space<hbm>> -> memref<30370x64xf32, #tpu.memory_space<hbm>>
    tpu.enqueue_indirect_dma source(%dma_start3A_86 : memref<30370x64xf32, #tpu.memory_space<hbm>>) target(%dma_start3A_80 : memref<16x64xf32, #tpu.memory_space<vmem>>) offsets(%dma_start3A_83 : memref<16xi32, #tpu.memory_space<vmem>>) semaphore(%arg11 : memref<!tpu.dma_semaphore, #tpu.memory_space<semaphore_mem>>)
    %dma_start3A_87 = arith.constant 0 : i32
    %dma_start3A_88 = arith.constant 0 : i32
    %dma_start3A_89 = arith.constant 32 : i32
    %dma_start3A_90 = arith.constant 0 : i32
    %dma_start3A_91 = tpu.memref_slice %arg9[%dma_start3A_88, %dma_start3A_89, %dma_start3A_90] : memref<4x112x64xf32, #tpu.memory_space<vmem>> -> memref<1x16x64xf32, #tpu.memory_space<vmem>>
    %dma_start3A_92 = tpu.memref_squeeze %dma_start3A_91 : memref<1x16x64xf32, #tpu.memory_space<vmem>> -> memref<16x64xf32, #tpu.memory_space<vmem>>
    %dma_start3A_93 = arith.constant 32 : i32
    %dma_start3A_94 = tpu.memref_slice %arg7[%dma_start3A_87, %dma_start3A_93] : memref<28x112xi32, #tpu.memory_space<vmem>> -> memref<1x16xi32, #tpu.memory_space<vmem>>
    %dma_start3A_95 = tpu.memref_squeeze %dma_start3A_94 : memref<1x16xi32, #tpu.memory_space<vmem>> -> memref<16xi32, #tpu.memory_space<vmem>>
    %dma_start3A_96 = arith.constant 0 : i32
    %dma_start3A_97 = arith.constant 0 : i32
    %dma_start3A_98 = tpu.memref_slice %arg3[%dma_start3A_96, %dma_start3A_97] : memref<30370x64xf32, #tpu.memory_space<hbm>> -> memref<30370x64xf32, #tpu.memory_space<hbm>>
    tpu.enqueue_indirect_dma source(%dma_start3A_98 : memref<30370x64xf32, #tpu.memory_space<hbm>>) target(%dma_start3A_92 : memref<16x64xf32, #tpu.memory_space<vmem>>) offsets(%dma_start3A_95 : memref<16xi32, #tpu.memory_space<vmem>>) semaphore(%arg11 : memref<!tpu.dma_semaphore, #tpu.memory_space<semaphore_mem>>)
    %dma_start3A_99 = arith.constant 0 : i32
    %dma_start3A_100 = arith.constant 0 : i32
    %dma_start3A_101 = arith.constant 48 : i32
    %dma_start3A_102 = arith.constant 0 : i32
    %dma_start3A_103 = tpu.memref_slice %arg8[%dma_start3A_100, %dma_start3A_101, %dma_start3A_102] : memref<4x112x64xf32, #tpu.memory_space<vmem>> -> memref<1x16x64xf32, #tpu.memory_space<vmem>>
    %dma_start3A_104 = tpu.memref_squeeze %dma_start3A_103 : memref<1x16x64xf32, #tpu.memory_space<vmem>> -> memref<16x64xf32, #tpu.memory_space<vmem>>
    %dma_start3A_105 = arith.constant 48 : i32
    %dma_start3A_106 = tpu.memref_slice %arg6[%dma_start3A_99, %dma_start3A_105] : memref<28x112xi32, #tpu.memory_space<vmem>> -> memref<1x16xi32, #tpu.memory_space<vmem>>
    %dma_start3A_107 = tpu.memref_squeeze %dma_start3A_106 : memref<1x16xi32, #tpu.memory_space<vmem>> -> memref<16xi32, #tpu.memory_space<vmem>>
    %dma_start3A_108 = arith.constant 0 : i32
    %dma_start3A_109 = arith.constant 0 : i32
    %dma_start3A_110 = tpu.memref_slice %arg3[%dma_start3A_108, %dma_start3A_109] : memref<30370x64xf32, #tpu.memory_space<hbm>> -> memref<30370x64xf32, #tpu.memory_space<hbm>>
    tpu.enqueue_indirect_dma source(%dma_start3A_110 : memref<30370x64xf32, #tpu.memory_space<hbm>>) target(%dma_start3A_104 : memref<16x64xf32, #tpu.memory_space<vmem>>) offsets(%dma_start3A_107 : memref<16xi32, #tpu.memory_space<vmem>>) semaphore(%arg11 : memref<!tpu.dma_semaphore, #tpu.memory_space<semaphore_mem>>)
    %dma_start3A_111 = arith.constant 0 : i32
    %dma_start3A_112 = arith.constant 0 : i32
    %dma_start3A_113 = arith.constant 48 : i32
    %dma_start3A_114 = arith.constant 0 : i32
    %dma_start3A_115 = tpu.memref_slice %arg9[%dma_start3A_112, %dma_start3A_113, %dma_start3A_114] : memref<4x112x64xf32, #tpu.memory_space<vmem>> -> memref<1x16x64xf32, #tpu.memory_space<vmem>>
    %dma_start3A_116 = tpu.memref_squeeze %dma_start3A_115 : memref<1x16x64xf32, #tpu.memory_space<vmem>> -> memref<16x64xf32, #tpu.memory_space<vmem>>
    %dma_start3A_117 = arith.constant 48 : i32
    %dma_start3A_118 = tpu.memref_slice %arg7[%dma_start3A_111, %dma_start3A_117] : memref<28x112xi32, #tpu.memory_space<vmem>> -> memref<1x16xi32, #tpu.memory_space<vmem>>
    %dma_start3A_119 = tpu.memref_squeeze %dma_start3A_118 : memref<1x16xi32, #tpu.memory_space<vmem>> -> memref<16xi32, #tpu.memory_space<vmem>>
    %dma_start3A_120 = arith.constant 0 : i32
    %dma_start3A_121 = arith.constant 0 : i32
    %dma_start3A_122 = tpu.memref_slice %arg3[%dma_start3A_120, %dma_start3A_121] : memref<30370x64xf32, #tpu.memory_space<hbm>> -> memref<30370x64xf32, #tpu.memory_space<hbm>>
    tpu.enqueue_indirect_dma source(%dma_start3A_122 : memref<30370x64xf32, #tpu.memory_space<hbm>>) target(%dma_start3A_116 : memref<16x64xf32, #tpu.memory_space<vmem>>) offsets(%dma_start3A_119 : memref<16xi32, #tpu.memory_space<vmem>>) semaphore(%arg11 : memref<!tpu.dma_semaphore, #tpu.memory_space<semaphore_mem>>)
    %dma_start3A_123 = arith.constant 0 : i32
    %dma_start3A_124 = arith.constant 0 : i32
    %dma_start3A_125 = arith.constant 64 : i32
    %dma_start3A_126 = arith.constant 0 : i32
    %dma_start3A_127 = tpu.memref_slice %arg8[%dma_start3A_124, %dma_start3A_125, %dma_start3A_126] : memref<4x112x64xf32, #tpu.memory_space<vmem>> -> memref<1x16x64xf32, #tpu.memory_space<vmem>>
    %dma_start3A_128 = tpu.memref_squeeze %dma_start3A_127 : memref<1x16x64xf32, #tpu.memory_space<vmem>> -> memref<16x64xf32, #tpu.memory_space<vmem>>
    %dma_start3A_129 = arith.constant 64 : i32
    %dma_start3A_130 = tpu.memref_slice %arg6[%dma_start3A_123, %dma_start3A_129] : memref<28x112xi32, #tpu.memory_space<vmem>> -> memref<1x16xi32, #tpu.memory_space<vmem>>
    %dma_start3A_131 = tpu.memref_squeeze %dma_start3A_130 : memref<1x16xi32, #tpu.memory_space<vmem>> -> memref<16xi32, #tpu.memory_space<vmem>>
    %dma_start3A_132 = arith.constant 0 : i32
    %dma_start3A_133 = arith.constant 0 : i32
    %dma_start3A_134 = tpu.memref_slice %arg3[%dma_start3A_132, %dma_start3A_133] : memref<30370x64xf32, #tpu.memory_space<hbm>> -> memref<30370x64xf32, #tpu.memory_space<hbm>>
    tpu.enqueue_indirect_dma source(%dma_start3A_134 : memref<30370x64xf32, #tpu.memory_space<hbm>>) target(%dma_start3A_128 : memref<16x64xf32, #tpu.memory_space<vmem>>) offsets(%dma_start3A_131 : memref<16xi32, #tpu.memory_space<vmem>>) semaphore(%arg11 : memref<!tpu.dma_semaphore, #tpu.memory_space<semaphore_mem>>)
    %dma_start3A_135 = arith.constant 0 : i32
    %dma_start3A_136 = arith.constant 0 : i32
    %dma_start3A_137 = arith.constant 64 : i32
    %dma_start3A_138 = arith.constant 0 : i32
    %dma_start3A_139 = tpu.memref_slice %arg9[%dma_start3A_136, %dma_start3A_137, %dma_start3A_138] : memref<4x112x64xf32, #tpu.memory_space<vmem>> -> memref<1x16x64xf32, #tpu.memory_space<vmem>>
    %dma_start3A_140 = tpu.memref_squeeze %dma_start3A_139 : memref<1x16x64xf32, #tpu.memory_space<vmem>> -> memref<16x64xf32, #tpu.memory_space<vmem>>
    %dma_start3A_141 = arith.constant 64 : i32
    %dma_start3A_142 = tpu.memref_slice %arg7[%dma_start3A_135, %dma_start3A_141] : memref<28x112xi32, #tpu.memory_space<vmem>> -> memref<1x16xi32, #tpu.memory_space<vmem>>
    %dma_start3A_143 = tpu.memref_squeeze %dma_start3A_142 : memref<1x16xi32, #tpu.memory_space<vmem>> -> memref<16xi32, #tpu.memory_space<vmem>>
    %dma_start3A_144 = arith.constant 0 : i32
    %dma_start3A_145 = arith.constant 0 : i32
    %dma_start3A_146 = tpu.memref_slice %arg3[%dma_start3A_144, %dma_start3A_145] : memref<30370x64xf32, #tpu.memory_space<hbm>> -> memref<30370x64xf32, #tpu.memory_space<hbm>>
    tpu.enqueue_indirect_dma source(%dma_start3A_146 : memref<30370x64xf32, #tpu.memory_space<hbm>>) target(%dma_start3A_140 : memref<16x64xf32, #tpu.memory_space<vmem>>) offsets(%dma_start3A_143 : memref<16xi32, #tpu.memory_space<vmem>>) semaphore(%arg11 : memref<!tpu.dma_semaphore, #tpu.memory_space<semaphore_mem>>)
    %dma_start3A_147 = arith.constant 0 : i32
    %dma_start3A_148 = arith.constant 0 : i32
    %dma_start3A_149 = arith.constant 80 : i32
    %dma_start3A_150 = arith.constant 0 : i32
    %dma_start3A_151 = tpu.memref_slice %arg8[%dma_start3A_148, %dma_start3A_149, %dma_start3A_150] : memref<4x112x64xf32, #tpu.memory_space<vmem>> -> memref<1x16x64xf32, #tpu.memory_space<vmem>>
    %dma_start3A_152 = tpu.memref_squeeze %dma_start3A_151 : memref<1x16x64xf32, #tpu.memory_space<vmem>> -> memref<16x64xf32, #tpu.memory_space<vmem>>
    %dma_start3A_153 = arith.constant 80 : i32
    %dma_start3A_154 = tpu.memref_slice %arg6[%dma_start3A_147, %dma_start3A_153] : memref<28x112xi32, #tpu.memory_space<vmem>> -> memref<1x16xi32, #tpu.memory_space<vmem>>
    %dma_start3A_155 = tpu.memref_squeeze %dma_start3A_154 : memref<1x16xi32, #tpu.memory_space<vmem>> -> memref<16xi32, #tpu.memory_space<vmem>>
    %dma_start3A_156 = arith.constant 0 : i32
    %dma_start3A_157 = arith.constant 0 : i32
    %dma_start3A_158 = tpu.memref_slice %arg3[%dma_start3A_156, %dma_start3A_157] : memref<30370x64xf32, #tpu.memory_space<hbm>> -> memref<30370x64xf32, #tpu.memory_space<hbm>>
    tpu.enqueue_indirect_dma source(%dma_start3A_158 : memref<30370x64xf32, #tpu.memory_space<hbm>>) target(%dma_start3A_152 : memref<16x64xf32, #tpu.memory_space<vmem>>) offsets(%dma_start3A_155 : memref<16xi32, #tpu.memory_space<vmem>>) semaphore(%arg11 : memref<!tpu.dma_semaphore, #tpu.memory_space<semaphore_mem>>)
    %dma_start3A_159 = arith.constant 0 : i32
    %dma_start3A_160 = arith.constant 0 : i32
    %dma_start3A_161 = arith.constant 80 : i32
    %dma_start3A_162 = arith.constant 0 : i32
    %dma_start3A_163 = tpu.memref_slice %arg9[%dma_start3A_160, %dma_start3A_161, %dma_start3A_162] : memref<4x112x64xf32, #tpu.memory_space<vmem>> -> memref<1x16x64xf32, #tpu.memory_space<vmem>>
    %dma_start3A_164 = tpu.memref_squeeze %dma_start3A_163 : memref<1x16x64xf32, #tpu.memory_space<vmem>> -> memref<16x64xf32, #tpu.memory_space<vmem>>
    %dma_start3A_165 = arith.constant 80 : i32
    %dma_start3A_166 = tpu.memref_slice %arg7[%dma_start3A_159, %dma_start3A_165] : memref<28x112xi32, #tpu.memory_space<vmem>> -> memref<1x16xi32, #tpu.memory_space<vmem>>
    %dma_start3A_167 = tpu.memref_squeeze %dma_start3A_166 : memref<1x16xi32, #tpu.memory_space<vmem>> -> memref<16xi32, #tpu.memory_space<vmem>>
    %dma_start3A_168 = arith.constant 0 : i32
    %dma_start3A_169 = arith.constant 0 : i32
    %dma_start3A_170 = tpu.memref_slice %arg3[%dma_start3A_168, %dma_start3A_169] : memref<30370x64xf32, #tpu.memory_space<hbm>> -> memref<30370x64xf32, #tpu.memory_space<hbm>>
    tpu.enqueue_indirect_dma source(%dma_start3A_170 : memref<30370x64xf32, #tpu.memory_space<hbm>>) target(%dma_start3A_164 : memref<16x64xf32, #tpu.memory_space<vmem>>) offsets(%dma_start3A_167 : memref<16xi32, #tpu.memory_space<vmem>>) semaphore(%arg11 : memref<!tpu.dma_semaphore, #tpu.memory_space<semaphore_mem>>)
    %dma_start3A_171 = arith.constant 0 : i32
    %dma_start3A_172 = arith.constant 0 : i32
    %dma_start3A_173 = arith.constant 96 : i32
    %dma_start3A_174 = arith.constant 0 : i32
    %dma_start3A_175 = tpu.memref_slice %arg8[%dma_start3A_172, %dma_start3A_173, %dma_start3A_174] : memref<4x112x64xf32, #tpu.memory_space<vmem>> -> memref<1x16x64xf32, #tpu.memory_space<vmem>>
    %dma_start3A_176 = tpu.memref_squeeze %dma_start3A_175 : memref<1x16x64xf32, #tpu.memory_space<vmem>> -> memref<16x64xf32, #tpu.memory_space<vmem>>
    %dma_start3A_177 = arith.constant 96 : i32
    %dma_start3A_178 = tpu.memref_slice %arg6[%dma_start3A_171, %dma_start3A_177] : memref<28x112xi32, #tpu.memory_space<vmem>> -> memref<1x16xi32, #tpu.memory_space<vmem>>
    %dma_start3A_179 = tpu.memref_squeeze %dma_start3A_178 : memref<1x16xi32, #tpu.memory_space<vmem>> -> memref<16xi32, #tpu.memory_space<vmem>>
    %dma_start3A_180 = arith.constant 0 : i32
    %dma_start3A_181 = arith.constant 0 : i32
    %dma_start3A_182 = tpu.memref_slice %arg3[%dma_start3A_180, %dma_start3A_181] : memref<30370x64xf32, #tpu.memory_space<hbm>> -> memref<30370x64xf32, #tpu.memory_space<hbm>>
    tpu.enqueue_indirect_dma source(%dma_start3A_182 : memref<30370x64xf32, #tpu.memory_space<hbm>>) target(%dma_start3A_176 : memref<16x64xf32, #tpu.memory_space<vmem>>) offsets(%dma_start3A_179 : memref<16xi32, #tpu.memory_space<vmem>>) semaphore(%arg11 : memref<!tpu.dma_semaphore, #tpu.memory_space<semaphore_mem>>)
    %dma_start3A_183 = arith.constant 0 : i32
    %dma_start3A_184 = arith.constant 0 : i32
    %dma_start3A_185 = arith.constant 96 : i32
    %dma_start3A_186 = arith.constant 0 : i32
    %dma_start3A_187 = tpu.memref_slice %arg9[%dma_start3A_184, %dma_start3A_185, %dma_start3A_186] : memref<4x112x64xf32, #tpu.memory_space<vmem>> -> memref<1x16x64xf32, #tpu.memory_space<vmem>>
    %dma_start3A_188 = tpu.memref_squeeze %dma_start3A_187 : memref<1x16x64xf32, #tpu.memory_space<vmem>> -> memref<16x64xf32, #tpu.memory_space<vmem>>
    %dma_start3A_189 = arith.constant 96 : i32
    %dma_start3A_190 = tpu.memref_slice %arg7[%dma_start3A_183, %dma_start3A_189] : memref<28x112xi32, #tpu.memory_space<vmem>> -> memref<1x16xi32, #tpu.memory_space<vmem>>
    %dma_start3A_191 = tpu.memref_squeeze %dma_start3A_190 : memref<1x16xi32, #tpu.memory_space<vmem>> -> memref<16xi32, #tpu.memory_space<vmem>>
    %dma_start3A_192 = arith.constant 0 : i32
    %dma_start3A_193 = arith.constant 0 : i32
    %dma_start3A_194 = tpu.memref_slice %arg3[%dma_start3A_192, %dma_start3A_193] : memref<30370x64xf32, #tpu.memory_space<hbm>> -> memref<30370x64xf32, #tpu.memory_space<hbm>>
    tpu.enqueue_indirect_dma source(%dma_start3A_194 : memref<30370x64xf32, #tpu.memory_space<hbm>>) target(%dma_start3A_188 : memref<16x64xf32, #tpu.memory_space<vmem>>) offsets(%dma_start3A_191 : memref<16xi32, #tpu.memory_space<vmem>>) semaphore(%arg11 : memref<!tpu.dma_semaphore, #tpu.memory_space<semaphore_mem>>)
    %dma_start3A_195 = arith.constant 1 : i32
    %dma_start3A_196 = arith.constant 1 : i32
    %dma_start3A_197 = arith.constant 0 : i32
    %dma_start3A_198 = arith.constant 0 : i32
    %dma_start3A_199 = tpu.memref_slice %arg8[%dma_start3A_196, %dma_start3A_197, %dma_start3A_198] : memref<4x112x64xf32, #tpu.memory_space<vmem>> -> memref<1x16x64xf32, #tpu.memory_space<vmem>>
    %dma_start3A_200 = tpu.memref_squeeze %dma_start3A_199 : memref<1x16x64xf32, #tpu.memory_space<vmem>> -> memref<16x64xf32, #tpu.memory_space<vmem>>
    %dma_start3A_201 = arith.constant 0 : i32
    %dma_start3A_202 = tpu.memref_slice %arg6[%dma_start3A_195, %dma_start3A_201] : memref<28x112xi32, #tpu.memory_space<vmem>> -> memref<1x16xi32, #tpu.memory_space<vmem>>
    %dma_start3A_203 = tpu.memref_squeeze %dma_start3A_202 : memref<1x16xi32, #tpu.memory_space<vmem>> -> memref<16xi32, #tpu.memory_space<vmem>>
    %dma_start3A_204 = arith.constant 0 : i32
    %dma_start3A_205 = arith.constant 0 : i32
    %dma_start3A_206 = tpu.memref_slice %arg3[%dma_start3A_204, %dma_start3A_205] : memref<30370x64xf32, #tpu.memory_space<hbm>> -> memref<30370x64xf32, #tpu.memory_space<hbm>>
    tpu.enqueue_indirect_dma source(%dma_start3A_206 : memref<30370x64xf32, #tpu.memory_space<hbm>>) target(%dma_start3A_200 : memref<16x64xf32, #tpu.memory_space<vmem>>) offsets(%dma_start3A_203 : memref<16xi32, #tpu.memory_space<vmem>>) semaphore(%arg12 : memref<!tpu.dma_semaphore, #tpu.memory_space<semaphore_mem>>)
    %dma_start3A_207 = arith.constant 1 : i32
    %dma_start3A_208 = arith.constant 1 : i32
    %dma_start3A_209 = arith.constant 0 : i32
    %dma_start3A_210 = arith.constant 0 : i32
    %dma_start3A_211 = tpu.memref_slice %arg9[%dma_start3A_208, %dma_start3A_209, %dma_start3A_210] : memref<4x112x64xf32, #tpu.memory_space<vmem>> -> memref<1x16x64xf32, #tpu.memory_space<vmem>>
    %dma_start3A_212 = tpu.memref_squeeze %dma_start3A_211 : memref<1x16x64xf32, #tpu.memory_space<vmem>> -> memref<16x64xf32, #tpu.memory_space<vmem>>
    %dma_start3A_213 = arith.constant 0 : i32
    %dma_start3A_214 = tpu.memref_slice %arg7[%dma_start3A_207, %dma_start3A_213] : memref<28x112xi32, #tpu.memory_space<vmem>> -> memref<1x16xi32, #tpu.memory_space<vmem>>
    %dma_start3A_215 = tpu.memref_squeeze %dma_start3A_214 : memref<1x16xi32, #tpu.memory_space<vmem>> -> memref<16xi32, #tpu.memory_space<vmem>>
    %dma_start3A_216 = arith.constant 0 : i32
    %dma_start3A_217 = arith.constant 0 : i32
    %dma_start3A_218 = tpu.memref_slice %arg3[%dma_start3A_216, %dma_start3A_217] : memref<30370x64xf32, #tpu.memory_space<hbm>> -> memref<30370x64xf32, #tpu.memory_space<hbm>>
    tpu.enqueue_indirect_dma source(%dma_start3A_218 : memref<30370x64xf32, #tpu.memory_space<hbm>>) target(%dma_start3A_212 : memref<16x64xf32, #tpu.memory_space<vmem>>) offsets(%dma_start3A_215 : memref<16xi32, #tpu.memory_space<vmem>>) semaphore(%arg12 : memref<!tpu.dma_semaphore, #tpu.memory_space<semaphore_mem>>)
    %dma_start3A_219 = arith.constant 1 : i32
    %dma_start3A_220 = arith.constant 1 : i32
    %dma_start3A_221 = arith.constant 16 : i32
    %dma_start3A_222 = arith.constant 0 : i32
    %dma_start3A_223 = tpu.memref_slice %arg8[%dma_start3A_220, %dma_start3A_221, %dma_start3A_222] : memref<4x112x64xf32, #tpu.memory_space<vmem>> -> memref<1x16x64xf32, #tpu.memory_space<vmem>>
    %dma_start3A_224 = tpu.memref_squeeze %dma_start3A_223 : memref<1x16x64xf32, #tpu.memory_space<vmem>> -> memref<16x64xf32, #tpu.memory_space<vmem>>
    %dma_start3A_225 = arith.constant 16 : i32
    %dma_start3A_226 = tpu.memref_slice %arg6[%dma_start3A_219, %dma_start3A_225] : memref<28x112xi32, #tpu.memory_space<vmem>> -> memref<1x16xi32, #tpu.memory_space<vmem>>
    %dma_start3A_227 = tpu.memref_squeeze %dma_start3A_226 : memref<1x16xi32, #tpu.memory_space<vmem>> -> memref<16xi32, #tpu.memory_space<vmem>>
    %dma_start3A_228 = arith.constant 0 : i32
    %dma_start3A_229 = arith.constant 0 : i32
    %dma_start3A_230 = tpu.memref_slice %arg3[%dma_start3A_228, %dma_start3A_229] : memref<30370x64xf32, #tpu.memory_space<hbm>> -> memref<30370x64xf32, #tpu.memory_space<hbm>>
    tpu.enqueue_indirect_dma source(%dma_start3A_230 : memref<30370x64xf32, #tpu.memory_space<hbm>>) target(%dma_start3A_224 : memref<16x64xf32, #tpu.memory_space<vmem>>) offsets(%dma_start3A_227 : memref<16xi32, #tpu.memory_space<vmem>>) semaphore(%arg12 : memref<!tpu.dma_semaphore, #tpu.memory_space<semaphore_mem>>)
    %dma_start3A_231 = arith.constant 1 : i32
    %dma_start3A_232 = arith.constant 1 : i32
    %dma_start3A_233 = arith.constant 16 : i32
    %dma_start3A_234 = arith.constant 0 : i32
    %dma_start3A_235 = tpu.memref_slice %arg9[%dma_start3A_232, %dma_start3A_233, %dma_start3A_234] : memref<4x112x64xf32, #tpu.memory_space<vmem>> -> memref<1x16x64xf32, #tpu.memory_space<vmem>>
    %dma_start3A_236 = tpu.memref_squeeze %dma_start3A_235 : memref<1x16x64xf32, #tpu.memory_space<vmem>> -> memref<16x64xf32, #tpu.memory_space<vmem>>
    %dma_start3A_237 = arith.constant 16 : i32
    %dma_start3A_238 = tpu.memref_slice %arg7[%dma_start3A_231, %dma_start3A_237] : memref<28x112xi32, #tpu.memory_space<vmem>> -> memref<1x16xi32, #tpu.memory_space<vmem>>
    %dma_start3A_239 = tpu.memref_squeeze %dma_start3A_238 : memref<1x16xi32, #tpu.memory_space<vmem>> -> memref<16xi32, #tpu.memory_space<vmem>>
    %dma_start3A_240 = arith.constant 0 : i32
    %dma_start3A_241 = arith.constant 0 : i32
    %dma_start3A_242 = tpu.memref_slice %arg3[%dma_start3A_240, %dma_start3A_241] : memref<30370x64xf32, #tpu.memory_space<hbm>> -> memref<30370x64xf32, #tpu.memory_space<hbm>>
    tpu.enqueue_indirect_dma source(%dma_start3A_242 : memref<30370x64xf32, #tpu.memory_space<hbm>>) target(%dma_start3A_236 : memref<16x64xf32, #tpu.memory_space<vmem>>) offsets(%dma_start3A_239 : memref<16xi32, #tpu.memory_space<vmem>>) semaphore(%arg12 : memref<!tpu.dma_semaphore, #tpu.memory_space<semaphore_mem>>)
    %dma_start3A_243 = arith.constant 1 : i32
    %dma_start3A_244 = arith.constant 1 : i32
    %dma_start3A_245 = arith.constant 32 : i32
    %dma_start3A_246 = arith.constant 0 : i32
    %dma_start3A_247 = tpu.memref_slice %arg8[%dma_start3A_244, %dma_start3A_245, %dma_start3A_246] : memref<4x112x64xf32, #tpu.memory_space<vmem>> -> memref<1x16x64xf32, #tpu.memory_space<vmem>>
    %dma_start3A_248 = tpu.memref_squeeze %dma_start3A_247 : memref<1x16x64xf32, #tpu.memory_space<vmem>> -> memref<16x64xf32, #tpu.memory_space<vmem>>
    %dma_start3A_249 = arith.constant 32 : i32
    %dma_start3A_250 = tpu.memref_slice %arg6[%dma_start3A_243, %dma_start3A_249] : memref<28x112xi32, #tpu.memory_space<vmem>> -> memref<1x16xi32, #tpu.memory_space<vmem>>
    %dma_start3A_251 = tpu.memref_squeeze %dma_start3A_250 : memref<1x16xi32, #tpu.memory_space<vmem>> -> memref<16xi32, #tpu.memory_space<vmem>>
    %dma_start3A_252 = arith.constant 0 : i32
    %dma_start3A_253 = arith.constant 0 : i32
    %dma_start3A_254 = tpu.memref_slice %arg3[%dma_start3A_252, %dma_start3A_253] : memref<30370x64xf32, #tpu.memory_space<hbm>> -> memref<30370x64xf32, #tpu.memory_space<hbm>>
    tpu.enqueue_indirect_dma source(%dma_start3A_254 : memref<30370x64xf32, #tpu.memory_space<hbm>>) target(%dma_start3A_248 : memref<16x64xf32, #tpu.memory_space<vmem>>) offsets(%dma_start3A_251 : memref<16xi32, #tpu.memory_space<vmem>>) semaphore(%arg12 : memref<!tpu.dma_semaphore, #tpu.memory_space<semaphore_mem>>)
    %dma_start3A_255 = arith.constant 1 : i32
    %dma_start3A_256 = arith.constant 1 : i32
    %dma_start3A_257 = arith.constant 32 : i32
    %dma_start3A_258 = arith.constant 0 : i32
    %dma_start3A_259 = tpu.memref_slice %arg9[%dma_start3A_256, %dma_start3A_257, %dma_start3A_258] : memref<4x112x64xf32, #tpu.memory_space<vmem>> -> memref<1x16x64xf32, #tpu.memory_space<vmem>>
    %dma_start3A_260 = tpu.memref_squeeze %dma_start3A_259 : memref<1x16x64xf32, #tpu.memory_space<vmem>> -> memref<16x64xf32, #tpu.memory_space<vmem>>
    %dma_start3A_261 = arith.constant 32 : i32
    %dma_start3A_262 = tpu.memref_slice %arg7[%dma_start3A_255, %dma_start3A_261] : memref<28x112xi32, #tpu.memory_space<vmem>> -> memref<1x16xi32, #tpu.memory_space<vmem>>
    %dma_start3A_263 = tpu.memref_squeeze %dma_start3A_262 : memref<1x16xi32, #tpu.memory_space<vmem>> -> memref<16xi32, #tpu.memory_space<vmem>>
    %dma_start3A_264 = arith.constant 0 : i32
    %dma_start3A_265 = arith.constant 0 : i32
    %dma_start3A_266 = tpu.memref_slice %arg3[%dma_start3A_264, %dma_start3A_265] : memref<30370x64xf32, #tpu.memory_space<hbm>> -> memref<30370x64xf32, #tpu.memory_space<hbm>>
    tpu.enqueue_indirect_dma source(%dma_start3A_266 : memref<30370x64xf32, #tpu.memory_space<hbm>>) target(%dma_start3A_260 : memref<16x64xf32, #tpu.memory_space<vmem>>) offsets(%dma_start3A_263 : memref<16xi32, #tpu.memory_space<vmem>>) semaphore(%arg12 : memref<!tpu.dma_semaphore, #tpu.memory_space<semaphore_mem>>)
    %dma_start3A_267 = arith.constant 1 : i32
    %dma_start3A_268 = arith.constant 1 : i32
    %dma_start3A_269 = arith.constant 48 : i32
    %dma_start3A_270 = arith.constant 0 : i32
    %dma_start3A_271 = tpu.memref_slice %arg8[%dma_start3A_268, %dma_start3A_269, %dma_start3A_270] : memref<4x112x64xf32, #tpu.memory_space<vmem>> -> memref<1x16x64xf32, #tpu.memory_space<vmem>>
    %dma_start3A_272 = tpu.memref_squeeze %dma_start3A_271 : memref<1x16x64xf32, #tpu.memory_space<vmem>> -> memref<16x64xf32, #tpu.memory_space<vmem>>
    %dma_start3A_273 = arith.constant 48 : i32
    %dma_start3A_274 = tpu.memref_slice %arg6[%dma_start3A_267, %dma_start3A_273] : memref<28x112xi32, #tpu.memory_space<vmem>> -> memref<1x16xi32, #tpu.memory_space<vmem>>
    %dma_start3A_275 = tpu.memref_squeeze %dma_start3A_274 : memref<1x16xi32, #tpu.memory_space<vmem>> -> memref<16xi32, #tpu.memory_space<vmem>>
    %dma_start3A_276 = arith.constant 0 : i32
    %dma_start3A_277 = arith.constant 0 : i32
    %dma_start3A_278 = tpu.memref_slice %arg3[%dma_start3A_276, %dma_start3A_277] : memref<30370x64xf32, #tpu.memory_space<hbm>> -> memref<30370x64xf32, #tpu.memory_space<hbm>>
    tpu.enqueue_indirect_dma source(%dma_start3A_278 : memref<30370x64xf32, #tpu.memory_space<hbm>>) target(%dma_start3A_272 : memref<16x64xf32, #tpu.memory_space<vmem>>) offsets(%dma_start3A_275 : memref<16xi32, #tpu.memory_space<vmem>>) semaphore(%arg12 : memref<!tpu.dma_semaphore, #tpu.memory_space<semaphore_mem>>)
    %dma_start3A_279 = arith.constant 1 : i32
    %dma_start3A_280 = arith.constant 1 : i32
    %dma_start3A_281 = arith.constant 48 : i32
    %dma_start3A_282 = arith.constant 0 : i32
    %dma_start3A_283 = tpu.memref_slice %arg9[%dma_start3A_280, %dma_start3A_281, %dma_start3A_282] : memref<4x112x64xf32, #tpu.memory_space<vmem>> -> memref<1x16x64xf32, #tpu.memory_space<vmem>>
    %dma_start3A_284 = tpu.memref_squeeze %dma_start3A_283 : memref<1x16x64xf32, #tpu.memory_space<vmem>> -> memref<16x64xf32, #tpu.memory_space<vmem>>
    %dma_start3A_285 = arith.constant 48 : i32
    %dma_start3A_286 = tpu.memref_slice %arg7[%dma_start3A_279, %dma_start3A_285] : memref<28x112xi32, #tpu.memory_space<vmem>> -> memref<1x16xi32, #tpu.memory_space<vmem>>
    %dma_start3A_287 = tpu.memref_squeeze %dma_start3A_286 : memref<1x16xi32, #tpu.memory_space<vmem>> -> memref<16xi32, #tpu.memory_space<vmem>>
    %dma_start3A_288 = arith.constant 0 : i32
    %dma_start3A_289 = arith.constant 0 : i32
    %dma_start3A_290 = tpu.memref_slice %arg3[%dma_start3A_288, %dma_start3A_289] : memref<30370x64xf32, #tpu.memory_space<hbm>> -> memref<30370x64xf32, #tpu.memory_space<hbm>>
    tpu.enqueue_indirect_dma source(%dma_start3A_290 : memref<30370x64xf32, #tpu.memory_space<hbm>>) target(%dma_start3A_284 : memref<16x64xf32, #tpu.memory_space<vmem>>) offsets(%dma_start3A_287 : memref<16xi32, #tpu.memory_space<vmem>>) semaphore(%arg12 : memref<!tpu.dma_semaphore, #tpu.memory_space<semaphore_mem>>)
    %dma_start3A_291 = arith.constant 1 : i32
    %dma_start3A_292 = arith.constant 1 : i32
    %dma_start3A_293 = arith.constant 64 : i32
    %dma_start3A_294 = arith.constant 0 : i32
    %dma_start3A_295 = tpu.memref_slice %arg8[%dma_start3A_292, %dma_start3A_293, %dma_start3A_294] : memref<4x112x64xf32, #tpu.memory_space<vmem>> -> memref<1x16x64xf32, #tpu.memory_space<vmem>>
    %dma_start3A_296 = tpu.memref_squeeze %dma_start3A_295 : memref<1x16x64xf32, #tpu.memory_space<vmem>> -> memref<16x64xf32, #tpu.memory_space<vmem>>
    %dma_start3A_297 = arith.constant 64 : i32
    %dma_start3A_298 = tpu.memref_slice %arg6[%dma_start3A_291, %dma_start3A_297] : memref<28x112xi32, #tpu.memory_space<vmem>> -> memref<1x16xi32, #tpu.memory_space<vmem>>
    %dma_start3A_299 = tpu.memref_squeeze %dma_start3A_298 : memref<1x16xi32, #tpu.memory_space<vmem>> -> memref<16xi32, #tpu.memory_space<vmem>>
    %dma_start3A_300 = arith.constant 0 : i32
    %dma_start3A_301 = arith.constant 0 : i32
    %dma_start3A_302 = tpu.memref_slice %arg3[%dma_start3A_300, %dma_start3A_301] : memref<30370x64xf32, #tpu.memory_space<hbm>> -> memref<30370x64xf32, #tpu.memory_space<hbm>>
    tpu.enqueue_indirect_dma source(%dma_start3A_302 : memref<30370x64xf32, #tpu.memory_space<hbm>>) target(%dma_start3A_296 : memref<16x64xf32, #tpu.memory_space<vmem>>) offsets(%dma_start3A_299 : memref<16xi32, #tpu.memory_space<vmem>>) semaphore(%arg12 : memref<!tpu.dma_semaphore, #tpu.memory_space<semaphore_mem>>)
    %dma_start3A_303 = arith.constant 1 : i32
    %dma_start3A_304 = arith.constant 1 : i32
    %dma_start3A_305 = arith.constant 64 : i32
    %dma_start3A_306 = arith.constant 0 : i32
    %dma_start3A_307 = tpu.memref_slice %arg9[%dma_start3A_304, %dma_start3A_305, %dma_start3A_306] : memref<4x112x64xf32, #tpu.memory_space<vmem>> -> memref<1x16x64xf32, #tpu.memory_space<vmem>>
    %dma_start3A_308 = tpu.memref_squeeze %dma_start3A_307 : memref<1x16x64xf32, #tpu.memory_space<vmem>> -> memref<16x64xf32, #tpu.memory_space<vmem>>
    %dma_start3A_309 = arith.constant 64 : i32
    %dma_start3A_310 = tpu.memref_slice %arg7[%dma_start3A_303, %dma_start3A_309] : memref<28x112xi32, #tpu.memory_space<vmem>> -> memref<1x16xi32, #tpu.memory_space<vmem>>
    %dma_start3A_311 = tpu.memref_squeeze %dma_start3A_310 : memref<1x16xi32, #tpu.memory_space<vmem>> -> memref<16xi32, #tpu.memory_space<vmem>>
    %dma_start3A_312 = arith.constant 0 : i32
    %dma_start3A_313 = arith.constant 0 : i32
    %dma_start3A_314 = tpu.memref_slice %arg3[%dma_start3A_312, %dma_start3A_313] : memref<30370x64xf32, #tpu.memory_space<hbm>> -> memref<30370x64xf32, #tpu.memory_space<hbm>>
    tpu.enqueue_indirect_dma source(%dma_start3A_314 : memref<30370x64xf32, #tpu.memory_space<hbm>>) target(%dma_start3A_308 : memref<16x64xf32, #tpu.memory_space<vmem>>) offsets(%dma_start3A_311 : memref<16xi32, #tpu.memory_space<vmem>>) semaphore(%arg12 : memref<!tpu.dma_semaphore, #tpu.memory_space<semaphore_mem>>)
    %dma_start3A_315 = arith.constant 1 : i32
    %dma_start3A_316 = arith.constant 1 : i32
    %dma_start3A_317 = arith.constant 80 : i32
    %dma_start3A_318 = arith.constant 0 : i32
    %dma_start3A_319 = tpu.memref_slice %arg8[%dma_start3A_316, %dma_start3A_317, %dma_start3A_318] : memref<4x112x64xf32, #tpu.memory_space<vmem>> -> memref<1x16x64xf32, #tpu.memory_space<vmem>>
    %dma_start3A_320 = tpu.memref_squeeze %dma_start3A_319 : memref<1x16x64xf32, #tpu.memory_space<vmem>> -> memref<16x64xf32, #tpu.memory_space<vmem>>
    %dma_start3A_321 = arith.constant 80 : i32
    %dma_start3A_322 = tpu.memref_slice %arg6[%dma_start3A_315, %dma_start3A_321] : memref<28x112xi32, #tpu.memory_space<vmem>> -> memref<1x16xi32, #tpu.memory_space<vmem>>
    %dma_start3A_323 = tpu.memref_squeeze %dma_start3A_322 : memref<1x16xi32, #tpu.memory_space<vmem>> -> memref<16xi32, #tpu.memory_space<vmem>>
    %dma_start3A_324 = arith.constant 0 : i32
    %dma_start3A_325 = arith.constant 0 : i32
    %dma_start3A_326 = tpu.memref_slice %arg3[%dma_start3A_324, %dma_start3A_325] : memref<30370x64xf32, #tpu.memory_space<hbm>> -> memref<30370x64xf32, #tpu.memory_space<hbm>>
    tpu.enqueue_indirect_dma source(%dma_start3A_326 : memref<30370x64xf32, #tpu.memory_space<hbm>>) target(%dma_start3A_320 : memref<16x64xf32, #tpu.memory_space<vmem>>) offsets(%dma_start3A_323 : memref<16xi32, #tpu.memory_space<vmem>>) semaphore(%arg12 : memref<!tpu.dma_semaphore, #tpu.memory_space<semaphore_mem>>)
    %dma_start3A_327 = arith.constant 1 : i32
    %dma_start3A_328 = arith.constant 1 : i32
    %dma_start3A_329 = arith.constant 80 : i32
    %dma_start3A_330 = arith.constant 0 : i32
    %dma_start3A_331 = tpu.memref_slice %arg9[%dma_start3A_328, %dma_start3A_329, %dma_start3A_330] : memref<4x112x64xf32, #tpu.memory_space<vmem>> -> memref<1x16x64xf32, #tpu.memory_space<vmem>>
    %dma_start3A_332 = tpu.memref_squeeze %dma_start3A_331 : memref<1x16x64xf32, #tpu.memory_space<vmem>> -> memref<16x64xf32, #tpu.memory_space<vmem>>
    %dma_start3A_333 = arith.constant 80 : i32
    %dma_start3A_334 = tpu.memref_slice %arg7[%dma_start3A_327, %dma_start3A_333] : memref<28x112xi32, #tpu.memory_space<vmem>> -> memref<1x16xi32, #tpu.memory_space<vmem>>
    %dma_start3A_335 = tpu.memref_squeeze %dma_start3A_334 : memref<1x16xi32, #tpu.memory_space<vmem>> -> memref<16xi32, #tpu.memory_space<vmem>>
    %dma_start3A_336 = arith.constant 0 : i32
    %dma_start3A_337 = arith.constant 0 : i32
    %dma_start3A_338 = tpu.memref_slice %arg3[%dma_start3A_336, %dma_start3A_337] : memref<30370x64xf32, #tpu.memory_space<hbm>> -> memref<30370x64xf32, #tpu.memory_space<hbm>>
    tpu.enqueue_indirect_dma source(%dma_start3A_338 : memref<30370x64xf32, #tpu.memory_space<hbm>>) target(%dma_start3A_332 : memref<16x64xf32, #tpu.memory_space<vmem>>) offsets(%dma_start3A_335 : memref<16xi32, #tpu.memory_space<vmem>>) semaphore(%arg12 : memref<!tpu.dma_semaphore, #tpu.memory_space<semaphore_mem>>)
    %dma_start3A_339 = arith.constant 1 : i32
    %dma_start3A_340 = arith.constant 1 : i32
    %dma_start3A_341 = arith.constant 96 : i32
    %dma_start3A_342 = arith.constant 0 : i32
    %dma_start3A_343 = tpu.memref_slice %arg8[%dma_start3A_340, %dma_start3A_341, %dma_start3A_342] : memref<4x112x64xf32, #tpu.memory_space<vmem>> -> memref<1x16x64xf32, #tpu.memory_space<vmem>>
    %dma_start3A_344 = tpu.memref_squeeze %dma_start3A_343 : memref<1x16x64xf32, #tpu.memory_space<vmem>> -> memref<16x64xf32, #tpu.memory_space<vmem>>
    %dma_start3A_345 = arith.constant 96 : i32
    %dma_start3A_346 = tpu.memref_slice %arg6[%dma_start3A_339, %dma_start3A_345] : memref<28x112xi32, #tpu.memory_space<vmem>> -> memref<1x16xi32, #tpu.memory_space<vmem>>
    %dma_start3A_347 = tpu.memref_squeeze %dma_start3A_346 : memref<1x16xi32, #tpu.memory_space<vmem>> -> memref<16xi32, #tpu.memory_space<vmem>>
    %dma_start3A_348 = arith.constant 0 : i32
    %dma_start3A_349 = arith.constant 0 : i32
    %dma_start3A_350 = tpu.memref_slice %arg3[%dma_start3A_348, %dma_start3A_349] : memref<30370x64xf32, #tpu.memory_space<hbm>> -> memref<30370x64xf32, #tpu.memory_space<hbm>>
    tpu.enqueue_indirect_dma source(%dma_start3A_350 : memref<30370x64xf32, #tpu.memory_space<hbm>>) target(%dma_start3A_344 : memref<16x64xf32, #tpu.memory_space<vmem>>) offsets(%dma_start3A_347 : memref<16xi32, #tpu.memory_space<vmem>>) semaphore(%arg12 : memref<!tpu.dma_semaphore, #tpu.memory_space<semaphore_mem>>)
    %dma_start3A_351 = arith.constant 1 : i32
    %dma_start3A_352 = arith.constant 1 : i32
    %dma_start3A_353 = arith.constant 96 : i32
    %dma_start3A_354 = arith.constant 0 : i32
    %dma_start3A_355 = tpu.memref_slice %arg9[%dma_start3A_352, %dma_start3A_353, %dma_start3A_354] : memref<4x112x64xf32, #tpu.memory_space<vmem>> -> memref<1x16x64xf32, #tpu.memory_space<vmem>>
    %dma_start3A_356 = tpu.memref_squeeze %dma_start3A_355 : memref<1x16x64xf32, #tpu.memory_space<vmem>> -> memref<16x64xf32, #tpu.memory_space<vmem>>
    %dma_start3A_357 = arith.constant 96 : i32
    %dma_start3A_358 = tpu.memref_slice %arg7[%dma_start3A_351, %dma_start3A_357] : memref<28x112xi32, #tpu.memory_space<vmem>> -> memref<1x16xi32, #tpu.memory_space<vmem>>
    %dma_start3A_359 = tpu.memref_squeeze %dma_start3A_358 : memref<1x16xi32, #tpu.memory_space<vmem>> -> memref<16xi32, #tpu.memory_space<vmem>>
    %dma_start3A_360 = arith.constant 0 : i32
    %dma_start3A_361 = arith.constant 0 : i32
    %dma_start3A_362 = tpu.memref_slice %arg3[%dma_start3A_360, %dma_start3A_361] : memref<30370x64xf32, #tpu.memory_space<hbm>> -> memref<30370x64xf32, #tpu.memory_space<hbm>>
    tpu.enqueue_indirect_dma source(%dma_start3A_362 : memref<30370x64xf32, #tpu.memory_space<hbm>>) target(%dma_start3A_356 : memref<16x64xf32, #tpu.memory_space<vmem>>) offsets(%dma_start3A_359 : memref<16xi32, #tpu.memory_space<vmem>>) semaphore(%arg12 : memref<!tpu.dma_semaphore, #tpu.memory_space<semaphore_mem>>)
    %dma_start3A_363 = arith.constant 2 : i32
    %dma_start3A_364 = arith.constant 2 : i32
    %dma_start3A_365 = arith.constant 0 : i32
    %dma_start3A_366 = arith.constant 0 : i32
    %dma_start3A_367 = tpu.memref_slice %arg8[%dma_start3A_364, %dma_start3A_365, %dma_start3A_366] : memref<4x112x64xf32, #tpu.memory_space<vmem>> -> memref<1x16x64xf32, #tpu.memory_space<vmem>>
    %dma_start3A_368 = tpu.memref_squeeze %dma_start3A_367 : memref<1x16x64xf32, #tpu.memory_space<vmem>> -> memref<16x64xf32, #tpu.memory_space<vmem>>
    %dma_start3A_369 = arith.constant 0 : i32
    %dma_start3A_370 = tpu.memref_slice %arg6[%dma_start3A_363, %dma_start3A_369] : memref<28x112xi32, #tpu.memory_space<vmem>> -> memref<1x16xi32, #tpu.memory_space<vmem>>
    %dma_start3A_371 = tpu.memref_squeeze %dma_start3A_370 : memref<1x16xi32, #tpu.memory_space<vmem>> -> memref<16xi32, #tpu.memory_space<vmem>>
    %dma_start3A_372 = arith.constant 0 : i32
    %dma_start3A_373 = arith.constant 0 : i32
    %dma_start3A_374 = tpu.memref_slice %arg3[%dma_start3A_372, %dma_start3A_373] : memref<30370x64xf32, #tpu.memory_space<hbm>> -> memref<30370x64xf32, #tpu.memory_space<hbm>>
    tpu.enqueue_indirect_dma source(%dma_start3A_374 : memref<30370x64xf32, #tpu.memory_space<hbm>>) target(%dma_start3A_368 : memref<16x64xf32, #tpu.memory_space<vmem>>) offsets(%dma_start3A_371 : memref<16xi32, #tpu.memory_space<vmem>>) semaphore(%arg13 : memref<!tpu.dma_semaphore, #tpu.memory_space<semaphore_mem>>)
    %dma_start3A_375 = arith.constant 2 : i32
    %dma_start3A_376 = arith.constant 2 : i32
    %dma_start3A_377 = arith.constant 0 : i32
    %dma_start3A_378 = arith.constant 0 : i32
    %dma_start3A_379 = tpu.memref_slice %arg9[%dma_start3A_376, %dma_start3A_377, %dma_start3A_378] : memref<4x112x64xf32, #tpu.memory_space<vmem>> -> memref<1x16x64xf32, #tpu.memory_space<vmem>>
    %dma_start3A_380 = tpu.memref_squeeze %dma_start3A_379 : memref<1x16x64xf32, #tpu.memory_space<vmem>> -> memref<16x64xf32, #tpu.memory_space<vmem>>
    %dma_start3A_381 = arith.constant 0 : i32
    %dma_start3A_382 = tpu.memref_slice %arg7[%dma_start3A_375, %dma_start3A_381] : memref<28x112xi32, #tpu.memory_space<vmem>> -> memref<1x16xi32, #tpu.memory_space<vmem>>
    %dma_start3A_383 = tpu.memref_squeeze %dma_start3A_382 : memref<1x16xi32, #tpu.memory_space<vmem>> -> memref<16xi32, #tpu.memory_space<vmem>>
    %dma_start3A_384 = arith.constant 0 : i32
    %dma_start3A_385 = arith.constant 0 : i32
    %dma_start3A_386 = tpu.memref_slice %arg3[%dma_start3A_384, %dma_start3A_385] : memref<30370x64xf32, #tpu.memory_space<hbm>> -> memref<30370x64xf32, #tpu.memory_space<hbm>>
    tpu.enqueue_indirect_dma source(%dma_start3A_386 : memref<30370x64xf32, #tpu.memory_space<hbm>>) target(%dma_start3A_380 : memref<16x64xf32, #tpu.memory_space<vmem>>) offsets(%dma_start3A_383 : memref<16xi32, #tpu.memory_space<vmem>>) semaphore(%arg13 : memref<!tpu.dma_semaphore, #tpu.memory_space<semaphore_mem>>)
    %dma_start3A_387 = arith.constant 2 : i32
    %dma_start3A_388 = arith.constant 2 : i32
    %dma_start3A_389 = arith.constant 16 : i32
    %dma_start3A_390 = arith.constant 0 : i32
    %dma_start3A_391 = tpu.memref_slice %arg8[%dma_start3A_388, %dma_start3A_389, %dma_start3A_390] : memref<4x112x64xf32, #tpu.memory_space<vmem>> -> memref<1x16x64xf32, #tpu.memory_space<vmem>>
    %dma_start3A_392 = tpu.memref_squeeze %dma_start3A_391 : memref<1x16x64xf32, #tpu.memory_space<vmem>> -> memref<16x64xf32, #tpu.memory_space<vmem>>
    %dma_start3A_393 = arith.constant 16 : i32
    %dma_start3A_394 = tpu.memref_slice %arg6[%dma_start3A_387, %dma_start3A_393] : memref<28x112xi32, #tpu.memory_space<vmem>> -> memref<1x16xi32, #tpu.memory_space<vmem>>
    %dma_start3A_395 = tpu.memref_squeeze %dma_start3A_394 : memref<1x16xi32, #tpu.memory_space<vmem>> -> memref<16xi32, #tpu.memory_space<vmem>>
    %dma_start3A_396 = arith.constant 0 : i32
    %dma_start3A_397 = arith.constant 0 : i32
    %dma_start3A_398 = tpu.memref_slice %arg3[%dma_start3A_396, %dma_start3A_397] : memref<30370x64xf32, #tpu.memory_space<hbm>> -> memref<30370x64xf32, #tpu.memory_space<hbm>>
    tpu.enqueue_indirect_dma source(%dma_start3A_398 : memref<30370x64xf32, #tpu.memory_space<hbm>>) target(%dma_start3A_392 : memref<16x64xf32, #tpu.memory_space<vmem>>) offsets(%dma_start3A_395 : memref<16xi32, #tpu.memory_space<vmem>>) semaphore(%arg13 : memref<!tpu.dma_semaphore, #tpu.memory_space<semaphore_mem>>)
    %dma_start3A_399 = arith.constant 2 : i32
    %dma_start3A_400 = arith.constant 2 : i32
    %dma_start3A_401 = arith.constant 16 : i32
    %dma_start3A_402 = arith.constant 0 : i32
    %dma_start3A_403 = tpu.memref_slice %arg9[%dma_start3A_400, %dma_start3A_401, %dma_start3A_402] : memref<4x112x64xf32, #tpu.memory_space<vmem>> -> memref<1x16x64xf32, #tpu.memory_space<vmem>>
    %dma_start3A_404 = tpu.memref_squeeze %dma_start3A_403 : memref<1x16x64xf32, #tpu.memory_space<vmem>> -> memref<16x64xf32, #tpu.memory_space<vmem>>
    %dma_start3A_405 = arith.constant 16 : i32
    %dma_start3A_406 = tpu.memref_slice %arg7[%dma_start3A_399, %dma_start3A_405] : memref<28x112xi32, #tpu.memory_space<vmem>> -> memref<1x16xi32, #tpu.memory_space<vmem>>
    %dma_start3A_407 = tpu.memref_squeeze %dma_start3A_406 : memref<1x16xi32, #tpu.memory_space<vmem>> -> memref<16xi32, #tpu.memory_space<vmem>>
    %dma_start3A_408 = arith.constant 0 : i32
    %dma_start3A_409 = arith.constant 0 : i32
    %dma_start3A_410 = tpu.memref_slice %arg3[%dma_start3A_408, %dma_start3A_409] : memref<30370x64xf32, #tpu.memory_space<hbm>> -> memref<30370x64xf32, #tpu.memory_space<hbm>>
    tpu.enqueue_indirect_dma source(%dma_start3A_410 : memref<30370x64xf32, #tpu.memory_space<hbm>>) target(%dma_start3A_404 : memref<16x64xf32, #tpu.memory_space<vmem>>) offsets(%dma_start3A_407 : memref<16xi32, #tpu.memory_space<vmem>>) semaphore(%arg13 : memref<!tpu.dma_semaphore, #tpu.memory_space<semaphore_mem>>)
    %dma_start3A_411 = arith.constant 2 : i32
    %dma_start3A_412 = arith.constant 2 : i32
    %dma_start3A_413 = arith.constant 32 : i32
    %dma_start3A_414 = arith.constant 0 : i32
    %dma_start3A_415 = tpu.memref_slice %arg8[%dma_start3A_412, %dma_start3A_413, %dma_start3A_414] : memref<4x112x64xf32, #tpu.memory_space<vmem>> -> memref<1x16x64xf32, #tpu.memory_space<vmem>>
    %dma_start3A_416 = tpu.memref_squeeze %dma_start3A_415 : memref<1x16x64xf32, #tpu.memory_space<vmem>> -> memref<16x64xf32, #tpu.memory_space<vmem>>
    %dma_start3A_417 = arith.constant 32 : i32
    %dma_start3A_418 = tpu.memref_slice %arg6[%dma_start3A_411, %dma_start3A_417] : memref<28x112xi32, #tpu.memory_space<vmem>> -> memref<1x16xi32, #tpu.memory_space<vmem>>
    %dma_start3A_419 = tpu.memref_squeeze %dma_start3A_418 : memref<1x16xi32, #tpu.memory_space<vmem>> -> memref<16xi32, #tpu.memory_space<vmem>>
    %dma_start3A_420 = arith.constant 0 : i32
    %dma_start3A_421 = arith.constant 0 : i32
    %dma_start3A_422 = tpu.memref_slice %arg3[%dma_start3A_420, %dma_start3A_421] : memref<30370x64xf32, #tpu.memory_space<hbm>> -> memref<30370x64xf32, #tpu.memory_space<hbm>>
    tpu.enqueue_indirect_dma source(%dma_start3A_422 : memref<30370x64xf32, #tpu.memory_space<hbm>>) target(%dma_start3A_416 : memref<16x64xf32, #tpu.memory_space<vmem>>) offsets(%dma_start3A_419 : memref<16xi32, #tpu.memory_space<vmem>>) semaphore(%arg13 : memref<!tpu.dma_semaphore, #tpu.memory_space<semaphore_mem>>)
    %dma_start3A_423 = arith.constant 2 : i32
    %dma_start3A_424 = arith.constant 2 : i32
    %dma_start3A_425 = arith.constant 32 : i32
    %dma_start3A_426 = arith.constant 0 : i32
    %dma_start3A_427 = tpu.memref_slice %arg9[%dma_start3A_424, %dma_start3A_425, %dma_start3A_426] : memref<4x112x64xf32, #tpu.memory_space<vmem>> -> memref<1x16x64xf32, #tpu.memory_space<vmem>>
    %dma_start3A_428 = tpu.memref_squeeze %dma_start3A_427 : memref<1x16x64xf32, #tpu.memory_space<vmem>> -> memref<16x64xf32, #tpu.memory_space<vmem>>
    %dma_start3A_429 = arith.constant 32 : i32
    %dma_start3A_430 = tpu.memref_slice %arg7[%dma_start3A_423, %dma_start3A_429] : memref<28x112xi32, #tpu.memory_space<vmem>> -> memref<1x16xi32, #tpu.memory_space<vmem>>
    %dma_start3A_431 = tpu.memref_squeeze %dma_start3A_430 : memref<1x16xi32, #tpu.memory_space<vmem>> -> memref<16xi32, #tpu.memory_space<vmem>>
    %dma_start3A_432 = arith.constant 0 : i32
    %dma_start3A_433 = arith.constant 0 : i32
    %dma_start3A_434 = tpu.memref_slice %arg3[%dma_start3A_432, %dma_start3A_433] : memref<30370x64xf32, #tpu.memory_space<hbm>> -> memref<30370x64xf32, #tpu.memory_space<hbm>>
    tpu.enqueue_indirect_dma source(%dma_start3A_434 : memref<30370x64xf32, #tpu.memory_space<hbm>>) target(%dma_start3A_428 : memref<16x64xf32, #tpu.memory_space<vmem>>) offsets(%dma_start3A_431 : memref<16xi32, #tpu.memory_space<vmem>>) semaphore(%arg13 : memref<!tpu.dma_semaphore, #tpu.memory_space<semaphore_mem>>)
    %dma_start3A_435 = arith.constant 2 : i32
    %dma_start3A_436 = arith.constant 2 : i32
    %dma_start3A_437 = arith.constant 48 : i32
    %dma_start3A_438 = arith.constant 0 : i32
    %dma_start3A_439 = tpu.memref_slice %arg8[%dma_start3A_436, %dma_start3A_437, %dma_start3A_438] : memref<4x112x64xf32, #tpu.memory_space<vmem>> -> memref<1x16x64xf32, #tpu.memory_space<vmem>>
    %dma_start3A_440 = tpu.memref_squeeze %dma_start3A_439 : memref<1x16x64xf32, #tpu.memory_space<vmem>> -> memref<16x64xf32, #tpu.memory_space<vmem>>
    %dma_start3A_441 = arith.constant 48 : i32
    %dma_start3A_442 = tpu.memref_slice %arg6[%dma_start3A_435, %dma_start3A_441] : memref<28x112xi32, #tpu.memory_space<vmem>> -> memref<1x16xi32, #tpu.memory_space<vmem>>
    %dma_start3A_443 = tpu.memref_squeeze %dma_start3A_442 : memref<1x16xi32, #tpu.memory_space<vmem>> -> memref<16xi32, #tpu.memory_space<vmem>>
    %dma_start3A_444 = arith.constant 0 : i32
    %dma_start3A_445 = arith.constant 0 : i32
    %dma_start3A_446 = tpu.memref_slice %arg3[%dma_start3A_444, %dma_start3A_445] : memref<30370x64xf32, #tpu.memory_space<hbm>> -> memref<30370x64xf32, #tpu.memory_space<hbm>>
    tpu.enqueue_indirect_dma source(%dma_start3A_446 : memref<30370x64xf32, #tpu.memory_space<hbm>>) target(%dma_start3A_440 : memref<16x64xf32, #tpu.memory_space<vmem>>) offsets(%dma_start3A_443 : memref<16xi32, #tpu.memory_space<vmem>>) semaphore(%arg13 : memref<!tpu.dma_semaphore, #tpu.memory_space<semaphore_mem>>)
    %dma_start3A_447 = arith.constant 2 : i32
    %dma_start3A_448 = arith.constant 2 : i32
    %dma_start3A_449 = arith.constant 48 : i32
    %dma_start3A_450 = arith.constant 0 : i32
    %dma_start3A_451 = tpu.memref_slice %arg9[%dma_start3A_448, %dma_start3A_449, %dma_start3A_450] : memref<4x112x64xf32, #tpu.memory_space<vmem>> -> memref<1x16x64xf32, #tpu.memory_space<vmem>>
    %dma_start3A_452 = tpu.memref_squeeze %dma_start3A_451 : memref<1x16x64xf32, #tpu.memory_space<vmem>> -> memref<16x64xf32, #tpu.memory_space<vmem>>
    %dma_start3A_453 = arith.constant 48 : i32
    %dma_start3A_454 = tpu.memref_slice %arg7[%dma_start3A_447, %dma_start3A_453] : memref<28x112xi32, #tpu.memory_space<vmem>> -> memref<1x16xi32, #tpu.memory_space<vmem>>
    %dma_start3A_455 = tpu.memref_squeeze %dma_start3A_454 : memref<1x16xi32, #tpu.memory_space<vmem>> -> memref<16xi32, #tpu.memory_space<vmem>>
    %dma_start3A_456 = arith.constant 0 : i32
    %dma_start3A_457 = arith.constant 0 : i32
    %dma_start3A_458 = tpu.memref_slice %arg3[%dma_start3A_456, %dma_start3A_457] : memref<30370x64xf32, #tpu.memory_space<hbm>> -> memref<30370x64xf32, #tpu.memory_space<hbm>>
    tpu.enqueue_indirect_dma source(%dma_start3A_458 : memref<30370x64xf32, #tpu.memory_space<hbm>>) target(%dma_start3A_452 : memref<16x64xf32, #tpu.memory_space<vmem>>) offsets(%dma_start3A_455 : memref<16xi32, #tpu.memory_space<vmem>>) semaphore(%arg13 : memref<!tpu.dma_semaphore, #tpu.memory_space<semaphore_mem>>)
    %dma_start3A_459 = arith.constant 2 : i32
    %dma_start3A_460 = arith.constant 2 : i32
    %dma_start3A_461 = arith.constant 64 : i32
    %dma_start3A_462 = arith.constant 0 : i32
    %dma_start3A_463 = tpu.memref_slice %arg8[%dma_start3A_460, %dma_start3A_461, %dma_start3A_462] : memref<4x112x64xf32, #tpu.memory_space<vmem>> -> memref<1x16x64xf32, #tpu.memory_space<vmem>>
    %dma_start3A_464 = tpu.memref_squeeze %dma_start3A_463 : memref<1x16x64xf32, #tpu.memory_space<vmem>> -> memref<16x64xf32, #tpu.memory_space<vmem>>
    %dma_start3A_465 = arith.constant 64 : i32
    %dma_start3A_466 = tpu.memref_slice %arg6[%dma_start3A_459, %dma_start3A_465] : memref<28x112xi32, #tpu.memory_space<vmem>> -> memref<1x16xi32, #tpu.memory_space<vmem>>
    %dma_start3A_467 = tpu.memref_squeeze %dma_start3A_466 : memref<1x16xi32, #tpu.memory_space<vmem>> -> memref<16xi32, #tpu.memory_space<vmem>>
    %dma_start3A_468 = arith.constant 0 : i32
    %dma_start3A_469 = arith.constant 0 : i32
    %dma_start3A_470 = tpu.memref_slice %arg3[%dma_start3A_468, %dma_start3A_469] : memref<30370x64xf32, #tpu.memory_space<hbm>> -> memref<30370x64xf32, #tpu.memory_space<hbm>>
    tpu.enqueue_indirect_dma source(%dma_start3A_470 : memref<30370x64xf32, #tpu.memory_space<hbm>>) target(%dma_start3A_464 : memref<16x64xf32, #tpu.memory_space<vmem>>) offsets(%dma_start3A_467 : memref<16xi32, #tpu.memory_space<vmem>>) semaphore(%arg13 : memref<!tpu.dma_semaphore, #tpu.memory_space<semaphore_mem>>)
    %dma_start3A_471 = arith.constant 2 : i32
    %dma_start3A_472 = arith.constant 2 : i32
    %dma_start3A_473 = arith.constant 64 : i32
    %dma_start3A_474 = arith.constant 0 : i32
    %dma_start3A_475 = tpu.memref_slice %arg9[%dma_start3A_472, %dma_start3A_473, %dma_start3A_474] : memref<4x112x64xf32, #tpu.memory_space<vmem>> -> memref<1x16x64xf32, #tpu.memory_space<vmem>>
    %dma_start3A_476 = tpu.memref_squeeze %dma_start3A_475 : memref<1x16x64xf32, #tpu.memory_space<vmem>> -> memref<16x64xf32, #tpu.memory_space<vmem>>
    %dma_start3A_477 = arith.constant 64 : i32
    %dma_start3A_478 = tpu.memref_slice %arg7[%dma_start3A_471, %dma_start3A_477] : memref<28x112xi32, #tpu.memory_space<vmem>> -> memref<1x16xi32, #tpu.memory_space<vmem>>
    %dma_start3A_479 = tpu.memref_squeeze %dma_start3A_478 : memref<1x16xi32, #tpu.memory_space<vmem>> -> memref<16xi32, #tpu.memory_space<vmem>>
    %dma_start3A_480 = arith.constant 0 : i32
    %dma_start3A_481 = arith.constant 0 : i32
    %dma_start3A_482 = tpu.memref_slice %arg3[%dma_start3A_480, %dma_start3A_481] : memref<30370x64xf32, #tpu.memory_space<hbm>> -> memref<30370x64xf32, #tpu.memory_space<hbm>>
    tpu.enqueue_indirect_dma source(%dma_start3A_482 : memref<30370x64xf32, #tpu.memory_space<hbm>>) target(%dma_start3A_476 : memref<16x64xf32, #tpu.memory_space<vmem>>) offsets(%dma_start3A_479 : memref<16xi32, #tpu.memory_space<vmem>>) semaphore(%arg13 : memref<!tpu.dma_semaphore, #tpu.memory_space<semaphore_mem>>)
    %dma_start3A_483 = arith.constant 2 : i32
    %dma_start3A_484 = arith.constant 2 : i32
    %dma_start3A_485 = arith.constant 80 : i32
    %dma_start3A_486 = arith.constant 0 : i32
    %dma_start3A_487 = tpu.memref_slice %arg8[%dma_start3A_484, %dma_start3A_485, %dma_start3A_486] : memref<4x112x64xf32, #tpu.memory_space<vmem>> -> memref<1x16x64xf32, #tpu.memory_space<vmem>>
    %dma_start3A_488 = tpu.memref_squeeze %dma_start3A_487 : memref<1x16x64xf32, #tpu.memory_space<vmem>> -> memref<16x64xf32, #tpu.memory_space<vmem>>
    %dma_start3A_489 = arith.constant 80 : i32
    %dma_start3A_490 = tpu.memref_slice %arg6[%dma_start3A_483, %dma_start3A_489] : memref<28x112xi32, #tpu.memory_space<vmem>> -> memref<1x16xi32, #tpu.memory_space<vmem>>
    %dma_start3A_491 = tpu.memref_squeeze %dma_start3A_490 : memref<1x16xi32, #tpu.memory_space<vmem>> -> memref<16xi32, #tpu.memory_space<vmem>>
    %dma_start3A_492 = arith.constant 0 : i32
    %dma_start3A_493 = arith.constant 0 : i32
    %dma_start3A_494 = tpu.memref_slice %arg3[%dma_start3A_492, %dma_start3A_493] : memref<30370x64xf32, #tpu.memory_space<hbm>> -> memref<30370x64xf32, #tpu.memory_space<hbm>>
    tpu.enqueue_indirect_dma source(%dma_start3A_494 : memref<30370x64xf32, #tpu.memory_space<hbm>>) target(%dma_start3A_488 : memref<16x64xf32, #tpu.memory_space<vmem>>) offsets(%dma_start3A_491 : memref<16xi32, #tpu.memory_space<vmem>>) semaphore(%arg13 : memref<!tpu.dma_semaphore, #tpu.memory_space<semaphore_mem>>)
    %dma_start3A_495 = arith.constant 2 : i32
    %dma_start3A_496 = arith.constant 2 : i32
    %dma_start3A_497 = arith.constant 80 : i32
    %dma_start3A_498 = arith.constant 0 : i32
    %dma_start3A_499 = tpu.memref_slice %arg9[%dma_start3A_496, %dma_start3A_497, %dma_start3A_498] : memref<4x112x64xf32, #tpu.memory_space<vmem>> -> memref<1x16x64xf32, #tpu.memory_space<vmem>>
    %dma_start3A_500 = tpu.memref_squeeze %dma_start3A_499 : memref<1x16x64xf32, #tpu.memory_space<vmem>> -> memref<16x64xf32, #tpu.memory_space<vmem>>
    %dma_start3A_501 = arith.constant 80 : i32
    %dma_start3A_502 = tpu.memref_slice %arg7[%dma_start3A_495, %dma_start3A_501] : memref<28x112xi32, #tpu.memory_space<vmem>> -> memref<1x16xi32, #tpu.memory_space<vmem>>
    %dma_start3A_503 = tpu.memref_squeeze %dma_start3A_502 : memref<1x16xi32, #tpu.memory_space<vmem>> -> memref<16xi32, #tpu.memory_space<vmem>>
    %dma_start3A_504 = arith.constant 0 : i32
    %dma_start3A_505 = arith.constant 0 : i32
    %dma_start3A_506 = tpu.memref_slice %arg3[%dma_start3A_504, %dma_start3A_505] : memref<30370x64xf32, #tpu.memory_space<hbm>> -> memref<30370x64xf32, #tpu.memory_space<hbm>>
    tpu.enqueue_indirect_dma source(%dma_start3A_506 : memref<30370x64xf32, #tpu.memory_space<hbm>>) target(%dma_start3A_500 : memref<16x64xf32, #tpu.memory_space<vmem>>) offsets(%dma_start3A_503 : memref<16xi32, #tpu.memory_space<vmem>>) semaphore(%arg13 : memref<!tpu.dma_semaphore, #tpu.memory_space<semaphore_mem>>)
    %dma_start3A_507 = arith.constant 2 : i32
    %dma_start3A_508 = arith.constant 2 : i32
    %dma_start3A_509 = arith.constant 96 : i32
    %dma_start3A_510 = arith.constant 0 : i32
    %dma_start3A_511 = tpu.memref_slice %arg8[%dma_start3A_508, %dma_start3A_509, %dma_start3A_510] : memref<4x112x64xf32, #tpu.memory_space<vmem>> -> memref<1x16x64xf32, #tpu.memory_space<vmem>>
    %dma_start3A_512 = tpu.memref_squeeze %dma_start3A_511 : memref<1x16x64xf32, #tpu.memory_space<vmem>> -> memref<16x64xf32, #tpu.memory_space<vmem>>
    %dma_start3A_513 = arith.constant 96 : i32
    %dma_start3A_514 = tpu.memref_slice %arg6[%dma_start3A_507, %dma_start3A_513] : memref<28x112xi32, #tpu.memory_space<vmem>> -> memref<1x16xi32, #tpu.memory_space<vmem>>
    %dma_start3A_515 = tpu.memref_squeeze %dma_start3A_514 : memref<1x16xi32, #tpu.memory_space<vmem>> -> memref<16xi32, #tpu.memory_space<vmem>>
    %dma_start3A_516 = arith.constant 0 : i32
    %dma_start3A_517 = arith.constant 0 : i32
    %dma_start3A_518 = tpu.memref_slice %arg3[%dma_start3A_516, %dma_start3A_517] : memref<30370x64xf32, #tpu.memory_space<hbm>> -> memref<30370x64xf32, #tpu.memory_space<hbm>>
    tpu.enqueue_indirect_dma source(%dma_start3A_518 : memref<30370x64xf32, #tpu.memory_space<hbm>>) target(%dma_start3A_512 : memref<16x64xf32, #tpu.memory_space<vmem>>) offsets(%dma_start3A_515 : memref<16xi32, #tpu.memory_space<vmem>>) semaphore(%arg13 : memref<!tpu.dma_semaphore, #tpu.memory_space<semaphore_mem>>)
    %dma_start3A_519 = arith.constant 2 : i32
    %dma_start3A_520 = arith.constant 2 : i32
    %dma_start3A_521 = arith.constant 96 : i32
    %dma_start3A_522 = arith.constant 0 : i32
    %dma_start3A_523 = tpu.memref_slice %arg9[%dma_start3A_520, %dma_start3A_521, %dma_start3A_522] : memref<4x112x64xf32, #tpu.memory_space<vmem>> -> memref<1x16x64xf32, #tpu.memory_space<vmem>>
    %dma_start3A_524 = tpu.memref_squeeze %dma_start3A_523 : memref<1x16x64xf32, #tpu.memory_space<vmem>> -> memref<16x64xf32, #tpu.memory_space<vmem>>
    %dma_start3A_525 = arith.constant 96 : i32
    %dma_start3A_526 = tpu.memref_slice %arg7[%dma_start3A_519, %dma_start3A_525] : memref<28x112xi32, #tpu.memory_space<vmem>> -> memref<1x16xi32, #tpu.memory_space<vmem>>
    %dma_start3A_527 = tpu.memref_squeeze %dma_start3A_526 : memref<1x16xi32, #tpu.memory_space<vmem>> -> memref<16xi32, #tpu.memory_space<vmem>>
    %dma_start3A_528 = arith.constant 0 : i32
    %dma_start3A_529 = arith.constant 0 : i32
    %dma_start3A_530 = tpu.memref_slice %arg3[%dma_start3A_528, %dma_start3A_529] : memref<30370x64xf32, #tpu.memory_space<hbm>> -> memref<30370x64xf32, #tpu.memory_space<hbm>>
    tpu.enqueue_indirect_dma source(%dma_start3A_530 : memref<30370x64xf32, #tpu.memory_space<hbm>>) target(%dma_start3A_524 : memref<16x64xf32, #tpu.memory_space<vmem>>) offsets(%dma_start3A_527 : memref<16xi32, #tpu.memory_space<vmem>>) semaphore(%arg13 : memref<!tpu.dma_semaphore, #tpu.memory_space<semaphore_mem>>)
    %scan3A_531 = arith.constant 0 : i32
    %scan3A_532 = arith.constant 0 : i32
    %scan3A_533 = arith.constant 7 : i32
    %scan3A_534 = arith.addi %scan3A_532, %scan3A_533 : i32
    %scan3A_535 = arith.constant 1 : i32
    %scan3A_536 = scf.for %scan3A_567 = %scan3A_532 to %scan3A_534 step %scan3A_535 iter_args(%scan3A_568 = %scan3A_531) -> (i32)  : i32 {
      %mul3A_569 = arith.constant 4 : i32
      %mul3A_570 = arith.muli %scan3A_567, %mul3A_569 : i32
      %add3A_571 = arith.constant 0 : i32
      %add3A_572 = arith.addi %mul3A_570, %add3A_571 : i32
      %add3A_573 = arith.constant 4 : i32
      %add3A_574 = arith.addi %add3A_572, %add3A_573 : i32
      %sub3A = arith.constant 1 : i32
      %sub3A_575 = arith.subi %add3A_574, %sub3A : i32
      %lt3A = arith.constant 28 : i32
      %lt3A_576 = arith.cmpi slt, %sub3A_575, %lt3A : i32
      %convert_element_type3A = arith.extui %lt3A_576 : i1 to i32
      %cond3A = arith.constant 0 : i32
      %cond3A_577 = arith.cmpi ne, %convert_element_type3A, %cond3A : i32
      scf.if %cond3A_577 {
        %add3A_1345 = arith.constant 4 : i32
        %add3A_1346 = arith.addi %add3A_572, %add3A_1345 : i32
        %sub3A_1347 = arith.constant 1 : i32
        %sub3A_1348 = arith.subi %add3A_1346, %sub3A_1347 : i32
        %dma_start3A_1349 = arith.constant 3 : i32
        %dma_start3A_1350 = arith.constant 0 : i32
        %dma_start3A_1351 = arith.constant 0 : i32
        %dma_start3A_1352 = tpu.memref_slice %arg8[%dma_start3A_1349, %dma_start3A_1350, %dma_start3A_1351] : memref<4x112x64xf32, #tpu.memory_space<vmem>> -> memref<1x16x64xf32, #tpu.memory_space<vmem>>
        %dma_start3A_1353 = tpu.memref_squeeze %dma_start3A_1352 : memref<1x16x64xf32, #tpu.memory_space<vmem>> -> memref<16x64xf32, #tpu.memory_space<vmem>>
        %dma_start3A_1354 = arith.constant 0 : i32
        %dma_start3A_1355 = tpu.memref_slice %arg6[%sub3A_1348, %dma_start3A_1354] : memref<28x112xi32, #tpu.memory_space<vmem>> -> memref<1x16xi32, #tpu.memory_space<vmem>>
        %dma_start3A_1356 = tpu.memref_squeeze %dma_start3A_1355 : memref<1x16xi32, #tpu.memory_space<vmem>> -> memref<16xi32, #tpu.memory_space<vmem>>
        %dma_start3A_1357 = arith.constant 0 : i32
        %dma_start3A_1358 = arith.constant 0 : i32
        %dma_start3A_1359 = tpu.memref_slice %arg3[%dma_start3A_1357, %dma_start3A_1358] : memref<30370x64xf32, #tpu.memory_space<hbm>> -> memref<30370x64xf32, #tpu.memory_space<hbm>>
        tpu.enqueue_indirect_dma source(%dma_start3A_1359 : memref<30370x64xf32, #tpu.memory_space<hbm>>) target(%dma_start3A_1353 : memref<16x64xf32, #tpu.memory_space<vmem>>) offsets(%dma_start3A_1356 : memref<16xi32, #tpu.memory_space<vmem>>) semaphore(%arg14 : memref<!tpu.dma_semaphore, #tpu.memory_space<semaphore_mem>>)
        %dma_start3A_1360 = arith.constant 3 : i32
        %dma_start3A_1361 = arith.constant 0 : i32
        %dma_start3A_1362 = arith.constant 0 : i32
        %dma_start3A_1363 = tpu.memref_slice %arg9[%dma_start3A_1360, %dma_start3A_1361, %dma_start3A_1362] : memref<4x112x64xf32, #tpu.memory_space<vmem>> -> memref<1x16x64xf32, #tpu.memory_space<vmem>>
        %dma_start3A_1364 = tpu.memref_squeeze %dma_start3A_1363 : memref<1x16x64xf32, #tpu.memory_space<vmem>> -> memref<16x64xf32, #tpu.memory_space<vmem>>
        %dma_start3A_1365 = arith.constant 0 : i32
        %dma_start3A_1366 = tpu.memref_slice %arg7[%sub3A_1348, %dma_start3A_1365] : memref<28x112xi32, #tpu.memory_space<vmem>> -> memref<1x16xi32, #tpu.memory_space<vmem>>
        %dma_start3A_1367 = tpu.memref_squeeze %dma_start3A_1366 : memref<1x16xi32, #tpu.memory_space<vmem>> -> memref<16xi32, #tpu.memory_space<vmem>>
        %dma_start3A_1368 = arith.constant 0 : i32
        %dma_start3A_1369 = arith.constant 0 : i32
        %dma_start3A_1370 = tpu.memref_slice %arg3[%dma_start3A_1368, %dma_start3A_1369] : memref<30370x64xf32, #tpu.memory_space<hbm>> -> memref<30370x64xf32, #tpu.memory_space<hbm>>
        tpu.enqueue_indirect_dma source(%dma_start3A_1370 : memref<30370x64xf32, #tpu.memory_space<hbm>>) target(%dma_start3A_1364 : memref<16x64xf32, #tpu.memory_space<vmem>>) offsets(%dma_start3A_1367 : memref<16xi32, #tpu.memory_space<vmem>>) semaphore(%arg14 : memref<!tpu.dma_semaphore, #tpu.memory_space<semaphore_mem>>)
        %dma_start3A_1371 = arith.constant 3 : i32
        %dma_start3A_1372 = arith.constant 16 : i32
        %dma_start3A_1373 = arith.constant 0 : i32
        %dma_start3A_1374 = tpu.memref_slice %arg8[%dma_start3A_1371, %dma_start3A_1372, %dma_start3A_1373] : memref<4x112x64xf32, #tpu.memory_space<vmem>> -> memref<1x16x64xf32, #tpu.memory_space<vmem>>
        %dma_start3A_1375 = tpu.memref_squeeze %dma_start3A_1374 : memref<1x16x64xf32, #tpu.memory_space<vmem>> -> memref<16x64xf32, #tpu.memory_space<vmem>>
        %dma_start3A_1376 = arith.constant 16 : i32
        %dma_start3A_1377 = tpu.memref_slice %arg6[%sub3A_1348, %dma_start3A_1376] : memref<28x112xi32, #tpu.memory_space<vmem>> -> memref<1x16xi32, #tpu.memory_space<vmem>>
        %dma_start3A_1378 = tpu.memref_squeeze %dma_start3A_1377 : memref<1x16xi32, #tpu.memory_space<vmem>> -> memref<16xi32, #tpu.memory_space<vmem>>
        %dma_start3A_1379 = arith.constant 0 : i32
        %dma_start3A_1380 = arith.constant 0 : i32
        %dma_start3A_1381 = tpu.memref_slice %arg3[%dma_start3A_1379, %dma_start3A_1380] : memref<30370x64xf32, #tpu.memory_space<hbm>> -> memref<30370x64xf32, #tpu.memory_space<hbm>>
        tpu.enqueue_indirect_dma source(%dma_start3A_1381 : memref<30370x64xf32, #tpu.memory_space<hbm>>) target(%dma_start3A_1375 : memref<16x64xf32, #tpu.memory_space<vmem>>) offsets(%dma_start3A_1378 : memref<16xi32, #tpu.memory_space<vmem>>) semaphore(%arg14 : memref<!tpu.dma_semaphore, #tpu.memory_space<semaphore_mem>>)
        %dma_start3A_1382 = arith.constant 3 : i32
        %dma_start3A_1383 = arith.constant 16 : i32
        %dma_start3A_1384 = arith.constant 0 : i32
        %dma_start3A_1385 = tpu.memref_slice %arg9[%dma_start3A_1382, %dma_start3A_1383, %dma_start3A_1384] : memref<4x112x64xf32, #tpu.memory_space<vmem>> -> memref<1x16x64xf32, #tpu.memory_space<vmem>>
        %dma_start3A_1386 = tpu.memref_squeeze %dma_start3A_1385 : memref<1x16x64xf32, #tpu.memory_space<vmem>> -> memref<16x64xf32, #tpu.memory_space<vmem>>
        %dma_start3A_1387 = arith.constant 16 : i32
        %dma_start3A_1388 = tpu.memref_slice %arg7[%sub3A_1348, %dma_start3A_1387] : memref<28x112xi32, #tpu.memory_space<vmem>> -> memref<1x16xi32, #tpu.memory_space<vmem>>
        %dma_start3A_1389 = tpu.memref_squeeze %dma_start3A_1388 : memref<1x16xi32, #tpu.memory_space<vmem>> -> memref<16xi32, #tpu.memory_space<vmem>>
        %dma_start3A_1390 = arith.constant 0 : i32
        %dma_start3A_1391 = arith.constant 0 : i32
        %dma_start3A_1392 = tpu.memref_slice %arg3[%dma_start3A_1390, %dma_start3A_1391] : memref<30370x64xf32, #tpu.memory_space<hbm>> -> memref<30370x64xf32, #tpu.memory_space<hbm>>
        tpu.enqueue_indirect_dma source(%dma_start3A_1392 : memref<30370x64xf32, #tpu.memory_space<hbm>>) target(%dma_start3A_1386 : memref<16x64xf32, #tpu.memory_space<vmem>>) offsets(%dma_start3A_1389 : memref<16xi32, #tpu.memory_space<vmem>>) semaphore(%arg14 : memref<!tpu.dma_semaphore, #tpu.memory_space<semaphore_mem>>)
        %dma_start3A_1393 = arith.constant 3 : i32
        %dma_start3A_1394 = arith.constant 32 : i32
        %dma_start3A_1395 = arith.constant 0 : i32
        %dma_start3A_1396 = tpu.memref_slice %arg8[%dma_start3A_1393, %dma_start3A_1394, %dma_start3A_1395] : memref<4x112x64xf32, #tpu.memory_space<vmem>> -> memref<1x16x64xf32, #tpu.memory_space<vmem>>
        %dma_start3A_1397 = tpu.memref_squeeze %dma_start3A_1396 : memref<1x16x64xf32, #tpu.memory_space<vmem>> -> memref<16x64xf32, #tpu.memory_space<vmem>>
        %dma_start3A_1398 = arith.constant 32 : i32
        %dma_start3A_1399 = tpu.memref_slice %arg6[%sub3A_1348, %dma_start3A_1398] : memref<28x112xi32, #tpu.memory_space<vmem>> -> memref<1x16xi32, #tpu.memory_space<vmem>>
        %dma_start3A_1400 = tpu.memref_squeeze %dma_start3A_1399 : memref<1x16xi32, #tpu.memory_space<vmem>> -> memref<16xi32, #tpu.memory_space<vmem>>
        %dma_start3A_1401 = arith.constant 0 : i32
        %dma_start3A_1402 = arith.constant 0 : i32
        %dma_start3A_1403 = tpu.memref_slice %arg3[%dma_start3A_1401, %dma_start3A_1402] : memref<30370x64xf32, #tpu.memory_space<hbm>> -> memref<30370x64xf32, #tpu.memory_space<hbm>>
        tpu.enqueue_indirect_dma source(%dma_start3A_1403 : memref<30370x64xf32, #tpu.memory_space<hbm>>) target(%dma_start3A_1397 : memref<16x64xf32, #tpu.memory_space<vmem>>) offsets(%dma_start3A_1400 : memref<16xi32, #tpu.memory_space<vmem>>) semaphore(%arg14 : memref<!tpu.dma_semaphore, #tpu.memory_space<semaphore_mem>>)
        %dma_start3A_1404 = arith.constant 3 : i32
        %dma_start3A_1405 = arith.constant 32 : i32
        %dma_start3A_1406 = arith.constant 0 : i32
        %dma_start3A_1407 = tpu.memref_slice %arg9[%dma_start3A_1404, %dma_start3A_1405, %dma_start3A_1406] : memref<4x112x64xf32, #tpu.memory_space<vmem>> -> memref<1x16x64xf32, #tpu.memory_space<vmem>>
        %dma_start3A_1408 = tpu.memref_squeeze %dma_start3A_1407 : memref<1x16x64xf32, #tpu.memory_space<vmem>> -> memref<16x64xf32, #tpu.memory_space<vmem>>
        %dma_start3A_1409 = arith.constant 32 : i32
        %dma_start3A_1410 = tpu.memref_slice %arg7[%sub3A_1348, %dma_start3A_1409] : memref<28x112xi32, #tpu.memory_space<vmem>> -> memref<1x16xi32, #tpu.memory_space<vmem>>
        %dma_start3A_1411 = tpu.memref_squeeze %dma_start3A_1410 : memref<1x16xi32, #tpu.memory_space<vmem>> -> memref<16xi32, #tpu.memory_space<vmem>>
        %dma_start3A_1412 = arith.constant 0 : i32
        %dma_start3A_1413 = arith.constant 0 : i32
        %dma_start3A_1414 = tpu.memref_slice %arg3[%dma_start3A_1412, %dma_start3A_1413] : memref<30370x64xf32, #tpu.memory_space<hbm>> -> memref<30370x64xf32, #tpu.memory_space<hbm>>
        tpu.enqueue_indirect_dma source(%dma_start3A_1414 : memref<30370x64xf32, #tpu.memory_space<hbm>>) target(%dma_start3A_1408 : memref<16x64xf32, #tpu.memory_space<vmem>>) offsets(%dma_start3A_1411 : memref<16xi32, #tpu.memory_space<vmem>>) semaphore(%arg14 : memref<!tpu.dma_semaphore, #tpu.memory_space<semaphore_mem>>)
        %dma_start3A_1415 = arith.constant 3 : i32
        %dma_start3A_1416 = arith.constant 48 : i32
        %dma_start3A_1417 = arith.constant 0 : i32
        %dma_start3A_1418 = tpu.memref_slice %arg8[%dma_start3A_1415, %dma_start3A_1416, %dma_start3A_1417] : memref<4x112x64xf32, #tpu.memory_space<vmem>> -> memref<1x16x64xf32, #tpu.memory_space<vmem>>
        %dma_start3A_1419 = tpu.memref_squeeze %dma_start3A_1418 : memref<1x16x64xf32, #tpu.memory_space<vmem>> -> memref<16x64xf32, #tpu.memory_space<vmem>>
        %dma_start3A_1420 = arith.constant 48 : i32
        %dma_start3A_1421 = tpu.memref_slice %arg6[%sub3A_1348, %dma_start3A_1420] : memref<28x112xi32, #tpu.memory_space<vmem>> -> memref<1x16xi32, #tpu.memory_space<vmem>>
        %dma_start3A_1422 = tpu.memref_squeeze %dma_start3A_1421 : memref<1x16xi32, #tpu.memory_space<vmem>> -> memref<16xi32, #tpu.memory_space<vmem>>
        %dma_start3A_1423 = arith.constant 0 : i32
        %dma_start3A_1424 = arith.constant 0 : i32
        %dma_start3A_1425 = tpu.memref_slice %arg3[%dma_start3A_1423, %dma_start3A_1424] : memref<30370x64xf32, #tpu.memory_space<hbm>> -> memref<30370x64xf32, #tpu.memory_space<hbm>>
        tpu.enqueue_indirect_dma source(%dma_start3A_1425 : memref<30370x64xf32, #tpu.memory_space<hbm>>) target(%dma_start3A_1419 : memref<16x64xf32, #tpu.memory_space<vmem>>) offsets(%dma_start3A_1422 : memref<16xi32, #tpu.memory_space<vmem>>) semaphore(%arg14 : memref<!tpu.dma_semaphore, #tpu.memory_space<semaphore_mem>>)
        %dma_start3A_1426 = arith.constant 3 : i32
        %dma_start3A_1427 = arith.constant 48 : i32
        %dma_start3A_1428 = arith.constant 0 : i32
        %dma_start3A_1429 = tpu.memref_slice %arg9[%dma_start3A_1426, %dma_start3A_1427, %dma_start3A_1428] : memref<4x112x64xf32, #tpu.memory_space<vmem>> -> memref<1x16x64xf32, #tpu.memory_space<vmem>>
        %dma_start3A_1430 = tpu.memref_squeeze %dma_start3A_1429 : memref<1x16x64xf32, #tpu.memory_space<vmem>> -> memref<16x64xf32, #tpu.memory_space<vmem>>
        %dma_start3A_1431 = arith.constant 48 : i32
        %dma_start3A_1432 = tpu.memref_slice %arg7[%sub3A_1348, %dma_start3A_1431] : memref<28x112xi32, #tpu.memory_space<vmem>> -> memref<1x16xi32, #tpu.memory_space<vmem>>
        %dma_start3A_1433 = tpu.memref_squeeze %dma_start3A_1432 : memref<1x16xi32, #tpu.memory_space<vmem>> -> memref<16xi32, #tpu.memory_space<vmem>>
        %dma_start3A_1434 = arith.constant 0 : i32
        %dma_start3A_1435 = arith.constant 0 : i32
        %dma_start3A_1436 = tpu.memref_slice %arg3[%dma_start3A_1434, %dma_start3A_1435] : memref<30370x64xf32, #tpu.memory_space<hbm>> -> memref<30370x64xf32, #tpu.memory_space<hbm>>
        tpu.enqueue_indirect_dma source(%dma_start3A_1436 : memref<30370x64xf32, #tpu.memory_space<hbm>>) target(%dma_start3A_1430 : memref<16x64xf32, #tpu.memory_space<vmem>>) offsets(%dma_start3A_1433 : memref<16xi32, #tpu.memory_space<vmem>>) semaphore(%arg14 : memref<!tpu.dma_semaphore, #tpu.memory_space<semaphore_mem>>)
        %dma_start3A_1437 = arith.constant 3 : i32
        %dma_start3A_1438 = arith.constant 64 : i32
        %dma_start3A_1439 = arith.constant 0 : i32
        %dma_start3A_1440 = tpu.memref_slice %arg8[%dma_start3A_1437, %dma_start3A_1438, %dma_start3A_1439] : memref<4x112x64xf32, #tpu.memory_space<vmem>> -> memref<1x16x64xf32, #tpu.memory_space<vmem>>
        %dma_start3A_1441 = tpu.memref_squeeze %dma_start3A_1440 : memref<1x16x64xf32, #tpu.memory_space<vmem>> -> memref<16x64xf32, #tpu.memory_space<vmem>>
        %dma_start3A_1442 = arith.constant 64 : i32
        %dma_start3A_1443 = tpu.memref_slice %arg6[%sub3A_1348, %dma_start3A_1442] : memref<28x112xi32, #tpu.memory_space<vmem>> -> memref<1x16xi32, #tpu.memory_space<vmem>>
        %dma_start3A_1444 = tpu.memref_squeeze %dma_start3A_1443 : memref<1x16xi32, #tpu.memory_space<vmem>> -> memref<16xi32, #tpu.memory_space<vmem>>
        %dma_start3A_1445 = arith.constant 0 : i32
        %dma_start3A_1446 = arith.constant 0 : i32
        %dma_start3A_1447 = tpu.memref_slice %arg3[%dma_start3A_1445, %dma_start3A_1446] : memref<30370x64xf32, #tpu.memory_space<hbm>> -> memref<30370x64xf32, #tpu.memory_space<hbm>>
        tpu.enqueue_indirect_dma source(%dma_start3A_1447 : memref<30370x64xf32, #tpu.memory_space<hbm>>) target(%dma_start3A_1441 : memref<16x64xf32, #tpu.memory_space<vmem>>) offsets(%dma_start3A_1444 : memref<16xi32, #tpu.memory_space<vmem>>) semaphore(%arg14 : memref<!tpu.dma_semaphore, #tpu.memory_space<semaphore_mem>>)
        %dma_start3A_1448 = arith.constant 3 : i32
        %dma_start3A_1449 = arith.constant 64 : i32
        %dma_start3A_1450 = arith.constant 0 : i32
        %dma_start3A_1451 = tpu.memref_slice %arg9[%dma_start3A_1448, %dma_start3A_1449, %dma_start3A_1450] : memref<4x112x64xf32, #tpu.memory_space<vmem>> -> memref<1x16x64xf32, #tpu.memory_space<vmem>>
        %dma_start3A_1452 = tpu.memref_squeeze %dma_start3A_1451 : memref<1x16x64xf32, #tpu.memory_space<vmem>> -> memref<16x64xf32, #tpu.memory_space<vmem>>
        %dma_start3A_1453 = arith.constant 64 : i32
        %dma_start3A_1454 = tpu.memref_slice %arg7[%sub3A_1348, %dma_start3A_1453] : memref<28x112xi32, #tpu.memory_space<vmem>> -> memref<1x16xi32, #tpu.memory_space<vmem>>
        %dma_start3A_1455 = tpu.memref_squeeze %dma_start3A_1454 : memref<1x16xi32, #tpu.memory_space<vmem>> -> memref<16xi32, #tpu.memory_space<vmem>>
        %dma_start3A_1456 = arith.constant 0 : i32
        %dma_start3A_1457 = arith.constant 0 : i32
        %dma_start3A_1458 = tpu.memref_slice %arg3[%dma_start3A_1456, %dma_start3A_1457] : memref<30370x64xf32, #tpu.memory_space<hbm>> -> memref<30370x64xf32, #tpu.memory_space<hbm>>
        tpu.enqueue_indirect_dma source(%dma_start3A_1458 : memref<30370x64xf32, #tpu.memory_space<hbm>>) target(%dma_start3A_1452 : memref<16x64xf32, #tpu.memory_space<vmem>>) offsets(%dma_start3A_1455 : memref<16xi32, #tpu.memory_space<vmem>>) semaphore(%arg14 : memref<!tpu.dma_semaphore, #tpu.memory_space<semaphore_mem>>)
        %dma_start3A_1459 = arith.constant 3 : i32
        %dma_start3A_1460 = arith.constant 80 : i32
        %dma_start3A_1461 = arith.constant 0 : i32
        %dma_start3A_1462 = tpu.memref_slice %arg8[%dma_start3A_1459, %dma_start3A_1460, %dma_start3A_1461] : memref<4x112x64xf32, #tpu.memory_space<vmem>> -> memref<1x16x64xf32, #tpu.memory_space<vmem>>
        %dma_start3A_1463 = tpu.memref_squeeze %dma_start3A_1462 : memref<1x16x64xf32, #tpu.memory_space<vmem>> -> memref<16x64xf32, #tpu.memory_space<vmem>>
        %dma_start3A_1464 = arith.constant 80 : i32
        %dma_start3A_1465 = tpu.memref_slice %arg6[%sub3A_1348, %dma_start3A_1464] : memref<28x112xi32, #tpu.memory_space<vmem>> -> memref<1x16xi32, #tpu.memory_space<vmem>>
        %dma_start3A_1466 = tpu.memref_squeeze %dma_start3A_1465 : memref<1x16xi32, #tpu.memory_space<vmem>> -> memref<16xi32, #tpu.memory_space<vmem>>
        %dma_start3A_1467 = arith.constant 0 : i32
        %dma_start3A_1468 = arith.constant 0 : i32
        %dma_start3A_1469 = tpu.memref_slice %arg3[%dma_start3A_1467, %dma_start3A_1468] : memref<30370x64xf32, #tpu.memory_space<hbm>> -> memref<30370x64xf32, #tpu.memory_space<hbm>>
        tpu.enqueue_indirect_dma source(%dma_start3A_1469 : memref<30370x64xf32, #tpu.memory_space<hbm>>) target(%dma_start3A_1463 : memref<16x64xf32, #tpu.memory_space<vmem>>) offsets(%dma_start3A_1466 : memref<16xi32, #tpu.memory_space<vmem>>) semaphore(%arg14 : memref<!tpu.dma_semaphore, #tpu.memory_space<semaphore_mem>>)
        %dma_start3A_1470 = arith.constant 3 : i32
        %dma_start3A_1471 = arith.constant 80 : i32
        %dma_start3A_1472 = arith.constant 0 : i32
        %dma_start3A_1473 = tpu.memref_slice %arg9[%dma_start3A_1470, %dma_start3A_1471, %dma_start3A_1472] : memref<4x112x64xf32, #tpu.memory_space<vmem>> -> memref<1x16x64xf32, #tpu.memory_space<vmem>>
        %dma_start3A_1474 = tpu.memref_squeeze %dma_start3A_1473 : memref<1x16x64xf32, #tpu.memory_space<vmem>> -> memref<16x64xf32, #tpu.memory_space<vmem>>
        %dma_start3A_1475 = arith.constant 80 : i32
        %dma_start3A_1476 = tpu.memref_slice %arg7[%sub3A_1348, %dma_start3A_1475] : memref<28x112xi32, #tpu.memory_space<vmem>> -> memref<1x16xi32, #tpu.memory_space<vmem>>
        %dma_start3A_1477 = tpu.memref_squeeze %dma_start3A_1476 : memref<1x16xi32, #tpu.memory_space<vmem>> -> memref<16xi32, #tpu.memory_space<vmem>>
        %dma_start3A_1478 = arith.constant 0 : i32
        %dma_start3A_1479 = arith.constant 0 : i32
        %dma_start3A_1480 = tpu.memref_slice %arg3[%dma_start3A_1478, %dma_start3A_1479] : memref<30370x64xf32, #tpu.memory_space<hbm>> -> memref<30370x64xf32, #tpu.memory_space<hbm>>
        tpu.enqueue_indirect_dma source(%dma_start3A_1480 : memref<30370x64xf32, #tpu.memory_space<hbm>>) target(%dma_start3A_1474 : memref<16x64xf32, #tpu.memory_space<vmem>>) offsets(%dma_start3A_1477 : memref<16xi32, #tpu.memory_space<vmem>>) semaphore(%arg14 : memref<!tpu.dma_semaphore, #tpu.memory_space<semaphore_mem>>)
        %dma_start3A_1481 = arith.constant 3 : i32
        %dma_start3A_1482 = arith.constant 96 : i32
        %dma_start3A_1483 = arith.constant 0 : i32
        %dma_start3A_1484 = tpu.memref_slice %arg8[%dma_start3A_1481, %dma_start3A_1482, %dma_start3A_1483] : memref<4x112x64xf32, #tpu.memory_space<vmem>> -> memref<1x16x64xf32, #tpu.memory_space<vmem>>
        %dma_start3A_1485 = tpu.memref_squeeze %dma_start3A_1484 : memref<1x16x64xf32, #tpu.memory_space<vmem>> -> memref<16x64xf32, #tpu.memory_space<vmem>>
        %dma_start3A_1486 = arith.constant 96 : i32
        %dma_start3A_1487 = tpu.memref_slice %arg6[%sub3A_1348, %dma_start3A_1486] : memref<28x112xi32, #tpu.memory_space<vmem>> -> memref<1x16xi32, #tpu.memory_space<vmem>>
        %dma_start3A_1488 = tpu.memref_squeeze %dma_start3A_1487 : memref<1x16xi32, #tpu.memory_space<vmem>> -> memref<16xi32, #tpu.memory_space<vmem>>
        %dma_start3A_1489 = arith.constant 0 : i32
        %dma_start3A_1490 = arith.constant 0 : i32
        %dma_start3A_1491 = tpu.memref_slice %arg3[%dma_start3A_1489, %dma_start3A_1490] : memref<30370x64xf32, #tpu.memory_space<hbm>> -> memref<30370x64xf32, #tpu.memory_space<hbm>>
        tpu.enqueue_indirect_dma source(%dma_start3A_1491 : memref<30370x64xf32, #tpu.memory_space<hbm>>) target(%dma_start3A_1485 : memref<16x64xf32, #tpu.memory_space<vmem>>) offsets(%dma_start3A_1488 : memref<16xi32, #tpu.memory_space<vmem>>) semaphore(%arg14 : memref<!tpu.dma_semaphore, #tpu.memory_space<semaphore_mem>>)
        %dma_start3A_1492 = arith.constant 3 : i32
        %dma_start3A_1493 = arith.constant 96 : i32
        %dma_start3A_1494 = arith.constant 0 : i32
        %dma_start3A_1495 = tpu.memref_slice %arg9[%dma_start3A_1492, %dma_start3A_1493, %dma_start3A_1494] : memref<4x112x64xf32, #tpu.memory_space<vmem>> -> memref<1x16x64xf32, #tpu.memory_space<vmem>>
        %dma_start3A_1496 = tpu.memref_squeeze %dma_start3A_1495 : memref<1x16x64xf32, #tpu.memory_space<vmem>> -> memref<16x64xf32, #tpu.memory_space<vmem>>
        %dma_start3A_1497 = arith.constant 96 : i32
        %dma_start3A_1498 = tpu.memref_slice %arg7[%sub3A_1348, %dma_start3A_1497] : memref<28x112xi32, #tpu.memory_space<vmem>> -> memref<1x16xi32, #tpu.memory_space<vmem>>
        %dma_start3A_1499 = tpu.memref_squeeze %dma_start3A_1498 : memref<1x16xi32, #tpu.memory_space<vmem>> -> memref<16xi32, #tpu.memory_space<vmem>>
        %dma_start3A_1500 = arith.constant 0 : i32
        %dma_start3A_1501 = arith.constant 0 : i32
        %dma_start3A_1502 = tpu.memref_slice %arg3[%dma_start3A_1500, %dma_start3A_1501] : memref<30370x64xf32, #tpu.memory_space<hbm>> -> memref<30370x64xf32, #tpu.memory_space<hbm>>
        tpu.enqueue_indirect_dma source(%dma_start3A_1502 : memref<30370x64xf32, #tpu.memory_space<hbm>>) target(%dma_start3A_1496 : memref<16x64xf32, #tpu.memory_space<vmem>>) offsets(%dma_start3A_1499 : memref<16xi32, #tpu.memory_space<vmem>>) semaphore(%arg14 : memref<!tpu.dma_semaphore, #tpu.memory_space<semaphore_mem>>)
      } else {
      }
      %dma_wait3A_578 = arith.constant 0 : i32
      %dma_wait3A_579 = arith.constant 0 : i32
      %dma_wait3A_580 = arith.constant 0 : i32
      %dma_wait3A_581 = tpu.memref_slice %arg8[%dma_wait3A_578, %dma_wait3A_579, %dma_wait3A_580] : memref<4x112x64xf32, #tpu.memory_space<vmem>> -> memref<1x16x64xf32, #tpu.memory_space<vmem>>
      %dma_wait3A_582 = tpu.memref_squeeze %dma_wait3A_581 : memref<1x16x64xf32, #tpu.memory_space<vmem>> -> memref<16x64xf32, #tpu.memory_space<vmem>>
      %dma_wait3A_583 = arith.constant 0 : i32
      %dma_wait3A_584 = tpu.memref_slice %arg6[%add3A_572, %dma_wait3A_583] : memref<28x112xi32, #tpu.memory_space<vmem>> -> memref<1x16xi32, #tpu.memory_space<vmem>>
      %dma_wait3A_585 = tpu.memref_squeeze %dma_wait3A_584 : memref<1x16xi32, #tpu.memory_space<vmem>> -> memref<16xi32, #tpu.memory_space<vmem>>
      %dma_wait3A_586 = arith.constant 0 : i32
      %dma_wait3A_587 = arith.constant 0 : i32
      %dma_wait3A_588 = tpu.memref_slice %arg3[%dma_wait3A_586, %dma_wait3A_587] : memref<30370x64xf32, #tpu.memory_space<hbm>> -> memref<30370x64xf32, #tpu.memory_space<hbm>>
      tpu.wait_indirect_dma semaphore(%arg11 : memref<!tpu.dma_semaphore, #tpu.memory_space<semaphore_mem>>) src(%dma_wait3A_588 : memref<30370x64xf32, #tpu.memory_space<hbm>>) dst(%dma_wait3A_582 : memref<16x64xf32, #tpu.memory_space<vmem>>)
      %dma_wait3A_589 = arith.constant 0 : i32
      %dma_wait3A_590 = arith.constant 0 : i32
      %dma_wait3A_591 = arith.constant 0 : i32
      %dma_wait3A_592 = tpu.memref_slice %arg9[%dma_wait3A_589, %dma_wait3A_590, %dma_wait3A_591] : memref<4x112x64xf32, #tpu.memory_space<vmem>> -> memref<1x16x64xf32, #tpu.memory_space<vmem>>
      %dma_wait3A_593 = tpu.memref_squeeze %dma_wait3A_592 : memref<1x16x64xf32, #tpu.memory_space<vmem>> -> memref<16x64xf32, #tpu.memory_space<vmem>>
      %dma_wait3A_594 = arith.constant 0 : i32
      %dma_wait3A_595 = tpu.memref_slice %arg7[%add3A_572, %dma_wait3A_594] : memref<28x112xi32, #tpu.memory_space<vmem>> -> memref<1x16xi32, #tpu.memory_space<vmem>>
      %dma_wait3A_596 = tpu.memref_squeeze %dma_wait3A_595 : memref<1x16xi32, #tpu.memory_space<vmem>> -> memref<16xi32, #tpu.memory_space<vmem>>
      %dma_wait3A_597 = arith.constant 0 : i32
      %dma_wait3A_598 = arith.constant 0 : i32
      %dma_wait3A_599 = tpu.memref_slice %arg3[%dma_wait3A_597, %dma_wait3A_598] : memref<30370x64xf32, #tpu.memory_space<hbm>> -> memref<30370x64xf32, #tpu.memory_space<hbm>>
      tpu.wait_indirect_dma semaphore(%arg11 : memref<!tpu.dma_semaphore, #tpu.memory_space<semaphore_mem>>) src(%dma_wait3A_599 : memref<30370x64xf32, #tpu.memory_space<hbm>>) dst(%dma_wait3A_593 : memref<16x64xf32, #tpu.memory_space<vmem>>)
      %dma_wait3A_600 = arith.constant 0 : i32
      %dma_wait3A_601 = arith.constant 16 : i32
      %dma_wait3A_602 = arith.constant 0 : i32
      %dma_wait3A_603 = tpu.memref_slice %arg8[%dma_wait3A_600, %dma_wait3A_601, %dma_wait3A_602] : memref<4x112x64xf32, #tpu.memory_space<vmem>> -> memref<1x16x64xf32, #tpu.memory_space<vmem>>
      %dma_wait3A_604 = tpu.memref_squeeze %dma_wait3A_603 : memref<1x16x64xf32, #tpu.memory_space<vmem>> -> memref<16x64xf32, #tpu.memory_space<vmem>>
      %dma_wait3A_605 = arith.constant 16 : i32
      %dma_wait3A_606 = tpu.memref_slice %arg6[%add3A_572, %dma_wait3A_605] : memref<28x112xi32, #tpu.memory_space<vmem>> -> memref<1x16xi32, #tpu.memory_space<vmem>>
      %dma_wait3A_607 = tpu.memref_squeeze %dma_wait3A_606 : memref<1x16xi32, #tpu.memory_space<vmem>> -> memref<16xi32, #tpu.memory_space<vmem>>
      %dma_wait3A_608 = arith.constant 0 : i32
      %dma_wait3A_609 = arith.constant 0 : i32
      %dma_wait3A_610 = tpu.memref_slice %arg3[%dma_wait3A_608, %dma_wait3A_609] : memref<30370x64xf32, #tpu.memory_space<hbm>> -> memref<30370x64xf32, #tpu.memory_space<hbm>>
      tpu.wait_indirect_dma semaphore(%arg11 : memref<!tpu.dma_semaphore, #tpu.memory_space<semaphore_mem>>) src(%dma_wait3A_610 : memref<30370x64xf32, #tpu.memory_space<hbm>>) dst(%dma_wait3A_604 : memref<16x64xf32, #tpu.memory_space<vmem>>)
      %dma_wait3A_611 = arith.constant 0 : i32
      %dma_wait3A_612 = arith.constant 16 : i32
      %dma_wait3A_613 = arith.constant 0 : i32
      %dma_wait3A_614 = tpu.memref_slice %arg9[%dma_wait3A_611, %dma_wait3A_612, %dma_wait3A_613] : memref<4x112x64xf32, #tpu.memory_space<vmem>> -> memref<1x16x64xf32, #tpu.memory_space<vmem>>
      %dma_wait3A_615 = tpu.memref_squeeze %dma_wait3A_614 : memref<1x16x64xf32, #tpu.memory_space<vmem>> -> memref<16x64xf32, #tpu.memory_space<vmem>>
      %dma_wait3A_616 = arith.constant 16 : i32
      %dma_wait3A_617 = tpu.memref_slice %arg7[%add3A_572, %dma_wait3A_616] : memref<28x112xi32, #tpu.memory_space<vmem>> -> memref<1x16xi32, #tpu.memory_space<vmem>>
      %dma_wait3A_618 = tpu.memref_squeeze %dma_wait3A_617 : memref<1x16xi32, #tpu.memory_space<vmem>> -> memref<16xi32, #tpu.memory_space<vmem>>
      %dma_wait3A_619 = arith.constant 0 : i32
      %dma_wait3A_620 = arith.constant 0 : i32
      %dma_wait3A_621 = tpu.memref_slice %arg3[%dma_wait3A_619, %dma_wait3A_620] : memref<30370x64xf32, #tpu.memory_space<hbm>> -> memref<30370x64xf32, #tpu.memory_space<hbm>>
      tpu.wait_indirect_dma semaphore(%arg11 : memref<!tpu.dma_semaphore, #tpu.memory_space<semaphore_mem>>) src(%dma_wait3A_621 : memref<30370x64xf32, #tpu.memory_space<hbm>>) dst(%dma_wait3A_615 : memref<16x64xf32, #tpu.memory_space<vmem>>)
      %dma_wait3A_622 = arith.constant 0 : i32
      %dma_wait3A_623 = arith.constant 32 : i32
      %dma_wait3A_624 = arith.constant 0 : i32
      %dma_wait3A_625 = tpu.memref_slice %arg8[%dma_wait3A_622, %dma_wait3A_623, %dma_wait3A_624] : memref<4x112x64xf32, #tpu.memory_space<vmem>> -> memref<1x16x64xf32, #tpu.memory_space<vmem>>
      %dma_wait3A_626 = tpu.memref_squeeze %dma_wait3A_625 : memref<1x16x64xf32, #tpu.memory_space<vmem>> -> memref<16x64xf32, #tpu.memory_space<vmem>>
      %dma_wait3A_627 = arith.constant 32 : i32
      %dma_wait3A_628 = tpu.memref_slice %arg6[%add3A_572, %dma_wait3A_627] : memref<28x112xi32, #tpu.memory_space<vmem>> -> memref<1x16xi32, #tpu.memory_space<vmem>>
      %dma_wait3A_629 = tpu.memref_squeeze %dma_wait3A_628 : memref<1x16xi32, #tpu.memory_space<vmem>> -> memref<16xi32, #tpu.memory_space<vmem>>
      %dma_wait3A_630 = arith.constant 0 : i32
      %dma_wait3A_631 = arith.constant 0 : i32
      %dma_wait3A_632 = tpu.memref_slice %arg3[%dma_wait3A_630, %dma_wait3A_631] : memref<30370x64xf32, #tpu.memory_space<hbm>> -> memref<30370x64xf32, #tpu.memory_space<hbm>>
      tpu.wait_indirect_dma semaphore(%arg11 : memref<!tpu.dma_semaphore, #tpu.memory_space<semaphore_mem>>) src(%dma_wait3A_632 : memref<30370x64xf32, #tpu.memory_space<hbm>>) dst(%dma_wait3A_626 : memref<16x64xf32, #tpu.memory_space<vmem>>)
      %dma_wait3A_633 = arith.constant 0 : i32
      %dma_wait3A_634 = arith.constant 32 : i32
      %dma_wait3A_635 = arith.constant 0 : i32
      %dma_wait3A_636 = tpu.memref_slice %arg9[%dma_wait3A_633, %dma_wait3A_634, %dma_wait3A_635] : memref<4x112x64xf32, #tpu.memory_space<vmem>> -> memref<1x16x64xf32, #tpu.memory_space<vmem>>
      %dma_wait3A_637 = tpu.memref_squeeze %dma_wait3A_636 : memref<1x16x64xf32, #tpu.memory_space<vmem>> -> memref<16x64xf32, #tpu.memory_space<vmem>>
      %dma_wait3A_638 = arith.constant 32 : i32
      %dma_wait3A_639 = tpu.memref_slice %arg7[%add3A_572, %dma_wait3A_638] : memref<28x112xi32, #tpu.memory_space<vmem>> -> memref<1x16xi32, #tpu.memory_space<vmem>>
      %dma_wait3A_640 = tpu.memref_squeeze %dma_wait3A_639 : memref<1x16xi32, #tpu.memory_space<vmem>> -> memref<16xi32, #tpu.memory_space<vmem>>
      %dma_wait3A_641 = arith.constant 0 : i32
      %dma_wait3A_642 = arith.constant 0 : i32
      %dma_wait3A_643 = tpu.memref_slice %arg3[%dma_wait3A_641, %dma_wait3A_642] : memref<30370x64xf32, #tpu.memory_space<hbm>> -> memref<30370x64xf32, #tpu.memory_space<hbm>>
      tpu.wait_indirect_dma semaphore(%arg11 : memref<!tpu.dma_semaphore, #tpu.memory_space<semaphore_mem>>) src(%dma_wait3A_643 : memref<30370x64xf32, #tpu.memory_space<hbm>>) dst(%dma_wait3A_637 : memref<16x64xf32, #tpu.memory_space<vmem>>)
      %dma_wait3A_644 = arith.constant 0 : i32
      %dma_wait3A_645 = arith.constant 48 : i32
      %dma_wait3A_646 = arith.constant 0 : i32
      %dma_wait3A_647 = tpu.memref_slice %arg8[%dma_wait3A_644, %dma_wait3A_645, %dma_wait3A_646] : memref<4x112x64xf32, #tpu.memory_space<vmem>> -> memref<1x16x64xf32, #tpu.memory_space<vmem>>
      %dma_wait3A_648 = tpu.memref_squeeze %dma_wait3A_647 : memref<1x16x64xf32, #tpu.memory_space<vmem>> -> memref<16x64xf32, #tpu.memory_space<vmem>>
      %dma_wait3A_649 = arith.constant 48 : i32
      %dma_wait3A_650 = tpu.memref_slice %arg6[%add3A_572, %dma_wait3A_649] : memref<28x112xi32, #tpu.memory_space<vmem>> -> memref<1x16xi32, #tpu.memory_space<vmem>>
      %dma_wait3A_651 = tpu.memref_squeeze %dma_wait3A_650 : memref<1x16xi32, #tpu.memory_space<vmem>> -> memref<16xi32, #tpu.memory_space<vmem>>
      %dma_wait3A_652 = arith.constant 0 : i32
      %dma_wait3A_653 = arith.constant 0 : i32
      %dma_wait3A_654 = tpu.memref_slice %arg3[%dma_wait3A_652, %dma_wait3A_653] : memref<30370x64xf32, #tpu.memory_space<hbm>> -> memref<30370x64xf32, #tpu.memory_space<hbm>>
      tpu.wait_indirect_dma semaphore(%arg11 : memref<!tpu.dma_semaphore, #tpu.memory_space<semaphore_mem>>) src(%dma_wait3A_654 : memref<30370x64xf32, #tpu.memory_space<hbm>>) dst(%dma_wait3A_648 : memref<16x64xf32, #tpu.memory_space<vmem>>)
      %dma_wait3A_655 = arith.constant 0 : i32
      %dma_wait3A_656 = arith.constant 48 : i32
      %dma_wait3A_657 = arith.constant 0 : i32
      %dma_wait3A_658 = tpu.memref_slice %arg9[%dma_wait3A_655, %dma_wait3A_656, %dma_wait3A_657] : memref<4x112x64xf32, #tpu.memory_space<vmem>> -> memref<1x16x64xf32, #tpu.memory_space<vmem>>
      %dma_wait3A_659 = tpu.memref_squeeze %dma_wait3A_658 : memref<1x16x64xf32, #tpu.memory_space<vmem>> -> memref<16x64xf32, #tpu.memory_space<vmem>>
      %dma_wait3A_660 = arith.constant 48 : i32
      %dma_wait3A_661 = tpu.memref_slice %arg7[%add3A_572, %dma_wait3A_660] : memref<28x112xi32, #tpu.memory_space<vmem>> -> memref<1x16xi32, #tpu.memory_space<vmem>>
      %dma_wait3A_662 = tpu.memref_squeeze %dma_wait3A_661 : memref<1x16xi32, #tpu.memory_space<vmem>> -> memref<16xi32, #tpu.memory_space<vmem>>
      %dma_wait3A_663 = arith.constant 0 : i32
      %dma_wait3A_664 = arith.constant 0 : i32
      %dma_wait3A_665 = tpu.memref_slice %arg3[%dma_wait3A_663, %dma_wait3A_664] : memref<30370x64xf32, #tpu.memory_space<hbm>> -> memref<30370x64xf32, #tpu.memory_space<hbm>>
      tpu.wait_indirect_dma semaphore(%arg11 : memref<!tpu.dma_semaphore, #tpu.memory_space<semaphore_mem>>) src(%dma_wait3A_665 : memref<30370x64xf32, #tpu.memory_space<hbm>>) dst(%dma_wait3A_659 : memref<16x64xf32, #tpu.memory_space<vmem>>)
      %dma_wait3A_666 = arith.constant 0 : i32
      %dma_wait3A_667 = arith.constant 64 : i32
      %dma_wait3A_668 = arith.constant 0 : i32
      %dma_wait3A_669 = tpu.memref_slice %arg8[%dma_wait3A_666, %dma_wait3A_667, %dma_wait3A_668] : memref<4x112x64xf32, #tpu.memory_space<vmem>> -> memref<1x16x64xf32, #tpu.memory_space<vmem>>
      %dma_wait3A_670 = tpu.memref_squeeze %dma_wait3A_669 : memref<1x16x64xf32, #tpu.memory_space<vmem>> -> memref<16x64xf32, #tpu.memory_space<vmem>>
      %dma_wait3A_671 = arith.constant 64 : i32
      %dma_wait3A_672 = tpu.memref_slice %arg6[%add3A_572, %dma_wait3A_671] : memref<28x112xi32, #tpu.memory_space<vmem>> -> memref<1x16xi32, #tpu.memory_space<vmem>>
      %dma_wait3A_673 = tpu.memref_squeeze %dma_wait3A_672 : memref<1x16xi32, #tpu.memory_space<vmem>> -> memref<16xi32, #tpu.memory_space<vmem>>
      %dma_wait3A_674 = arith.constant 0 : i32
      %dma_wait3A_675 = arith.constant 0 : i32
      %dma_wait3A_676 = tpu.memref_slice %arg3[%dma_wait3A_674, %dma_wait3A_675] : memref<30370x64xf32, #tpu.memory_space<hbm>> -> memref<30370x64xf32, #tpu.memory_space<hbm>>
      tpu.wait_indirect_dma semaphore(%arg11 : memref<!tpu.dma_semaphore, #tpu.memory_space<semaphore_mem>>) src(%dma_wait3A_676 : memref<30370x64xf32, #tpu.memory_space<hbm>>) dst(%dma_wait3A_670 : memref<16x64xf32, #tpu.memory_space<vmem>>)
      %dma_wait3A_677 = arith.constant 0 : i32
      %dma_wait3A_678 = arith.constant 64 : i32
      %dma_wait3A_679 = arith.constant 0 : i32
      %dma_wait3A_680 = tpu.memref_slice %arg9[%dma_wait3A_677, %dma_wait3A_678, %dma_wait3A_679] : memref<4x112x64xf32, #tpu.memory_space<vmem>> -> memref<1x16x64xf32, #tpu.memory_space<vmem>>
      %dma_wait3A_681 = tpu.memref_squeeze %dma_wait3A_680 : memref<1x16x64xf32, #tpu.memory_space<vmem>> -> memref<16x64xf32, #tpu.memory_space<vmem>>
      %dma_wait3A_682 = arith.constant 64 : i32
      %dma_wait3A_683 = tpu.memref_slice %arg7[%add3A_572, %dma_wait3A_682] : memref<28x112xi32, #tpu.memory_space<vmem>> -> memref<1x16xi32, #tpu.memory_space<vmem>>
      %dma_wait3A_684 = tpu.memref_squeeze %dma_wait3A_683 : memref<1x16xi32, #tpu.memory_space<vmem>> -> memref<16xi32, #tpu.memory_space<vmem>>
      %dma_wait3A_685 = arith.constant 0 : i32
      %dma_wait3A_686 = arith.constant 0 : i32
      %dma_wait3A_687 = tpu.memref_slice %arg3[%dma_wait3A_685, %dma_wait3A_686] : memref<30370x64xf32, #tpu.memory_space<hbm>> -> memref<30370x64xf32, #tpu.memory_space<hbm>>
      tpu.wait_indirect_dma semaphore(%arg11 : memref<!tpu.dma_semaphore, #tpu.memory_space<semaphore_mem>>) src(%dma_wait3A_687 : memref<30370x64xf32, #tpu.memory_space<hbm>>) dst(%dma_wait3A_681 : memref<16x64xf32, #tpu.memory_space<vmem>>)
      %dma_wait3A_688 = arith.constant 0 : i32
      %dma_wait3A_689 = arith.constant 80 : i32
      %dma_wait3A_690 = arith.constant 0 : i32
      %dma_wait3A_691 = tpu.memref_slice %arg8[%dma_wait3A_688, %dma_wait3A_689, %dma_wait3A_690] : memref<4x112x64xf32, #tpu.memory_space<vmem>> -> memref<1x16x64xf32, #tpu.memory_space<vmem>>
      %dma_wait3A_692 = tpu.memref_squeeze %dma_wait3A_691 : memref<1x16x64xf32, #tpu.memory_space<vmem>> -> memref<16x64xf32, #tpu.memory_space<vmem>>
      %dma_wait3A_693 = arith.constant 80 : i32
      %dma_wait3A_694 = tpu.memref_slice %arg6[%add3A_572, %dma_wait3A_693] : memref<28x112xi32, #tpu.memory_space<vmem>> -> memref<1x16xi32, #tpu.memory_space<vmem>>
      %dma_wait3A_695 = tpu.memref_squeeze %dma_wait3A_694 : memref<1x16xi32, #tpu.memory_space<vmem>> -> memref<16xi32, #tpu.memory_space<vmem>>
      %dma_wait3A_696 = arith.constant 0 : i32
      %dma_wait3A_697 = arith.constant 0 : i32
      %dma_wait3A_698 = tpu.memref_slice %arg3[%dma_wait3A_696, %dma_wait3A_697] : memref<30370x64xf32, #tpu.memory_space<hbm>> -> memref<30370x64xf32, #tpu.memory_space<hbm>>
      tpu.wait_indirect_dma semaphore(%arg11 : memref<!tpu.dma_semaphore, #tpu.memory_space<semaphore_mem>>) src(%dma_wait3A_698 : memref<30370x64xf32, #tpu.memory_space<hbm>>) dst(%dma_wait3A_692 : memref<16x64xf32, #tpu.memory_space<vmem>>)
      %dma_wait3A_699 = arith.constant 0 : i32
      %dma_wait3A_700 = arith.constant 80 : i32
      %dma_wait3A_701 = arith.constant 0 : i32
      %dma_wait3A_702 = tpu.memref_slice %arg9[%dma_wait3A_699, %dma_wait3A_700, %dma_wait3A_701] : memref<4x112x64xf32, #tpu.memory_space<vmem>> -> memref<1x16x64xf32, #tpu.memory_space<vmem>>
      %dma_wait3A_703 = tpu.memref_squeeze %dma_wait3A_702 : memref<1x16x64xf32, #tpu.memory_space<vmem>> -> memref<16x64xf32, #tpu.memory_space<vmem>>
      %dma_wait3A_704 = arith.constant 80 : i32
      %dma_wait3A_705 = tpu.memref_slice %arg7[%add3A_572, %dma_wait3A_704] : memref<28x112xi32, #tpu.memory_space<vmem>> -> memref<1x16xi32, #tpu.memory_space<vmem>>
      %dma_wait3A_706 = tpu.memref_squeeze %dma_wait3A_705 : memref<1x16xi32, #tpu.memory_space<vmem>> -> memref<16xi32, #tpu.memory_space<vmem>>
      %dma_wait3A_707 = arith.constant 0 : i32
      %dma_wait3A_708 = arith.constant 0 : i32
      %dma_wait3A_709 = tpu.memref_slice %arg3[%dma_wait3A_707, %dma_wait3A_708] : memref<30370x64xf32, #tpu.memory_space<hbm>> -> memref<30370x64xf32, #tpu.memory_space<hbm>>
      tpu.wait_indirect_dma semaphore(%arg11 : memref<!tpu.dma_semaphore, #tpu.memory_space<semaphore_mem>>) src(%dma_wait3A_709 : memref<30370x64xf32, #tpu.memory_space<hbm>>) dst(%dma_wait3A_703 : memref<16x64xf32, #tpu.memory_space<vmem>>)
      %dma_wait3A_710 = arith.constant 0 : i32
      %dma_wait3A_711 = arith.constant 96 : i32
      %dma_wait3A_712 = arith.constant 0 : i32
      %dma_wait3A_713 = tpu.memref_slice %arg8[%dma_wait3A_710, %dma_wait3A_711, %dma_wait3A_712] : memref<4x112x64xf32, #tpu.memory_space<vmem>> -> memref<1x16x64xf32, #tpu.memory_space<vmem>>
      %dma_wait3A_714 = tpu.memref_squeeze %dma_wait3A_713 : memref<1x16x64xf32, #tpu.memory_space<vmem>> -> memref<16x64xf32, #tpu.memory_space<vmem>>
      %dma_wait3A_715 = arith.constant 96 : i32
      %dma_wait3A_716 = tpu.memref_slice %arg6[%add3A_572, %dma_wait3A_715] : memref<28x112xi32, #tpu.memory_space<vmem>> -> memref<1x16xi32, #tpu.memory_space<vmem>>
      %dma_wait3A_717 = tpu.memref_squeeze %dma_wait3A_716 : memref<1x16xi32, #tpu.memory_space<vmem>> -> memref<16xi32, #tpu.memory_space<vmem>>
      %dma_wait3A_718 = arith.constant 0 : i32
      %dma_wait3A_719 = arith.constant 0 : i32
      %dma_wait3A_720 = tpu.memref_slice %arg3[%dma_wait3A_718, %dma_wait3A_719] : memref<30370x64xf32, #tpu.memory_space<hbm>> -> memref<30370x64xf32, #tpu.memory_space<hbm>>
      tpu.wait_indirect_dma semaphore(%arg11 : memref<!tpu.dma_semaphore, #tpu.memory_space<semaphore_mem>>) src(%dma_wait3A_720 : memref<30370x64xf32, #tpu.memory_space<hbm>>) dst(%dma_wait3A_714 : memref<16x64xf32, #tpu.memory_space<vmem>>)
      %dma_wait3A_721 = arith.constant 0 : i32
      %dma_wait3A_722 = arith.constant 96 : i32
      %dma_wait3A_723 = arith.constant 0 : i32
      %dma_wait3A_724 = tpu.memref_slice %arg9[%dma_wait3A_721, %dma_wait3A_722, %dma_wait3A_723] : memref<4x112x64xf32, #tpu.memory_space<vmem>> -> memref<1x16x64xf32, #tpu.memory_space<vmem>>
      %dma_wait3A_725 = tpu.memref_squeeze %dma_wait3A_724 : memref<1x16x64xf32, #tpu.memory_space<vmem>> -> memref<16x64xf32, #tpu.memory_space<vmem>>
      %dma_wait3A_726 = arith.constant 96 : i32
      %dma_wait3A_727 = tpu.memref_slice %arg7[%add3A_572, %dma_wait3A_726] : memref<28x112xi32, #tpu.memory_space<vmem>> -> memref<1x16xi32, #tpu.memory_space<vmem>>
      %dma_wait3A_728 = tpu.memref_squeeze %dma_wait3A_727 : memref<1x16xi32, #tpu.memory_space<vmem>> -> memref<16xi32, #tpu.memory_space<vmem>>
      %dma_wait3A_729 = arith.constant 0 : i32
      %dma_wait3A_730 = arith.constant 0 : i32
      %dma_wait3A_731 = tpu.memref_slice %arg3[%dma_wait3A_729, %dma_wait3A_730] : memref<30370x64xf32, #tpu.memory_space<hbm>> -> memref<30370x64xf32, #tpu.memory_space<hbm>>
      tpu.wait_indirect_dma semaphore(%arg11 : memref<!tpu.dma_semaphore, #tpu.memory_space<semaphore_mem>>) src(%dma_wait3A_731 : memref<30370x64xf32, #tpu.memory_space<hbm>>) dst(%dma_wait3A_725 : memref<16x64xf32, #tpu.memory_space<vmem>>)
      %ge3A = arith.constant 2 : i32
      %ge3A_732 = arith.cmpi sge, %add3A_572, %ge3A : i32
      %convert_element_type3A_733 = arith.extui %ge3A_732 : i1 to i32
      %cond3A_734 = arith.constant 0 : i32
      %cond3A_735 = arith.cmpi ne, %convert_element_type3A_733, %cond3A_734 : i32
      scf.if %cond3A_735 {
        %sub3A_1345 = arith.constant 2 : i32
        %sub3A_1346 = arith.subi %add3A_572, %sub3A_1345 : i32
        %mul3A_1347 = arith.constant 112 : i32
        %mul3A_1348 = arith.muli %sub3A_1346, %mul3A_1347 : i32
        %add3A_1349 = arith.addi %min3A_3, %mul3A_1348 : i32
        %dma_wait3A_1350 = arith.constant 0 : i32
        %dma_wait3A_1351 = arith.constant 0 : i32
        %dma_wait3A_1352 = arith.constant 0 : i32
        %dma_wait3A_1353 = tpu.memref_slice %arg10[%dma_wait3A_1350, %dma_wait3A_1351, %dma_wait3A_1352] : memref<2x112x128xf32, #tpu.memory_space<vmem>> -> memref<1x112x128xf32, #tpu.memory_space<vmem>>
        %dma_wait3A_1354 = tpu.memref_squeeze %dma_wait3A_1353 : memref<1x112x128xf32, #tpu.memory_space<vmem>> -> memref<112x128xf32, #tpu.memory_space<vmem>>
        %dma_wait3A_1355 = arith.constant 0 : i32
        %dma_wait3A_1356 = tpu.memref_slice %arg4[%add3A_1349, %dma_wait3A_1355] : memref<100000x128xf32, #tpu.memory_space<hbm>> -> memref<112x128xf32, #tpu.memory_space<hbm>>
        %dma_wait3A_1357 = arith.constant 0 : i32
        %dma_wait3A_1358 = tpu.memref_slice %arg4[%add3A_1349, %dma_wait3A_1357] : memref<100000x128xf32, #tpu.memory_space<hbm>> -> memref<112x128xf32, #tpu.memory_space<hbm>>
        %dma_wait3A_1359 = arith.constant 0 : i32
        %dma_wait3A_1360 = arith.constant 0 : i32
        %dma_wait3A_1361 = tpu.memref_slice %arg10[%dma_wait3A_1350, %dma_wait3A_1359, %dma_wait3A_1360] : memref<2x112x128xf32, #tpu.memory_space<vmem>> -> memref<1x112x128xf32, #tpu.memory_space<vmem>>
        %dma_wait3A_1362 = tpu.memref_squeeze %dma_wait3A_1361 : memref<1x112x128xf32, #tpu.memory_space<vmem>> -> memref<112x128xf32, #tpu.memory_space<vmem>>
        tpu.wait_dma2 semaphore(%arg15 : memref<!tpu.dma_semaphore, #tpu.memory_space<semaphore_mem>>) src(%dma_wait3A_1362 : memref<112x128xf32, #tpu.memory_space<vmem>>) dst(%dma_wait3A_1358 : memref<112x128xf32, #tpu.memory_space<hbm>>)
      } else {
      }
      %scan3A_736 = arith.constant 0 : i32
      %scan3A_737 = arith.constant 0 : i32
      %scan3A_738 = arith.constant 112 : i32
      %scan3A_739 = arith.addi %scan3A_737, %scan3A_738 : i32
      %scan3A_740 = arith.constant 1 : i32
      %scan3A_741 = scf.for %scan3A_1345 = %scan3A_737 to %scan3A_739 step %scan3A_740 iter_args(%scan3A_1346 = %scan3A_736) -> (i32)  : i32 {
        %get3A = arith.constant 0 : i32
        %get3A_1347 = arith.index_cast %get3A : i32 to index
        %get3A_1348 = arith.index_cast %scan3A_1345 : i32 to index
        %get3A_1349 = arith.constant 0 : index
        %get3A_1350 = tpu.vector_load %arg8[%get3A_1347, %get3A_1348, %get3A_1349] {strides = array<i32>} : memref<4x112x64xf32, #tpu.memory_space<vmem>>, vector<16xf32>,
        %bitcast3A = vector.bitcast %get3A_1350 : vector<16xf32> to vector<16xi32>
        %get3A_1351 = arith.constant 0 : i32
        %get3A_1352 = arith.index_cast %get3A_1351 : i32 to index
        %get3A_1353 = arith.index_cast %scan3A_1345 : i32 to index
        %get3A_1354 = arith.constant 0 : index
        %get3A_1355 = tpu.vector_load %arg9[%get3A_1352, %get3A_1353, %get3A_1354] {strides = array<i32>} : memref<4x112x64xf32, #tpu.memory_space<vmem>>, vector<16xf32>,
        %bitcast3A_1356 = vector.bitcast %get3A_1355 : vector<16xf32> to vector<16xi32>
        %shift_left3A = arith.constant 16 : i32
        %shift_left3A_1357 = vector.broadcast %shift_left3A : i32 to vector<16xi32>
        %shift_left3A_1358 = arith.shli %bitcast3A, %shift_left3A_1357 : vector<16xi32>
        %bitcast3A_1359 = vector.bitcast %shift_left3A_1358 : vector<16xi32> to vector<16xf32>
        %shift_left3A_1360 = arith.constant 16 : i32
        %shift_left3A_1361 = vector.broadcast %shift_left3A_1360 : i32 to vector<16xi32>
        %shift_left3A_1362 = arith.shli %bitcast3A_1356, %shift_left3A_1361 : vector<16xi32>
        %bitcast3A_1363 = vector.bitcast %shift_left3A_1362 : vector<16xi32> to vector<16xf32>
        %add3A_1364 = arith.addf %bitcast3A_1359, %bitcast3A_1363 : vector<16xf32>
        %and3A = arith.constant -65536 : i32
        %and3A_1365 = vector.broadcast %and3A : i32 to vector<16xi32>
        %and3A_1366 = arith.andi %bitcast3A, %and3A_1365 : vector<16xi32>
        %bitcast3A_1367 = vector.bitcast %and3A_1366 : vector<16xi32> to vector<16xf32>
        %and3A_1368 = arith.constant -65536 : i32
        %and3A_1369 = vector.broadcast %and3A_1368 : i32 to vector<16xi32>
        %and3A_1370 = arith.andi %bitcast3A_1356, %and3A_1369 : vector<16xi32>
        %bitcast3A_1371 = vector.bitcast %and3A_1370 : vector<16xi32> to vector<16xf32>
        %add3A_1372 = arith.addf %bitcast3A_1367, %bitcast3A_1371 : vector<16xf32>
        %swap3A = arith.constant 0 : i32
        %swap3A_1373 = arith.index_cast %swap3A : i32 to index
        %swap3A_1374 = arith.index_cast %scan3A_1345 : i32 to index
        %swap3A_1375 = arith.constant 0 : index
        %swap3A_1376 = tpu.vector_load %arg10[%swap3A_1373, %swap3A_1374, %swap3A_1375] {strides = array<i32>} : memref<2x112x128xf32, #tpu.memory_space<vmem>>, vector<16xf32>,
        tpu.vector_store %arg10[%swap3A_1373, %swap3A_1374, %swap3A_1375], %add3A_1364 {strides = array<i32>} : memref<2x112x128xf32, #tpu.memory_space<vmem>>, vector<16xf32>,
        %swap3A_1377 = arith.constant 0 : i32
        %swap3A_1378 = arith.index_cast %swap3A_1377 : i32 to index
        %swap3A_1379 = arith.index_cast %scan3A_1345 : i32 to index
        %swap3A_1380 = arith.constant 64 : index
        %swap3A_1381 = tpu.vector_load %arg10[%swap3A_1378, %swap3A_1379, %swap3A_1380] {strides = array<i32>} : memref<2x112x128xf32, #tpu.memory_space<vmem>>, vector<16xf32>,
        tpu.vector_store %arg10[%swap3A_1378, %swap3A_1379, %swap3A_1380], %add3A_1372 {strides = array<i32>} : memref<2x112x128xf32, #tpu.memory_space<vmem>>, vector<16xf32>,
        %get3A_1382 = arith.constant 0 : i32
        %get3A_1383 = arith.index_cast %get3A_1382 : i32 to index
        %get3A_1384 = arith.index_cast %scan3A_1345 : i32 to index
        %get3A_1385 = arith.constant 16 : index
        %get3A_1386 = tpu.vector_load %arg8[%get3A_1383, %get3A_1384, %get3A_1385] {strides = array<i32>} : memref<4x112x64xf32, #tpu.memory_space<vmem>>, vector<16xf32>,
        %bitcast3A_1387 = vector.bitcast %get3A_1386 : vector<16xf32> to vector<16xi32>
        %get3A_1388 = arith.constant 0 : i32
        %get3A_1389 = arith.index_cast %get3A_1388 : i32 to index
        %get3A_1390 = arith.index_cast %scan3A_1345 : i32 to index
        %get3A_1391 = arith.constant 16 : index
        %get3A_1392 = tpu.vector_load %arg9[%get3A_1389, %get3A_1390, %get3A_1391] {strides = array<i32>} : memref<4x112x64xf32, #tpu.memory_space<vmem>>, vector<16xf32>,
        %bitcast3A_1393 = vector.bitcast %get3A_1392 : vector<16xf32> to vector<16xi32>
        %shift_left3A_1394 = arith.constant 16 : i32
        %shift_left3A_1395 = vector.broadcast %shift_left3A_1394 : i32 to vector<16xi32>
        %shift_left3A_1396 = arith.shli %bitcast3A_1387, %shift_left3A_1395 : vector<16xi32>
        %bitcast3A_1397 = vector.bitcast %shift_left3A_1396 : vector<16xi32> to vector<16xf32>
        %shift_left3A_1398 = arith.constant 16 : i32
        %shift_left3A_1399 = vector.broadcast %shift_left3A_1398 : i32 to vector<16xi32>
        %shift_left3A_1400 = arith.shli %bitcast3A_1393, %shift_left3A_1399 : vector<16xi32>
        %bitcast3A_1401 = vector.bitcast %shift_left3A_1400 : vector<16xi32> to vector<16xf32>
        %add3A_1402 = arith.addf %bitcast3A_1397, %bitcast3A_1401 : vector<16xf32>
        %and3A_1403 = arith.constant -65536 : i32
        %and3A_1404 = vector.broadcast %and3A_1403 : i32 to vector<16xi32>
        %and3A_1405 = arith.andi %bitcast3A_1387, %and3A_1404 : vector<16xi32>
        %bitcast3A_1406 = vector.bitcast %and3A_1405 : vector<16xi32> to vector<16xf32>
        %and3A_1407 = arith.constant -65536 : i32
        %and3A_1408 = vector.broadcast %and3A_1407 : i32 to vector<16xi32>
        %and3A_1409 = arith.andi %bitcast3A_1393, %and3A_1408 : vector<16xi32>
        %bitcast3A_1410 = vector.bitcast %and3A_1409 : vector<16xi32> to vector<16xf32>
        %add3A_1411 = arith.addf %bitcast3A_1406, %bitcast3A_1410 : vector<16xf32>
        %swap3A_1412 = arith.constant 0 : i32
        %swap3A_1413 = arith.index_cast %swap3A_1412 : i32 to index
        %swap3A_1414 = arith.index_cast %scan3A_1345 : i32 to index
        %swap3A_1415 = arith.constant 16 : index
        %swap3A_1416 = tpu.vector_load %arg10[%swap3A_1413, %swap3A_1414, %swap3A_1415] {strides = array<i32>} : memref<2x112x128xf32, #tpu.memory_space<vmem>>, vector<16xf32>,
        tpu.vector_store %arg10[%swap3A_1413, %swap3A_1414, %swap3A_1415], %add3A_1402 {strides = array<i32>} : memref<2x112x128xf32, #tpu.memory_space<vmem>>, vector<16xf32>,
        %swap3A_1417 = arith.constant 0 : i32
        %swap3A_1418 = arith.index_cast %swap3A_1417 : i32 to index
        %swap3A_1419 = arith.index_cast %scan3A_1345 : i32 to index
        %swap3A_1420 = arith.constant 80 : index
        %swap3A_1421 = tpu.vector_load %arg10[%swap3A_1418, %swap3A_1419, %swap3A_1420] {strides = array<i32>} : memref<2x112x128xf32, #tpu.memory_space<vmem>>, vector<16xf32>,
        tpu.vector_store %arg10[%swap3A_1418, %swap3A_1419, %swap3A_1420], %add3A_1411 {strides = array<i32>} : memref<2x112x128xf32, #tpu.memory_space<vmem>>, vector<16xf32>,
        %get3A_1422 = arith.constant 0 : i32
        %get3A_1423 = arith.index_cast %get3A_1422 : i32 to index
        %get3A_1424 = arith.index_cast %scan3A_1345 : i32 to index
        %get3A_1425 = arith.constant 32 : index
        %get3A_1426 = tpu.vector_load %arg8[%get3A_1423, %get3A_1424, %get3A_1425] {strides = array<i32>} : memref<4x112x64xf32, #tpu.memory_space<vmem>>, vector<16xf32>,
        %bitcast3A_1427 = vector.bitcast %get3A_1426 : vector<16xf32> to vector<16xi32>
        %get3A_1428 = arith.constant 0 : i32
        %get3A_1429 = arith.index_cast %get3A_1428 : i32 to index
        %get3A_1430 = arith.index_cast %scan3A_1345 : i32 to index
        %get3A_1431 = arith.constant 32 : index
        %get3A_1432 = tpu.vector_load %arg9[%get3A_1429, %get3A_1430, %get3A_1431] {strides = array<i32>} : memref<4x112x64xf32, #tpu.memory_space<vmem>>, vector<16xf32>,
        %bitcast3A_1433 = vector.bitcast %get3A_1432 : vector<16xf32> to vector<16xi32>
        %shift_left3A_1434 = arith.constant 16 : i32
        %shift_left3A_1435 = vector.broadcast %shift_left3A_1434 : i32 to vector<16xi32>
        %shift_left3A_1436 = arith.shli %bitcast3A_1427, %shift_left3A_1435 : vector<16xi32>
        %bitcast3A_1437 = vector.bitcast %shift_left3A_1436 : vector<16xi32> to vector<16xf32>
        %shift_left3A_1438 = arith.constant 16 : i32
        %shift_left3A_1439 = vector.broadcast %shift_left3A_1438 : i32 to vector<16xi32>
        %shift_left3A_1440 = arith.shli %bitcast3A_1433, %shift_left3A_1439 : vector<16xi32>
        %bitcast3A_1441 = vector.bitcast %shift_left3A_1440 : vector<16xi32> to vector<16xf32>
        %add3A_1442 = arith.addf %bitcast3A_1437, %bitcast3A_1441 : vector<16xf32>
        %and3A_1443 = arith.constant -65536 : i32
        %and3A_1444 = vector.broadcast %and3A_1443 : i32 to vector<16xi32>
        %and3A_1445 = arith.andi %bitcast3A_1427, %and3A_1444 : vector<16xi32>
        %bitcast3A_1446 = vector.bitcast %and3A_1445 : vector<16xi32> to vector<16xf32>
        %and3A_1447 = arith.constant -65536 : i32
        %and3A_1448 = vector.broadcast %and3A_1447 : i32 to vector<16xi32>
        %and3A_1449 = arith.andi %bitcast3A_1433, %and3A_1448 : vector<16xi32>
        %bitcast3A_1450 = vector.bitcast %and3A_1449 : vector<16xi32> to vector<16xf32>
        %add3A_1451 = arith.addf %bitcast3A_1446, %bitcast3A_1450 : vector<16xf32>
        %swap3A_1452 = arith.constant 0 : i32
        %swap3A_1453 = arith.index_cast %swap3A_1452 : i32 to index
        %swap3A_1454 = arith.index_cast %scan3A_1345 : i32 to index
        %swap3A_1455 = arith.constant 32 : index
        %swap3A_1456 = tpu.vector_load %arg10[%swap3A_1453, %swap3A_1454, %swap3A_1455] {strides = array<i32>} : memref<2x112x128xf32, #tpu.memory_space<vmem>>, vector<16xf32>,
        tpu.vector_store %arg10[%swap3A_1453, %swap3A_1454, %swap3A_1455], %add3A_1442 {strides = array<i32>} : memref<2x112x128xf32, #tpu.memory_space<vmem>>, vector<16xf32>,
        %swap3A_1457 = arith.constant 0 : i32
        %swap3A_1458 = arith.index_cast %swap3A_1457 : i32 to index
        %swap3A_1459 = arith.index_cast %scan3A_1345 : i32 to index
        %swap3A_1460 = arith.constant 96 : index
        %swap3A_1461 = tpu.vector_load %arg10[%swap3A_1458, %swap3A_1459, %swap3A_1460] {strides = array<i32>} : memref<2x112x128xf32, #tpu.memory_space<vmem>>, vector<16xf32>,
        tpu.vector_store %arg10[%swap3A_1458, %swap3A_1459, %swap3A_1460], %add3A_1451 {strides = array<i32>} : memref<2x112x128xf32, #tpu.memory_space<vmem>>, vector<16xf32>,
        %get3A_1462 = arith.constant 0 : i32
        %get3A_1463 = arith.index_cast %get3A_1462 : i32 to index
        %get3A_1464 = arith.index_cast %scan3A_1345 : i32 to index
        %get3A_1465 = arith.constant 48 : index
        %get3A_1466 = tpu.vector_load %arg8[%get3A_1463, %get3A_1464, %get3A_1465] {strides = array<i32>} : memref<4x112x64xf32, #tpu.memory_space<vmem>>, vector<16xf32>,
        %bitcast3A_1467 = vector.bitcast %get3A_1466 : vector<16xf32> to vector<16xi32>
        %get3A_1468 = arith.constant 0 : i32
        %get3A_1469 = arith.index_cast %get3A_1468 : i32 to index
        %get3A_1470 = arith.index_cast %scan3A_1345 : i32 to index
        %get3A_1471 = arith.constant 48 : index
        %get3A_1472 = tpu.vector_load %arg9[%get3A_1469, %get3A_1470, %get3A_1471] {strides = array<i32>} : memref<4x112x64xf32, #tpu.memory_space<vmem>>, vector<16xf32>,
        %bitcast3A_1473 = vector.bitcast %get3A_1472 : vector<16xf32> to vector<16xi32>
        %shift_left3A_1474 = arith.constant 16 : i32
        %shift_left3A_1475 = vector.broadcast %shift_left3A_1474 : i32 to vector<16xi32>
        %shift_left3A_1476 = arith.shli %bitcast3A_1467, %shift_left3A_1475 : vector<16xi32>
        %bitcast3A_1477 = vector.bitcast %shift_left3A_1476 : vector<16xi32> to vector<16xf32>
        %shift_left3A_1478 = arith.constant 16 : i32
        %shift_left3A_1479 = vector.broadcast %shift_left3A_1478 : i32 to vector<16xi32>
        %shift_left3A_1480 = arith.shli %bitcast3A_1473, %shift_left3A_1479 : vector<16xi32>
        %bitcast3A_1481 = vector.bitcast %shift_left3A_1480 : vector<16xi32> to vector<16xf32>
        %add3A_1482 = arith.addf %bitcast3A_1477, %bitcast3A_1481 : vector<16xf32>
        %and3A_1483 = arith.constant -65536 : i32
        %and3A_1484 = vector.broadcast %and3A_1483 : i32 to vector<16xi32>
        %and3A_1485 = arith.andi %bitcast3A_1467, %and3A_1484 : vector<16xi32>
        %bitcast3A_1486 = vector.bitcast %and3A_1485 : vector<16xi32> to vector<16xf32>
        %and3A_1487 = arith.constant -65536 : i32
        %and3A_1488 = vector.broadcast %and3A_1487 : i32 to vector<16xi32>
        %and3A_1489 = arith.andi %bitcast3A_1473, %and3A_1488 : vector<16xi32>
        %bitcast3A_1490 = vector.bitcast %and3A_1489 : vector<16xi32> to vector<16xf32>
        %add3A_1491 = arith.addf %bitcast3A_1486, %bitcast3A_1490 : vector<16xf32>
        %swap3A_1492 = arith.constant 0 : i32
        %swap3A_1493 = arith.index_cast %swap3A_1492 : i32 to index
        %swap3A_1494 = arith.index_cast %scan3A_1345 : i32 to index
        %swap3A_1495 = arith.constant 48 : index
        %swap3A_1496 = tpu.vector_load %arg10[%swap3A_1493, %swap3A_1494, %swap3A_1495] {strides = array<i32>} : memref<2x112x128xf32, #tpu.memory_space<vmem>>, vector<16xf32>,
        tpu.vector_store %arg10[%swap3A_1493, %swap3A_1494, %swap3A_1495], %add3A_1482 {strides = array<i32>} : memref<2x112x128xf32, #tpu.memory_space<vmem>>, vector<16xf32>,
        %swap3A_1497 = arith.constant 0 : i32
        %swap3A_1498 = arith.index_cast %swap3A_1497 : i32 to index
        %swap3A_1499 = arith.index_cast %scan3A_1345 : i32 to index
        %swap3A_1500 = arith.constant 112 : index
        %swap3A_1501 = tpu.vector_load %arg10[%swap3A_1498, %swap3A_1499, %swap3A_1500] {strides = array<i32>} : memref<2x112x128xf32, #tpu.memory_space<vmem>>, vector<16xf32>,
        tpu.vector_store %arg10[%swap3A_1498, %swap3A_1499, %swap3A_1500], %add3A_1491 {strides = array<i32>} : memref<2x112x128xf32, #tpu.memory_space<vmem>>, vector<16xf32>,
        %scan3A_1502 = arith.constant 0 : i32
        scf.yield %scan3A_1502 : i32
      }
      %scan3A_742 = arith.constant 112 : i32
      %mul3A_743 = arith.constant 112 : i32
      %mul3A_744 = arith.muli %add3A_572, %mul3A_743 : i32
      %add3A_745 = arith.addi %min3A_3, %mul3A_744 : i32
      %dma_start3A_746 = arith.constant 0 : i32
      %dma_start3A_747 = arith.constant 0 : i32
      %dma_start3A_748 = arith.constant 0 : i32
      %dma_start3A_749 = tpu.memref_slice %arg10[%dma_start3A_746, %dma_start3A_747, %dma_start3A_748] : memref<2x112x128xf32, #tpu.memory_space<vmem>> -> memref<1x112x128xf32, #tpu.memory_space<vmem>>
      %dma_start3A_750 = tpu.memref_squeeze %dma_start3A_749 : memref<1x112x128xf32, #tpu.memory_space<vmem>> -> memref<112x128xf32, #tpu.memory_space<vmem>>
      %dma_start3A_751 = arith.constant 0 : i32
      %dma_start3A_752 = tpu.memref_slice %arg4[%add3A_745, %dma_start3A_751] : memref<100000x128xf32, #tpu.memory_space<hbm>> -> memref<112x128xf32, #tpu.memory_space<hbm>>
      %dma_start3A_753 = arith.constant 0 : i32
      %dma_start3A_754 = tpu.memref_slice %arg4[%add3A_745, %dma_start3A_753] : memref<100000x128xf32, #tpu.memory_space<hbm>> -> memref<112x128xf32, #tpu.memory_space<hbm>>
      %dma_start3A_755 = arith.constant 0 : i32
      %dma_start3A_756 = arith.constant 0 : i32
      %dma_start3A_757 = tpu.memref_slice %arg10[%dma_start3A_746, %dma_start3A_755, %dma_start3A_756] : memref<2x112x128xf32, #tpu.memory_space<vmem>> -> memref<1x112x128xf32, #tpu.memory_space<vmem>>
      %dma_start3A_758 = tpu.memref_squeeze %dma_start3A_757 : memref<1x112x128xf32, #tpu.memory_space<vmem>> -> memref<112x128xf32, #tpu.memory_space<vmem>>
      tpu.enqueue_dma source(%dma_start3A_758 : memref<112x128xf32, #tpu.memory_space<vmem>>) target(%dma_start3A_754 : memref<112x128xf32, #tpu.memory_space<hbm>>) target_semaphore(%arg15 : memref<!tpu.dma_semaphore, #tpu.memory_space<semaphore_mem>>)
      %mul3A_759 = arith.constant 4 : i32
      %mul3A_760 = arith.muli %scan3A_567, %mul3A_759 : i32
      %add3A_761 = arith.constant 1 : i32
      %add3A_762 = arith.addi %mul3A_760, %add3A_761 : i32
      %add3A_763 = arith.constant 4 : i32
      %add3A_764 = arith.addi %add3A_762, %add3A_763 : i32
      %sub3A_765 = arith.constant 1 : i32
      %sub3A_766 = arith.subi %add3A_764, %sub3A_765 : i32
      %lt3A_767 = arith.constant 28 : i32
      %lt3A_768 = arith.cmpi slt, %sub3A_766, %lt3A_767 : i32
      %convert_element_type3A_769 = arith.extui %lt3A_768 : i1 to i32
      %cond3A_770 = arith.constant 0 : i32
      %cond3A_771 = arith.cmpi ne, %convert_element_type3A_769, %cond3A_770 : i32
      scf.if %cond3A_771 {
        %add3A_1345 = arith.constant 4 : i32
        %add3A_1346 = arith.addi %add3A_762, %add3A_1345 : i32
        %sub3A_1347 = arith.constant 1 : i32
        %sub3A_1348 = arith.subi %add3A_1346, %sub3A_1347 : i32
        %dma_start3A_1349 = arith.constant 0 : i32
        %dma_start3A_1350 = arith.constant 0 : i32
        %dma_start3A_1351 = arith.constant 0 : i32
        %dma_start3A_1352 = tpu.memref_slice %arg8[%dma_start3A_1349, %dma_start3A_1350, %dma_start3A_1351] : memref<4x112x64xf32, #tpu.memory_space<vmem>> -> memref<1x16x64xf32, #tpu.memory_space<vmem>>
        %dma_start3A_1353 = tpu.memref_squeeze %dma_start3A_1352 : memref<1x16x64xf32, #tpu.memory_space<vmem>> -> memref<16x64xf32, #tpu.memory_space<vmem>>
        %dma_start3A_1354 = arith.constant 0 : i32
        %dma_start3A_1355 = tpu.memref_slice %arg6[%sub3A_1348, %dma_start3A_1354] : memref<28x112xi32, #tpu.memory_space<vmem>> -> memref<1x16xi32, #tpu.memory_space<vmem>>
        %dma_start3A_1356 = tpu.memref_squeeze %dma_start3A_1355 : memref<1x16xi32, #tpu.memory_space<vmem>> -> memref<16xi32, #tpu.memory_space<vmem>>
        %dma_start3A_1357 = arith.constant 0 : i32
        %dma_start3A_1358 = arith.constant 0 : i32
        %dma_start3A_1359 = tpu.memref_slice %arg3[%dma_start3A_1357, %dma_start3A_1358] : memref<30370x64xf32, #tpu.memory_space<hbm>> -> memref<30370x64xf32, #tpu.memory_space<hbm>>
        tpu.enqueue_indirect_dma source(%dma_start3A_1359 : memref<30370x64xf32, #tpu.memory_space<hbm>>) target(%dma_start3A_1353 : memref<16x64xf32, #tpu.memory_space<vmem>>) offsets(%dma_start3A_1356 : memref<16xi32, #tpu.memory_space<vmem>>) semaphore(%arg11 : memref<!tpu.dma_semaphore, #tpu.memory_space<semaphore_mem>>)
        %dma_start3A_1360 = arith.constant 0 : i32
        %dma_start3A_1361 = arith.constant 0 : i32
        %dma_start3A_1362 = arith.constant 0 : i32
        %dma_start3A_1363 = tpu.memref_slice %arg9[%dma_start3A_1360, %dma_start3A_1361, %dma_start3A_1362] : memref<4x112x64xf32, #tpu.memory_space<vmem>> -> memref<1x16x64xf32, #tpu.memory_space<vmem>>
        %dma_start3A_1364 = tpu.memref_squeeze %dma_start3A_1363 : memref<1x16x64xf32, #tpu.memory_space<vmem>> -> memref<16x64xf32, #tpu.memory_space<vmem>>
        %dma_start3A_1365 = arith.constant 0 : i32
        %dma_start3A_1366 = tpu.memref_slice %arg7[%sub3A_1348, %dma_start3A_1365] : memref<28x112xi32, #tpu.memory_space<vmem>> -> memref<1x16xi32, #tpu.memory_space<vmem>>
        %dma_start3A_1367 = tpu.memref_squeeze %dma_start3A_1366 : memref<1x16xi32, #tpu.memory_space<vmem>> -> memref<16xi32, #tpu.memory_space<vmem>>
        %dma_start3A_1368 = arith.constant 0 : i32
        %dma_start3A_1369 = arith.constant 0 : i32
        %dma_start3A_1370 = tpu.memref_slice %arg3[%dma_start3A_1368, %dma_start3A_1369] : memref<30370x64xf32, #tpu.memory_space<hbm>> -> memref<30370x64xf32, #tpu.memory_space<hbm>>
        tpu.enqueue_indirect_dma source(%dma_start3A_1370 : memref<30370x64xf32, #tpu.memory_space<hbm>>) target(%dma_start3A_1364 : memref<16x64xf32, #tpu.memory_space<vmem>>) offsets(%dma_start3A_1367 : memref<16xi32, #tpu.memory_space<vmem>>) semaphore(%arg11 : memref<!tpu.dma_semaphore, #tpu.memory_space<semaphore_mem>>)
        %dma_start3A_1371 = arith.constant 0 : i32
        %dma_start3A_1372 = arith.constant 16 : i32
        %dma_start3A_1373 = arith.constant 0 : i32
        %dma_start3A_1374 = tpu.memref_slice %arg8[%dma_start3A_1371, %dma_start3A_1372, %dma_start3A_1373] : memref<4x112x64xf32, #tpu.memory_space<vmem>> -> memref<1x16x64xf32, #tpu.memory_space<vmem>>
        %dma_start3A_1375 = tpu.memref_squeeze %dma_start3A_1374 : memref<1x16x64xf32, #tpu.memory_space<vmem>> -> memref<16x64xf32, #tpu.memory_space<vmem>>
        %dma_start3A_1376 = arith.constant 16 : i32
        %dma_start3A_1377 = tpu.memref_slice %arg6[%sub3A_1348, %dma_start3A_1376] : memref<28x112xi32, #tpu.memory_space<vmem>> -> memref<1x16xi32, #tpu.memory_space<vmem>>
        %dma_start3A_1378 = tpu.memref_squeeze %dma_start3A_1377 : memref<1x16xi32, #tpu.memory_space<vmem>> -> memref<16xi32, #tpu.memory_space<vmem>>
        %dma_start3A_1379 = arith.constant 0 : i32
        %dma_start3A_1380 = arith.constant 0 : i32
        %dma_start3A_1381 = tpu.memref_slice %arg3[%dma_start3A_1379, %dma_start3A_1380] : memref<30370x64xf32, #tpu.memory_space<hbm>> -> memref<30370x64xf32, #tpu.memory_space<hbm>>
        tpu.enqueue_indirect_dma source(%dma_start3A_1381 : memref<30370x64xf32, #tpu.memory_space<hbm>>) target(%dma_start3A_1375 : memref<16x64xf32, #tpu.memory_space<vmem>>) offsets(%dma_start3A_1378 : memref<16xi32, #tpu.memory_space<vmem>>) semaphore(%arg11 : memref<!tpu.dma_semaphore, #tpu.memory_space<semaphore_mem>>)
        %dma_start3A_1382 = arith.constant 0 : i32
        %dma_start3A_1383 = arith.constant 16 : i32
        %dma_start3A_1384 = arith.constant 0 : i32
        %dma_start3A_1385 = tpu.memref_slice %arg9[%dma_start3A_1382, %dma_start3A_1383, %dma_start3A_1384] : memref<4x112x64xf32, #tpu.memory_space<vmem>> -> memref<1x16x64xf32, #tpu.memory_space<vmem>>
        %dma_start3A_1386 = tpu.memref_squeeze %dma_start3A_1385 : memref<1x16x64xf32, #tpu.memory_space<vmem>> -> memref<16x64xf32, #tpu.memory_space<vmem>>
        %dma_start3A_1387 = arith.constant 16 : i32
        %dma_start3A_1388 = tpu.memref_slice %arg7[%sub3A_1348, %dma_start3A_1387] : memref<28x112xi32, #tpu.memory_space<vmem>> -> memref<1x16xi32, #tpu.memory_space<vmem>>
        %dma_start3A_1389 = tpu.memref_squeeze %dma_start3A_1388 : memref<1x16xi32, #tpu.memory_space<vmem>> -> memref<16xi32, #tpu.memory_space<vmem>>
        %dma_start3A_1390 = arith.constant 0 : i32
        %dma_start3A_1391 = arith.constant 0 : i32
        %dma_start3A_1392 = tpu.memref_slice %arg3[%dma_start3A_1390, %dma_start3A_1391] : memref<30370x64xf32, #tpu.memory_space<hbm>> -> memref<30370x64xf32, #tpu.memory_space<hbm>>
        tpu.enqueue_indirect_dma source(%dma_start3A_1392 : memref<30370x64xf32, #tpu.memory_space<hbm>>) target(%dma_start3A_1386 : memref<16x64xf32, #tpu.memory_space<vmem>>) offsets(%dma_start3A_1389 : memref<16xi32, #tpu.memory_space<vmem>>) semaphore(%arg11 : memref<!tpu.dma_semaphore, #tpu.memory_space<semaphore_mem>>)
        %dma_start3A_1393 = arith.constant 0 : i32
        %dma_start3A_1394 = arith.constant 32 : i32
        %dma_start3A_1395 = arith.constant 0 : i32
        %dma_start3A_1396 = tpu.memref_slice %arg8[%dma_start3A_1393, %dma_start3A_1394, %dma_start3A_1395] : memref<4x112x64xf32, #tpu.memory_space<vmem>> -> memref<1x16x64xf32, #tpu.memory_space<vmem>>
        %dma_start3A_1397 = tpu.memref_squeeze %dma_start3A_1396 : memref<1x16x64xf32, #tpu.memory_space<vmem>> -> memref<16x64xf32, #tpu.memory_space<vmem>>
        %dma_start3A_1398 = arith.constant 32 : i32
        %dma_start3A_1399 = tpu.memref_slice %arg6[%sub3A_1348, %dma_start3A_1398] : memref<28x112xi32, #tpu.memory_space<vmem>> -> memref<1x16xi32, #tpu.memory_space<vmem>>
        %dma_start3A_1400 = tpu.memref_squeeze %dma_start3A_1399 : memref<1x16xi32, #tpu.memory_space<vmem>> -> memref<16xi32, #tpu.memory_space<vmem>>
        %dma_start3A_1401 = arith.constant 0 : i32
        %dma_start3A_1402 = arith.constant 0 : i32
        %dma_start3A_1403 = tpu.memref_slice %arg3[%dma_start3A_1401, %dma_start3A_1402] : memref<30370x64xf32, #tpu.memory_space<hbm>> -> memref<30370x64xf32, #tpu.memory_space<hbm>>
        tpu.enqueue_indirect_dma source(%dma_start3A_1403 : memref<30370x64xf32, #tpu.memory_space<hbm>>) target(%dma_start3A_1397 : memref<16x64xf32, #tpu.memory_space<vmem>>) offsets(%dma_start3A_1400 : memref<16xi32, #tpu.memory_space<vmem>>) semaphore(%arg11 : memref<!tpu.dma_semaphore, #tpu.memory_space<semaphore_mem>>)
        %dma_start3A_1404 = arith.constant 0 : i32
        %dma_start3A_1405 = arith.constant 32 : i32
        %dma_start3A_1406 = arith.constant 0 : i32
        %dma_start3A_1407 = tpu.memref_slice %arg9[%dma_start3A_1404, %dma_start3A_1405, %dma_start3A_1406] : memref<4x112x64xf32, #tpu.memory_space<vmem>> -> memref<1x16x64xf32, #tpu.memory_space<vmem>>
        %dma_start3A_1408 = tpu.memref_squeeze %dma_start3A_1407 : memref<1x16x64xf32, #tpu.memory_space<vmem>> -> memref<16x64xf32, #tpu.memory_space<vmem>>
        %dma_start3A_1409 = arith.constant 32 : i32
        %dma_start3A_1410 = tpu.memref_slice %arg7[%sub3A_1348, %dma_start3A_1409] : memref<28x112xi32, #tpu.memory_space<vmem>> -> memref<1x16xi32, #tpu.memory_space<vmem>>
        %dma_start3A_1411 = tpu.memref_squeeze %dma_start3A_1410 : memref<1x16xi32, #tpu.memory_space<vmem>> -> memref<16xi32, #tpu.memory_space<vmem>>
        %dma_start3A_1412 = arith.constant 0 : i32
        %dma_start3A_1413 = arith.constant 0 : i32
        %dma_start3A_1414 = tpu.memref_slice %arg3[%dma_start3A_1412, %dma_start3A_1413] : memref<30370x64xf32, #tpu.memory_space<hbm>> -> memref<30370x64xf32, #tpu.memory_space<hbm>>
        tpu.enqueue_indirect_dma source(%dma_start3A_1414 : memref<30370x64xf32, #tpu.memory_space<hbm>>) target(%dma_start3A_1408 : memref<16x64xf32, #tpu.memory_space<vmem>>) offsets(%dma_start3A_1411 : memref<16xi32, #tpu.memory_space<vmem>>) semaphore(%arg11 : memref<!tpu.dma_semaphore, #tpu.memory_space<semaphore_mem>>)
        %dma_start3A_1415 = arith.constant 0 : i32
        %dma_start3A_1416 = arith.constant 48 : i32
        %dma_start3A_1417 = arith.constant 0 : i32
        %dma_start3A_1418 = tpu.memref_slice %arg8[%dma_start3A_1415, %dma_start3A_1416, %dma_start3A_1417] : memref<4x112x64xf32, #tpu.memory_space<vmem>> -> memref<1x16x64xf32, #tpu.memory_space<vmem>>
        %dma_start3A_1419 = tpu.memref_squeeze %dma_start3A_1418 : memref<1x16x64xf32, #tpu.memory_space<vmem>> -> memref<16x64xf32, #tpu.memory_space<vmem>>
        %dma_start3A_1420 = arith.constant 48 : i32
        %dma_start3A_1421 = tpu.memref_slice %arg6[%sub3A_1348, %dma_start3A_1420] : memref<28x112xi32, #tpu.memory_space<vmem>> -> memref<1x16xi32, #tpu.memory_space<vmem>>
        %dma_start3A_1422 = tpu.memref_squeeze %dma_start3A_1421 : memref<1x16xi32, #tpu.memory_space<vmem>> -> memref<16xi32, #tpu.memory_space<vmem>>
        %dma_start3A_1423 = arith.constant 0 : i32
        %dma_start3A_1424 = arith.constant 0 : i32
        %dma_start3A_1425 = tpu.memref_slice %arg3[%dma_start3A_1423, %dma_start3A_1424] : memref<30370x64xf32, #tpu.memory_space<hbm>> -> memref<30370x64xf32, #tpu.memory_space<hbm>>
        tpu.enqueue_indirect_dma source(%dma_start3A_1425 : memref<30370x64xf32, #tpu.memory_space<hbm>>) target(%dma_start3A_1419 : memref<16x64xf32, #tpu.memory_space<vmem>>) offsets(%dma_start3A_1422 : memref<16xi32, #tpu.memory_space<vmem>>) semaphore(%arg11 : memref<!tpu.dma_semaphore, #tpu.memory_space<semaphore_mem>>)
        %dma_start3A_1426 = arith.constant 0 : i32
        %dma_start3A_1427 = arith.constant 48 : i32
        %dma_start3A_1428 = arith.constant 0 : i32
        %dma_start3A_1429 = tpu.memref_slice %arg9[%dma_start3A_1426, %dma_start3A_1427, %dma_start3A_1428] : memref<4x112x64xf32, #tpu.memory_space<vmem>> -> memref<1x16x64xf32, #tpu.memory_space<vmem>>
        %dma_start3A_1430 = tpu.memref_squeeze %dma_start3A_1429 : memref<1x16x64xf32, #tpu.memory_space<vmem>> -> memref<16x64xf32, #tpu.memory_space<vmem>>
        %dma_start3A_1431 = arith.constant 48 : i32
        %dma_start3A_1432 = tpu.memref_slice %arg7[%sub3A_1348, %dma_start3A_1431] : memref<28x112xi32, #tpu.memory_space<vmem>> -> memref<1x16xi32, #tpu.memory_space<vmem>>
        %dma_start3A_1433 = tpu.memref_squeeze %dma_start3A_1432 : memref<1x16xi32, #tpu.memory_space<vmem>> -> memref<16xi32, #tpu.memory_space<vmem>>
        %dma_start3A_1434 = arith.constant 0 : i32
        %dma_start3A_1435 = arith.constant 0 : i32
        %dma_start3A_1436 = tpu.memref_slice %arg3[%dma_start3A_1434, %dma_start3A_1435] : memref<30370x64xf32, #tpu.memory_space<hbm>> -> memref<30370x64xf32, #tpu.memory_space<hbm>>
        tpu.enqueue_indirect_dma source(%dma_start3A_1436 : memref<30370x64xf32, #tpu.memory_space<hbm>>) target(%dma_start3A_1430 : memref<16x64xf32, #tpu.memory_space<vmem>>) offsets(%dma_start3A_1433 : memref<16xi32, #tpu.memory_space<vmem>>) semaphore(%arg11 : memref<!tpu.dma_semaphore, #tpu.memory_space<semaphore_mem>>)
        %dma_start3A_1437 = arith.constant 0 : i32
        %dma_start3A_1438 = arith.constant 64 : i32
        %dma_start3A_1439 = arith.constant 0 : i32
        %dma_start3A_1440 = tpu.memref_slice %arg8[%dma_start3A_1437, %dma_start3A_1438, %dma_start3A_1439] : memref<4x112x64xf32, #tpu.memory_space<vmem>> -> memref<1x16x64xf32, #tpu.memory_space<vmem>>
        %dma_start3A_1441 = tpu.memref_squeeze %dma_start3A_1440 : memref<1x16x64xf32, #tpu.memory_space<vmem>> -> memref<16x64xf32, #tpu.memory_space<vmem>>
        %dma_start3A_1442 = arith.constant 64 : i32
        %dma_start3A_1443 = tpu.memref_slice %arg6[%sub3A_1348, %dma_start3A_1442] : memref<28x112xi32, #tpu.memory_space<vmem>> -> memref<1x16xi32, #tpu.memory_space<vmem>>
        %dma_start3A_1444 = tpu.memref_squeeze %dma_start3A_1443 : memref<1x16xi32, #tpu.memory_space<vmem>> -> memref<16xi32, #tpu.memory_space<vmem>>
        %dma_start3A_1445 = arith.constant 0 : i32
        %dma_start3A_1446 = arith.constant 0 : i32
        %dma_start3A_1447 = tpu.memref_slice %arg3[%dma_start3A_1445, %dma_start3A_1446] : memref<30370x64xf32, #tpu.memory_space<hbm>> -> memref<30370x64xf32, #tpu.memory_space<hbm>>
        tpu.enqueue_indirect_dma source(%dma_start3A_1447 : memref<30370x64xf32, #tpu.memory_space<hbm>>) target(%dma_start3A_1441 : memref<16x64xf32, #tpu.memory_space<vmem>>) offsets(%dma_start3A_1444 : memref<16xi32, #tpu.memory_space<vmem>>) semaphore(%arg11 : memref<!tpu.dma_semaphore, #tpu.memory_space<semaphore_mem>>)
        %dma_start3A_1448 = arith.constant 0 : i32
        %dma_start3A_1449 = arith.constant 64 : i32
        %dma_start3A_1450 = arith.constant 0 : i32
        %dma_start3A_1451 = tpu.memref_slice %arg9[%dma_start3A_1448, %dma_start3A_1449, %dma_start3A_1450] : memref<4x112x64xf32, #tpu.memory_space<vmem>> -> memref<1x16x64xf32, #tpu.memory_space<vmem>>
        %dma_start3A_1452 = tpu.memref_squeeze %dma_start3A_1451 : memref<1x16x64xf32, #tpu.memory_space<vmem>> -> memref<16x64xf32, #tpu.memory_space<vmem>>
        %dma_start3A_1453 = arith.constant 64 : i32
        %dma_start3A_1454 = tpu.memref_slice %arg7[%sub3A_1348, %dma_start3A_1453] : memref<28x112xi32, #tpu.memory_space<vmem>> -> memref<1x16xi32, #tpu.memory_space<vmem>>
        %dma_start3A_1455 = tpu.memref_squeeze %dma_start3A_1454 : memref<1x16xi32, #tpu.memory_space<vmem>> -> memref<16xi32, #tpu.memory_space<vmem>>
        %dma_start3A_1456 = arith.constant 0 : i32
        %dma_start3A_1457 = arith.constant 0 : i32
        %dma_start3A_1458 = tpu.memref_slice %arg3[%dma_start3A_1456, %dma_start3A_1457] : memref<30370x64xf32, #tpu.memory_space<hbm>> -> memref<30370x64xf32, #tpu.memory_space<hbm>>
        tpu.enqueue_indirect_dma source(%dma_start3A_1458 : memref<30370x64xf32, #tpu.memory_space<hbm>>) target(%dma_start3A_1452 : memref<16x64xf32, #tpu.memory_space<vmem>>) offsets(%dma_start3A_1455 : memref<16xi32, #tpu.memory_space<vmem>>) semaphore(%arg11 : memref<!tpu.dma_semaphore, #tpu.memory_space<semaphore_mem>>)
        %dma_start3A_1459 = arith.constant 0 : i32
        %dma_start3A_1460 = arith.constant 80 : i32
        %dma_start3A_1461 = arith.constant 0 : i32
        %dma_start3A_1462 = tpu.memref_slice %arg8[%dma_start3A_1459, %dma_start3A_1460, %dma_start3A_1461] : memref<4x112x64xf32, #tpu.memory_space<vmem>> -> memref<1x16x64xf32, #tpu.memory_space<vmem>>
        %dma_start3A_1463 = tpu.memref_squeeze %dma_start3A_1462 : memref<1x16x64xf32, #tpu.memory_space<vmem>> -> memref<16x64xf32, #tpu.memory_space<vmem>>
        %dma_start3A_1464 = arith.constant 80 : i32
        %dma_start3A_1465 = tpu.memref_slice %arg6[%sub3A_1348, %dma_start3A_1464] : memref<28x112xi32, #tpu.memory_space<vmem>> -> memref<1x16xi32, #tpu.memory_space<vmem>>
        %dma_start3A_1466 = tpu.memref_squeeze %dma_start3A_1465 : memref<1x16xi32, #tpu.memory_space<vmem>> -> memref<16xi32, #tpu.memory_space<vmem>>
        %dma_start3A_1467 = arith.constant 0 : i32
        %dma_start3A_1468 = arith.constant 0 : i32
        %dma_start3A_1469 = tpu.memref_slice %arg3[%dma_start3A_1467, %dma_start3A_1468] : memref<30370x64xf32, #tpu.memory_space<hbm>> -> memref<30370x64xf32, #tpu.memory_space<hbm>>
        tpu.enqueue_indirect_dma source(%dma_start3A_1469 : memref<30370x64xf32, #tpu.memory_space<hbm>>) target(%dma_start3A_1463 : memref<16x64xf32, #tpu.memory_space<vmem>>) offsets(%dma_start3A_1466 : memref<16xi32, #tpu.memory_space<vmem>>) semaphore(%arg11 : memref<!tpu.dma_semaphore, #tpu.memory_space<semaphore_mem>>)
        %dma_start3A_1470 = arith.constant 0 : i32
        %dma_start3A_1471 = arith.constant 80 : i32
        %dma_start3A_1472 = arith.constant 0 : i32
        %dma_start3A_1473 = tpu.memref_slice %arg9[%dma_start3A_1470, %dma_start3A_1471, %dma_start3A_1472] : memref<4x112x64xf32, #tpu.memory_space<vmem>> -> memref<1x16x64xf32, #tpu.memory_space<vmem>>
        %dma_start3A_1474 = tpu.memref_squeeze %dma_start3A_1473 : memref<1x16x64xf32, #tpu.memory_space<vmem>> -> memref<16x64xf32, #tpu.memory_space<vmem>>
        %dma_start3A_1475 = arith.constant 80 : i32
        %dma_start3A_1476 = tpu.memref_slice %arg7[%sub3A_1348, %dma_start3A_1475] : memref<28x112xi32, #tpu.memory_space<vmem>> -> memref<1x16xi32, #tpu.memory_space<vmem>>
        %dma_start3A_1477 = tpu.memref_squeeze %dma_start3A_1476 : memref<1x16xi32, #tpu.memory_space<vmem>> -> memref<16xi32, #tpu.memory_space<vmem>>
        %dma_start3A_1478 = arith.constant 0 : i32
        %dma_start3A_1479 = arith.constant 0 : i32
        %dma_start3A_1480 = tpu.memref_slice %arg3[%dma_start3A_1478, %dma_start3A_1479] : memref<30370x64xf32, #tpu.memory_space<hbm>> -> memref<30370x64xf32, #tpu.memory_space<hbm>>
        tpu.enqueue_indirect_dma source(%dma_start3A_1480 : memref<30370x64xf32, #tpu.memory_space<hbm>>) target(%dma_start3A_1474 : memref<16x64xf32, #tpu.memory_space<vmem>>) offsets(%dma_start3A_1477 : memref<16xi32, #tpu.memory_space<vmem>>) semaphore(%arg11 : memref<!tpu.dma_semaphore, #tpu.memory_space<semaphore_mem>>)
        %dma_start3A_1481 = arith.constant 0 : i32
        %dma_start3A_1482 = arith.constant 96 : i32
        %dma_start3A_1483 = arith.constant 0 : i32
        %dma_start3A_1484 = tpu.memref_slice %arg8[%dma_start3A_1481, %dma_start3A_1482, %dma_start3A_1483] : memref<4x112x64xf32, #tpu.memory_space<vmem>> -> memref<1x16x64xf32, #tpu.memory_space<vmem>>
        %dma_start3A_1485 = tpu.memref_squeeze %dma_start3A_1484 : memref<1x16x64xf32, #tpu.memory_space<vmem>> -> memref<16x64xf32, #tpu.memory_space<vmem>>
        %dma_start3A_1486 = arith.constant 96 : i32
        %dma_start3A_1487 = tpu.memref_slice %arg6[%sub3A_1348, %dma_start3A_1486] : memref<28x112xi32, #tpu.memory_space<vmem>> -> memref<1x16xi32, #tpu.memory_space<vmem>>
        %dma_start3A_1488 = tpu.memref_squeeze %dma_start3A_1487 : memref<1x16xi32, #tpu.memory_space<vmem>> -> memref<16xi32, #tpu.memory_space<vmem>>
        %dma_start3A_1489 = arith.constant 0 : i32
        %dma_start3A_1490 = arith.constant 0 : i32
        %dma_start3A_1491 = tpu.memref_slice %arg3[%dma_start3A_1489, %dma_start3A_1490] : memref<30370x64xf32, #tpu.memory_space<hbm>> -> memref<30370x64xf32, #tpu.memory_space<hbm>>
        tpu.enqueue_indirect_dma source(%dma_start3A_1491 : memref<30370x64xf32, #tpu.memory_space<hbm>>) target(%dma_start3A_1485 : memref<16x64xf32, #tpu.memory_space<vmem>>) offsets(%dma_start3A_1488 : memref<16xi32, #tpu.memory_space<vmem>>) semaphore(%arg11 : memref<!tpu.dma_semaphore, #tpu.memory_space<semaphore_mem>>)
        %dma_start3A_1492 = arith.constant 0 : i32
        %dma_start3A_1493 = arith.constant 96 : i32
        %dma_start3A_1494 = arith.constant 0 : i32
        %dma_start3A_1495 = tpu.memref_slice %arg9[%dma_start3A_1492, %dma_start3A_1493, %dma_start3A_1494] : memref<4x112x64xf32, #tpu.memory_space<vmem>> -> memref<1x16x64xf32, #tpu.memory_space<vmem>>
        %dma_start3A_1496 = tpu.memref_squeeze %dma_start3A_1495 : memref<1x16x64xf32, #tpu.memory_space<vmem>> -> memref<16x64xf32, #tpu.memory_space<vmem>>
        %dma_start3A_1497 = arith.constant 96 : i32
        %dma_start3A_1498 = tpu.memref_slice %arg7[%sub3A_1348, %dma_start3A_1497] : memref<28x112xi32, #tpu.memory_space<vmem>> -> memref<1x16xi32, #tpu.memory_space<vmem>>
        %dma_start3A_1499 = tpu.memref_squeeze %dma_start3A_1498 : memref<1x16xi32, #tpu.memory_space<vmem>> -> memref<16xi32, #tpu.memory_space<vmem>>
        %dma_start3A_1500 = arith.constant 0 : i32
        %dma_start3A_1501 = arith.constant 0 : i32
        %dma_start3A_1502 = tpu.memref_slice %arg3[%dma_start3A_1500, %dma_start3A_1501] : memref<30370x64xf32, #tpu.memory_space<hbm>> -> memref<30370x64xf32, #tpu.memory_space<hbm>>
        tpu.enqueue_indirect_dma source(%dma_start3A_1502 : memref<30370x64xf32, #tpu.memory_space<hbm>>) target(%dma_start3A_1496 : memref<16x64xf32, #tpu.memory_space<vmem>>) offsets(%dma_start3A_1499 : memref<16xi32, #tpu.memory_space<vmem>>) semaphore(%arg11 : memref<!tpu.dma_semaphore, #tpu.memory_space<semaphore_mem>>)
      } else {
      }
      %dma_wait3A_772 = arith.constant 1 : i32
      %dma_wait3A_773 = arith.constant 0 : i32
      %dma_wait3A_774 = arith.constant 0 : i32
      %dma_wait3A_775 = tpu.memref_slice %arg8[%dma_wait3A_772, %dma_wait3A_773, %dma_wait3A_774] : memref<4x112x64xf32, #tpu.memory_space<vmem>> -> memref<1x16x64xf32, #tpu.memory_space<vmem>>
      %dma_wait3A_776 = tpu.memref_squeeze %dma_wait3A_775 : memref<1x16x64xf32, #tpu.memory_space<vmem>> -> memref<16x64xf32, #tpu.memory_space<vmem>>
      %dma_wait3A_777 = arith.constant 0 : i32
      %dma_wait3A_778 = tpu.memref_slice %arg6[%add3A_762, %dma_wait3A_777] : memref<28x112xi32, #tpu.memory_space<vmem>> -> memref<1x16xi32, #tpu.memory_space<vmem>>
      %dma_wait3A_779 = tpu.memref_squeeze %dma_wait3A_778 : memref<1x16xi32, #tpu.memory_space<vmem>> -> memref<16xi32, #tpu.memory_space<vmem>>
      %dma_wait3A_780 = arith.constant 0 : i32
      %dma_wait3A_781 = arith.constant 0 : i32
      %dma_wait3A_782 = tpu.memref_slice %arg3[%dma_wait3A_780, %dma_wait3A_781] : memref<30370x64xf32, #tpu.memory_space<hbm>> -> memref<30370x64xf32, #tpu.memory_space<hbm>>
      tpu.wait_indirect_dma semaphore(%arg12 : memref<!tpu.dma_semaphore, #tpu.memory_space<semaphore_mem>>) src(%dma_wait3A_782 : memref<30370x64xf32, #tpu.memory_space<hbm>>) dst(%dma_wait3A_776 : memref<16x64xf32, #tpu.memory_space<vmem>>)
      %dma_wait3A_783 = arith.constant 1 : i32
      %dma_wait3A_784 = arith.constant 0 : i32
      %dma_wait3A_785 = arith.constant 0 : i32
      %dma_wait3A_786 = tpu.memref_slice %arg9[%dma_wait3A_783, %dma_wait3A_784, %dma_wait3A_785] : memref<4x112x64xf32, #tpu.memory_space<vmem>> -> memref<1x16x64xf32, #tpu.memory_space<vmem>>
      %dma_wait3A_787 = tpu.memref_squeeze %dma_wait3A_786 : memref<1x16x64xf32, #tpu.memory_space<vmem>> -> memref<16x64xf32, #tpu.memory_space<vmem>>
      %dma_wait3A_788 = arith.constant 0 : i32
      %dma_wait3A_789 = tpu.memref_slice %arg7[%add3A_762, %dma_wait3A_788] : memref<28x112xi32, #tpu.memory_space<vmem>> -> memref<1x16xi32, #tpu.memory_space<vmem>>
      %dma_wait3A_790 = tpu.memref_squeeze %dma_wait3A_789 : memref<1x16xi32, #tpu.memory_space<vmem>> -> memref<16xi32, #tpu.memory_space<vmem>>
      %dma_wait3A_791 = arith.constant 0 : i32
      %dma_wait3A_792 = arith.constant 0 : i32
      %dma_wait3A_793 = tpu.memref_slice %arg3[%dma_wait3A_791, %dma_wait3A_792] : memref<30370x64xf32, #tpu.memory_space<hbm>> -> memref<30370x64xf32, #tpu.memory_space<hbm>>
      tpu.wait_indirect_dma semaphore(%arg12 : memref<!tpu.dma_semaphore, #tpu.memory_space<semaphore_mem>>) src(%dma_wait3A_793 : memref<30370x64xf32, #tpu.memory_space<hbm>>) dst(%dma_wait3A_787 : memref<16x64xf32, #tpu.memory_space<vmem>>)
      %dma_wait3A_794 = arith.constant 1 : i32
      %dma_wait3A_795 = arith.constant 16 : i32
      %dma_wait3A_796 = arith.constant 0 : i32
      %dma_wait3A_797 = tpu.memref_slice %arg8[%dma_wait3A_794, %dma_wait3A_795, %dma_wait3A_796] : memref<4x112x64xf32, #tpu.memory_space<vmem>> -> memref<1x16x64xf32, #tpu.memory_space<vmem>>
      %dma_wait3A_798 = tpu.memref_squeeze %dma_wait3A_797 : memref<1x16x64xf32, #tpu.memory_space<vmem>> -> memref<16x64xf32, #tpu.memory_space<vmem>>
      %dma_wait3A_799 = arith.constant 16 : i32
      %dma_wait3A_800 = tpu.memref_slice %arg6[%add3A_762, %dma_wait3A_799] : memref<28x112xi32, #tpu.memory_space<vmem>> -> memref<1x16xi32, #tpu.memory_space<vmem>>
      %dma_wait3A_801 = tpu.memref_squeeze %dma_wait3A_800 : memref<1x16xi32, #tpu.memory_space<vmem>> -> memref<16xi32, #tpu.memory_space<vmem>>
      %dma_wait3A_802 = arith.constant 0 : i32
      %dma_wait3A_803 = arith.constant 0 : i32
      %dma_wait3A_804 = tpu.memref_slice %arg3[%dma_wait3A_802, %dma_wait3A_803] : memref<30370x64xf32, #tpu.memory_space<hbm>> -> memref<30370x64xf32, #tpu.memory_space<hbm>>
      tpu.wait_indirect_dma semaphore(%arg12 : memref<!tpu.dma_semaphore, #tpu.memory_space<semaphore_mem>>) src(%dma_wait3A_804 : memref<30370x64xf32, #tpu.memory_space<hbm>>) dst(%dma_wait3A_798 : memref<16x64xf32, #tpu.memory_space<vmem>>)
      %dma_wait3A_805 = arith.constant 1 : i32
      %dma_wait3A_806 = arith.constant 16 : i32
      %dma_wait3A_807 = arith.constant 0 : i32
      %dma_wait3A_808 = tpu.memref_slice %arg9[%dma_wait3A_805, %dma_wait3A_806, %dma_wait3A_807] : memref<4x112x64xf32, #tpu.memory_space<vmem>> -> memref<1x16x64xf32, #tpu.memory_space<vmem>>
      %dma_wait3A_809 = tpu.memref_squeeze %dma_wait3A_808 : memref<1x16x64xf32, #tpu.memory_space<vmem>> -> memref<16x64xf32, #tpu.memory_space<vmem>>
      %dma_wait3A_810 = arith.constant 16 : i32
      %dma_wait3A_811 = tpu.memref_slice %arg7[%add3A_762, %dma_wait3A_810] : memref<28x112xi32, #tpu.memory_space<vmem>> -> memref<1x16xi32, #tpu.memory_space<vmem>>
      %dma_wait3A_812 = tpu.memref_squeeze %dma_wait3A_811 : memref<1x16xi32, #tpu.memory_space<vmem>> -> memref<16xi32, #tpu.memory_space<vmem>>
      %dma_wait3A_813 = arith.constant 0 : i32
      %dma_wait3A_814 = arith.constant 0 : i32
      %dma_wait3A_815 = tpu.memref_slice %arg3[%dma_wait3A_813, %dma_wait3A_814] : memref<30370x64xf32, #tpu.memory_space<hbm>> -> memref<30370x64xf32, #tpu.memory_space<hbm>>
      tpu.wait_indirect_dma semaphore(%arg12 : memref<!tpu.dma_semaphore, #tpu.memory_space<semaphore_mem>>) src(%dma_wait3A_815 : memref<30370x64xf32, #tpu.memory_space<hbm>>) dst(%dma_wait3A_809 : memref<16x64xf32, #tpu.memory_space<vmem>>)
      %dma_wait3A_816 = arith.constant 1 : i32
      %dma_wait3A_817 = arith.constant 32 : i32
      %dma_wait3A_818 = arith.constant 0 : i32
      %dma_wait3A_819 = tpu.memref_slice %arg8[%dma_wait3A_816, %dma_wait3A_817, %dma_wait3A_818] : memref<4x112x64xf32, #tpu.memory_space<vmem>> -> memref<1x16x64xf32, #tpu.memory_space<vmem>>
      %dma_wait3A_820 = tpu.memref_squeeze %dma_wait3A_819 : memref<1x16x64xf32, #tpu.memory_space<vmem>> -> memref<16x64xf32, #tpu.memory_space<vmem>>
      %dma_wait3A_821 = arith.constant 32 : i32
      %dma_wait3A_822 = tpu.memref_slice %arg6[%add3A_762, %dma_wait3A_821] : memref<28x112xi32, #tpu.memory_space<vmem>> -> memref<1x16xi32, #tpu.memory_space<vmem>>
      %dma_wait3A_823 = tpu.memref_squeeze %dma_wait3A_822 : memref<1x16xi32, #tpu.memory_space<vmem>> -> memref<16xi32, #tpu.memory_space<vmem>>
      %dma_wait3A_824 = arith.constant 0 : i32
      %dma_wait3A_825 = arith.constant 0 : i32
      %dma_wait3A_826 = tpu.memref_slice %arg3[%dma_wait3A_824, %dma_wait3A_825] : memref<30370x64xf32, #tpu.memory_space<hbm>> -> memref<30370x64xf32, #tpu.memory_space<hbm>>
      tpu.wait_indirect_dma semaphore(%arg12 : memref<!tpu.dma_semaphore, #tpu.memory_space<semaphore_mem>>) src(%dma_wait3A_826 : memref<30370x64xf32, #tpu.memory_space<hbm>>) dst(%dma_wait3A_820 : memref<16x64xf32, #tpu.memory_space<vmem>>)
      %dma_wait3A_827 = arith.constant 1 : i32
      %dma_wait3A_828 = arith.constant 32 : i32
      %dma_wait3A_829 = arith.constant 0 : i32
      %dma_wait3A_830 = tpu.memref_slice %arg9[%dma_wait3A_827, %dma_wait3A_828, %dma_wait3A_829] : memref<4x112x64xf32, #tpu.memory_space<vmem>> -> memref<1x16x64xf32, #tpu.memory_space<vmem>>
      %dma_wait3A_831 = tpu.memref_squeeze %dma_wait3A_830 : memref<1x16x64xf32, #tpu.memory_space<vmem>> -> memref<16x64xf32, #tpu.memory_space<vmem>>
      %dma_wait3A_832 = arith.constant 32 : i32
      %dma_wait3A_833 = tpu.memref_slice %arg7[%add3A_762, %dma_wait3A_832] : memref<28x112xi32, #tpu.memory_space<vmem>> -> memref<1x16xi32, #tpu.memory_space<vmem>>
      %dma_wait3A_834 = tpu.memref_squeeze %dma_wait3A_833 : memref<1x16xi32, #tpu.memory_space<vmem>> -> memref<16xi32, #tpu.memory_space<vmem>>
      %dma_wait3A_835 = arith.constant 0 : i32
      %dma_wait3A_836 = arith.constant 0 : i32
      %dma_wait3A_837 = tpu.memref_slice %arg3[%dma_wait3A_835, %dma_wait3A_836] : memref<30370x64xf32, #tpu.memory_space<hbm>> -> memref<30370x64xf32, #tpu.memory_space<hbm>>
      tpu.wait_indirect_dma semaphore(%arg12 : memref<!tpu.dma_semaphore, #tpu.memory_space<semaphore_mem>>) src(%dma_wait3A_837 : memref<30370x64xf32, #tpu.memory_space<hbm>>) dst(%dma_wait3A_831 : memref<16x64xf32, #tpu.memory_space<vmem>>)
      %dma_wait3A_838 = arith.constant 1 : i32
      %dma_wait3A_839 = arith.constant 48 : i32
      %dma_wait3A_840 = arith.constant 0 : i32
      %dma_wait3A_841 = tpu.memref_slice %arg8[%dma_wait3A_838, %dma_wait3A_839, %dma_wait3A_840] : memref<4x112x64xf32, #tpu.memory_space<vmem>> -> memref<1x16x64xf32, #tpu.memory_space<vmem>>
      %dma_wait3A_842 = tpu.memref_squeeze %dma_wait3A_841 : memref<1x16x64xf32, #tpu.memory_space<vmem>> -> memref<16x64xf32, #tpu.memory_space<vmem>>
      %dma_wait3A_843 = arith.constant 48 : i32
      %dma_wait3A_844 = tpu.memref_slice %arg6[%add3A_762, %dma_wait3A_843] : memref<28x112xi32, #tpu.memory_space<vmem>> -> memref<1x16xi32, #tpu.memory_space<vmem>>
      %dma_wait3A_845 = tpu.memref_squeeze %dma_wait3A_844 : memref<1x16xi32, #tpu.memory_space<vmem>> -> memref<16xi32, #tpu.memory_space<vmem>>
      %dma_wait3A_846 = arith.constant 0 : i32
      %dma_wait3A_847 = arith.constant 0 : i32
      %dma_wait3A_848 = tpu.memref_slice %arg3[%dma_wait3A_846, %dma_wait3A_847] : memref<30370x64xf32, #tpu.memory_space<hbm>> -> memref<30370x64xf32, #tpu.memory_space<hbm>>
      tpu.wait_indirect_dma semaphore(%arg12 : memref<!tpu.dma_semaphore, #tpu.memory_space<semaphore_mem>>) src(%dma_wait3A_848 : memref<30370x64xf32, #tpu.memory_space<hbm>>) dst(%dma_wait3A_842 : memref<16x64xf32, #tpu.memory_space<vmem>>)
      %dma_wait3A_849 = arith.constant 1 : i32
      %dma_wait3A_850 = arith.constant 48 : i32
      %dma_wait3A_851 = arith.constant 0 : i32
      %dma_wait3A_852 = tpu.memref_slice %arg9[%dma_wait3A_849, %dma_wait3A_850, %dma_wait3A_851] : memref<4x112x64xf32, #tpu.memory_space<vmem>> -> memref<1x16x64xf32, #tpu.memory_space<vmem>>
      %dma_wait3A_853 = tpu.memref_squeeze %dma_wait3A_852 : memref<1x16x64xf32, #tpu.memory_space<vmem>> -> memref<16x64xf32, #tpu.memory_space<vmem>>
      %dma_wait3A_854 = arith.constant 48 : i32
      %dma_wait3A_855 = tpu.memref_slice %arg7[%add3A_762, %dma_wait3A_854] : memref<28x112xi32, #tpu.memory_space<vmem>> -> memref<1x16xi32, #tpu.memory_space<vmem>>
      %dma_wait3A_856 = tpu.memref_squeeze %dma_wait3A_855 : memref<1x16xi32, #tpu.memory_space<vmem>> -> memref<16xi32, #tpu.memory_space<vmem>>
      %dma_wait3A_857 = arith.constant 0 : i32
      %dma_wait3A_858 = arith.constant 0 : i32
      %dma_wait3A_859 = tpu.memref_slice %arg3[%dma_wait3A_857, %dma_wait3A_858] : memref<30370x64xf32, #tpu.memory_space<hbm>> -> memref<30370x64xf32, #tpu.memory_space<hbm>>
      tpu.wait_indirect_dma semaphore(%arg12 : memref<!tpu.dma_semaphore, #tpu.memory_space<semaphore_mem>>) src(%dma_wait3A_859 : memref<30370x64xf32, #tpu.memory_space<hbm>>) dst(%dma_wait3A_853 : memref<16x64xf32, #tpu.memory_space<vmem>>)
      %dma_wait3A_860 = arith.constant 1 : i32
      %dma_wait3A_861 = arith.constant 64 : i32
      %dma_wait3A_862 = arith.constant 0 : i32
      %dma_wait3A_863 = tpu.memref_slice %arg8[%dma_wait3A_860, %dma_wait3A_861, %dma_wait3A_862] : memref<4x112x64xf32, #tpu.memory_space<vmem>> -> memref<1x16x64xf32, #tpu.memory_space<vmem>>
      %dma_wait3A_864 = tpu.memref_squeeze %dma_wait3A_863 : memref<1x16x64xf32, #tpu.memory_space<vmem>> -> memref<16x64xf32, #tpu.memory_space<vmem>>
      %dma_wait3A_865 = arith.constant 64 : i32
      %dma_wait3A_866 = tpu.memref_slice %arg6[%add3A_762, %dma_wait3A_865] : memref<28x112xi32, #tpu.memory_space<vmem>> -> memref<1x16xi32, #tpu.memory_space<vmem>>
      %dma_wait3A_867 = tpu.memref_squeeze %dma_wait3A_866 : memref<1x16xi32, #tpu.memory_space<vmem>> -> memref<16xi32, #tpu.memory_space<vmem>>
      %dma_wait3A_868 = arith.constant 0 : i32
      %dma_wait3A_869 = arith.constant 0 : i32
      %dma_wait3A_870 = tpu.memref_slice %arg3[%dma_wait3A_868, %dma_wait3A_869] : memref<30370x64xf32, #tpu.memory_space<hbm>> -> memref<30370x64xf32, #tpu.memory_space<hbm>>
      tpu.wait_indirect_dma semaphore(%arg12 : memref<!tpu.dma_semaphore, #tpu.memory_space<semaphore_mem>>) src(%dma_wait3A_870 : memref<30370x64xf32, #tpu.memory_space<hbm>>) dst(%dma_wait3A_864 : memref<16x64xf32, #tpu.memory_space<vmem>>)
      %dma_wait3A_871 = arith.constant 1 : i32
      %dma_wait3A_872 = arith.constant 64 : i32
      %dma_wait3A_873 = arith.constant 0 : i32
      %dma_wait3A_874 = tpu.memref_slice %arg9[%dma_wait3A_871, %dma_wait3A_872, %dma_wait3A_873] : memref<4x112x64xf32, #tpu.memory_space<vmem>> -> memref<1x16x64xf32, #tpu.memory_space<vmem>>
      %dma_wait3A_875 = tpu.memref_squeeze %dma_wait3A_874 : memref<1x16x64xf32, #tpu.memory_space<vmem>> -> memref<16x64xf32, #tpu.memory_space<vmem>>
      %dma_wait3A_876 = arith.constant 64 : i32
      %dma_wait3A_877 = tpu.memref_slice %arg7[%add3A_762, %dma_wait3A_876] : memref<28x112xi32, #tpu.memory_space<vmem>> -> memref<1x16xi32, #tpu.memory_space<vmem>>
      %dma_wait3A_878 = tpu.memref_squeeze %dma_wait3A_877 : memref<1x16xi32, #tpu.memory_space<vmem>> -> memref<16xi32, #tpu.memory_space<vmem>>
      %dma_wait3A_879 = arith.constant 0 : i32
      %dma_wait3A_880 = arith.constant 0 : i32
      %dma_wait3A_881 = tpu.memref_slice %arg3[%dma_wait3A_879, %dma_wait3A_880] : memref<30370x64xf32, #tpu.memory_space<hbm>> -> memref<30370x64xf32, #tpu.memory_space<hbm>>
      tpu.wait_indirect_dma semaphore(%arg12 : memref<!tpu.dma_semaphore, #tpu.memory_space<semaphore_mem>>) src(%dma_wait3A_881 : memref<30370x64xf32, #tpu.memory_space<hbm>>) dst(%dma_wait3A_875 : memref<16x64xf32, #tpu.memory_space<vmem>>)
      %dma_wait3A_882 = arith.constant 1 : i32
      %dma_wait3A_883 = arith.constant 80 : i32
      %dma_wait3A_884 = arith.constant 0 : i32
      %dma_wait3A_885 = tpu.memref_slice %arg8[%dma_wait3A_882, %dma_wait3A_883, %dma_wait3A_884] : memref<4x112x64xf32, #tpu.memory_space<vmem>> -> memref<1x16x64xf32, #tpu.memory_space<vmem>>
      %dma_wait3A_886 = tpu.memref_squeeze %dma_wait3A_885 : memref<1x16x64xf32, #tpu.memory_space<vmem>> -> memref<16x64xf32, #tpu.memory_space<vmem>>
      %dma_wait3A_887 = arith.constant 80 : i32
      %dma_wait3A_888 = tpu.memref_slice %arg6[%add3A_762, %dma_wait3A_887] : memref<28x112xi32, #tpu.memory_space<vmem>> -> memref<1x16xi32, #tpu.memory_space<vmem>>
      %dma_wait3A_889 = tpu.memref_squeeze %dma_wait3A_888 : memref<1x16xi32, #tpu.memory_space<vmem>> -> memref<16xi32, #tpu.memory_space<vmem>>
      %dma_wait3A_890 = arith.constant 0 : i32
      %dma_wait3A_891 = arith.constant 0 : i32
      %dma_wait3A_892 = tpu.memref_slice %arg3[%dma_wait3A_890, %dma_wait3A_891] : memref<30370x64xf32, #tpu.memory_space<hbm>> -> memref<30370x64xf32, #tpu.memory_space<hbm>>
      tpu.wait_indirect_dma semaphore(%arg12 : memref<!tpu.dma_semaphore, #tpu.memory_space<semaphore_mem>>) src(%dma_wait3A_892 : memref<30370x64xf32, #tpu.memory_space<hbm>>) dst(%dma_wait3A_886 : memref<16x64xf32, #tpu.memory_space<vmem>>)
      %dma_wait3A_893 = arith.constant 1 : i32
      %dma_wait3A_894 = arith.constant 80 : i32
      %dma_wait3A_895 = arith.constant 0 : i32
      %dma_wait3A_896 = tpu.memref_slice %arg9[%dma_wait3A_893, %dma_wait3A_894, %dma_wait3A_895] : memref<4x112x64xf32, #tpu.memory_space<vmem>> -> memref<1x16x64xf32, #tpu.memory_space<vmem>>
      %dma_wait3A_897 = tpu.memref_squeeze %dma_wait3A_896 : memref<1x16x64xf32, #tpu.memory_space<vmem>> -> memref<16x64xf32, #tpu.memory_space<vmem>>
      %dma_wait3A_898 = arith.constant 80 : i32
      %dma_wait3A_899 = tpu.memref_slice %arg7[%add3A_762, %dma_wait3A_898] : memref<28x112xi32, #tpu.memory_space<vmem>> -> memref<1x16xi32, #tpu.memory_space<vmem>>
      %dma_wait3A_900 = tpu.memref_squeeze %dma_wait3A_899 : memref<1x16xi32, #tpu.memory_space<vmem>> -> memref<16xi32, #tpu.memory_space<vmem>>
      %dma_wait3A_901 = arith.constant 0 : i32
      %dma_wait3A_902 = arith.constant 0 : i32
      %dma_wait3A_903 = tpu.memref_slice %arg3[%dma_wait3A_901, %dma_wait3A_902] : memref<30370x64xf32, #tpu.memory_space<hbm>> -> memref<30370x64xf32, #tpu.memory_space<hbm>>
      tpu.wait_indirect_dma semaphore(%arg12 : memref<!tpu.dma_semaphore, #tpu.memory_space<semaphore_mem>>) src(%dma_wait3A_903 : memref<30370x64xf32, #tpu.memory_space<hbm>>) dst(%dma_wait3A_897 : memref<16x64xf32, #tpu.memory_space<vmem>>)
      %dma_wait3A_904 = arith.constant 1 : i32
      %dma_wait3A_905 = arith.constant 96 : i32
      %dma_wait3A_906 = arith.constant 0 : i32
      %dma_wait3A_907 = tpu.memref_slice %arg8[%dma_wait3A_904, %dma_wait3A_905, %dma_wait3A_906] : memref<4x112x64xf32, #tpu.memory_space<vmem>> -> memref<1x16x64xf32, #tpu.memory_space<vmem>>
      %dma_wait3A_908 = tpu.memref_squeeze %dma_wait3A_907 : memref<1x16x64xf32, #tpu.memory_space<vmem>> -> memref<16x64xf32, #tpu.memory_space<vmem>>
      %dma_wait3A_909 = arith.constant 96 : i32
      %dma_wait3A_910 = tpu.memref_slice %arg6[%add3A_762, %dma_wait3A_909] : memref<28x112xi32, #tpu.memory_space<vmem>> -> memref<1x16xi32, #tpu.memory_space<vmem>>
      %dma_wait3A_911 = tpu.memref_squeeze %dma_wait3A_910 : memref<1x16xi32, #tpu.memory_space<vmem>> -> memref<16xi32, #tpu.memory_space<vmem>>
      %dma_wait3A_912 = arith.constant 0 : i32
      %dma_wait3A_913 = arith.constant 0 : i32
      %dma_wait3A_914 = tpu.memref_slice %arg3[%dma_wait3A_912, %dma_wait3A_913] : memref<30370x64xf32, #tpu.memory_space<hbm>> -> memref<30370x64xf32, #tpu.memory_space<hbm>>
      tpu.wait_indirect_dma semaphore(%arg12 : memref<!tpu.dma_semaphore, #tpu.memory_space<semaphore_mem>>) src(%dma_wait3A_914 : memref<30370x64xf32, #tpu.memory_space<hbm>>) dst(%dma_wait3A_908 : memref<16x64xf32, #tpu.memory_space<vmem>>)
      %dma_wait3A_915 = arith.constant 1 : i32
      %dma_wait3A_916 = arith.constant 96 : i32
      %dma_wait3A_917 = arith.constant 0 : i32
      %dma_wait3A_918 = tpu.memref_slice %arg9[%dma_wait3A_915, %dma_wait3A_916, %dma_wait3A_917] : memref<4x112x64xf32, #tpu.memory_space<vmem>> -> memref<1x16x64xf32, #tpu.memory_space<vmem>>
      %dma_wait3A_919 = tpu.memref_squeeze %dma_wait3A_918 : memref<1x16x64xf32, #tpu.memory_space<vmem>> -> memref<16x64xf32, #tpu.memory_space<vmem>>
      %dma_wait3A_920 = arith.constant 96 : i32
      %dma_wait3A_921 = tpu.memref_slice %arg7[%add3A_762, %dma_wait3A_920] : memref<28x112xi32, #tpu.memory_space<vmem>> -> memref<1x16xi32, #tpu.memory_space<vmem>>
      %dma_wait3A_922 = tpu.memref_squeeze %dma_wait3A_921 : memref<1x16xi32, #tpu.memory_space<vmem>> -> memref<16xi32, #tpu.memory_space<vmem>>
      %dma_wait3A_923 = arith.constant 0 : i32
      %dma_wait3A_924 = arith.constant 0 : i32
      %dma_wait3A_925 = tpu.memref_slice %arg3[%dma_wait3A_923, %dma_wait3A_924] : memref<30370x64xf32, #tpu.memory_space<hbm>> -> memref<30370x64xf32, #tpu.memory_space<hbm>>
      tpu.wait_indirect_dma semaphore(%arg12 : memref<!tpu.dma_semaphore, #tpu.memory_space<semaphore_mem>>) src(%dma_wait3A_925 : memref<30370x64xf32, #tpu.memory_space<hbm>>) dst(%dma_wait3A_919 : memref<16x64xf32, #tpu.memory_space<vmem>>)
      %ge3A_926 = arith.constant 2 : i32
      %ge3A_927 = arith.cmpi sge, %add3A_762, %ge3A_926 : i32
      %convert_element_type3A_928 = arith.extui %ge3A_927 : i1 to i32
      %cond3A_929 = arith.constant 0 : i32
      %cond3A_930 = arith.cmpi ne, %convert_element_type3A_928, %cond3A_929 : i32
      scf.if %cond3A_930 {
        %sub3A_1345 = arith.constant 2 : i32
        %sub3A_1346 = arith.subi %add3A_762, %sub3A_1345 : i32
        %mul3A_1347 = arith.constant 112 : i32
        %mul3A_1348 = arith.muli %sub3A_1346, %mul3A_1347 : i32
        %add3A_1349 = arith.addi %min3A_3, %mul3A_1348 : i32
        %dma_wait3A_1350 = arith.constant 1 : i32
        %dma_wait3A_1351 = arith.constant 0 : i32
        %dma_wait3A_1352 = arith.constant 0 : i32
        %dma_wait3A_1353 = tpu.memref_slice %arg10[%dma_wait3A_1350, %dma_wait3A_1351, %dma_wait3A_1352] : memref<2x112x128xf32, #tpu.memory_space<vmem>> -> memref<1x112x128xf32, #tpu.memory_space<vmem>>
        %dma_wait3A_1354 = tpu.memref_squeeze %dma_wait3A_1353 : memref<1x112x128xf32, #tpu.memory_space<vmem>> -> memref<112x128xf32, #tpu.memory_space<vmem>>
        %dma_wait3A_1355 = arith.constant 0 : i32
        %dma_wait3A_1356 = tpu.memref_slice %arg4[%add3A_1349, %dma_wait3A_1355] : memref<100000x128xf32, #tpu.memory_space<hbm>> -> memref<112x128xf32, #tpu.memory_space<hbm>>
        %dma_wait3A_1357 = arith.constant 0 : i32
        %dma_wait3A_1358 = tpu.memref_slice %arg4[%add3A_1349, %dma_wait3A_1357] : memref<100000x128xf32, #tpu.memory_space<hbm>> -> memref<112x128xf32, #tpu.memory_space<hbm>>
        %dma_wait3A_1359 = arith.constant 0 : i32
        %dma_wait3A_1360 = arith.constant 0 : i32
        %dma_wait3A_1361 = tpu.memref_slice %arg10[%dma_wait3A_1350, %dma_wait3A_1359, %dma_wait3A_1360] : memref<2x112x128xf32, #tpu.memory_space<vmem>> -> memref<1x112x128xf32, #tpu.memory_space<vmem>>
        %dma_wait3A_1362 = tpu.memref_squeeze %dma_wait3A_1361 : memref<1x112x128xf32, #tpu.memory_space<vmem>> -> memref<112x128xf32, #tpu.memory_space<vmem>>
        tpu.wait_dma2 semaphore(%arg16 : memref<!tpu.dma_semaphore, #tpu.memory_space<semaphore_mem>>) src(%dma_wait3A_1362 : memref<112x128xf32, #tpu.memory_space<vmem>>) dst(%dma_wait3A_1358 : memref<112x128xf32, #tpu.memory_space<hbm>>)
      } else {
      }
      %scan3A_931 = arith.constant 0 : i32
      %scan3A_932 = arith.constant 0 : i32
      %scan3A_933 = arith.constant 112 : i32
      %scan3A_934 = arith.addi %scan3A_932, %scan3A_933 : i32
      %scan3A_935 = arith.constant 1 : i32
      %scan3A_936 = scf.for %scan3A_1345 = %scan3A_932 to %scan3A_934 step %scan3A_935 iter_args(%scan3A_1346 = %scan3A_931) -> (i32)  : i32 {
        %get3A = arith.constant 1 : i32
        %get3A_1347 = arith.index_cast %get3A : i32 to index
        %get3A_1348 = arith.index_cast %scan3A_1345 : i32 to index
        %get3A_1349 = arith.constant 0 : index
        %get3A_1350 = tpu.vector_load %arg8[%get3A_1347, %get3A_1348, %get3A_1349] {strides = array<i32>} : memref<4x112x64xf32, #tpu.memory_space<vmem>>, vector<16xf32>,
        %bitcast3A = vector.bitcast %get3A_1350 : vector<16xf32> to vector<16xi32>
        %get3A_1351 = arith.constant 1 : i32
        %get3A_1352 = arith.index_cast %get3A_1351 : i32 to index
        %get3A_1353 = arith.index_cast %scan3A_1345 : i32 to index
        %get3A_1354 = arith.constant 0 : index
        %get3A_1355 = tpu.vector_load %arg9[%get3A_1352, %get3A_1353, %get3A_1354] {strides = array<i32>} : memref<4x112x64xf32, #tpu.memory_space<vmem>>, vector<16xf32>,
        %bitcast3A_1356 = vector.bitcast %get3A_1355 : vector<16xf32> to vector<16xi32>
        %shift_left3A = arith.constant 16 : i32
        %shift_left3A_1357 = vector.broadcast %shift_left3A : i32 to vector<16xi32>
        %shift_left3A_1358 = arith.shli %bitcast3A, %shift_left3A_1357 : vector<16xi32>
        %bitcast3A_1359 = vector.bitcast %shift_left3A_1358 : vector<16xi32> to vector<16xf32>
        %shift_left3A_1360 = arith.constant 16 : i32
        %shift_left3A_1361 = vector.broadcast %shift_left3A_1360 : i32 to vector<16xi32>
        %shift_left3A_1362 = arith.shli %bitcast3A_1356, %shift_left3A_1361 : vector<16xi32>
        %bitcast3A_1363 = vector.bitcast %shift_left3A_1362 : vector<16xi32> to vector<16xf32>
        %add3A_1364 = arith.addf %bitcast3A_1359, %bitcast3A_1363 : vector<16xf32>
        %and3A = arith.constant -65536 : i32
        %and3A_1365 = vector.broadcast %and3A : i32 to vector<16xi32>
        %and3A_1366 = arith.andi %bitcast3A, %and3A_1365 : vector<16xi32>
        %bitcast3A_1367 = vector.bitcast %and3A_1366 : vector<16xi32> to vector<16xf32>
        %and3A_1368 = arith.constant -65536 : i32
        %and3A_1369 = vector.broadcast %and3A_1368 : i32 to vector<16xi32>
        %and3A_1370 = arith.andi %bitcast3A_1356, %and3A_1369 : vector<16xi32>
        %bitcast3A_1371 = vector.bitcast %and3A_1370 : vector<16xi32> to vector<16xf32>
        %add3A_1372 = arith.addf %bitcast3A_1367, %bitcast3A_1371 : vector<16xf32>
        %swap3A = arith.constant 1 : i32
        %swap3A_1373 = arith.index_cast %swap3A : i32 to index
        %swap3A_1374 = arith.index_cast %scan3A_1345 : i32 to index
        %swap3A_1375 = arith.constant 0 : index
        %swap3A_1376 = tpu.vector_load %arg10[%swap3A_1373, %swap3A_1374, %swap3A_1375] {strides = array<i32>} : memref<2x112x128xf32, #tpu.memory_space<vmem>>, vector<16xf32>,
        tpu.vector_store %arg10[%swap3A_1373, %swap3A_1374, %swap3A_1375], %add3A_1364 {strides = array<i32>} : memref<2x112x128xf32, #tpu.memory_space<vmem>>, vector<16xf32>,
        %swap3A_1377 = arith.constant 1 : i32
        %swap3A_1378 = arith.index_cast %swap3A_1377 : i32 to index
        %swap3A_1379 = arith.index_cast %scan3A_1345 : i32 to index
        %swap3A_1380 = arith.constant 64 : index
        %swap3A_1381 = tpu.vector_load %arg10[%swap3A_1378, %swap3A_1379, %swap3A_1380] {strides = array<i32>} : memref<2x112x128xf32, #tpu.memory_space<vmem>>, vector<16xf32>,
        tpu.vector_store %arg10[%swap3A_1378, %swap3A_1379, %swap3A_1380], %add3A_1372 {strides = array<i32>} : memref<2x112x128xf32, #tpu.memory_space<vmem>>, vector<16xf32>,
        %get3A_1382 = arith.constant 1 : i32
        %get3A_1383 = arith.index_cast %get3A_1382 : i32 to index
        %get3A_1384 = arith.index_cast %scan3A_1345 : i32 to index
        %get3A_1385 = arith.constant 16 : index
        %get3A_1386 = tpu.vector_load %arg8[%get3A_1383, %get3A_1384, %get3A_1385] {strides = array<i32>} : memref<4x112x64xf32, #tpu.memory_space<vmem>>, vector<16xf32>,
        %bitcast3A_1387 = vector.bitcast %get3A_1386 : vector<16xf32> to vector<16xi32>
        %get3A_1388 = arith.constant 1 : i32
        %get3A_1389 = arith.index_cast %get3A_1388 : i32 to index
        %get3A_1390 = arith.index_cast %scan3A_1345 : i32 to index
        %get3A_1391 = arith.constant 16 : index
        %get3A_1392 = tpu.vector_load %arg9[%get3A_1389, %get3A_1390, %get3A_1391] {strides = array<i32>} : memref<4x112x64xf32, #tpu.memory_space<vmem>>, vector<16xf32>,
        %bitcast3A_1393 = vector.bitcast %get3A_1392 : vector<16xf32> to vector<16xi32>
        %shift_left3A_1394 = arith.constant 16 : i32
        %shift_left3A_1395 = vector.broadcast %shift_left3A_1394 : i32 to vector<16xi32>
        %shift_left3A_1396 = arith.shli %bitcast3A_1387, %shift_left3A_1395 : vector<16xi32>
        %bitcast3A_1397 = vector.bitcast %shift_left3A_1396 : vector<16xi32> to vector<16xf32>
        %shift_left3A_1398 = arith.constant 16 : i32
        %shift_left3A_1399 = vector.broadcast %shift_left3A_1398 : i32 to vector<16xi32>
        %shift_left3A_1400 = arith.shli %bitcast3A_1393, %shift_left3A_1399 : vector<16xi32>
        %bitcast3A_1401 = vector.bitcast %shift_left3A_1400 : vector<16xi32> to vector<16xf32>
        %add3A_1402 = arith.addf %bitcast3A_1397, %bitcast3A_1401 : vector<16xf32>
        %and3A_1403 = arith.constant -65536 : i32
        %and3A_1404 = vector.broadcast %and3A_1403 : i32 to vector<16xi32>
        %and3A_1405 = arith.andi %bitcast3A_1387, %and3A_1404 : vector<16xi32>
        %bitcast3A_1406 = vector.bitcast %and3A_1405 : vector<16xi32> to vector<16xf32>
        %and3A_1407 = arith.constant -65536 : i32
        %and3A_1408 = vector.broadcast %and3A_1407 : i32 to vector<16xi32>
        %and3A_1409 = arith.andi %bitcast3A_1393, %and3A_1408 : vector<16xi32>
        %bitcast3A_1410 = vector.bitcast %and3A_1409 : vector<16xi32> to vector<16xf32>
        %add3A_1411 = arith.addf %bitcast3A_1406, %bitcast3A_1410 : vector<16xf32>
        %swap3A_1412 = arith.constant 1 : i32
        %swap3A_1413 = arith.index_cast %swap3A_1412 : i32 to index
        %swap3A_1414 = arith.index_cast %scan3A_1345 : i32 to index
        %swap3A_1415 = arith.constant 16 : index
        %swap3A_1416 = tpu.vector_load %arg10[%swap3A_1413, %swap3A_1414, %swap3A_1415] {strides = array<i32>} : memref<2x112x128xf32, #tpu.memory_space<vmem>>, vector<16xf32>,
        tpu.vector_store %arg10[%swap3A_1413, %swap3A_1414, %swap3A_1415], %add3A_1402 {strides = array<i32>} : memref<2x112x128xf32, #tpu.memory_space<vmem>>, vector<16xf32>,
        %swap3A_1417 = arith.constant 1 : i32
        %swap3A_1418 = arith.index_cast %swap3A_1417 : i32 to index
        %swap3A_1419 = arith.index_cast %scan3A_1345 : i32 to index
        %swap3A_1420 = arith.constant 80 : index
        %swap3A_1421 = tpu.vector_load %arg10[%swap3A_1418, %swap3A_1419, %swap3A_1420] {strides = array<i32>} : memref<2x112x128xf32, #tpu.memory_space<vmem>>, vector<16xf32>,
        tpu.vector_store %arg10[%swap3A_1418, %swap3A_1419, %swap3A_1420], %add3A_1411 {strides = array<i32>} : memref<2x112x128xf32, #tpu.memory_space<vmem>>, vector<16xf32>,
        %get3A_1422 = arith.constant 1 : i32
        %get3A_1423 = arith.index_cast %get3A_1422 : i32 to index
        %get3A_1424 = arith.index_cast %scan3A_1345 : i32 to index
        %get3A_1425 = arith.constant 32 : index
        %get3A_1426 = tpu.vector_load %arg8[%get3A_1423, %get3A_1424, %get3A_1425] {strides = array<i32>} : memref<4x112x64xf32, #tpu.memory_space<vmem>>, vector<16xf32>,
        %bitcast3A_1427 = vector.bitcast %get3A_1426 : vector<16xf32> to vector<16xi32>
        %get3A_1428 = arith.constant 1 : i32
        %get3A_1429 = arith.index_cast %get3A_1428 : i32 to index
        %get3A_1430 = arith.index_cast %scan3A_1345 : i32 to index
        %get3A_1431 = arith.constant 32 : index
        %get3A_1432 = tpu.vector_load %arg9[%get3A_1429, %get3A_1430, %get3A_1431] {strides = array<i32>} : memref<4x112x64xf32, #tpu.memory_space<vmem>>, vector<16xf32>,
        %bitcast3A_1433 = vector.bitcast %get3A_1432 : vector<16xf32> to vector<16xi32>
        %shift_left3A_1434 = arith.constant 16 : i32
        %shift_left3A_1435 = vector.broadcast %shift_left3A_1434 : i32 to vector<16xi32>
        %shift_left3A_1436 = arith.shli %bitcast3A_1427, %shift_left3A_1435 : vector<16xi32>
        %bitcast3A_1437 = vector.bitcast %shift_left3A_1436 : vector<16xi32> to vector<16xf32>
        %shift_left3A_1438 = arith.constant 16 : i32
        %shift_left3A_1439 = vector.broadcast %shift_left3A_1438 : i32 to vector<16xi32>
        %shift_left3A_1440 = arith.shli %bitcast3A_1433, %shift_left3A_1439 : vector<16xi32>
        %bitcast3A_1441 = vector.bitcast %shift_left3A_1440 : vector<16xi32> to vector<16xf32>
        %add3A_1442 = arith.addf %bitcast3A_1437, %bitcast3A_1441 : vector<16xf32>
        %and3A_1443 = arith.constant -65536 : i32
        %and3A_1444 = vector.broadcast %and3A_1443 : i32 to vector<16xi32>
        %and3A_1445 = arith.andi %bitcast3A_1427, %and3A_1444 : vector<16xi32>
        %bitcast3A_1446 = vector.bitcast %and3A_1445 : vector<16xi32> to vector<16xf32>
        %and3A_1447 = arith.constant -65536 : i32
        %and3A_1448 = vector.broadcast %and3A_1447 : i32 to vector<16xi32>
        %and3A_1449 = arith.andi %bitcast3A_1433, %and3A_1448 : vector<16xi32>
        %bitcast3A_1450 = vector.bitcast %and3A_1449 : vector<16xi32> to vector<16xf32>
        %add3A_1451 = arith.addf %bitcast3A_1446, %bitcast3A_1450 : vector<16xf32>
        %swap3A_1452 = arith.constant 1 : i32
        %swap3A_1453 = arith.index_cast %swap3A_1452 : i32 to index
        %swap3A_1454 = arith.index_cast %scan3A_1345 : i32 to index
        %swap3A_1455 = arith.constant 32 : index
        %swap3A_1456 = tpu.vector_load %arg10[%swap3A_1453, %swap3A_1454, %swap3A_1455] {strides = array<i32>} : memref<2x112x128xf32, #tpu.memory_space<vmem>>, vector<16xf32>,
        tpu.vector_store %arg10[%swap3A_1453, %swap3A_1454, %swap3A_1455], %add3A_1442 {strides = array<i32>} : memref<2x112x128xf32, #tpu.memory_space<vmem>>, vector<16xf32>,
        %swap3A_1457 = arith.constant 1 : i32
        %swap3A_1458 = arith.index_cast %swap3A_1457 : i32 to index
        %swap3A_1459 = arith.index_cast %scan3A_1345 : i32 to index
        %swap3A_1460 = arith.constant 96 : index
        %swap3A_1461 = tpu.vector_load %arg10[%swap3A_1458, %swap3A_1459, %swap3A_1460] {strides = array<i32>} : memref<2x112x128xf32, #tpu.memory_space<vmem>>, vector<16xf32>,
        tpu.vector_store %arg10[%swap3A_1458, %swap3A_1459, %swap3A_1460], %add3A_1451 {strides = array<i32>} : memref<2x112x128xf32, #tpu.memory_space<vmem>>, vector<16xf32>,
        %get3A_1462 = arith.constant 1 : i32
        %get3A_1463 = arith.index_cast %get3A_1462 : i32 to index
        %get3A_1464 = arith.index_cast %scan3A_1345 : i32 to index
        %get3A_1465 = arith.constant 48 : index
        %get3A_1466 = tpu.vector_load %arg8[%get3A_1463, %get3A_1464, %get3A_1465] {strides = array<i32>} : memref<4x112x64xf32, #tpu.memory_space<vmem>>, vector<16xf32>,
        %bitcast3A_1467 = vector.bitcast %get3A_1466 : vector<16xf32> to vector<16xi32>
        %get3A_1468 = arith.constant 1 : i32
        %get3A_1469 = arith.index_cast %get3A_1468 : i32 to index
        %get3A_1470 = arith.index_cast %scan3A_1345 : i32 to index
        %get3A_1471 = arith.constant 48 : index
        %get3A_1472 = tpu.vector_load %arg9[%get3A_1469, %get3A_1470, %get3A_1471] {strides = array<i32>} : memref<4x112x64xf32, #tpu.memory_space<vmem>>, vector<16xf32>,
        %bitcast3A_1473 = vector.bitcast %get3A_1472 : vector<16xf32> to vector<16xi32>
        %shift_left3A_1474 = arith.constant 16 : i32
        %shift_left3A_1475 = vector.broadcast %shift_left3A_1474 : i32 to vector<16xi32>
        %shift_left3A_1476 = arith.shli %bitcast3A_1467, %shift_left3A_1475 : vector<16xi32>
        %bitcast3A_1477 = vector.bitcast %shift_left3A_1476 : vector<16xi32> to vector<16xf32>
        %shift_left3A_1478 = arith.constant 16 : i32
        %shift_left3A_1479 = vector.broadcast %shift_left3A_1478 : i32 to vector<16xi32>
        %shift_left3A_1480 = arith.shli %bitcast3A_1473, %shift_left3A_1479 : vector<16xi32>
        %bitcast3A_1481 = vector.bitcast %shift_left3A_1480 : vector<16xi32> to vector<16xf32>
        %add3A_1482 = arith.addf %bitcast3A_1477, %bitcast3A_1481 : vector<16xf32>
        %and3A_1483 = arith.constant -65536 : i32
        %and3A_1484 = vector.broadcast %and3A_1483 : i32 to vector<16xi32>
        %and3A_1485 = arith.andi %bitcast3A_1467, %and3A_1484 : vector<16xi32>
        %bitcast3A_1486 = vector.bitcast %and3A_1485 : vector<16xi32> to vector<16xf32>
        %and3A_1487 = arith.constant -65536 : i32
        %and3A_1488 = vector.broadcast %and3A_1487 : i32 to vector<16xi32>
        %and3A_1489 = arith.andi %bitcast3A_1473, %and3A_1488 : vector<16xi32>
        %bitcast3A_1490 = vector.bitcast %and3A_1489 : vector<16xi32> to vector<16xf32>
        %add3A_1491 = arith.addf %bitcast3A_1486, %bitcast3A_1490 : vector<16xf32>
        %swap3A_1492 = arith.constant 1 : i32
        %swap3A_1493 = arith.index_cast %swap3A_1492 : i32 to index
        %swap3A_1494 = arith.index_cast %scan3A_1345 : i32 to index
        %swap3A_1495 = arith.constant 48 : index
        %swap3A_1496 = tpu.vector_load %arg10[%swap3A_1493, %swap3A_1494, %swap3A_1495] {strides = array<i32>} : memref<2x112x128xf32, #tpu.memory_space<vmem>>, vector<16xf32>,
        tpu.vector_store %arg10[%swap3A_1493, %swap3A_1494, %swap3A_1495], %add3A_1482 {strides = array<i32>} : memref<2x112x128xf32, #tpu.memory_space<vmem>>, vector<16xf32>,
        %swap3A_1497 = arith.constant 1 : i32
        %swap3A_1498 = arith.index_cast %swap3A_1497 : i32 to index
        %swap3A_1499 = arith.index_cast %scan3A_1345 : i32 to index
        %swap3A_1500 = arith.constant 112 : index
        %swap3A_1501 = tpu.vector_load %arg10[%swap3A_1498, %swap3A_1499, %swap3A_1500] {strides = array<i32>} : memref<2x112x128xf32, #tpu.memory_space<vmem>>, vector<16xf32>,
        tpu.vector_store %arg10[%swap3A_1498, %swap3A_1499, %swap3A_1500], %add3A_1491 {strides = array<i32>} : memref<2x112x128xf32, #tpu.memory_space<vmem>>, vector<16xf32>,
        %scan3A_1502 = arith.constant 0 : i32
        scf.yield %scan3A_1502 : i32
      }
      %scan3A_937 = arith.constant 112 : i32
      %mul3A_938 = arith.constant 112 : i32
      %mul3A_939 = arith.muli %add3A_762, %mul3A_938 : i32
      %add3A_940 = arith.addi %min3A_3, %mul3A_939 : i32
      %dma_start3A_941 = arith.constant 1 : i32
      %dma_start3A_942 = arith.constant 0 : i32
      %dma_start3A_943 = arith.constant 0 : i32
      %dma_start3A_944 = tpu.memref_slice %arg10[%dma_start3A_941, %dma_start3A_942, %dma_start3A_943] : memref<2x112x128xf32, #tpu.memory_space<vmem>> -> memref<1x112x128xf32, #tpu.memory_space<vmem>>
      %dma_start3A_945 = tpu.memref_squeeze %dma_start3A_944 : memref<1x112x128xf32, #tpu.memory_space<vmem>> -> memref<112x128xf32, #tpu.memory_space<vmem>>
      %dma_start3A_946 = arith.constant 0 : i32
      %dma_start3A_947 = tpu.memref_slice %arg4[%add3A_940, %dma_start3A_946] : memref<100000x128xf32, #tpu.memory_space<hbm>> -> memref<112x128xf32, #tpu.memory_space<hbm>>
      %dma_start3A_948 = arith.constant 0 : i32
      %dma_start3A_949 = tpu.memref_slice %arg4[%add3A_940, %dma_start3A_948] : memref<100000x128xf32, #tpu.memory_space<hbm>> -> memref<112x128xf32, #tpu.memory_space<hbm>>
      %dma_start3A_950 = arith.constant 0 : i32
      %dma_start3A_951 = arith.constant 0 : i32
      %dma_start3A_952 = tpu.memref_slice %arg10[%dma_start3A_941, %dma_start3A_950, %dma_start3A_951] : memref<2x112x128xf32, #tpu.memory_space<vmem>> -> memref<1x112x128xf32, #tpu.memory_space<vmem>>
      %dma_start3A_953 = tpu.memref_squeeze %dma_start3A_952 : memref<1x112x128xf32, #tpu.memory_space<vmem>> -> memref<112x128xf32, #tpu.memory_space<vmem>>
      tpu.enqueue_dma source(%dma_start3A_953 : memref<112x128xf32, #tpu.memory_space<vmem>>) target(%dma_start3A_949 : memref<112x128xf32, #tpu.memory_space<hbm>>) target_semaphore(%arg16 : memref<!tpu.dma_semaphore, #tpu.memory_space<semaphore_mem>>)
      %mul3A_954 = arith.constant 4 : i32
      %mul3A_955 = arith.muli %scan3A_567, %mul3A_954 : i32
      %add3A_956 = arith.constant 2 : i32
      %add3A_957 = arith.addi %mul3A_955, %add3A_956 : i32
      %add3A_958 = arith.constant 4 : i32
      %add3A_959 = arith.addi %add3A_957, %add3A_958 : i32
      %sub3A_960 = arith.constant 1 : i32
      %sub3A_961 = arith.subi %add3A_959, %sub3A_960 : i32
      %lt3A_962 = arith.constant 28 : i32
      %lt3A_963 = arith.cmpi slt, %sub3A_961, %lt3A_962 : i32
      %convert_element_type3A_964 = arith.extui %lt3A_963 : i1 to i32
      %cond3A_965 = arith.constant 0 : i32
      %cond3A_966 = arith.cmpi ne, %convert_element_type3A_964, %cond3A_965 : i32
      scf.if %cond3A_966 {
        %add3A_1345 = arith.constant 4 : i32
        %add3A_1346 = arith.addi %add3A_957, %add3A_1345 : i32
        %sub3A_1347 = arith.constant 1 : i32
        %sub3A_1348 = arith.subi %add3A_1346, %sub3A_1347 : i32
        %dma_start3A_1349 = arith.constant 1 : i32
        %dma_start3A_1350 = arith.constant 0 : i32
        %dma_start3A_1351 = arith.constant 0 : i32
        %dma_start3A_1352 = tpu.memref_slice %arg8[%dma_start3A_1349, %dma_start3A_1350, %dma_start3A_1351] : memref<4x112x64xf32, #tpu.memory_space<vmem>> -> memref<1x16x64xf32, #tpu.memory_space<vmem>>
        %dma_start3A_1353 = tpu.memref_squeeze %dma_start3A_1352 : memref<1x16x64xf32, #tpu.memory_space<vmem>> -> memref<16x64xf32, #tpu.memory_space<vmem>>
        %dma_start3A_1354 = arith.constant 0 : i32
        %dma_start3A_1355 = tpu.memref_slice %arg6[%sub3A_1348, %dma_start3A_1354] : memref<28x112xi32, #tpu.memory_space<vmem>> -> memref<1x16xi32, #tpu.memory_space<vmem>>
        %dma_start3A_1356 = tpu.memref_squeeze %dma_start3A_1355 : memref<1x16xi32, #tpu.memory_space<vmem>> -> memref<16xi32, #tpu.memory_space<vmem>>
        %dma_start3A_1357 = arith.constant 0 : i32
        %dma_start3A_1358 = arith.constant 0 : i32
        %dma_start3A_1359 = tpu.memref_slice %arg3[%dma_start3A_1357, %dma_start3A_1358] : memref<30370x64xf32, #tpu.memory_space<hbm>> -> memref<30370x64xf32, #tpu.memory_space<hbm>>
        tpu.enqueue_indirect_dma source(%dma_start3A_1359 : memref<30370x64xf32, #tpu.memory_space<hbm>>) target(%dma_start3A_1353 : memref<16x64xf32, #tpu.memory_space<vmem>>) offsets(%dma_start3A_1356 : memref<16xi32, #tpu.memory_space<vmem>>) semaphore(%arg12 : memref<!tpu.dma_semaphore, #tpu.memory_space<semaphore_mem>>)
        %dma_start3A_1360 = arith.constant 1 : i32
        %dma_start3A_1361 = arith.constant 0 : i32
        %dma_start3A_1362 = arith.constant 0 : i32
        %dma_start3A_1363 = tpu.memref_slice %arg9[%dma_start3A_1360, %dma_start3A_1361, %dma_start3A_1362] : memref<4x112x64xf32, #tpu.memory_space<vmem>> -> memref<1x16x64xf32, #tpu.memory_space<vmem>>
        %dma_start3A_1364 = tpu.memref_squeeze %dma_start3A_1363 : memref<1x16x64xf32, #tpu.memory_space<vmem>> -> memref<16x64xf32, #tpu.memory_space<vmem>>
        %dma_start3A_1365 = arith.constant 0 : i32
        %dma_start3A_1366 = tpu.memref_slice %arg7[%sub3A_1348, %dma_start3A_1365] : memref<28x112xi32, #tpu.memory_space<vmem>> -> memref<1x16xi32, #tpu.memory_space<vmem>>
        %dma_start3A_1367 = tpu.memref_squeeze %dma_start3A_1366 : memref<1x16xi32, #tpu.memory_space<vmem>> -> memref<16xi32, #tpu.memory_space<vmem>>
        %dma_start3A_1368 = arith.constant 0 : i32
        %dma_start3A_1369 = arith.constant 0 : i32
        %dma_start3A_1370 = tpu.memref_slice %arg3[%dma_start3A_1368, %dma_start3A_1369] : memref<30370x64xf32, #tpu.memory_space<hbm>> -> memref<30370x64xf32, #tpu.memory_space<hbm>>
        tpu.enqueue_indirect_dma source(%dma_start3A_1370 : memref<30370x64xf32, #tpu.memory_space<hbm>>) target(%dma_start3A_1364 : memref<16x64xf32, #tpu.memory_space<vmem>>) offsets(%dma_start3A_1367 : memref<16xi32, #tpu.memory_space<vmem>>) semaphore(%arg12 : memref<!tpu.dma_semaphore, #tpu.memory_space<semaphore_mem>>)
        %dma_start3A_1371 = arith.constant 1 : i32
        %dma_start3A_1372 = arith.constant 16 : i32
        %dma_start3A_1373 = arith.constant 0 : i32
        %dma_start3A_1374 = tpu.memref_slice %arg8[%dma_start3A_1371, %dma_start3A_1372, %dma_start3A_1373] : memref<4x112x64xf32, #tpu.memory_space<vmem>> -> memref<1x16x64xf32, #tpu.memory_space<vmem>>
        %dma_start3A_1375 = tpu.memref_squeeze %dma_start3A_1374 : memref<1x16x64xf32, #tpu.memory_space<vmem>> -> memref<16x64xf32, #tpu.memory_space<vmem>>
        %dma_start3A_1376 = arith.constant 16 : i32
        %dma_start3A_1377 = tpu.memref_slice %arg6[%sub3A_1348, %dma_start3A_1376] : memref<28x112xi32, #tpu.memory_space<vmem>> -> memref<1x16xi32, #tpu.memory_space<vmem>>
        %dma_start3A_1378 = tpu.memref_squeeze %dma_start3A_1377 : memref<1x16xi32, #tpu.memory_space<vmem>> -> memref<16xi32, #tpu.memory_space<vmem>>
        %dma_start3A_1379 = arith.constant 0 : i32
        %dma_start3A_1380 = arith.constant 0 : i32
        %dma_start3A_1381 = tpu.memref_slice %arg3[%dma_start3A_1379, %dma_start3A_1380] : memref<30370x64xf32, #tpu.memory_space<hbm>> -> memref<30370x64xf32, #tpu.memory_space<hbm>>
        tpu.enqueue_indirect_dma source(%dma_start3A_1381 : memref<30370x64xf32, #tpu.memory_space<hbm>>) target(%dma_start3A_1375 : memref<16x64xf32, #tpu.memory_space<vmem>>) offsets(%dma_start3A_1378 : memref<16xi32, #tpu.memory_space<vmem>>) semaphore(%arg12 : memref<!tpu.dma_semaphore, #tpu.memory_space<semaphore_mem>>)
        %dma_start3A_1382 = arith.constant 1 : i32
        %dma_start3A_1383 = arith.constant 16 : i32
        %dma_start3A_1384 = arith.constant 0 : i32
        %dma_start3A_1385 = tpu.memref_slice %arg9[%dma_start3A_1382, %dma_start3A_1383, %dma_start3A_1384] : memref<4x112x64xf32, #tpu.memory_space<vmem>> -> memref<1x16x64xf32, #tpu.memory_space<vmem>>
        %dma_start3A_1386 = tpu.memref_squeeze %dma_start3A_1385 : memref<1x16x64xf32, #tpu.memory_space<vmem>> -> memref<16x64xf32, #tpu.memory_space<vmem>>
        %dma_start3A_1387 = arith.constant 16 : i32
        %dma_start3A_1388 = tpu.memref_slice %arg7[%sub3A_1348, %dma_start3A_1387] : memref<28x112xi32, #tpu.memory_space<vmem>> -> memref<1x16xi32, #tpu.memory_space<vmem>>
        %dma_start3A_1389 = tpu.memref_squeeze %dma_start3A_1388 : memref<1x16xi32, #tpu.memory_space<vmem>> -> memref<16xi32, #tpu.memory_space<vmem>>
        %dma_start3A_1390 = arith.constant 0 : i32
        %dma_start3A_1391 = arith.constant 0 : i32
        %dma_start3A_1392 = tpu.memref_slice %arg3[%dma_start3A_1390, %dma_start3A_1391] : memref<30370x64xf32, #tpu.memory_space<hbm>> -> memref<30370x64xf32, #tpu.memory_space<hbm>>
        tpu.enqueue_indirect_dma source(%dma_start3A_1392 : memref<30370x64xf32, #tpu.memory_space<hbm>>) target(%dma_start3A_1386 : memref<16x64xf32, #tpu.memory_space<vmem>>) offsets(%dma_start3A_1389 : memref<16xi32, #tpu.memory_space<vmem>>) semaphore(%arg12 : memref<!tpu.dma_semaphore, #tpu.memory_space<semaphore_mem>>)
        %dma_start3A_1393 = arith.constant 1 : i32
        %dma_start3A_1394 = arith.constant 32 : i32
        %dma_start3A_1395 = arith.constant 0 : i32
        %dma_start3A_1396 = tpu.memref_slice %arg8[%dma_start3A_1393, %dma_start3A_1394, %dma_start3A_1395] : memref<4x112x64xf32, #tpu.memory_space<vmem>> -> memref<1x16x64xf32, #tpu.memory_space<vmem>>
        %dma_start3A_1397 = tpu.memref_squeeze %dma_start3A_1396 : memref<1x16x64xf32, #tpu.memory_space<vmem>> -> memref<16x64xf32, #tpu.memory_space<vmem>>
        %dma_start3A_1398 = arith.constant 32 : i32
        %dma_start3A_1399 = tpu.memref_slice %arg6[%sub3A_1348, %dma_start3A_1398] : memref<28x112xi32, #tpu.memory_space<vmem>> -> memref<1x16xi32, #tpu.memory_space<vmem>>
        %dma_start3A_1400 = tpu.memref_squeeze %dma_start3A_1399 : memref<1x16xi32, #tpu.memory_space<vmem>> -> memref<16xi32, #tpu.memory_space<vmem>>
        %dma_start3A_1401 = arith.constant 0 : i32
        %dma_start3A_1402 = arith.constant 0 : i32
        %dma_start3A_1403 = tpu.memref_slice %arg3[%dma_start3A_1401, %dma_start3A_1402] : memref<30370x64xf32, #tpu.memory_space<hbm>> -> memref<30370x64xf32, #tpu.memory_space<hbm>>
        tpu.enqueue_indirect_dma source(%dma_start3A_1403 : memref<30370x64xf32, #tpu.memory_space<hbm>>) target(%dma_start3A_1397 : memref<16x64xf32, #tpu.memory_space<vmem>>) offsets(%dma_start3A_1400 : memref<16xi32, #tpu.memory_space<vmem>>) semaphore(%arg12 : memref<!tpu.dma_semaphore, #tpu.memory_space<semaphore_mem>>)
        %dma_start3A_1404 = arith.constant 1 : i32
        %dma_start3A_1405 = arith.constant 32 : i32
        %dma_start3A_1406 = arith.constant 0 : i32
        %dma_start3A_1407 = tpu.memref_slice %arg9[%dma_start3A_1404, %dma_start3A_1405, %dma_start3A_1406] : memref<4x112x64xf32, #tpu.memory_space<vmem>> -> memref<1x16x64xf32, #tpu.memory_space<vmem>>
        %dma_start3A_1408 = tpu.memref_squeeze %dma_start3A_1407 : memref<1x16x64xf32, #tpu.memory_space<vmem>> -> memref<16x64xf32, #tpu.memory_space<vmem>>
        %dma_start3A_1409 = arith.constant 32 : i32
        %dma_start3A_1410 = tpu.memref_slice %arg7[%sub3A_1348, %dma_start3A_1409] : memref<28x112xi32, #tpu.memory_space<vmem>> -> memref<1x16xi32, #tpu.memory_space<vmem>>
        %dma_start3A_1411 = tpu.memref_squeeze %dma_start3A_1410 : memref<1x16xi32, #tpu.memory_space<vmem>> -> memref<16xi32, #tpu.memory_space<vmem>>
        %dma_start3A_1412 = arith.constant 0 : i32
        %dma_start3A_1413 = arith.constant 0 : i32
        %dma_start3A_1414 = tpu.memref_slice %arg3[%dma_start3A_1412, %dma_start3A_1413] : memref<30370x64xf32, #tpu.memory_space<hbm>> -> memref<30370x64xf32, #tpu.memory_space<hbm>>
        tpu.enqueue_indirect_dma source(%dma_start3A_1414 : memref<30370x64xf32, #tpu.memory_space<hbm>>) target(%dma_start3A_1408 : memref<16x64xf32, #tpu.memory_space<vmem>>) offsets(%dma_start3A_1411 : memref<16xi32, #tpu.memory_space<vmem>>) semaphore(%arg12 : memref<!tpu.dma_semaphore, #tpu.memory_space<semaphore_mem>>)
        %dma_start3A_1415 = arith.constant 1 : i32
        %dma_start3A_1416 = arith.constant 48 : i32
        %dma_start3A_1417 = arith.constant 0 : i32
        %dma_start3A_1418 = tpu.memref_slice %arg8[%dma_start3A_1415, %dma_start3A_1416, %dma_start3A_1417] : memref<4x112x64xf32, #tpu.memory_space<vmem>> -> memref<1x16x64xf32, #tpu.memory_space<vmem>>
        %dma_start3A_1419 = tpu.memref_squeeze %dma_start3A_1418 : memref<1x16x64xf32, #tpu.memory_space<vmem>> -> memref<16x64xf32, #tpu.memory_space<vmem>>
        %dma_start3A_1420 = arith.constant 48 : i32
        %dma_start3A_1421 = tpu.memref_slice %arg6[%sub3A_1348, %dma_start3A_1420] : memref<28x112xi32, #tpu.memory_space<vmem>> -> memref<1x16xi32, #tpu.memory_space<vmem>>
        %dma_start3A_1422 = tpu.memref_squeeze %dma_start3A_1421 : memref<1x16xi32, #tpu.memory_space<vmem>> -> memref<16xi32, #tpu.memory_space<vmem>>
        %dma_start3A_1423 = arith.constant 0 : i32
        %dma_start3A_1424 = arith.constant 0 : i32
        %dma_start3A_1425 = tpu.memref_slice %arg3[%dma_start3A_1423, %dma_start3A_1424] : memref<30370x64xf32, #tpu.memory_space<hbm>> -> memref<30370x64xf32, #tpu.memory_space<hbm>>
        tpu.enqueue_indirect_dma source(%dma_start3A_1425 : memref<30370x64xf32, #tpu.memory_space<hbm>>) target(%dma_start3A_1419 : memref<16x64xf32, #tpu.memory_space<vmem>>) offsets(%dma_start3A_1422 : memref<16xi32, #tpu.memory_space<vmem>>) semaphore(%arg12 : memref<!tpu.dma_semaphore, #tpu.memory_space<semaphore_mem>>)
        %dma_start3A_1426 = arith.constant 1 : i32
        %dma_start3A_1427 = arith.constant 48 : i32
        %dma_start3A_1428 = arith.constant 0 : i32
        %dma_start3A_1429 = tpu.memref_slice %arg9[%dma_start3A_1426, %dma_start3A_1427, %dma_start3A_1428] : memref<4x112x64xf32, #tpu.memory_space<vmem>> -> memref<1x16x64xf32, #tpu.memory_space<vmem>>
        %dma_start3A_1430 = tpu.memref_squeeze %dma_start3A_1429 : memref<1x16x64xf32, #tpu.memory_space<vmem>> -> memref<16x64xf32, #tpu.memory_space<vmem>>
        %dma_start3A_1431 = arith.constant 48 : i32
        %dma_start3A_1432 = tpu.memref_slice %arg7[%sub3A_1348, %dma_start3A_1431] : memref<28x112xi32, #tpu.memory_space<vmem>> -> memref<1x16xi32, #tpu.memory_space<vmem>>
        %dma_start3A_1433 = tpu.memref_squeeze %dma_start3A_1432 : memref<1x16xi32, #tpu.memory_space<vmem>> -> memref<16xi32, #tpu.memory_space<vmem>>
        %dma_start3A_1434 = arith.constant 0 : i32
        %dma_start3A_1435 = arith.constant 0 : i32
        %dma_start3A_1436 = tpu.memref_slice %arg3[%dma_start3A_1434, %dma_start3A_1435] : memref<30370x64xf32, #tpu.memory_space<hbm>> -> memref<30370x64xf32, #tpu.memory_space<hbm>>
        tpu.enqueue_indirect_dma source(%dma_start3A_1436 : memref<30370x64xf32, #tpu.memory_space<hbm>>) target(%dma_start3A_1430 : memref<16x64xf32, #tpu.memory_space<vmem>>) offsets(%dma_start3A_1433 : memref<16xi32, #tpu.memory_space<vmem>>) semaphore(%arg12 : memref<!tpu.dma_semaphore, #tpu.memory_space<semaphore_mem>>)
        %dma_start3A_1437 = arith.constant 1 : i32
        %dma_start3A_1438 = arith.constant 64 : i32
        %dma_start3A_1439 = arith.constant 0 : i32
        %dma_start3A_1440 = tpu.memref_slice %arg8[%dma_start3A_1437, %dma_start3A_1438, %dma_start3A_1439] : memref<4x112x64xf32, #tpu.memory_space<vmem>> -> memref<1x16x64xf32, #tpu.memory_space<vmem>>
        %dma_start3A_1441 = tpu.memref_squeeze %dma_start3A_1440 : memref<1x16x64xf32, #tpu.memory_space<vmem>> -> memref<16x64xf32, #tpu.memory_space<vmem>>
        %dma_start3A_1442 = arith.constant 64 : i32
        %dma_start3A_1443 = tpu.memref_slice %arg6[%sub3A_1348, %dma_start3A_1442] : memref<28x112xi32, #tpu.memory_space<vmem>> -> memref<1x16xi32, #tpu.memory_space<vmem>>
        %dma_start3A_1444 = tpu.memref_squeeze %dma_start3A_1443 : memref<1x16xi32, #tpu.memory_space<vmem>> -> memref<16xi32, #tpu.memory_space<vmem>>
        %dma_start3A_1445 = arith.constant 0 : i32
        %dma_start3A_1446 = arith.constant 0 : i32
        %dma_start3A_1447 = tpu.memref_slice %arg3[%dma_start3A_1445, %dma_start3A_1446] : memref<30370x64xf32, #tpu.memory_space<hbm>> -> memref<30370x64xf32, #tpu.memory_space<hbm>>
        tpu.enqueue_indirect_dma source(%dma_start3A_1447 : memref<30370x64xf32, #tpu.memory_space<hbm>>) target(%dma_start3A_1441 : memref<16x64xf32, #tpu.memory_space<vmem>>) offsets(%dma_start3A_1444 : memref<16xi32, #tpu.memory_space<vmem>>) semaphore(%arg12 : memref<!tpu.dma_semaphore, #tpu.memory_space<semaphore_mem>>)
        %dma_start3A_1448 = arith.constant 1 : i32
        %dma_start3A_1449 = arith.constant 64 : i32
        %dma_start3A_1450 = arith.constant 0 : i32
        %dma_start3A_1451 = tpu.memref_slice %arg9[%dma_start3A_1448, %dma_start3A_1449, %dma_start3A_1450] : memref<4x112x64xf32, #tpu.memory_space<vmem>> -> memref<1x16x64xf32, #tpu.memory_space<vmem>>
        %dma_start3A_1452 = tpu.memref_squeeze %dma_start3A_1451 : memref<1x16x64xf32, #tpu.memory_space<vmem>> -> memref<16x64xf32, #tpu.memory_space<vmem>>
        %dma_start3A_1453 = arith.constant 64 : i32
        %dma_start3A_1454 = tpu.memref_slice %arg7[%sub3A_1348, %dma_start3A_1453] : memref<28x112xi32, #tpu.memory_space<vmem>> -> memref<1x16xi32, #tpu.memory_space<vmem>>
        %dma_start3A_1455 = tpu.memref_squeeze %dma_start3A_1454 : memref<1x16xi32, #tpu.memory_space<vmem>> -> memref<16xi32, #tpu.memory_space<vmem>>
        %dma_start3A_1456 = arith.constant 0 : i32
        %dma_start3A_1457 = arith.constant 0 : i32
        %dma_start3A_1458 = tpu.memref_slice %arg3[%dma_start3A_1456, %dma_start3A_1457] : memref<30370x64xf32, #tpu.memory_space<hbm>> -> memref<30370x64xf32, #tpu.memory_space<hbm>>
        tpu.enqueue_indirect_dma source(%dma_start3A_1458 : memref<30370x64xf32, #tpu.memory_space<hbm>>) target(%dma_start3A_1452 : memref<16x64xf32, #tpu.memory_space<vmem>>) offsets(%dma_start3A_1455 : memref<16xi32, #tpu.memory_space<vmem>>) semaphore(%arg12 : memref<!tpu.dma_semaphore, #tpu.memory_space<semaphore_mem>>)
        %dma_start3A_1459 = arith.constant 1 : i32
        %dma_start3A_1460 = arith.constant 80 : i32
        %dma_start3A_1461 = arith.constant 0 : i32
        %dma_start3A_1462 = tpu.memref_slice %arg8[%dma_start3A_1459, %dma_start3A_1460, %dma_start3A_1461] : memref<4x112x64xf32, #tpu.memory_space<vmem>> -> memref<1x16x64xf32, #tpu.memory_space<vmem>>
        %dma_start3A_1463 = tpu.memref_squeeze %dma_start3A_1462 : memref<1x16x64xf32, #tpu.memory_space<vmem>> -> memref<16x64xf32, #tpu.memory_space<vmem>>
        %dma_start3A_1464 = arith.constant 80 : i32
        %dma_start3A_1465 = tpu.memref_slice %arg6[%sub3A_1348, %dma_start3A_1464] : memref<28x112xi32, #tpu.memory_space<vmem>> -> memref<1x16xi32, #tpu.memory_space<vmem>>
        %dma_start3A_1466 = tpu.memref_squeeze %dma_start3A_1465 : memref<1x16xi32, #tpu.memory_space<vmem>> -> memref<16xi32, #tpu.memory_space<vmem>>
        %dma_start3A_1467 = arith.constant 0 : i32
        %dma_start3A_1468 = arith.constant 0 : i32
        %dma_start3A_1469 = tpu.memref_slice %arg3[%dma_start3A_1467, %dma_start3A_1468] : memref<30370x64xf32, #tpu.memory_space<hbm>> -> memref<30370x64xf32, #tpu.memory_space<hbm>>
        tpu.enqueue_indirect_dma source(%dma_start3A_1469 : memref<30370x64xf32, #tpu.memory_space<hbm>>) target(%dma_start3A_1463 : memref<16x64xf32, #tpu.memory_space<vmem>>) offsets(%dma_start3A_1466 : memref<16xi32, #tpu.memory_space<vmem>>) semaphore(%arg12 : memref<!tpu.dma_semaphore, #tpu.memory_space<semaphore_mem>>)
        %dma_start3A_1470 = arith.constant 1 : i32
        %dma_start3A_1471 = arith.constant 80 : i32
        %dma_start3A_1472 = arith.constant 0 : i32
        %dma_start3A_1473 = tpu.memref_slice %arg9[%dma_start3A_1470, %dma_start3A_1471, %dma_start3A_1472] : memref<4x112x64xf32, #tpu.memory_space<vmem>> -> memref<1x16x64xf32, #tpu.memory_space<vmem>>
        %dma_start3A_1474 = tpu.memref_squeeze %dma_start3A_1473 : memref<1x16x64xf32, #tpu.memory_space<vmem>> -> memref<16x64xf32, #tpu.memory_space<vmem>>
        %dma_start3A_1475 = arith.constant 80 : i32
        %dma_start3A_1476 = tpu.memref_slice %arg7[%sub3A_1348, %dma_start3A_1475] : memref<28x112xi32, #tpu.memory_space<vmem>> -> memref<1x16xi32, #tpu.memory_space<vmem>>
        %dma_start3A_1477 = tpu.memref_squeeze %dma_start3A_1476 : memref<1x16xi32, #tpu.memory_space<vmem>> -> memref<16xi32, #tpu.memory_space<vmem>>
        %dma_start3A_1478 = arith.constant 0 : i32
        %dma_start3A_1479 = arith.constant 0 : i32
        %dma_start3A_1480 = tpu.memref_slice %arg3[%dma_start3A_1478, %dma_start3A_1479] : memref<30370x64xf32, #tpu.memory_space<hbm>> -> memref<30370x64xf32, #tpu.memory_space<hbm>>
        tpu.enqueue_indirect_dma source(%dma_start3A_1480 : memref<30370x64xf32, #tpu.memory_space<hbm>>) target(%dma_start3A_1474 : memref<16x64xf32, #tpu.memory_space<vmem>>) offsets(%dma_start3A_1477 : memref<16xi32, #tpu.memory_space<vmem>>) semaphore(%arg12 : memref<!tpu.dma_semaphore, #tpu.memory_space<semaphore_mem>>)
        %dma_start3A_1481 = arith.constant 1 : i32
        %dma_start3A_1482 = arith.constant 96 : i32
        %dma_start3A_1483 = arith.constant 0 : i32
        %dma_start3A_1484 = tpu.memref_slice %arg8[%dma_start3A_1481, %dma_start3A_1482, %dma_start3A_1483] : memref<4x112x64xf32, #tpu.memory_space<vmem>> -> memref<1x16x64xf32, #tpu.memory_space<vmem>>
        %dma_start3A_1485 = tpu.memref_squeeze %dma_start3A_1484 : memref<1x16x64xf32, #tpu.memory_space<vmem>> -> memref<16x64xf32, #tpu.memory_space<vmem>>
        %dma_start3A_1486 = arith.constant 96 : i32
        %dma_start3A_1487 = tpu.memref_slice %arg6[%sub3A_1348, %dma_start3A_1486] : memref<28x112xi32, #tpu.memory_space<vmem>> -> memref<1x16xi32, #tpu.memory_space<vmem>>
        %dma_start3A_1488 = tpu.memref_squeeze %dma_start3A_1487 : memref<1x16xi32, #tpu.memory_space<vmem>> -> memref<16xi32, #tpu.memory_space<vmem>>
        %dma_start3A_1489 = arith.constant 0 : i32
        %dma_start3A_1490 = arith.constant 0 : i32
        %dma_start3A_1491 = tpu.memref_slice %arg3[%dma_start3A_1489, %dma_start3A_1490] : memref<30370x64xf32, #tpu.memory_space<hbm>> -> memref<30370x64xf32, #tpu.memory_space<hbm>>
        tpu.enqueue_indirect_dma source(%dma_start3A_1491 : memref<30370x64xf32, #tpu.memory_space<hbm>>) target(%dma_start3A_1485 : memref<16x64xf32, #tpu.memory_space<vmem>>) offsets(%dma_start3A_1488 : memref<16xi32, #tpu.memory_space<vmem>>) semaphore(%arg12 : memref<!tpu.dma_semaphore, #tpu.memory_space<semaphore_mem>>)
        %dma_start3A_1492 = arith.constant 1 : i32
        %dma_start3A_1493 = arith.constant 96 : i32
        %dma_start3A_1494 = arith.constant 0 : i32
        %dma_start3A_1495 = tpu.memref_slice %arg9[%dma_start3A_1492, %dma_start3A_1493, %dma_start3A_1494] : memref<4x112x64xf32, #tpu.memory_space<vmem>> -> memref<1x16x64xf32, #tpu.memory_space<vmem>>
        %dma_start3A_1496 = tpu.memref_squeeze %dma_start3A_1495 : memref<1x16x64xf32, #tpu.memory_space<vmem>> -> memref<16x64xf32, #tpu.memory_space<vmem>>
        %dma_start3A_1497 = arith.constant 96 : i32
        %dma_start3A_1498 = tpu.memref_slice %arg7[%sub3A_1348, %dma_start3A_1497] : memref<28x112xi32, #tpu.memory_space<vmem>> -> memref<1x16xi32, #tpu.memory_space<vmem>>
        %dma_start3A_1499 = tpu.memref_squeeze %dma_start3A_1498 : memref<1x16xi32, #tpu.memory_space<vmem>> -> memref<16xi32, #tpu.memory_space<vmem>>
        %dma_start3A_1500 = arith.constant 0 : i32
        %dma_start3A_1501 = arith.constant 0 : i32
        %dma_start3A_1502 = tpu.memref_slice %arg3[%dma_start3A_1500, %dma_start3A_1501] : memref<30370x64xf32, #tpu.memory_space<hbm>> -> memref<30370x64xf32, #tpu.memory_space<hbm>>
        tpu.enqueue_indirect_dma source(%dma_start3A_1502 : memref<30370x64xf32, #tpu.memory_space<hbm>>) target(%dma_start3A_1496 : memref<16x64xf32, #tpu.memory_space<vmem>>) offsets(%dma_start3A_1499 : memref<16xi32, #tpu.memory_space<vmem>>) semaphore(%arg12 : memref<!tpu.dma_semaphore, #tpu.memory_space<semaphore_mem>>)
      } else {
      }
      %dma_wait3A_967 = arith.constant 2 : i32
      %dma_wait3A_968 = arith.constant 0 : i32
      %dma_wait3A_969 = arith.constant 0 : i32
      %dma_wait3A_970 = tpu.memref_slice %arg8[%dma_wait3A_967, %dma_wait3A_968, %dma_wait3A_969] : memref<4x112x64xf32, #tpu.memory_space<vmem>> -> memref<1x16x64xf32, #tpu.memory_space<vmem>>
      %dma_wait3A_971 = tpu.memref_squeeze %dma_wait3A_970 : memref<1x16x64xf32, #tpu.memory_space<vmem>> -> memref<16x64xf32, #tpu.memory_space<vmem>>
      %dma_wait3A_972 = arith.constant 0 : i32
      %dma_wait3A_973 = tpu.memref_slice %arg6[%add3A_957, %dma_wait3A_972] : memref<28x112xi32, #tpu.memory_space<vmem>> -> memref<1x16xi32, #tpu.memory_space<vmem>>
      %dma_wait3A_974 = tpu.memref_squeeze %dma_wait3A_973 : memref<1x16xi32, #tpu.memory_space<vmem>> -> memref<16xi32, #tpu.memory_space<vmem>>
      %dma_wait3A_975 = arith.constant 0 : i32
      %dma_wait3A_976 = arith.constant 0 : i32
      %dma_wait3A_977 = tpu.memref_slice %arg3[%dma_wait3A_975, %dma_wait3A_976] : memref<30370x64xf32, #tpu.memory_space<hbm>> -> memref<30370x64xf32, #tpu.memory_space<hbm>>
      tpu.wait_indirect_dma semaphore(%arg13 : memref<!tpu.dma_semaphore, #tpu.memory_space<semaphore_mem>>) src(%dma_wait3A_977 : memref<30370x64xf32, #tpu.memory_space<hbm>>) dst(%dma_wait3A_971 : memref<16x64xf32, #tpu.memory_space<vmem>>)
      %dma_wait3A_978 = arith.constant 2 : i32
      %dma_wait3A_979 = arith.constant 0 : i32
      %dma_wait3A_980 = arith.constant 0 : i32
      %dma_wait3A_981 = tpu.memref_slice %arg9[%dma_wait3A_978, %dma_wait3A_979, %dma_wait3A_980] : memref<4x112x64xf32, #tpu.memory_space<vmem>> -> memref<1x16x64xf32, #tpu.memory_space<vmem>>
      %dma_wait3A_982 = tpu.memref_squeeze %dma_wait3A_981 : memref<1x16x64xf32, #tpu.memory_space<vmem>> -> memref<16x64xf32, #tpu.memory_space<vmem>>
      %dma_wait3A_983 = arith.constant 0 : i32
      %dma_wait3A_984 = tpu.memref_slice %arg7[%add3A_957, %dma_wait3A_983] : memref<28x112xi32, #tpu.memory_space<vmem>> -> memref<1x16xi32, #tpu.memory_space<vmem>>
      %dma_wait3A_985 = tpu.memref_squeeze %dma_wait3A_984 : memref<1x16xi32, #tpu.memory_space<vmem>> -> memref<16xi32, #tpu.memory_space<vmem>>
      %dma_wait3A_986 = arith.constant 0 : i32
      %dma_wait3A_987 = arith.constant 0 : i32
      %dma_wait3A_988 = tpu.memref_slice %arg3[%dma_wait3A_986, %dma_wait3A_987] : memref<30370x64xf32, #tpu.memory_space<hbm>> -> memref<30370x64xf32, #tpu.memory_space<hbm>>
      tpu.wait_indirect_dma semaphore(%arg13 : memref<!tpu.dma_semaphore, #tpu.memory_space<semaphore_mem>>) src(%dma_wait3A_988 : memref<30370x64xf32, #tpu.memory_space<hbm>>) dst(%dma_wait3A_982 : memref<16x64xf32, #tpu.memory_space<vmem>>)
      %dma_wait3A_989 = arith.constant 2 : i32
      %dma_wait3A_990 = arith.constant 16 : i32
      %dma_wait3A_991 = arith.constant 0 : i32
      %dma_wait3A_992 = tpu.memref_slice %arg8[%dma_wait3A_989, %dma_wait3A_990, %dma_wait3A_991] : memref<4x112x64xf32, #tpu.memory_space<vmem>> -> memref<1x16x64xf32, #tpu.memory_space<vmem>>
      %dma_wait3A_993 = tpu.memref_squeeze %dma_wait3A_992 : memref<1x16x64xf32, #tpu.memory_space<vmem>> -> memref<16x64xf32, #tpu.memory_space<vmem>>
      %dma_wait3A_994 = arith.constant 16 : i32
      %dma_wait3A_995 = tpu.memref_slice %arg6[%add3A_957, %dma_wait3A_994] : memref<28x112xi32, #tpu.memory_space<vmem>> -> memref<1x16xi32, #tpu.memory_space<vmem>>
      %dma_wait3A_996 = tpu.memref_squeeze %dma_wait3A_995 : memref<1x16xi32, #tpu.memory_space<vmem>> -> memref<16xi32, #tpu.memory_space<vmem>>
      %dma_wait3A_997 = arith.constant 0 : i32
      %dma_wait3A_998 = arith.constant 0 : i32
      %dma_wait3A_999 = tpu.memref_slice %arg3[%dma_wait3A_997, %dma_wait3A_998] : memref<30370x64xf32, #tpu.memory_space<hbm>> -> memref<30370x64xf32, #tpu.memory_space<hbm>>
      tpu.wait_indirect_dma semaphore(%arg13 : memref<!tpu.dma_semaphore, #tpu.memory_space<semaphore_mem>>) src(%dma_wait3A_999 : memref<30370x64xf32, #tpu.memory_space<hbm>>) dst(%dma_wait3A_993 : memref<16x64xf32, #tpu.memory_space<vmem>>)
      %dma_wait3A_1000 = arith.constant 2 : i32
      %dma_wait3A_1001 = arith.constant 16 : i32
      %dma_wait3A_1002 = arith.constant 0 : i32
      %dma_wait3A_1003 = tpu.memref_slice %arg9[%dma_wait3A_1000, %dma_wait3A_1001, %dma_wait3A_1002] : memref<4x112x64xf32, #tpu.memory_space<vmem>> -> memref<1x16x64xf32, #tpu.memory_space<vmem>>
      %dma_wait3A_1004 = tpu.memref_squeeze %dma_wait3A_1003 : memref<1x16x64xf32, #tpu.memory_space<vmem>> -> memref<16x64xf32, #tpu.memory_space<vmem>>
      %dma_wait3A_1005 = arith.constant 16 : i32
      %dma_wait3A_1006 = tpu.memref_slice %arg7[%add3A_957, %dma_wait3A_1005] : memref<28x112xi32, #tpu.memory_space<vmem>> -> memref<1x16xi32, #tpu.memory_space<vmem>>
      %dma_wait3A_1007 = tpu.memref_squeeze %dma_wait3A_1006 : memref<1x16xi32, #tpu.memory_space<vmem>> -> memref<16xi32, #tpu.memory_space<vmem>>
      %dma_wait3A_1008 = arith.constant 0 : i32
      %dma_wait3A_1009 = arith.constant 0 : i32
      %dma_wait3A_1010 = tpu.memref_slice %arg3[%dma_wait3A_1008, %dma_wait3A_1009] : memref<30370x64xf32, #tpu.memory_space<hbm>> -> memref<30370x64xf32, #tpu.memory_space<hbm>>
      tpu.wait_indirect_dma semaphore(%arg13 : memref<!tpu.dma_semaphore, #tpu.memory_space<semaphore_mem>>) src(%dma_wait3A_1010 : memref<30370x64xf32, #tpu.memory_space<hbm>>) dst(%dma_wait3A_1004 : memref<16x64xf32, #tpu.memory_space<vmem>>)
      %dma_wait3A_1011 = arith.constant 2 : i32
      %dma_wait3A_1012 = arith.constant 32 : i32
      %dma_wait3A_1013 = arith.constant 0 : i32
      %dma_wait3A_1014 = tpu.memref_slice %arg8[%dma_wait3A_1011, %dma_wait3A_1012, %dma_wait3A_1013] : memref<4x112x64xf32, #tpu.memory_space<vmem>> -> memref<1x16x64xf32, #tpu.memory_space<vmem>>
      %dma_wait3A_1015 = tpu.memref_squeeze %dma_wait3A_1014 : memref<1x16x64xf32, #tpu.memory_space<vmem>> -> memref<16x64xf32, #tpu.memory_space<vmem>>
      %dma_wait3A_1016 = arith.constant 32 : i32
      %dma_wait3A_1017 = tpu.memref_slice %arg6[%add3A_957, %dma_wait3A_1016] : memref<28x112xi32, #tpu.memory_space<vmem>> -> memref<1x16xi32, #tpu.memory_space<vmem>>
      %dma_wait3A_1018 = tpu.memref_squeeze %dma_wait3A_1017 : memref<1x16xi32, #tpu.memory_space<vmem>> -> memref<16xi32, #tpu.memory_space<vmem>>
      %dma_wait3A_1019 = arith.constant 0 : i32
      %dma_wait3A_1020 = arith.constant 0 : i32
      %dma_wait3A_1021 = tpu.memref_slice %arg3[%dma_wait3A_1019, %dma_wait3A_1020] : memref<30370x64xf32, #tpu.memory_space<hbm>> -> memref<30370x64xf32, #tpu.memory_space<hbm>>
      tpu.wait_indirect_dma semaphore(%arg13 : memref<!tpu.dma_semaphore, #tpu.memory_space<semaphore_mem>>) src(%dma_wait3A_1021 : memref<30370x64xf32, #tpu.memory_space<hbm>>) dst(%dma_wait3A_1015 : memref<16x64xf32, #tpu.memory_space<vmem>>)
      %dma_wait3A_1022 = arith.constant 2 : i32
      %dma_wait3A_1023 = arith.constant 32 : i32
      %dma_wait3A_1024 = arith.constant 0 : i32
      %dma_wait3A_1025 = tpu.memref_slice %arg9[%dma_wait3A_1022, %dma_wait3A_1023, %dma_wait3A_1024] : memref<4x112x64xf32, #tpu.memory_space<vmem>> -> memref<1x16x64xf32, #tpu.memory_space<vmem>>
      %dma_wait3A_1026 = tpu.memref_squeeze %dma_wait3A_1025 : memref<1x16x64xf32, #tpu.memory_space<vmem>> -> memref<16x64xf32, #tpu.memory_space<vmem>>
      %dma_wait3A_1027 = arith.constant 32 : i32
      %dma_wait3A_1028 = tpu.memref_slice %arg7[%add3A_957, %dma_wait3A_1027] : memref<28x112xi32, #tpu.memory_space<vmem>> -> memref<1x16xi32, #tpu.memory_space<vmem>>
      %dma_wait3A_1029 = tpu.memref_squeeze %dma_wait3A_1028 : memref<1x16xi32, #tpu.memory_space<vmem>> -> memref<16xi32, #tpu.memory_space<vmem>>
      %dma_wait3A_1030 = arith.constant 0 : i32
      %dma_wait3A_1031 = arith.constant 0 : i32
      %dma_wait3A_1032 = tpu.memref_slice %arg3[%dma_wait3A_1030, %dma_wait3A_1031] : memref<30370x64xf32, #tpu.memory_space<hbm>> -> memref<30370x64xf32, #tpu.memory_space<hbm>>
      tpu.wait_indirect_dma semaphore(%arg13 : memref<!tpu.dma_semaphore, #tpu.memory_space<semaphore_mem>>) src(%dma_wait3A_1032 : memref<30370x64xf32, #tpu.memory_space<hbm>>) dst(%dma_wait3A_1026 : memref<16x64xf32, #tpu.memory_space<vmem>>)
      %dma_wait3A_1033 = arith.constant 2 : i32
      %dma_wait3A_1034 = arith.constant 48 : i32
      %dma_wait3A_1035 = arith.constant 0 : i32
      %dma_wait3A_1036 = tpu.memref_slice %arg8[%dma_wait3A_1033, %dma_wait3A_1034, %dma_wait3A_1035] : memref<4x112x64xf32, #tpu.memory_space<vmem>> -> memref<1x16x64xf32, #tpu.memory_space<vmem>>
      %dma_wait3A_1037 = tpu.memref_squeeze %dma_wait3A_1036 : memref<1x16x64xf32, #tpu.memory_space<vmem>> -> memref<16x64xf32, #tpu.memory_space<vmem>>
      %dma_wait3A_1038 = arith.constant 48 : i32
      %dma_wait3A_1039 = tpu.memref_slice %arg6[%add3A_957, %dma_wait3A_1038] : memref<28x112xi32, #tpu.memory_space<vmem>> -> memref<1x16xi32, #tpu.memory_space<vmem>>
      %dma_wait3A_1040 = tpu.memref_squeeze %dma_wait3A_1039 : memref<1x16xi32, #tpu.memory_space<vmem>> -> memref<16xi32, #tpu.memory_space<vmem>>
      %dma_wait3A_1041 = arith.constant 0 : i32
      %dma_wait3A_1042 = arith.constant 0 : i32
      %dma_wait3A_1043 = tpu.memref_slice %arg3[%dma_wait3A_1041, %dma_wait3A_1042] : memref<30370x64xf32, #tpu.memory_space<hbm>> -> memref<30370x64xf32, #tpu.memory_space<hbm>>
      tpu.wait_indirect_dma semaphore(%arg13 : memref<!tpu.dma_semaphore, #tpu.memory_space<semaphore_mem>>) src(%dma_wait3A_1043 : memref<30370x64xf32, #tpu.memory_space<hbm>>) dst(%dma_wait3A_1037 : memref<16x64xf32, #tpu.memory_space<vmem>>)
      %dma_wait3A_1044 = arith.constant 2 : i32
      %dma_wait3A_1045 = arith.constant 48 : i32
      %dma_wait3A_1046 = arith.constant 0 : i32
      %dma_wait3A_1047 = tpu.memref_slice %arg9[%dma_wait3A_1044, %dma_wait3A_1045, %dma_wait3A_1046] : memref<4x112x64xf32, #tpu.memory_space<vmem>> -> memref<1x16x64xf32, #tpu.memory_space<vmem>>
      %dma_wait3A_1048 = tpu.memref_squeeze %dma_wait3A_1047 : memref<1x16x64xf32, #tpu.memory_space<vmem>> -> memref<16x64xf32, #tpu.memory_space<vmem>>
      %dma_wait3A_1049 = arith.constant 48 : i32
      %dma_wait3A_1050 = tpu.memref_slice %arg7[%add3A_957, %dma_wait3A_1049] : memref<28x112xi32, #tpu.memory_space<vmem>> -> memref<1x16xi32, #tpu.memory_space<vmem>>
      %dma_wait3A_1051 = tpu.memref_squeeze %dma_wait3A_1050 : memref<1x16xi32, #tpu.memory_space<vmem>> -> memref<16xi32, #tpu.memory_space<vmem>>
      %dma_wait3A_1052 = arith.constant 0 : i32
      %dma_wait3A_1053 = arith.constant 0 : i32
      %dma_wait3A_1054 = tpu.memref_slice %arg3[%dma_wait3A_1052, %dma_wait3A_1053] : memref<30370x64xf32, #tpu.memory_space<hbm>> -> memref<30370x64xf32, #tpu.memory_space<hbm>>
      tpu.wait_indirect_dma semaphore(%arg13 : memref<!tpu.dma_semaphore, #tpu.memory_space<semaphore_mem>>) src(%dma_wait3A_1054 : memref<30370x64xf32, #tpu.memory_space<hbm>>) dst(%dma_wait3A_1048 : memref<16x64xf32, #tpu.memory_space<vmem>>)
      %dma_wait3A_1055 = arith.constant 2 : i32
      %dma_wait3A_1056 = arith.constant 64 : i32
      %dma_wait3A_1057 = arith.constant 0 : i32
      %dma_wait3A_1058 = tpu.memref_slice %arg8[%dma_wait3A_1055, %dma_wait3A_1056, %dma_wait3A_1057] : memref<4x112x64xf32, #tpu.memory_space<vmem>> -> memref<1x16x64xf32, #tpu.memory_space<vmem>>
      %dma_wait3A_1059 = tpu.memref_squeeze %dma_wait3A_1058 : memref<1x16x64xf32, #tpu.memory_space<vmem>> -> memref<16x64xf32, #tpu.memory_space<vmem>>
      %dma_wait3A_1060 = arith.constant 64 : i32
      %dma_wait3A_1061 = tpu.memref_slice %arg6[%add3A_957, %dma_wait3A_1060] : memref<28x112xi32, #tpu.memory_space<vmem>> -> memref<1x16xi32, #tpu.memory_space<vmem>>
      %dma_wait3A_1062 = tpu.memref_squeeze %dma_wait3A_1061 : memref<1x16xi32, #tpu.memory_space<vmem>> -> memref<16xi32, #tpu.memory_space<vmem>>
      %dma_wait3A_1063 = arith.constant 0 : i32
      %dma_wait3A_1064 = arith.constant 0 : i32
      %dma_wait3A_1065 = tpu.memref_slice %arg3[%dma_wait3A_1063, %dma_wait3A_1064] : memref<30370x64xf32, #tpu.memory_space<hbm>> -> memref<30370x64xf32, #tpu.memory_space<hbm>>
      tpu.wait_indirect_dma semaphore(%arg13 : memref<!tpu.dma_semaphore, #tpu.memory_space<semaphore_mem>>) src(%dma_wait3A_1065 : memref<30370x64xf32, #tpu.memory_space<hbm>>) dst(%dma_wait3A_1059 : memref<16x64xf32, #tpu.memory_space<vmem>>)
      %dma_wait3A_1066 = arith.constant 2 : i32
      %dma_wait3A_1067 = arith.constant 64 : i32
      %dma_wait3A_1068 = arith.constant 0 : i32
      %dma_wait3A_1069 = tpu.memref_slice %arg9[%dma_wait3A_1066, %dma_wait3A_1067, %dma_wait3A_1068] : memref<4x112x64xf32, #tpu.memory_space<vmem>> -> memref<1x16x64xf32, #tpu.memory_space<vmem>>
      %dma_wait3A_1070 = tpu.memref_squeeze %dma_wait3A_1069 : memref<1x16x64xf32, #tpu.memory_space<vmem>> -> memref<16x64xf32, #tpu.memory_space<vmem>>
      %dma_wait3A_1071 = arith.constant 64 : i32
      %dma_wait3A_1072 = tpu.memref_slice %arg7[%add3A_957, %dma_wait3A_1071] : memref<28x112xi32, #tpu.memory_space<vmem>> -> memref<1x16xi32, #tpu.memory_space<vmem>>
      %dma_wait3A_1073 = tpu.memref_squeeze %dma_wait3A_1072 : memref<1x16xi32, #tpu.memory_space<vmem>> -> memref<16xi32, #tpu.memory_space<vmem>>
      %dma_wait3A_1074 = arith.constant 0 : i32
      %dma_wait3A_1075 = arith.constant 0 : i32
      %dma_wait3A_1076 = tpu.memref_slice %arg3[%dma_wait3A_1074, %dma_wait3A_1075] : memref<30370x64xf32, #tpu.memory_space<hbm>> -> memref<30370x64xf32, #tpu.memory_space<hbm>>
      tpu.wait_indirect_dma semaphore(%arg13 : memref<!tpu.dma_semaphore, #tpu.memory_space<semaphore_mem>>) src(%dma_wait3A_1076 : memref<30370x64xf32, #tpu.memory_space<hbm>>) dst(%dma_wait3A_1070 : memref<16x64xf32, #tpu.memory_space<vmem>>)
      %dma_wait3A_1077 = arith.constant 2 : i32
      %dma_wait3A_1078 = arith.constant 80 : i32
      %dma_wait3A_1079 = arith.constant 0 : i32
      %dma_wait3A_1080 = tpu.memref_slice %arg8[%dma_wait3A_1077, %dma_wait3A_1078, %dma_wait3A_1079] : memref<4x112x64xf32, #tpu.memory_space<vmem>> -> memref<1x16x64xf32, #tpu.memory_space<vmem>>
      %dma_wait3A_1081 = tpu.memref_squeeze %dma_wait3A_1080 : memref<1x16x64xf32, #tpu.memory_space<vmem>> -> memref<16x64xf32, #tpu.memory_space<vmem>>
      %dma_wait3A_1082 = arith.constant 80 : i32
      %dma_wait3A_1083 = tpu.memref_slice %arg6[%add3A_957, %dma_wait3A_1082] : memref<28x112xi32, #tpu.memory_space<vmem>> -> memref<1x16xi32, #tpu.memory_space<vmem>>
      %dma_wait3A_1084 = tpu.memref_squeeze %dma_wait3A_1083 : memref<1x16xi32, #tpu.memory_space<vmem>> -> memref<16xi32, #tpu.memory_space<vmem>>
      %dma_wait3A_1085 = arith.constant 0 : i32
      %dma_wait3A_1086 = arith.constant 0 : i32
      %dma_wait3A_1087 = tpu.memref_slice %arg3[%dma_wait3A_1085, %dma_wait3A_1086] : memref<30370x64xf32, #tpu.memory_space<hbm>> -> memref<30370x64xf32, #tpu.memory_space<hbm>>
      tpu.wait_indirect_dma semaphore(%arg13 : memref<!tpu.dma_semaphore, #tpu.memory_space<semaphore_mem>>) src(%dma_wait3A_1087 : memref<30370x64xf32, #tpu.memory_space<hbm>>) dst(%dma_wait3A_1081 : memref<16x64xf32, #tpu.memory_space<vmem>>)
      %dma_wait3A_1088 = arith.constant 2 : i32
      %dma_wait3A_1089 = arith.constant 80 : i32
      %dma_wait3A_1090 = arith.constant 0 : i32
      %dma_wait3A_1091 = tpu.memref_slice %arg9[%dma_wait3A_1088, %dma_wait3A_1089, %dma_wait3A_1090] : memref<4x112x64xf32, #tpu.memory_space<vmem>> -> memref<1x16x64xf32, #tpu.memory_space<vmem>>
      %dma_wait3A_1092 = tpu.memref_squeeze %dma_wait3A_1091 : memref<1x16x64xf32, #tpu.memory_space<vmem>> -> memref<16x64xf32, #tpu.memory_space<vmem>>
      %dma_wait3A_1093 = arith.constant 80 : i32
      %dma_wait3A_1094 = tpu.memref_slice %arg7[%add3A_957, %dma_wait3A_1093] : memref<28x112xi32, #tpu.memory_space<vmem>> -> memref<1x16xi32, #tpu.memory_space<vmem>>
      %dma_wait3A_1095 = tpu.memref_squeeze %dma_wait3A_1094 : memref<1x16xi32, #tpu.memory_space<vmem>> -> memref<16xi32, #tpu.memory_space<vmem>>
      %dma_wait3A_1096 = arith.constant 0 : i32
      %dma_wait3A_1097 = arith.constant 0 : i32
      %dma_wait3A_1098 = tpu.memref_slice %arg3[%dma_wait3A_1096, %dma_wait3A_1097] : memref<30370x64xf32, #tpu.memory_space<hbm>> -> memref<30370x64xf32, #tpu.memory_space<hbm>>
      tpu.wait_indirect_dma semaphore(%arg13 : memref<!tpu.dma_semaphore, #tpu.memory_space<semaphore_mem>>) src(%dma_wait3A_1098 : memref<30370x64xf32, #tpu.memory_space<hbm>>) dst(%dma_wait3A_1092 : memref<16x64xf32, #tpu.memory_space<vmem>>)
      %dma_wait3A_1099 = arith.constant 2 : i32
      %dma_wait3A_1100 = arith.constant 96 : i32
      %dma_wait3A_1101 = arith.constant 0 : i32
      %dma_wait3A_1102 = tpu.memref_slice %arg8[%dma_wait3A_1099, %dma_wait3A_1100, %dma_wait3A_1101] : memref<4x112x64xf32, #tpu.memory_space<vmem>> -> memref<1x16x64xf32, #tpu.memory_space<vmem>>
      %dma_wait3A_1103 = tpu.memref_squeeze %dma_wait3A_1102 : memref<1x16x64xf32, #tpu.memory_space<vmem>> -> memref<16x64xf32, #tpu.memory_space<vmem>>
      %dma_wait3A_1104 = arith.constant 96 : i32
      %dma_wait3A_1105 = tpu.memref_slice %arg6[%add3A_957, %dma_wait3A_1104] : memref<28x112xi32, #tpu.memory_space<vmem>> -> memref<1x16xi32, #tpu.memory_space<vmem>>
      %dma_wait3A_1106 = tpu.memref_squeeze %dma_wait3A_1105 : memref<1x16xi32, #tpu.memory_space<vmem>> -> memref<16xi32, #tpu.memory_space<vmem>>
      %dma_wait3A_1107 = arith.constant 0 : i32
      %dma_wait3A_1108 = arith.constant 0 : i32
      %dma_wait3A_1109 = tpu.memref_slice %arg3[%dma_wait3A_1107, %dma_wait3A_1108] : memref<30370x64xf32, #tpu.memory_space<hbm>> -> memref<30370x64xf32, #tpu.memory_space<hbm>>
      tpu.wait_indirect_dma semaphore(%arg13 : memref<!tpu.dma_semaphore, #tpu.memory_space<semaphore_mem>>) src(%dma_wait3A_1109 : memref<30370x64xf32, #tpu.memory_space<hbm>>) dst(%dma_wait3A_1103 : memref<16x64xf32, #tpu.memory_space<vmem>>)
      %dma_wait3A_1110 = arith.constant 2 : i32
      %dma_wait3A_1111 = arith.constant 96 : i32
      %dma_wait3A_1112 = arith.constant 0 : i32
      %dma_wait3A_1113 = tpu.memref_slice %arg9[%dma_wait3A_1110, %dma_wait3A_1111, %dma_wait3A_1112] : memref<4x112x64xf32, #tpu.memory_space<vmem>> -> memref<1x16x64xf32, #tpu.memory_space<vmem>>
      %dma_wait3A_1114 = tpu.memref_squeeze %dma_wait3A_1113 : memref<1x16x64xf32, #tpu.memory_space<vmem>> -> memref<16x64xf32, #tpu.memory_space<vmem>>
      %dma_wait3A_1115 = arith.constant 96 : i32
      %dma_wait3A_1116 = tpu.memref_slice %arg7[%add3A_957, %dma_wait3A_1115] : memref<28x112xi32, #tpu.memory_space<vmem>> -> memref<1x16xi32, #tpu.memory_space<vmem>>
      %dma_wait3A_1117 = tpu.memref_squeeze %dma_wait3A_1116 : memref<1x16xi32, #tpu.memory_space<vmem>> -> memref<16xi32, #tpu.memory_space<vmem>>
      %dma_wait3A_1118 = arith.constant 0 : i32
      %dma_wait3A_1119 = arith.constant 0 : i32
      %dma_wait3A_1120 = tpu.memref_slice %arg3[%dma_wait3A_1118, %dma_wait3A_1119] : memref<30370x64xf32, #tpu.memory_space<hbm>> -> memref<30370x64xf32, #tpu.memory_space<hbm>>
      tpu.wait_indirect_dma semaphore(%arg13 : memref<!tpu.dma_semaphore, #tpu.memory_space<semaphore_mem>>) src(%dma_wait3A_1120 : memref<30370x64xf32, #tpu.memory_space<hbm>>) dst(%dma_wait3A_1114 : memref<16x64xf32, #tpu.memory_space<vmem>>)
      %ge3A_1121 = arith.constant 2 : i32
      %ge3A_1122 = arith.cmpi sge, %add3A_957, %ge3A_1121 : i32
      %convert_element_type3A_1123 = arith.extui %ge3A_1122 : i1 to i32
      %cond3A_1124 = arith.constant 0 : i32
      %cond3A_1125 = arith.cmpi ne, %convert_element_type3A_1123, %cond3A_1124 : i32
      scf.if %cond3A_1125 {
        %sub3A_1345 = arith.constant 2 : i32
        %sub3A_1346 = arith.subi %add3A_957, %sub3A_1345 : i32
        %mul3A_1347 = arith.constant 112 : i32
        %mul3A_1348 = arith.muli %sub3A_1346, %mul3A_1347 : i32
        %add3A_1349 = arith.addi %min3A_3, %mul3A_1348 : i32
        %dma_wait3A_1350 = arith.constant 0 : i32
        %dma_wait3A_1351 = arith.constant 0 : i32
        %dma_wait3A_1352 = arith.constant 0 : i32
        %dma_wait3A_1353 = tpu.memref_slice %arg10[%dma_wait3A_1350, %dma_wait3A_1351, %dma_wait3A_1352] : memref<2x112x128xf32, #tpu.memory_space<vmem>> -> memref<1x112x128xf32, #tpu.memory_space<vmem>>
        %dma_wait3A_1354 = tpu.memref_squeeze %dma_wait3A_1353 : memref<1x112x128xf32, #tpu.memory_space<vmem>> -> memref<112x128xf32, #tpu.memory_space<vmem>>
        %dma_wait3A_1355 = arith.constant 0 : i32
        %dma_wait3A_1356 = tpu.memref_slice %arg4[%add3A_1349, %dma_wait3A_1355] : memref<100000x128xf32, #tpu.memory_space<hbm>> -> memref<112x128xf32, #tpu.memory_space<hbm>>
        %dma_wait3A_1357 = arith.constant 0 : i32
        %dma_wait3A_1358 = tpu.memref_slice %arg4[%add3A_1349, %dma_wait3A_1357] : memref<100000x128xf32, #tpu.memory_space<hbm>> -> memref<112x128xf32, #tpu.memory_space<hbm>>
        %dma_wait3A_1359 = arith.constant 0 : i32
        %dma_wait3A_1360 = arith.constant 0 : i32
        %dma_wait3A_1361 = tpu.memref_slice %arg10[%dma_wait3A_1350, %dma_wait3A_1359, %dma_wait3A_1360] : memref<2x112x128xf32, #tpu.memory_space<vmem>> -> memref<1x112x128xf32, #tpu.memory_space<vmem>>
        %dma_wait3A_1362 = tpu.memref_squeeze %dma_wait3A_1361 : memref<1x112x128xf32, #tpu.memory_space<vmem>> -> memref<112x128xf32, #tpu.memory_space<vmem>>
        tpu.wait_dma2 semaphore(%arg15 : memref<!tpu.dma_semaphore, #tpu.memory_space<semaphore_mem>>) src(%dma_wait3A_1362 : memref<112x128xf32, #tpu.memory_space<vmem>>) dst(%dma_wait3A_1358 : memref<112x128xf32, #tpu.memory_space<hbm>>)
      } else {
      }
      %scan3A_1126 = arith.constant 0 : i32
      %scan3A_1127 = arith.constant 0 : i32
      %scan3A_1128 = arith.constant 112 : i32
      %scan3A_1129 = arith.addi %scan3A_1127, %scan3A_1128 : i32
      %scan3A_1130 = arith.constant 1 : i32
      %scan3A_1131 = scf.for %scan3A_1345 = %scan3A_1127 to %scan3A_1129 step %scan3A_1130 iter_args(%scan3A_1346 = %scan3A_1126) -> (i32)  : i32 {
        %get3A = arith.constant 2 : i32
        %get3A_1347 = arith.index_cast %get3A : i32 to index
        %get3A_1348 = arith.index_cast %scan3A_1345 : i32 to index
        %get3A_1349 = arith.constant 0 : index
        %get3A_1350 = tpu.vector_load %arg8[%get3A_1347, %get3A_1348, %get3A_1349] {strides = array<i32>} : memref<4x112x64xf32, #tpu.memory_space<vmem>>, vector<16xf32>,
        %bitcast3A = vector.bitcast %get3A_1350 : vector<16xf32> to vector<16xi32>
        %get3A_1351 = arith.constant 2 : i32
        %get3A_1352 = arith.index_cast %get3A_1351 : i32 to index
        %get3A_1353 = arith.index_cast %scan3A_1345 : i32 to index
        %get3A_1354 = arith.constant 0 : index
        %get3A_1355 = tpu.vector_load %arg9[%get3A_1352, %get3A_1353, %get3A_1354] {strides = array<i32>} : memref<4x112x64xf32, #tpu.memory_space<vmem>>, vector<16xf32>,
        %bitcast3A_1356 = vector.bitcast %get3A_1355 : vector<16xf32> to vector<16xi32>
        %shift_left3A = arith.constant 16 : i32
        %shift_left3A_1357 = vector.broadcast %shift_left3A : i32 to vector<16xi32>
        %shift_left3A_1358 = arith.shli %bitcast3A, %shift_left3A_1357 : vector<16xi32>
        %bitcast3A_1359 = vector.bitcast %shift_left3A_1358 : vector<16xi32> to vector<16xf32>
        %shift_left3A_1360 = arith.constant 16 : i32
        %shift_left3A_1361 = vector.broadcast %shift_left3A_1360 : i32 to vector<16xi32>
        %shift_left3A_1362 = arith.shli %bitcast3A_1356, %shift_left3A_1361 : vector<16xi32>
        %bitcast3A_1363 = vector.bitcast %shift_left3A_1362 : vector<16xi32> to vector<16xf32>
        %add3A_1364 = arith.addf %bitcast3A_1359, %bitcast3A_1363 : vector<16xf32>
        %and3A = arith.constant -65536 : i32
        %and3A_1365 = vector.broadcast %and3A : i32 to vector<16xi32>
        %and3A_1366 = arith.andi %bitcast3A, %and3A_1365 : vector<16xi32>
        %bitcast3A_1367 = vector.bitcast %and3A_1366 : vector<16xi32> to vector<16xf32>
        %and3A_1368 = arith.constant -65536 : i32
        %and3A_1369 = vector.broadcast %and3A_1368 : i32 to vector<16xi32>
        %and3A_1370 = arith.andi %bitcast3A_1356, %and3A_1369 : vector<16xi32>
        %bitcast3A_1371 = vector.bitcast %and3A_1370 : vector<16xi32> to vector<16xf32>
        %add3A_1372 = arith.addf %bitcast3A_1367, %bitcast3A_1371 : vector<16xf32>
        %swap3A = arith.constant 0 : i32
        %swap3A_1373 = arith.index_cast %swap3A : i32 to index
        %swap3A_1374 = arith.index_cast %scan3A_1345 : i32 to index
        %swap3A_1375 = arith.constant 0 : index
        %swap3A_1376 = tpu.vector_load %arg10[%swap3A_1373, %swap3A_1374, %swap3A_1375] {strides = array<i32>} : memref<2x112x128xf32, #tpu.memory_space<vmem>>, vector<16xf32>,
        tpu.vector_store %arg10[%swap3A_1373, %swap3A_1374, %swap3A_1375], %add3A_1364 {strides = array<i32>} : memref<2x112x128xf32, #tpu.memory_space<vmem>>, vector<16xf32>,
        %swap3A_1377 = arith.constant 0 : i32
        %swap3A_1378 = arith.index_cast %swap3A_1377 : i32 to index
        %swap3A_1379 = arith.index_cast %scan3A_1345 : i32 to index
        %swap3A_1380 = arith.constant 64 : index
        %swap3A_1381 = tpu.vector_load %arg10[%swap3A_1378, %swap3A_1379, %swap3A_1380] {strides = array<i32>} : memref<2x112x128xf32, #tpu.memory_space<vmem>>, vector<16xf32>,
        tpu.vector_store %arg10[%swap3A_1378, %swap3A_1379, %swap3A_1380], %add3A_1372 {strides = array<i32>} : memref<2x112x128xf32, #tpu.memory_space<vmem>>, vector<16xf32>,
        %get3A_1382 = arith.constant 2 : i32
        %get3A_1383 = arith.index_cast %get3A_1382 : i32 to index
        %get3A_1384 = arith.index_cast %scan3A_1345 : i32 to index
        %get3A_1385 = arith.constant 16 : index
        %get3A_1386 = tpu.vector_load %arg8[%get3A_1383, %get3A_1384, %get3A_1385] {strides = array<i32>} : memref<4x112x64xf32, #tpu.memory_space<vmem>>, vector<16xf32>,
        %bitcast3A_1387 = vector.bitcast %get3A_1386 : vector<16xf32> to vector<16xi32>
        %get3A_1388 = arith.constant 2 : i32
        %get3A_1389 = arith.index_cast %get3A_1388 : i32 to index
        %get3A_1390 = arith.index_cast %scan3A_1345 : i32 to index
        %get3A_1391 = arith.constant 16 : index
        %get3A_1392 = tpu.vector_load %arg9[%get3A_1389, %get3A_1390, %get3A_1391] {strides = array<i32>} : memref<4x112x64xf32, #tpu.memory_space<vmem>>, vector<16xf32>,
        %bitcast3A_1393 = vector.bitcast %get3A_1392 : vector<16xf32> to vector<16xi32>
        %shift_left3A_1394 = arith.constant 16 : i32
        %shift_left3A_1395 = vector.broadcast %shift_left3A_1394 : i32 to vector<16xi32>
        %shift_left3A_1396 = arith.shli %bitcast3A_1387, %shift_left3A_1395 : vector<16xi32>
        %bitcast3A_1397 = vector.bitcast %shift_left3A_1396 : vector<16xi32> to vector<16xf32>
        %shift_left3A_1398 = arith.constant 16 : i32
        %shift_left3A_1399 = vector.broadcast %shift_left3A_1398 : i32 to vector<16xi32>
        %shift_left3A_1400 = arith.shli %bitcast3A_1393, %shift_left3A_1399 : vector<16xi32>
        %bitcast3A_1401 = vector.bitcast %shift_left3A_1400 : vector<16xi32> to vector<16xf32>
        %add3A_1402 = arith.addf %bitcast3A_1397, %bitcast3A_1401 : vector<16xf32>
        %and3A_1403 = arith.constant -65536 : i32
        %and3A_1404 = vector.broadcast %and3A_1403 : i32 to vector<16xi32>
        %and3A_1405 = arith.andi %bitcast3A_1387, %and3A_1404 : vector<16xi32>
        %bitcast3A_1406 = vector.bitcast %and3A_1405 : vector<16xi32> to vector<16xf32>
        %and3A_1407 = arith.constant -65536 : i32
        %and3A_1408 = vector.broadcast %and3A_1407 : i32 to vector<16xi32>
        %and3A_1409 = arith.andi %bitcast3A_1393, %and3A_1408 : vector<16xi32>
        %bitcast3A_1410 = vector.bitcast %and3A_1409 : vector<16xi32> to vector<16xf32>
        %add3A_1411 = arith.addf %bitcast3A_1406, %bitcast3A_1410 : vector<16xf32>
        %swap3A_1412 = arith.constant 0 : i32
        %swap3A_1413 = arith.index_cast %swap3A_1412 : i32 to index
        %swap3A_1414 = arith.index_cast %scan3A_1345 : i32 to index
        %swap3A_1415 = arith.constant 16 : index
        %swap3A_1416 = tpu.vector_load %arg10[%swap3A_1413, %swap3A_1414, %swap3A_1415] {strides = array<i32>} : memref<2x112x128xf32, #tpu.memory_space<vmem>>, vector<16xf32>,
        tpu.vector_store %arg10[%swap3A_1413, %swap3A_1414, %swap3A_1415], %add3A_1402 {strides = array<i32>} : memref<2x112x128xf32, #tpu.memory_space<vmem>>, vector<16xf32>,
        %swap3A_1417 = arith.constant 0 : i32
        %swap3A_1418 = arith.index_cast %swap3A_1417 : i32 to index
        %swap3A_1419 = arith.index_cast %scan3A_1345 : i32 to index
        %swap3A_1420 = arith.constant 80 : index
        %swap3A_1421 = tpu.vector_load %arg10[%swap3A_1418, %swap3A_1419, %swap3A_1420] {strides = array<i32>} : memref<2x112x128xf32, #tpu.memory_space<vmem>>, vector<16xf32>,
        tpu.vector_store %arg10[%swap3A_1418, %swap3A_1419, %swap3A_1420], %add3A_1411 {strides = array<i32>} : memref<2x112x128xf32, #tpu.memory_space<vmem>>, vector<16xf32>,
        %get3A_1422 = arith.constant 2 : i32
        %get3A_1423 = arith.index_cast %get3A_1422 : i32 to index
        %get3A_1424 = arith.index_cast %scan3A_1345 : i32 to index
        %get3A_1425 = arith.constant 32 : index
        %get3A_1426 = tpu.vector_load %arg8[%get3A_1423, %get3A_1424, %get3A_1425] {strides = array<i32>} : memref<4x112x64xf32, #tpu.memory_space<vmem>>, vector<16xf32>,
        %bitcast3A_1427 = vector.bitcast %get3A_1426 : vector<16xf32> to vector<16xi32>
        %get3A_1428 = arith.constant 2 : i32
        %get3A_1429 = arith.index_cast %get3A_1428 : i32 to index
        %get3A_1430 = arith.index_cast %scan3A_1345 : i32 to index
        %get3A_1431 = arith.constant 32 : index
        %get3A_1432 = tpu.vector_load %arg9[%get3A_1429, %get3A_1430, %get3A_1431] {strides = array<i32>} : memref<4x112x64xf32, #tpu.memory_space<vmem>>, vector<16xf32>,
        %bitcast3A_1433 = vector.bitcast %get3A_1432 : vector<16xf32> to vector<16xi32>
        %shift_left3A_1434 = arith.constant 16 : i32
        %shift_left3A_1435 = vector.broadcast %shift_left3A_1434 : i32 to vector<16xi32>
        %shift_left3A_1436 = arith.shli %bitcast3A_1427, %shift_left3A_1435 : vector<16xi32>
        %bitcast3A_1437 = vector.bitcast %shift_left3A_1436 : vector<16xi32> to vector<16xf32>
        %shift_left3A_1438 = arith.constant 16 : i32
        %shift_left3A_1439 = vector.broadcast %shift_left3A_1438 : i32 to vector<16xi32>
        %shift_left3A_1440 = arith.shli %bitcast3A_1433, %shift_left3A_1439 : vector<16xi32>
        %bitcast3A_1441 = vector.bitcast %shift_left3A_1440 : vector<16xi32> to vector<16xf32>
        %add3A_1442 = arith.addf %bitcast3A_1437, %bitcast3A_1441 : vector<16xf32>
        %and3A_1443 = arith.constant -65536 : i32
        %and3A_1444 = vector.broadcast %and3A_1443 : i32 to vector<16xi32>
        %and3A_1445 = arith.andi %bitcast3A_1427, %and3A_1444 : vector<16xi32>
        %bitcast3A_1446 = vector.bitcast %and3A_1445 : vector<16xi32> to vector<16xf32>
        %and3A_1447 = arith.constant -65536 : i32
        %and3A_1448 = vector.broadcast %and3A_1447 : i32 to vector<16xi32>
        %and3A_1449 = arith.andi %bitcast3A_1433, %and3A_1448 : vector<16xi32>
        %bitcast3A_1450 = vector.bitcast %and3A_1449 : vector<16xi32> to vector<16xf32>
        %add3A_1451 = arith.addf %bitcast3A_1446, %bitcast3A_1450 : vector<16xf32>
        %swap3A_1452 = arith.constant 0 : i32
        %swap3A_1453 = arith.index_cast %swap3A_1452 : i32 to index
        %swap3A_1454 = arith.index_cast %scan3A_1345 : i32 to index
        %swap3A_1455 = arith.constant 32 : index
        %swap3A_1456 = tpu.vector_load %arg10[%swap3A_1453, %swap3A_1454, %swap3A_1455] {strides = array<i32>} : memref<2x112x128xf32, #tpu.memory_space<vmem>>, vector<16xf32>,
        tpu.vector_store %arg10[%swap3A_1453, %swap3A_1454, %swap3A_1455], %add3A_1442 {strides = array<i32>} : memref<2x112x128xf32, #tpu.memory_space<vmem>>, vector<16xf32>,
        %swap3A_1457 = arith.constant 0 : i32
        %swap3A_1458 = arith.index_cast %swap3A_1457 : i32 to index
        %swap3A_1459 = arith.index_cast %scan3A_1345 : i32 to index
        %swap3A_1460 = arith.constant 96 : index
        %swap3A_1461 = tpu.vector_load %arg10[%swap3A_1458, %swap3A_1459, %swap3A_1460] {strides = array<i32>} : memref<2x112x128xf32, #tpu.memory_space<vmem>>, vector<16xf32>,
        tpu.vector_store %arg10[%swap3A_1458, %swap3A_1459, %swap3A_1460], %add3A_1451 {strides = array<i32>} : memref<2x112x128xf32, #tpu.memory_space<vmem>>, vector<16xf32>,
        %get3A_1462 = arith.constant 2 : i32
        %get3A_1463 = arith.index_cast %get3A_1462 : i32 to index
        %get3A_1464 = arith.index_cast %scan3A_1345 : i32 to index
        %get3A_1465 = arith.constant 48 : index
        %get3A_1466 = tpu.vector_load %arg8[%get3A_1463, %get3A_1464, %get3A_1465] {strides = array<i32>} : memref<4x112x64xf32, #tpu.memory_space<vmem>>, vector<16xf32>,
        %bitcast3A_1467 = vector.bitcast %get3A_1466 : vector<16xf32> to vector<16xi32>
        %get3A_1468 = arith.constant 2 : i32
        %get3A_1469 = arith.index_cast %get3A_1468 : i32 to index
        %get3A_1470 = arith.index_cast %scan3A_1345 : i32 to index
        %get3A_1471 = arith.constant 48 : index
        %get3A_1472 = tpu.vector_load %arg9[%get3A_1469, %get3A_1470, %get3A_1471] {strides = array<i32>} : memref<4x112x64xf32, #tpu.memory_space<vmem>>, vector<16xf32>,
        %bitcast3A_1473 = vector.bitcast %get3A_1472 : vector<16xf32> to vector<16xi32>
        %shift_left3A_1474 = arith.constant 16 : i32
        %shift_left3A_1475 = vector.broadcast %shift_left3A_1474 : i32 to vector<16xi32>
        %shift_left3A_1476 = arith.shli %bitcast3A_1467, %shift_left3A_1475 : vector<16xi32>
        %bitcast3A_1477 = vector.bitcast %shift_left3A_1476 : vector<16xi32> to vector<16xf32>
        %shift_left3A_1478 = arith.constant 16 : i32
        %shift_left3A_1479 = vector.broadcast %shift_left3A_1478 : i32 to vector<16xi32>
        %shift_left3A_1480 = arith.shli %bitcast3A_1473, %shift_left3A_1479 : vector<16xi32>
        %bitcast3A_1481 = vector.bitcast %shift_left3A_1480 : vector<16xi32> to vector<16xf32>
        %add3A_1482 = arith.addf %bitcast3A_1477, %bitcast3A_1481 : vector<16xf32>
        %and3A_1483 = arith.constant -65536 : i32
        %and3A_1484 = vector.broadcast %and3A_1483 : i32 to vector<16xi32>
        %and3A_1485 = arith.andi %bitcast3A_1467, %and3A_1484 : vector<16xi32>
        %bitcast3A_1486 = vector.bitcast %and3A_1485 : vector<16xi32> to vector<16xf32>
        %and3A_1487 = arith.constant -65536 : i32
        %and3A_1488 = vector.broadcast %and3A_1487 : i32 to vector<16xi32>
        %and3A_1489 = arith.andi %bitcast3A_1473, %and3A_1488 : vector<16xi32>
        %bitcast3A_1490 = vector.bitcast %and3A_1489 : vector<16xi32> to vector<16xf32>
        %add3A_1491 = arith.addf %bitcast3A_1486, %bitcast3A_1490 : vector<16xf32>
        %swap3A_1492 = arith.constant 0 : i32
        %swap3A_1493 = arith.index_cast %swap3A_1492 : i32 to index
        %swap3A_1494 = arith.index_cast %scan3A_1345 : i32 to index
        %swap3A_1495 = arith.constant 48 : index
        %swap3A_1496 = tpu.vector_load %arg10[%swap3A_1493, %swap3A_1494, %swap3A_1495] {strides = array<i32>} : memref<2x112x128xf32, #tpu.memory_space<vmem>>, vector<16xf32>,
        tpu.vector_store %arg10[%swap3A_1493, %swap3A_1494, %swap3A_1495], %add3A_1482 {strides = array<i32>} : memref<2x112x128xf32, #tpu.memory_space<vmem>>, vector<16xf32>,
        %swap3A_1497 = arith.constant 0 : i32
        %swap3A_1498 = arith.index_cast %swap3A_1497 : i32 to index
        %swap3A_1499 = arith.index_cast %scan3A_1345 : i32 to index
        %swap3A_1500 = arith.constant 112 : index
        %swap3A_1501 = tpu.vector_load %arg10[%swap3A_1498, %swap3A_1499, %swap3A_1500] {strides = array<i32>} : memref<2x112x128xf32, #tpu.memory_space<vmem>>, vector<16xf32>,
        tpu.vector_store %arg10[%swap3A_1498, %swap3A_1499, %swap3A_1500], %add3A_1491 {strides = array<i32>} : memref<2x112x128xf32, #tpu.memory_space<vmem>>, vector<16xf32>,
        %scan3A_1502 = arith.constant 0 : i32
        scf.yield %scan3A_1502 : i32
      }
      %scan3A_1132 = arith.constant 112 : i32
      %mul3A_1133 = arith.constant 112 : i32
      %mul3A_1134 = arith.muli %add3A_957, %mul3A_1133 : i32
      %add3A_1135 = arith.addi %min3A_3, %mul3A_1134 : i32
      %dma_start3A_1136 = arith.constant 0 : i32
      %dma_start3A_1137 = arith.constant 0 : i32
      %dma_start3A_1138 = arith.constant 0 : i32
      %dma_start3A_1139 = tpu.memref_slice %arg10[%dma_start3A_1136, %dma_start3A_1137, %dma_start3A_1138] : memref<2x112x128xf32, #tpu.memory_space<vmem>> -> memref<1x112x128xf32, #tpu.memory_space<vmem>>
      %dma_start3A_1140 = tpu.memref_squeeze %dma_start3A_1139 : memref<1x112x128xf32, #tpu.memory_space<vmem>> -> memref<112x128xf32, #tpu.memory_space<vmem>>
      %dma_start3A_1141 = arith.constant 0 : i32
      %dma_start3A_1142 = tpu.memref_slice %arg4[%add3A_1135, %dma_start3A_1141] : memref<100000x128xf32, #tpu.memory_space<hbm>> -> memref<112x128xf32, #tpu.memory_space<hbm>>
      %dma_start3A_1143 = arith.constant 0 : i32
      %dma_start3A_1144 = tpu.memref_slice %arg4[%add3A_1135, %dma_start3A_1143] : memref<100000x128xf32, #tpu.memory_space<hbm>> -> memref<112x128xf32, #tpu.memory_space<hbm>>
      %dma_start3A_1145 = arith.constant 0 : i32
      %dma_start3A_1146 = arith.constant 0 : i32
      %dma_start3A_1147 = tpu.memref_slice %arg10[%dma_start3A_1136, %dma_start3A_1145, %dma_start3A_1146] : memref<2x112x128xf32, #tpu.memory_space<vmem>> -> memref<1x112x128xf32, #tpu.memory_space<vmem>>
      %dma_start3A_1148 = tpu.memref_squeeze %dma_start3A_1147 : memref<1x112x128xf32, #tpu.memory_space<vmem>> -> memref<112x128xf32, #tpu.memory_space<vmem>>
      tpu.enqueue_dma source(%dma_start3A_1148 : memref<112x128xf32, #tpu.memory_space<vmem>>) target(%dma_start3A_1144 : memref<112x128xf32, #tpu.memory_space<hbm>>) target_semaphore(%arg15 : memref<!tpu.dma_semaphore, #tpu.memory_space<semaphore_mem>>)
      %mul3A_1149 = arith.constant 4 : i32
      %mul3A_1150 = arith.muli %scan3A_567, %mul3A_1149 : i32
      %add3A_1151 = arith.constant 3 : i32
      %add3A_1152 = arith.addi %mul3A_1150, %add3A_1151 : i32
      %add3A_1153 = arith.constant 4 : i32
      %add3A_1154 = arith.addi %add3A_1152, %add3A_1153 : i32
      %sub3A_1155 = arith.constant 1 : i32
      %sub3A_1156 = arith.subi %add3A_1154, %sub3A_1155 : i32
      %lt3A_1157 = arith.constant 28 : i32
      %lt3A_1158 = arith.cmpi slt, %sub3A_1156, %lt3A_1157 : i32
      %convert_element_type3A_1159 = arith.extui %lt3A_1158 : i1 to i32
      %cond3A_1160 = arith.constant 0 : i32
      %cond3A_1161 = arith.cmpi ne, %convert_element_type3A_1159, %cond3A_1160 : i32
      scf.if %cond3A_1161 {
        %add3A_1345 = arith.constant 4 : i32
        %add3A_1346 = arith.addi %add3A_1152, %add3A_1345 : i32
        %sub3A_1347 = arith.constant 1 : i32
        %sub3A_1348 = arith.subi %add3A_1346, %sub3A_1347 : i32
        %dma_start3A_1349 = arith.constant 2 : i32
        %dma_start3A_1350 = arith.constant 0 : i32
        %dma_start3A_1351 = arith.constant 0 : i32
        %dma_start3A_1352 = tpu.memref_slice %arg8[%dma_start3A_1349, %dma_start3A_1350, %dma_start3A_1351] : memref<4x112x64xf32, #tpu.memory_space<vmem>> -> memref<1x16x64xf32, #tpu.memory_space<vmem>>
        %dma_start3A_1353 = tpu.memref_squeeze %dma_start3A_1352 : memref<1x16x64xf32, #tpu.memory_space<vmem>> -> memref<16x64xf32, #tpu.memory_space<vmem>>
        %dma_start3A_1354 = arith.constant 0 : i32
        %dma_start3A_1355 = tpu.memref_slice %arg6[%sub3A_1348, %dma_start3A_1354] : memref<28x112xi32, #tpu.memory_space<vmem>> -> memref<1x16xi32, #tpu.memory_space<vmem>>
        %dma_start3A_1356 = tpu.memref_squeeze %dma_start3A_1355 : memref<1x16xi32, #tpu.memory_space<vmem>> -> memref<16xi32, #tpu.memory_space<vmem>>
        %dma_start3A_1357 = arith.constant 0 : i32
        %dma_start3A_1358 = arith.constant 0 : i32
        %dma_start3A_1359 = tpu.memref_slice %arg3[%dma_start3A_1357, %dma_start3A_1358] : memref<30370x64xf32, #tpu.memory_space<hbm>> -> memref<30370x64xf32, #tpu.memory_space<hbm>>
        tpu.enqueue_indirect_dma source(%dma_start3A_1359 : memref<30370x64xf32, #tpu.memory_space<hbm>>) target(%dma_start3A_1353 : memref<16x64xf32, #tpu.memory_space<vmem>>) offsets(%dma_start3A_1356 : memref<16xi32, #tpu.memory_space<vmem>>) semaphore(%arg13 : memref<!tpu.dma_semaphore, #tpu.memory_space<semaphore_mem>>)
        %dma_start3A_1360 = arith.constant 2 : i32
        %dma_start3A_1361 = arith.constant 0 : i32
        %dma_start3A_1362 = arith.constant 0 : i32
        %dma_start3A_1363 = tpu.memref_slice %arg9[%dma_start3A_1360, %dma_start3A_1361, %dma_start3A_1362] : memref<4x112x64xf32, #tpu.memory_space<vmem>> -> memref<1x16x64xf32, #tpu.memory_space<vmem>>
        %dma_start3A_1364 = tpu.memref_squeeze %dma_start3A_1363 : memref<1x16x64xf32, #tpu.memory_space<vmem>> -> memref<16x64xf32, #tpu.memory_space<vmem>>
        %dma_start3A_1365 = arith.constant 0 : i32
        %dma_start3A_1366 = tpu.memref_slice %arg7[%sub3A_1348, %dma_start3A_1365] : memref<28x112xi32, #tpu.memory_space<vmem>> -> memref<1x16xi32, #tpu.memory_space<vmem>>
        %dma_start3A_1367 = tpu.memref_squeeze %dma_start3A_1366 : memref<1x16xi32, #tpu.memory_space<vmem>> -> memref<16xi32, #tpu.memory_space<vmem>>
        %dma_start3A_1368 = arith.constant 0 : i32
        %dma_start3A_1369 = arith.constant 0 : i32
        %dma_start3A_1370 = tpu.memref_slice %arg3[%dma_start3A_1368, %dma_start3A_1369] : memref<30370x64xf32, #tpu.memory_space<hbm>> -> memref<30370x64xf32, #tpu.memory_space<hbm>>
        tpu.enqueue_indirect_dma source(%dma_start3A_1370 : memref<30370x64xf32, #tpu.memory_space<hbm>>) target(%dma_start3A_1364 : memref<16x64xf32, #tpu.memory_space<vmem>>) offsets(%dma_start3A_1367 : memref<16xi32, #tpu.memory_space<vmem>>) semaphore(%arg13 : memref<!tpu.dma_semaphore, #tpu.memory_space<semaphore_mem>>)
        %dma_start3A_1371 = arith.constant 2 : i32
        %dma_start3A_1372 = arith.constant 16 : i32
        %dma_start3A_1373 = arith.constant 0 : i32
        %dma_start3A_1374 = tpu.memref_slice %arg8[%dma_start3A_1371, %dma_start3A_1372, %dma_start3A_1373] : memref<4x112x64xf32, #tpu.memory_space<vmem>> -> memref<1x16x64xf32, #tpu.memory_space<vmem>>
        %dma_start3A_1375 = tpu.memref_squeeze %dma_start3A_1374 : memref<1x16x64xf32, #tpu.memory_space<vmem>> -> memref<16x64xf32, #tpu.memory_space<vmem>>
        %dma_start3A_1376 = arith.constant 16 : i32
        %dma_start3A_1377 = tpu.memref_slice %arg6[%sub3A_1348, %dma_start3A_1376] : memref<28x112xi32, #tpu.memory_space<vmem>> -> memref<1x16xi32, #tpu.memory_space<vmem>>
        %dma_start3A_1378 = tpu.memref_squeeze %dma_start3A_1377 : memref<1x16xi32, #tpu.memory_space<vmem>> -> memref<16xi32, #tpu.memory_space<vmem>>
        %dma_start3A_1379 = arith.constant 0 : i32
        %dma_start3A_1380 = arith.constant 0 : i32
        %dma_start3A_1381 = tpu.memref_slice %arg3[%dma_start3A_1379, %dma_start3A_1380] : memref<30370x64xf32, #tpu.memory_space<hbm>> -> memref<30370x64xf32, #tpu.memory_space<hbm>>
        tpu.enqueue_indirect_dma source(%dma_start3A_1381 : memref<30370x64xf32, #tpu.memory_space<hbm>>) target(%dma_start3A_1375 : memref<16x64xf32, #tpu.memory_space<vmem>>) offsets(%dma_start3A_1378 : memref<16xi32, #tpu.memory_space<vmem>>) semaphore(%arg13 : memref<!tpu.dma_semaphore, #tpu.memory_space<semaphore_mem>>)
        %dma_start3A_1382 = arith.constant 2 : i32
        %dma_start3A_1383 = arith.constant 16 : i32
        %dma_start3A_1384 = arith.constant 0 : i32
        %dma_start3A_1385 = tpu.memref_slice %arg9[%dma_start3A_1382, %dma_start3A_1383, %dma_start3A_1384] : memref<4x112x64xf32, #tpu.memory_space<vmem>> -> memref<1x16x64xf32, #tpu.memory_space<vmem>>
        %dma_start3A_1386 = tpu.memref_squeeze %dma_start3A_1385 : memref<1x16x64xf32, #tpu.memory_space<vmem>> -> memref<16x64xf32, #tpu.memory_space<vmem>>
        %dma_start3A_1387 = arith.constant 16 : i32
        %dma_start3A_1388 = tpu.memref_slice %arg7[%sub3A_1348, %dma_start3A_1387] : memref<28x112xi32, #tpu.memory_space<vmem>> -> memref<1x16xi32, #tpu.memory_space<vmem>>
        %dma_start3A_1389 = tpu.memref_squeeze %dma_start3A_1388 : memref<1x16xi32, #tpu.memory_space<vmem>> -> memref<16xi32, #tpu.memory_space<vmem>>
        %dma_start3A_1390 = arith.constant 0 : i32
        %dma_start3A_1391 = arith.constant 0 : i32
        %dma_start3A_1392 = tpu.memref_slice %arg3[%dma_start3A_1390, %dma_start3A_1391] : memref<30370x64xf32, #tpu.memory_space<hbm>> -> memref<30370x64xf32, #tpu.memory_space<hbm>>
        tpu.enqueue_indirect_dma source(%dma_start3A_1392 : memref<30370x64xf32, #tpu.memory_space<hbm>>) target(%dma_start3A_1386 : memref<16x64xf32, #tpu.memory_space<vmem>>) offsets(%dma_start3A_1389 : memref<16xi32, #tpu.memory_space<vmem>>) semaphore(%arg13 : memref<!tpu.dma_semaphore, #tpu.memory_space<semaphore_mem>>)
        %dma_start3A_1393 = arith.constant 2 : i32
        %dma_start3A_1394 = arith.constant 32 : i32
        %dma_start3A_1395 = arith.constant 0 : i32
        %dma_start3A_1396 = tpu.memref_slice %arg8[%dma_start3A_1393, %dma_start3A_1394, %dma_start3A_1395] : memref<4x112x64xf32, #tpu.memory_space<vmem>> -> memref<1x16x64xf32, #tpu.memory_space<vmem>>
        %dma_start3A_1397 = tpu.memref_squeeze %dma_start3A_1396 : memref<1x16x64xf32, #tpu.memory_space<vmem>> -> memref<16x64xf32, #tpu.memory_space<vmem>>
        %dma_start3A_1398 = arith.constant 32 : i32
        %dma_start3A_1399 = tpu.memref_slice %arg6[%sub3A_1348, %dma_start3A_1398] : memref<28x112xi32, #tpu.memory_space<vmem>> -> memref<1x16xi32, #tpu.memory_space<vmem>>
        %dma_start3A_1400 = tpu.memref_squeeze %dma_start3A_1399 : memref<1x16xi32, #tpu.memory_space<vmem>> -> memref<16xi32, #tpu.memory_space<vmem>>
        %dma_start3A_1401 = arith.constant 0 : i32
        %dma_start3A_1402 = arith.constant 0 : i32
        %dma_start3A_1403 = tpu.memref_slice %arg3[%dma_start3A_1401, %dma_start3A_1402] : memref<30370x64xf32, #tpu.memory_space<hbm>> -> memref<30370x64xf32, #tpu.memory_space<hbm>>
        tpu.enqueue_indirect_dma source(%dma_start3A_1403 : memref<30370x64xf32, #tpu.memory_space<hbm>>) target(%dma_start3A_1397 : memref<16x64xf32, #tpu.memory_space<vmem>>) offsets(%dma_start3A_1400 : memref<16xi32, #tpu.memory_space<vmem>>) semaphore(%arg13 : memref<!tpu.dma_semaphore, #tpu.memory_space<semaphore_mem>>)
        %dma_start3A_1404 = arith.constant 2 : i32
        %dma_start3A_1405 = arith.constant 32 : i32
        %dma_start3A_1406 = arith.constant 0 : i32
        %dma_start3A_1407 = tpu.memref_slice %arg9[%dma_start3A_1404, %dma_start3A_1405, %dma_start3A_1406] : memref<4x112x64xf32, #tpu.memory_space<vmem>> -> memref<1x16x64xf32, #tpu.memory_space<vmem>>
        %dma_start3A_1408 = tpu.memref_squeeze %dma_start3A_1407 : memref<1x16x64xf32, #tpu.memory_space<vmem>> -> memref<16x64xf32, #tpu.memory_space<vmem>>
        %dma_start3A_1409 = arith.constant 32 : i32
        %dma_start3A_1410 = tpu.memref_slice %arg7[%sub3A_1348, %dma_start3A_1409] : memref<28x112xi32, #tpu.memory_space<vmem>> -> memref<1x16xi32, #tpu.memory_space<vmem>>
        %dma_start3A_1411 = tpu.memref_squeeze %dma_start3A_1410 : memref<1x16xi32, #tpu.memory_space<vmem>> -> memref<16xi32, #tpu.memory_space<vmem>>
        %dma_start3A_1412 = arith.constant 0 : i32
        %dma_start3A_1413 = arith.constant 0 : i32
        %dma_start3A_1414 = tpu.memref_slice %arg3[%dma_start3A_1412, %dma_start3A_1413] : memref<30370x64xf32, #tpu.memory_space<hbm>> -> memref<30370x64xf32, #tpu.memory_space<hbm>>
        tpu.enqueue_indirect_dma source(%dma_start3A_1414 : memref<30370x64xf32, #tpu.memory_space<hbm>>) target(%dma_start3A_1408 : memref<16x64xf32, #tpu.memory_space<vmem>>) offsets(%dma_start3A_1411 : memref<16xi32, #tpu.memory_space<vmem>>) semaphore(%arg13 : memref<!tpu.dma_semaphore, #tpu.memory_space<semaphore_mem>>)
        %dma_start3A_1415 = arith.constant 2 : i32
        %dma_start3A_1416 = arith.constant 48 : i32
        %dma_start3A_1417 = arith.constant 0 : i32
        %dma_start3A_1418 = tpu.memref_slice %arg8[%dma_start3A_1415, %dma_start3A_1416, %dma_start3A_1417] : memref<4x112x64xf32, #tpu.memory_space<vmem>> -> memref<1x16x64xf32, #tpu.memory_space<vmem>>
        %dma_start3A_1419 = tpu.memref_squeeze %dma_start3A_1418 : memref<1x16x64xf32, #tpu.memory_space<vmem>> -> memref<16x64xf32, #tpu.memory_space<vmem>>
        %dma_start3A_1420 = arith.constant 48 : i32
        %dma_start3A_1421 = tpu.memref_slice %arg6[%sub3A_1348, %dma_start3A_1420] : memref<28x112xi32, #tpu.memory_space<vmem>> -> memref<1x16xi32, #tpu.memory_space<vmem>>
        %dma_start3A_1422 = tpu.memref_squeeze %dma_start3A_1421 : memref<1x16xi32, #tpu.memory_space<vmem>> -> memref<16xi32, #tpu.memory_space<vmem>>
        %dma_start3A_1423 = arith.constant 0 : i32
        %dma_start3A_1424 = arith.constant 0 : i32
        %dma_start3A_1425 = tpu.memref_slice %arg3[%dma_start3A_1423, %dma_start3A_1424] : memref<30370x64xf32, #tpu.memory_space<hbm>> -> memref<30370x64xf32, #tpu.memory_space<hbm>>
        tpu.enqueue_indirect_dma source(%dma_start3A_1425 : memref<30370x64xf32, #tpu.memory_space<hbm>>) target(%dma_start3A_1419 : memref<16x64xf32, #tpu.memory_space<vmem>>) offsets(%dma_start3A_1422 : memref<16xi32, #tpu.memory_space<vmem>>) semaphore(%arg13 : memref<!tpu.dma_semaphore, #tpu.memory_space<semaphore_mem>>)
        %dma_start3A_1426 = arith.constant 2 : i32
        %dma_start3A_1427 = arith.constant 48 : i32
        %dma_start3A_1428 = arith.constant 0 : i32
        %dma_start3A_1429 = tpu.memref_slice %arg9[%dma_start3A_1426, %dma_start3A_1427, %dma_start3A_1428] : memref<4x112x64xf32, #tpu.memory_space<vmem>> -> memref<1x16x64xf32, #tpu.memory_space<vmem>>
        %dma_start3A_1430 = tpu.memref_squeeze %dma_start3A_1429 : memref<1x16x64xf32, #tpu.memory_space<vmem>> -> memref<16x64xf32, #tpu.memory_space<vmem>>
        %dma_start3A_1431 = arith.constant 48 : i32
        %dma_start3A_1432 = tpu.memref_slice %arg7[%sub3A_1348, %dma_start3A_1431] : memref<28x112xi32, #tpu.memory_space<vmem>> -> memref<1x16xi32, #tpu.memory_space<vmem>>
        %dma_start3A_1433 = tpu.memref_squeeze %dma_start3A_1432 : memref<1x16xi32, #tpu.memory_space<vmem>> -> memref<16xi32, #tpu.memory_space<vmem>>
        %dma_start3A_1434 = arith.constant 0 : i32
        %dma_start3A_1435 = arith.constant 0 : i32
        %dma_start3A_1436 = tpu.memref_slice %arg3[%dma_start3A_1434, %dma_start3A_1435] : memref<30370x64xf32, #tpu.memory_space<hbm>> -> memref<30370x64xf32, #tpu.memory_space<hbm>>
        tpu.enqueue_indirect_dma source(%dma_start3A_1436 : memref<30370x64xf32, #tpu.memory_space<hbm>>) target(%dma_start3A_1430 : memref<16x64xf32, #tpu.memory_space<vmem>>) offsets(%dma_start3A_1433 : memref<16xi32, #tpu.memory_space<vmem>>) semaphore(%arg13 : memref<!tpu.dma_semaphore, #tpu.memory_space<semaphore_mem>>)
        %dma_start3A_1437 = arith.constant 2 : i32
        %dma_start3A_1438 = arith.constant 64 : i32
        %dma_start3A_1439 = arith.constant 0 : i32
        %dma_start3A_1440 = tpu.memref_slice %arg8[%dma_start3A_1437, %dma_start3A_1438, %dma_start3A_1439] : memref<4x112x64xf32, #tpu.memory_space<vmem>> -> memref<1x16x64xf32, #tpu.memory_space<vmem>>
        %dma_start3A_1441 = tpu.memref_squeeze %dma_start3A_1440 : memref<1x16x64xf32, #tpu.memory_space<vmem>> -> memref<16x64xf32, #tpu.memory_space<vmem>>
        %dma_start3A_1442 = arith.constant 64 : i32
        %dma_start3A_1443 = tpu.memref_slice %arg6[%sub3A_1348, %dma_start3A_1442] : memref<28x112xi32, #tpu.memory_space<vmem>> -> memref<1x16xi32, #tpu.memory_space<vmem>>
        %dma_start3A_1444 = tpu.memref_squeeze %dma_start3A_1443 : memref<1x16xi32, #tpu.memory_space<vmem>> -> memref<16xi32, #tpu.memory_space<vmem>>
        %dma_start3A_1445 = arith.constant 0 : i32
        %dma_start3A_1446 = arith.constant 0 : i32
        %dma_start3A_1447 = tpu.memref_slice %arg3[%dma_start3A_1445, %dma_start3A_1446] : memref<30370x64xf32, #tpu.memory_space<hbm>> -> memref<30370x64xf32, #tpu.memory_space<hbm>>
        tpu.enqueue_indirect_dma source(%dma_start3A_1447 : memref<30370x64xf32, #tpu.memory_space<hbm>>) target(%dma_start3A_1441 : memref<16x64xf32, #tpu.memory_space<vmem>>) offsets(%dma_start3A_1444 : memref<16xi32, #tpu.memory_space<vmem>>) semaphore(%arg13 : memref<!tpu.dma_semaphore, #tpu.memory_space<semaphore_mem>>)
        %dma_start3A_1448 = arith.constant 2 : i32
        %dma_start3A_1449 = arith.constant 64 : i32
        %dma_start3A_1450 = arith.constant 0 : i32
        %dma_start3A_1451 = tpu.memref_slice %arg9[%dma_start3A_1448, %dma_start3A_1449, %dma_start3A_1450] : memref<4x112x64xf32, #tpu.memory_space<vmem>> -> memref<1x16x64xf32, #tpu.memory_space<vmem>>
        %dma_start3A_1452 = tpu.memref_squeeze %dma_start3A_1451 : memref<1x16x64xf32, #tpu.memory_space<vmem>> -> memref<16x64xf32, #tpu.memory_space<vmem>>
        %dma_start3A_1453 = arith.constant 64 : i32
        %dma_start3A_1454 = tpu.memref_slice %arg7[%sub3A_1348, %dma_start3A_1453] : memref<28x112xi32, #tpu.memory_space<vmem>> -> memref<1x16xi32, #tpu.memory_space<vmem>>
        %dma_start3A_1455 = tpu.memref_squeeze %dma_start3A_1454 : memref<1x16xi32, #tpu.memory_space<vmem>> -> memref<16xi32, #tpu.memory_space<vmem>>
        %dma_start3A_1456 = arith.constant 0 : i32
        %dma_start3A_1457 = arith.constant 0 : i32
        %dma_start3A_1458 = tpu.memref_slice %arg3[%dma_start3A_1456, %dma_start3A_1457] : memref<30370x64xf32, #tpu.memory_space<hbm>> -> memref<30370x64xf32, #tpu.memory_space<hbm>>
        tpu.enqueue_indirect_dma source(%dma_start3A_1458 : memref<30370x64xf32, #tpu.memory_space<hbm>>) target(%dma_start3A_1452 : memref<16x64xf32, #tpu.memory_space<vmem>>) offsets(%dma_start3A_1455 : memref<16xi32, #tpu.memory_space<vmem>>) semaphore(%arg13 : memref<!tpu.dma_semaphore, #tpu.memory_space<semaphore_mem>>)
        %dma_start3A_1459 = arith.constant 2 : i32
        %dma_start3A_1460 = arith.constant 80 : i32
        %dma_start3A_1461 = arith.constant 0 : i32
        %dma_start3A_1462 = tpu.memref_slice %arg8[%dma_start3A_1459, %dma_start3A_1460, %dma_start3A_1461] : memref<4x112x64xf32, #tpu.memory_space<vmem>> -> memref<1x16x64xf32, #tpu.memory_space<vmem>>
        %dma_start3A_1463 = tpu.memref_squeeze %dma_start3A_1462 : memref<1x16x64xf32, #tpu.memory_space<vmem>> -> memref<16x64xf32, #tpu.memory_space<vmem>>
        %dma_start3A_1464 = arith.constant 80 : i32
        %dma_start3A_1465 = tpu.memref_slice %arg6[%sub3A_1348, %dma_start3A_1464] : memref<28x112xi32, #tpu.memory_space<vmem>> -> memref<1x16xi32, #tpu.memory_space<vmem>>
        %dma_start3A_1466 = tpu.memref_squeeze %dma_start3A_1465 : memref<1x16xi32, #tpu.memory_space<vmem>> -> memref<16xi32, #tpu.memory_space<vmem>>
        %dma_start3A_1467 = arith.constant 0 : i32
        %dma_start3A_1468 = arith.constant 0 : i32
        %dma_start3A_1469 = tpu.memref_slice %arg3[%dma_start3A_1467, %dma_start3A_1468] : memref<30370x64xf32, #tpu.memory_space<hbm>> -> memref<30370x64xf32, #tpu.memory_space<hbm>>
        tpu.enqueue_indirect_dma source(%dma_start3A_1469 : memref<30370x64xf32, #tpu.memory_space<hbm>>) target(%dma_start3A_1463 : memref<16x64xf32, #tpu.memory_space<vmem>>) offsets(%dma_start3A_1466 : memref<16xi32, #tpu.memory_space<vmem>>) semaphore(%arg13 : memref<!tpu.dma_semaphore, #tpu.memory_space<semaphore_mem>>)
        %dma_start3A_1470 = arith.constant 2 : i32
        %dma_start3A_1471 = arith.constant 80 : i32
        %dma_start3A_1472 = arith.constant 0 : i32
        %dma_start3A_1473 = tpu.memref_slice %arg9[%dma_start3A_1470, %dma_start3A_1471, %dma_start3A_1472] : memref<4x112x64xf32, #tpu.memory_space<vmem>> -> memref<1x16x64xf32, #tpu.memory_space<vmem>>
        %dma_start3A_1474 = tpu.memref_squeeze %dma_start3A_1473 : memref<1x16x64xf32, #tpu.memory_space<vmem>> -> memref<16x64xf32, #tpu.memory_space<vmem>>
        %dma_start3A_1475 = arith.constant 80 : i32
        %dma_start3A_1476 = tpu.memref_slice %arg7[%sub3A_1348, %dma_start3A_1475] : memref<28x112xi32, #tpu.memory_space<vmem>> -> memref<1x16xi32, #tpu.memory_space<vmem>>
        %dma_start3A_1477 = tpu.memref_squeeze %dma_start3A_1476 : memref<1x16xi32, #tpu.memory_space<vmem>> -> memref<16xi32, #tpu.memory_space<vmem>>
        %dma_start3A_1478 = arith.constant 0 : i32
        %dma_start3A_1479 = arith.constant 0 : i32
        %dma_start3A_1480 = tpu.memref_slice %arg3[%dma_start3A_1478, %dma_start3A_1479] : memref<30370x64xf32, #tpu.memory_space<hbm>> -> memref<30370x64xf32, #tpu.memory_space<hbm>>
        tpu.enqueue_indirect_dma source(%dma_start3A_1480 : memref<30370x64xf32, #tpu.memory_space<hbm>>) target(%dma_start3A_1474 : memref<16x64xf32, #tpu.memory_space<vmem>>) offsets(%dma_start3A_1477 : memref<16xi32, #tpu.memory_space<vmem>>) semaphore(%arg13 : memref<!tpu.dma_semaphore, #tpu.memory_space<semaphore_mem>>)
        %dma_start3A_1481 = arith.constant 2 : i32
        %dma_start3A_1482 = arith.constant 96 : i32
        %dma_start3A_1483 = arith.constant 0 : i32
        %dma_start3A_1484 = tpu.memref_slice %arg8[%dma_start3A_1481, %dma_start3A_1482, %dma_start3A_1483] : memref<4x112x64xf32, #tpu.memory_space<vmem>> -> memref<1x16x64xf32, #tpu.memory_space<vmem>>
        %dma_start3A_1485 = tpu.memref_squeeze %dma_start3A_1484 : memref<1x16x64xf32, #tpu.memory_space<vmem>> -> memref<16x64xf32, #tpu.memory_space<vmem>>
        %dma_start3A_1486 = arith.constant 96 : i32
        %dma_start3A_1487 = tpu.memref_slice %arg6[%sub3A_1348, %dma_start3A_1486] : memref<28x112xi32, #tpu.memory_space<vmem>> -> memref<1x16xi32, #tpu.memory_space<vmem>>
        %dma_start3A_1488 = tpu.memref_squeeze %dma_start3A_1487 : memref<1x16xi32, #tpu.memory_space<vmem>> -> memref<16xi32, #tpu.memory_space<vmem>>
        %dma_start3A_1489 = arith.constant 0 : i32
        %dma_start3A_1490 = arith.constant 0 : i32
        %dma_start3A_1491 = tpu.memref_slice %arg3[%dma_start3A_1489, %dma_start3A_1490] : memref<30370x64xf32, #tpu.memory_space<hbm>> -> memref<30370x64xf32, #tpu.memory_space<hbm>>
        tpu.enqueue_indirect_dma source(%dma_start3A_1491 : memref<30370x64xf32, #tpu.memory_space<hbm>>) target(%dma_start3A_1485 : memref<16x64xf32, #tpu.memory_space<vmem>>) offsets(%dma_start3A_1488 : memref<16xi32, #tpu.memory_space<vmem>>) semaphore(%arg13 : memref<!tpu.dma_semaphore, #tpu.memory_space<semaphore_mem>>)
        %dma_start3A_1492 = arith.constant 2 : i32
        %dma_start3A_1493 = arith.constant 96 : i32
        %dma_start3A_1494 = arith.constant 0 : i32
        %dma_start3A_1495 = tpu.memref_slice %arg9[%dma_start3A_1492, %dma_start3A_1493, %dma_start3A_1494] : memref<4x112x64xf32, #tpu.memory_space<vmem>> -> memref<1x16x64xf32, #tpu.memory_space<vmem>>
        %dma_start3A_1496 = tpu.memref_squeeze %dma_start3A_1495 : memref<1x16x64xf32, #tpu.memory_space<vmem>> -> memref<16x64xf32, #tpu.memory_space<vmem>>
        %dma_start3A_1497 = arith.constant 96 : i32
        %dma_start3A_1498 = tpu.memref_slice %arg7[%sub3A_1348, %dma_start3A_1497] : memref<28x112xi32, #tpu.memory_space<vmem>> -> memref<1x16xi32, #tpu.memory_space<vmem>>
        %dma_start3A_1499 = tpu.memref_squeeze %dma_start3A_1498 : memref<1x16xi32, #tpu.memory_space<vmem>> -> memref<16xi32, #tpu.memory_space<vmem>>
        %dma_start3A_1500 = arith.constant 0 : i32
        %dma_start3A_1501 = arith.constant 0 : i32
        %dma_start3A_1502 = tpu.memref_slice %arg3[%dma_start3A_1500, %dma_start3A_1501] : memref<30370x64xf32, #tpu.memory_space<hbm>> -> memref<30370x64xf32, #tpu.memory_space<hbm>>
        tpu.enqueue_indirect_dma source(%dma_start3A_1502 : memref<30370x64xf32, #tpu.memory_space<hbm>>) target(%dma_start3A_1496 : memref<16x64xf32, #tpu.memory_space<vmem>>) offsets(%dma_start3A_1499 : memref<16xi32, #tpu.memory_space<vmem>>) semaphore(%arg13 : memref<!tpu.dma_semaphore, #tpu.memory_space<semaphore_mem>>)
      } else {
      }
      %dma_wait3A_1162 = arith.constant 3 : i32
      %dma_wait3A_1163 = arith.constant 0 : i32
      %dma_wait3A_1164 = arith.constant 0 : i32
      %dma_wait3A_1165 = tpu.memref_slice %arg8[%dma_wait3A_1162, %dma_wait3A_1163, %dma_wait3A_1164] : memref<4x112x64xf32, #tpu.memory_space<vmem>> -> memref<1x16x64xf32, #tpu.memory_space<vmem>>
      %dma_wait3A_1166 = tpu.memref_squeeze %dma_wait3A_1165 : memref<1x16x64xf32, #tpu.memory_space<vmem>> -> memref<16x64xf32, #tpu.memory_space<vmem>>
      %dma_wait3A_1167 = arith.constant 0 : i32
      %dma_wait3A_1168 = tpu.memref_slice %arg6[%add3A_1152, %dma_wait3A_1167] : memref<28x112xi32, #tpu.memory_space<vmem>> -> memref<1x16xi32, #tpu.memory_space<vmem>>
      %dma_wait3A_1169 = tpu.memref_squeeze %dma_wait3A_1168 : memref<1x16xi32, #tpu.memory_space<vmem>> -> memref<16xi32, #tpu.memory_space<vmem>>
      %dma_wait3A_1170 = arith.constant 0 : i32
      %dma_wait3A_1171 = arith.constant 0 : i32
      %dma_wait3A_1172 = tpu.memref_slice %arg3[%dma_wait3A_1170, %dma_wait3A_1171] : memref<30370x64xf32, #tpu.memory_space<hbm>> -> memref<30370x64xf32, #tpu.memory_space<hbm>>
      tpu.wait_indirect_dma semaphore(%arg14 : memref<!tpu.dma_semaphore, #tpu.memory_space<semaphore_mem>>) src(%dma_wait3A_1172 : memref<30370x64xf32, #tpu.memory_space<hbm>>) dst(%dma_wait3A_1166 : memref<16x64xf32, #tpu.memory_space<vmem>>)
      %dma_wait3A_1173 = arith.constant 3 : i32
      %dma_wait3A_1174 = arith.constant 0 : i32
      %dma_wait3A_1175 = arith.constant 0 : i32
      %dma_wait3A_1176 = tpu.memref_slice %arg9[%dma_wait3A_1173, %dma_wait3A_1174, %dma_wait3A_1175] : memref<4x112x64xf32, #tpu.memory_space<vmem>> -> memref<1x16x64xf32, #tpu.memory_space<vmem>>
      %dma_wait3A_1177 = tpu.memref_squeeze %dma_wait3A_1176 : memref<1x16x64xf32, #tpu.memory_space<vmem>> -> memref<16x64xf32, #tpu.memory_space<vmem>>
      %dma_wait3A_1178 = arith.constant 0 : i32
      %dma_wait3A_1179 = tpu.memref_slice %arg7[%add3A_1152, %dma_wait3A_1178] : memref<28x112xi32, #tpu.memory_space<vmem>> -> memref<1x16xi32, #tpu.memory_space<vmem>>
      %dma_wait3A_1180 = tpu.memref_squeeze %dma_wait3A_1179 : memref<1x16xi32, #tpu.memory_space<vmem>> -> memref<16xi32, #tpu.memory_space<vmem>>
      %dma_wait3A_1181 = arith.constant 0 : i32
      %dma_wait3A_1182 = arith.constant 0 : i32
      %dma_wait3A_1183 = tpu.memref_slice %arg3[%dma_wait3A_1181, %dma_wait3A_1182] : memref<30370x64xf32, #tpu.memory_space<hbm>> -> memref<30370x64xf32, #tpu.memory_space<hbm>>
      tpu.wait_indirect_dma semaphore(%arg14 : memref<!tpu.dma_semaphore, #tpu.memory_space<semaphore_mem>>) src(%dma_wait3A_1183 : memref<30370x64xf32, #tpu.memory_space<hbm>>) dst(%dma_wait3A_1177 : memref<16x64xf32, #tpu.memory_space<vmem>>)
      %dma_wait3A_1184 = arith.constant 3 : i32
      %dma_wait3A_1185 = arith.constant 16 : i32
      %dma_wait3A_1186 = arith.constant 0 : i32
      %dma_wait3A_1187 = tpu.memref_slice %arg8[%dma_wait3A_1184, %dma_wait3A_1185, %dma_wait3A_1186] : memref<4x112x64xf32, #tpu.memory_space<vmem>> -> memref<1x16x64xf32, #tpu.memory_space<vmem>>
      %dma_wait3A_1188 = tpu.memref_squeeze %dma_wait3A_1187 : memref<1x16x64xf32, #tpu.memory_space<vmem>> -> memref<16x64xf32, #tpu.memory_space<vmem>>
      %dma_wait3A_1189 = arith.constant 16 : i32
      %dma_wait3A_1190 = tpu.memref_slice %arg6[%add3A_1152, %dma_wait3A_1189] : memref<28x112xi32, #tpu.memory_space<vmem>> -> memref<1x16xi32, #tpu.memory_space<vmem>>
      %dma_wait3A_1191 = tpu.memref_squeeze %dma_wait3A_1190 : memref<1x16xi32, #tpu.memory_space<vmem>> -> memref<16xi32, #tpu.memory_space<vmem>>
      %dma_wait3A_1192 = arith.constant 0 : i32
      %dma_wait3A_1193 = arith.constant 0 : i32
      %dma_wait3A_1194 = tpu.memref_slice %arg3[%dma_wait3A_1192, %dma_wait3A_1193] : memref<30370x64xf32, #tpu.memory_space<hbm>> -> memref<30370x64xf32, #tpu.memory_space<hbm>>
      tpu.wait_indirect_dma semaphore(%arg14 : memref<!tpu.dma_semaphore, #tpu.memory_space<semaphore_mem>>) src(%dma_wait3A_1194 : memref<30370x64xf32, #tpu.memory_space<hbm>>) dst(%dma_wait3A_1188 : memref<16x64xf32, #tpu.memory_space<vmem>>)
      %dma_wait3A_1195 = arith.constant 3 : i32
      %dma_wait3A_1196 = arith.constant 16 : i32
      %dma_wait3A_1197 = arith.constant 0 : i32
      %dma_wait3A_1198 = tpu.memref_slice %arg9[%dma_wait3A_1195, %dma_wait3A_1196, %dma_wait3A_1197] : memref<4x112x64xf32, #tpu.memory_space<vmem>> -> memref<1x16x64xf32, #tpu.memory_space<vmem>>
      %dma_wait3A_1199 = tpu.memref_squeeze %dma_wait3A_1198 : memref<1x16x64xf32, #tpu.memory_space<vmem>> -> memref<16x64xf32, #tpu.memory_space<vmem>>
      %dma_wait3A_1200 = arith.constant 16 : i32
      %dma_wait3A_1201 = tpu.memref_slice %arg7[%add3A_1152, %dma_wait3A_1200] : memref<28x112xi32, #tpu.memory_space<vmem>> -> memref<1x16xi32, #tpu.memory_space<vmem>>
      %dma_wait3A_1202 = tpu.memref_squeeze %dma_wait3A_1201 : memref<1x16xi32, #tpu.memory_space<vmem>> -> memref<16xi32, #tpu.memory_space<vmem>>
      %dma_wait3A_1203 = arith.constant 0 : i32
      %dma_wait3A_1204 = arith.constant 0 : i32
      %dma_wait3A_1205 = tpu.memref_slice %arg3[%dma_wait3A_1203, %dma_wait3A_1204] : memref<30370x64xf32, #tpu.memory_space<hbm>> -> memref<30370x64xf32, #tpu.memory_space<hbm>>
      tpu.wait_indirect_dma semaphore(%arg14 : memref<!tpu.dma_semaphore, #tpu.memory_space<semaphore_mem>>) src(%dma_wait3A_1205 : memref<30370x64xf32, #tpu.memory_space<hbm>>) dst(%dma_wait3A_1199 : memref<16x64xf32, #tpu.memory_space<vmem>>)
      %dma_wait3A_1206 = arith.constant 3 : i32
      %dma_wait3A_1207 = arith.constant 32 : i32
      %dma_wait3A_1208 = arith.constant 0 : i32
      %dma_wait3A_1209 = tpu.memref_slice %arg8[%dma_wait3A_1206, %dma_wait3A_1207, %dma_wait3A_1208] : memref<4x112x64xf32, #tpu.memory_space<vmem>> -> memref<1x16x64xf32, #tpu.memory_space<vmem>>
      %dma_wait3A_1210 = tpu.memref_squeeze %dma_wait3A_1209 : memref<1x16x64xf32, #tpu.memory_space<vmem>> -> memref<16x64xf32, #tpu.memory_space<vmem>>
      %dma_wait3A_1211 = arith.constant 32 : i32
      %dma_wait3A_1212 = tpu.memref_slice %arg6[%add3A_1152, %dma_wait3A_1211] : memref<28x112xi32, #tpu.memory_space<vmem>> -> memref<1x16xi32, #tpu.memory_space<vmem>>
      %dma_wait3A_1213 = tpu.memref_squeeze %dma_wait3A_1212 : memref<1x16xi32, #tpu.memory_space<vmem>> -> memref<16xi32, #tpu.memory_space<vmem>>
      %dma_wait3A_1214 = arith.constant 0 : i32
      %dma_wait3A_1215 = arith.constant 0 : i32
      %dma_wait3A_1216 = tpu.memref_slice %arg3[%dma_wait3A_1214, %dma_wait3A_1215] : memref<30370x64xf32, #tpu.memory_space<hbm>> -> memref<30370x64xf32, #tpu.memory_space<hbm>>
      tpu.wait_indirect_dma semaphore(%arg14 : memref<!tpu.dma_semaphore, #tpu.memory_space<semaphore_mem>>) src(%dma_wait3A_1216 : memref<30370x64xf32, #tpu.memory_space<hbm>>) dst(%dma_wait3A_1210 : memref<16x64xf32, #tpu.memory_space<vmem>>)
      %dma_wait3A_1217 = arith.constant 3 : i32
      %dma_wait3A_1218 = arith.constant 32 : i32
      %dma_wait3A_1219 = arith.constant 0 : i32
      %dma_wait3A_1220 = tpu.memref_slice %arg9[%dma_wait3A_1217, %dma_wait3A_1218, %dma_wait3A_1219] : memref<4x112x64xf32, #tpu.memory_space<vmem>> -> memref<1x16x64xf32, #tpu.memory_space<vmem>>
      %dma_wait3A_1221 = tpu.memref_squeeze %dma_wait3A_1220 : memref<1x16x64xf32, #tpu.memory_space<vmem>> -> memref<16x64xf32, #tpu.memory_space<vmem>>
      %dma_wait3A_1222 = arith.constant 32 : i32
      %dma_wait3A_1223 = tpu.memref_slice %arg7[%add3A_1152, %dma_wait3A_1222] : memref<28x112xi32, #tpu.memory_space<vmem>> -> memref<1x16xi32, #tpu.memory_space<vmem>>
      %dma_wait3A_1224 = tpu.memref_squeeze %dma_wait3A_1223 : memref<1x16xi32, #tpu.memory_space<vmem>> -> memref<16xi32, #tpu.memory_space<vmem>>
      %dma_wait3A_1225 = arith.constant 0 : i32
      %dma_wait3A_1226 = arith.constant 0 : i32
      %dma_wait3A_1227 = tpu.memref_slice %arg3[%dma_wait3A_1225, %dma_wait3A_1226] : memref<30370x64xf32, #tpu.memory_space<hbm>> -> memref<30370x64xf32, #tpu.memory_space<hbm>>
      tpu.wait_indirect_dma semaphore(%arg14 : memref<!tpu.dma_semaphore, #tpu.memory_space<semaphore_mem>>) src(%dma_wait3A_1227 : memref<30370x64xf32, #tpu.memory_space<hbm>>) dst(%dma_wait3A_1221 : memref<16x64xf32, #tpu.memory_space<vmem>>)
      %dma_wait3A_1228 = arith.constant 3 : i32
      %dma_wait3A_1229 = arith.constant 48 : i32
      %dma_wait3A_1230 = arith.constant 0 : i32
      %dma_wait3A_1231 = tpu.memref_slice %arg8[%dma_wait3A_1228, %dma_wait3A_1229, %dma_wait3A_1230] : memref<4x112x64xf32, #tpu.memory_space<vmem>> -> memref<1x16x64xf32, #tpu.memory_space<vmem>>
      %dma_wait3A_1232 = tpu.memref_squeeze %dma_wait3A_1231 : memref<1x16x64xf32, #tpu.memory_space<vmem>> -> memref<16x64xf32, #tpu.memory_space<vmem>>
      %dma_wait3A_1233 = arith.constant 48 : i32
      %dma_wait3A_1234 = tpu.memref_slice %arg6[%add3A_1152, %dma_wait3A_1233] : memref<28x112xi32, #tpu.memory_space<vmem>> -> memref<1x16xi32, #tpu.memory_space<vmem>>
      %dma_wait3A_1235 = tpu.memref_squeeze %dma_wait3A_1234 : memref<1x16xi32, #tpu.memory_space<vmem>> -> memref<16xi32, #tpu.memory_space<vmem>>
      %dma_wait3A_1236 = arith.constant 0 : i32
      %dma_wait3A_1237 = arith.constant 0 : i32
      %dma_wait3A_1238 = tpu.memref_slice %arg3[%dma_wait3A_1236, %dma_wait3A_1237] : memref<30370x64xf32, #tpu.memory_space<hbm>> -> memref<30370x64xf32, #tpu.memory_space<hbm>>
      tpu.wait_indirect_dma semaphore(%arg14 : memref<!tpu.dma_semaphore, #tpu.memory_space<semaphore_mem>>) src(%dma_wait3A_1238 : memref<30370x64xf32, #tpu.memory_space<hbm>>) dst(%dma_wait3A_1232 : memref<16x64xf32, #tpu.memory_space<vmem>>)
      %dma_wait3A_1239 = arith.constant 3 : i32
      %dma_wait3A_1240 = arith.constant 48 : i32
      %dma_wait3A_1241 = arith.constant 0 : i32
      %dma_wait3A_1242 = tpu.memref_slice %arg9[%dma_wait3A_1239, %dma_wait3A_1240, %dma_wait3A_1241] : memref<4x112x64xf32, #tpu.memory_space<vmem>> -> memref<1x16x64xf32, #tpu.memory_space<vmem>>
      %dma_wait3A_1243 = tpu.memref_squeeze %dma_wait3A_1242 : memref<1x16x64xf32, #tpu.memory_space<vmem>> -> memref<16x64xf32, #tpu.memory_space<vmem>>
      %dma_wait3A_1244 = arith.constant 48 : i32
      %dma_wait3A_1245 = tpu.memref_slice %arg7[%add3A_1152, %dma_wait3A_1244] : memref<28x112xi32, #tpu.memory_space<vmem>> -> memref<1x16xi32, #tpu.memory_space<vmem>>
      %dma_wait3A_1246 = tpu.memref_squeeze %dma_wait3A_1245 : memref<1x16xi32, #tpu.memory_space<vmem>> -> memref<16xi32, #tpu.memory_space<vmem>>
      %dma_wait3A_1247 = arith.constant 0 : i32
      %dma_wait3A_1248 = arith.constant 0 : i32
      %dma_wait3A_1249 = tpu.memref_slice %arg3[%dma_wait3A_1247, %dma_wait3A_1248] : memref<30370x64xf32, #tpu.memory_space<hbm>> -> memref<30370x64xf32, #tpu.memory_space<hbm>>
      tpu.wait_indirect_dma semaphore(%arg14 : memref<!tpu.dma_semaphore, #tpu.memory_space<semaphore_mem>>) src(%dma_wait3A_1249 : memref<30370x64xf32, #tpu.memory_space<hbm>>) dst(%dma_wait3A_1243 : memref<16x64xf32, #tpu.memory_space<vmem>>)
      %dma_wait3A_1250 = arith.constant 3 : i32
      %dma_wait3A_1251 = arith.constant 64 : i32
      %dma_wait3A_1252 = arith.constant 0 : i32
      %dma_wait3A_1253 = tpu.memref_slice %arg8[%dma_wait3A_1250, %dma_wait3A_1251, %dma_wait3A_1252] : memref<4x112x64xf32, #tpu.memory_space<vmem>> -> memref<1x16x64xf32, #tpu.memory_space<vmem>>
      %dma_wait3A_1254 = tpu.memref_squeeze %dma_wait3A_1253 : memref<1x16x64xf32, #tpu.memory_space<vmem>> -> memref<16x64xf32, #tpu.memory_space<vmem>>
      %dma_wait3A_1255 = arith.constant 64 : i32
      %dma_wait3A_1256 = tpu.memref_slice %arg6[%add3A_1152, %dma_wait3A_1255] : memref<28x112xi32, #tpu.memory_space<vmem>> -> memref<1x16xi32, #tpu.memory_space<vmem>>
      %dma_wait3A_1257 = tpu.memref_squeeze %dma_wait3A_1256 : memref<1x16xi32, #tpu.memory_space<vmem>> -> memref<16xi32, #tpu.memory_space<vmem>>
      %dma_wait3A_1258 = arith.constant 0 : i32
      %dma_wait3A_1259 = arith.constant 0 : i32
      %dma_wait3A_1260 = tpu.memref_slice %arg3[%dma_wait3A_1258, %dma_wait3A_1259] : memref<30370x64xf32, #tpu.memory_space<hbm>> -> memref<30370x64xf32, #tpu.memory_space<hbm>>
      tpu.wait_indirect_dma semaphore(%arg14 : memref<!tpu.dma_semaphore, #tpu.memory_space<semaphore_mem>>) src(%dma_wait3A_1260 : memref<30370x64xf32, #tpu.memory_space<hbm>>) dst(%dma_wait3A_1254 : memref<16x64xf32, #tpu.memory_space<vmem>>)
      %dma_wait3A_1261 = arith.constant 3 : i32
      %dma_wait3A_1262 = arith.constant 64 : i32
      %dma_wait3A_1263 = arith.constant 0 : i32
      %dma_wait3A_1264 = tpu.memref_slice %arg9[%dma_wait3A_1261, %dma_wait3A_1262, %dma_wait3A_1263] : memref<4x112x64xf32, #tpu.memory_space<vmem>> -> memref<1x16x64xf32, #tpu.memory_space<vmem>>
      %dma_wait3A_1265 = tpu.memref_squeeze %dma_wait3A_1264 : memref<1x16x64xf32, #tpu.memory_space<vmem>> -> memref<16x64xf32, #tpu.memory_space<vmem>>
      %dma_wait3A_1266 = arith.constant 64 : i32
      %dma_wait3A_1267 = tpu.memref_slice %arg7[%add3A_1152, %dma_wait3A_1266] : memref<28x112xi32, #tpu.memory_space<vmem>> -> memref<1x16xi32, #tpu.memory_space<vmem>>
      %dma_wait3A_1268 = tpu.memref_squeeze %dma_wait3A_1267 : memref<1x16xi32, #tpu.memory_space<vmem>> -> memref<16xi32, #tpu.memory_space<vmem>>
      %dma_wait3A_1269 = arith.constant 0 : i32
      %dma_wait3A_1270 = arith.constant 0 : i32
      %dma_wait3A_1271 = tpu.memref_slice %arg3[%dma_wait3A_1269, %dma_wait3A_1270] : memref<30370x64xf32, #tpu.memory_space<hbm>> -> memref<30370x64xf32, #tpu.memory_space<hbm>>
      tpu.wait_indirect_dma semaphore(%arg14 : memref<!tpu.dma_semaphore, #tpu.memory_space<semaphore_mem>>) src(%dma_wait3A_1271 : memref<30370x64xf32, #tpu.memory_space<hbm>>) dst(%dma_wait3A_1265 : memref<16x64xf32, #tpu.memory_space<vmem>>)
      %dma_wait3A_1272 = arith.constant 3 : i32
      %dma_wait3A_1273 = arith.constant 80 : i32
      %dma_wait3A_1274 = arith.constant 0 : i32
      %dma_wait3A_1275 = tpu.memref_slice %arg8[%dma_wait3A_1272, %dma_wait3A_1273, %dma_wait3A_1274] : memref<4x112x64xf32, #tpu.memory_space<vmem>> -> memref<1x16x64xf32, #tpu.memory_space<vmem>>
      %dma_wait3A_1276 = tpu.memref_squeeze %dma_wait3A_1275 : memref<1x16x64xf32, #tpu.memory_space<vmem>> -> memref<16x64xf32, #tpu.memory_space<vmem>>
      %dma_wait3A_1277 = arith.constant 80 : i32
      %dma_wait3A_1278 = tpu.memref_slice %arg6[%add3A_1152, %dma_wait3A_1277] : memref<28x112xi32, #tpu.memory_space<vmem>> -> memref<1x16xi32, #tpu.memory_space<vmem>>
      %dma_wait3A_1279 = tpu.memref_squeeze %dma_wait3A_1278 : memref<1x16xi32, #tpu.memory_space<vmem>> -> memref<16xi32, #tpu.memory_space<vmem>>
      %dma_wait3A_1280 = arith.constant 0 : i32
      %dma_wait3A_1281 = arith.constant 0 : i32
      %dma_wait3A_1282 = tpu.memref_slice %arg3[%dma_wait3A_1280, %dma_wait3A_1281] : memref<30370x64xf32, #tpu.memory_space<hbm>> -> memref<30370x64xf32, #tpu.memory_space<hbm>>
      tpu.wait_indirect_dma semaphore(%arg14 : memref<!tpu.dma_semaphore, #tpu.memory_space<semaphore_mem>>) src(%dma_wait3A_1282 : memref<30370x64xf32, #tpu.memory_space<hbm>>) dst(%dma_wait3A_1276 : memref<16x64xf32, #tpu.memory_space<vmem>>)
      %dma_wait3A_1283 = arith.constant 3 : i32
      %dma_wait3A_1284 = arith.constant 80 : i32
      %dma_wait3A_1285 = arith.constant 0 : i32
      %dma_wait3A_1286 = tpu.memref_slice %arg9[%dma_wait3A_1283, %dma_wait3A_1284, %dma_wait3A_1285] : memref<4x112x64xf32, #tpu.memory_space<vmem>> -> memref<1x16x64xf32, #tpu.memory_space<vmem>>
      %dma_wait3A_1287 = tpu.memref_squeeze %dma_wait3A_1286 : memref<1x16x64xf32, #tpu.memory_space<vmem>> -> memref<16x64xf32, #tpu.memory_space<vmem>>
      %dma_wait3A_1288 = arith.constant 80 : i32
      %dma_wait3A_1289 = tpu.memref_slice %arg7[%add3A_1152, %dma_wait3A_1288] : memref<28x112xi32, #tpu.memory_space<vmem>> -> memref<1x16xi32, #tpu.memory_space<vmem>>
      %dma_wait3A_1290 = tpu.memref_squeeze %dma_wait3A_1289 : memref<1x16xi32, #tpu.memory_space<vmem>> -> memref<16xi32, #tpu.memory_space<vmem>>
      %dma_wait3A_1291 = arith.constant 0 : i32
      %dma_wait3A_1292 = arith.constant 0 : i32
      %dma_wait3A_1293 = tpu.memref_slice %arg3[%dma_wait3A_1291, %dma_wait3A_1292] : memref<30370x64xf32, #tpu.memory_space<hbm>> -> memref<30370x64xf32, #tpu.memory_space<hbm>>
      tpu.wait_indirect_dma semaphore(%arg14 : memref<!tpu.dma_semaphore, #tpu.memory_space<semaphore_mem>>) src(%dma_wait3A_1293 : memref<30370x64xf32, #tpu.memory_space<hbm>>) dst(%dma_wait3A_1287 : memref<16x64xf32, #tpu.memory_space<vmem>>)
      %dma_wait3A_1294 = arith.constant 3 : i32
      %dma_wait3A_1295 = arith.constant 96 : i32
      %dma_wait3A_1296 = arith.constant 0 : i32
      %dma_wait3A_1297 = tpu.memref_slice %arg8[%dma_wait3A_1294, %dma_wait3A_1295, %dma_wait3A_1296] : memref<4x112x64xf32, #tpu.memory_space<vmem>> -> memref<1x16x64xf32, #tpu.memory_space<vmem>>
      %dma_wait3A_1298 = tpu.memref_squeeze %dma_wait3A_1297 : memref<1x16x64xf32, #tpu.memory_space<vmem>> -> memref<16x64xf32, #tpu.memory_space<vmem>>
      %dma_wait3A_1299 = arith.constant 96 : i32
      %dma_wait3A_1300 = tpu.memref_slice %arg6[%add3A_1152, %dma_wait3A_1299] : memref<28x112xi32, #tpu.memory_space<vmem>> -> memref<1x16xi32, #tpu.memory_space<vmem>>
      %dma_wait3A_1301 = tpu.memref_squeeze %dma_wait3A_1300 : memref<1x16xi32, #tpu.memory_space<vmem>> -> memref<16xi32, #tpu.memory_space<vmem>>
      %dma_wait3A_1302 = arith.constant 0 : i32
      %dma_wait3A_1303 = arith.constant 0 : i32
      %dma_wait3A_1304 = tpu.memref_slice %arg3[%dma_wait3A_1302, %dma_wait3A_1303] : memref<30370x64xf32, #tpu.memory_space<hbm>> -> memref<30370x64xf32, #tpu.memory_space<hbm>>
      tpu.wait_indirect_dma semaphore(%arg14 : memref<!tpu.dma_semaphore, #tpu.memory_space<semaphore_mem>>) src(%dma_wait3A_1304 : memref<30370x64xf32, #tpu.memory_space<hbm>>) dst(%dma_wait3A_1298 : memref<16x64xf32, #tpu.memory_space<vmem>>)
      %dma_wait3A_1305 = arith.constant 3 : i32
      %dma_wait3A_1306 = arith.constant 96 : i32
      %dma_wait3A_1307 = arith.constant 0 : i32
      %dma_wait3A_1308 = tpu.memref_slice %arg9[%dma_wait3A_1305, %dma_wait3A_1306, %dma_wait3A_1307] : memref<4x112x64xf32, #tpu.memory_space<vmem>> -> memref<1x16x64xf32, #tpu.memory_space<vmem>>
      %dma_wait3A_1309 = tpu.memref_squeeze %dma_wait3A_1308 : memref<1x16x64xf32, #tpu.memory_space<vmem>> -> memref<16x64xf32, #tpu.memory_space<vmem>>
      %dma_wait3A_1310 = arith.constant 96 : i32
      %dma_wait3A_1311 = tpu.memref_slice %arg7[%add3A_1152, %dma_wait3A_1310] : memref<28x112xi32, #tpu.memory_space<vmem>> -> memref<1x16xi32, #tpu.memory_space<vmem>>
      %dma_wait3A_1312 = tpu.memref_squeeze %dma_wait3A_1311 : memref<1x16xi32, #tpu.memory_space<vmem>> -> memref<16xi32, #tpu.memory_space<vmem>>
      %dma_wait3A_1313 = arith.constant 0 : i32
      %dma_wait3A_1314 = arith.constant 0 : i32
      %dma_wait3A_1315 = tpu.memref_slice %arg3[%dma_wait3A_1313, %dma_wait3A_1314] : memref<30370x64xf32, #tpu.memory_space<hbm>> -> memref<30370x64xf32, #tpu.memory_space<hbm>>
      tpu.wait_indirect_dma semaphore(%arg14 : memref<!tpu.dma_semaphore, #tpu.memory_space<semaphore_mem>>) src(%dma_wait3A_1315 : memref<30370x64xf32, #tpu.memory_space<hbm>>) dst(%dma_wait3A_1309 : memref<16x64xf32, #tpu.memory_space<vmem>>)
      %ge3A_1316 = arith.constant 2 : i32
      %ge3A_1317 = arith.cmpi sge, %add3A_1152, %ge3A_1316 : i32
      %convert_element_type3A_1318 = arith.extui %ge3A_1317 : i1 to i32
      %cond3A_1319 = arith.constant 0 : i32
      %cond3A_1320 = arith.cmpi ne, %convert_element_type3A_1318, %cond3A_1319 : i32
      scf.if %cond3A_1320 {
        %sub3A_1345 = arith.constant 2 : i32
        %sub3A_1346 = arith.subi %add3A_1152, %sub3A_1345 : i32
        %mul3A_1347 = arith.constant 112 : i32
        %mul3A_1348 = arith.muli %sub3A_1346, %mul3A_1347 : i32
        %add3A_1349 = arith.addi %min3A_3, %mul3A_1348 : i32
        %dma_wait3A_1350 = arith.constant 1 : i32
        %dma_wait3A_1351 = arith.constant 0 : i32
        %dma_wait3A_1352 = arith.constant 0 : i32
        %dma_wait3A_1353 = tpu.memref_slice %arg10[%dma_wait3A_1350, %dma_wait3A_1351, %dma_wait3A_1352] : memref<2x112x128xf32, #tpu.memory_space<vmem>> -> memref<1x112x128xf32, #tpu.memory_space<vmem>>
        %dma_wait3A_1354 = tpu.memref_squeeze %dma_wait3A_1353 : memref<1x112x128xf32, #tpu.memory_space<vmem>> -> memref<112x128xf32, #tpu.memory_space<vmem>>
        %dma_wait3A_1355 = arith.constant 0 : i32
        %dma_wait3A_1356 = tpu.memref_slice %arg4[%add3A_1349, %dma_wait3A_1355] : memref<100000x128xf32, #tpu.memory_space<hbm>> -> memref<112x128xf32, #tpu.memory_space<hbm>>
        %dma_wait3A_1357 = arith.constant 0 : i32
        %dma_wait3A_1358 = tpu.memref_slice %arg4[%add3A_1349, %dma_wait3A_1357] : memref<100000x128xf32, #tpu.memory_space<hbm>> -> memref<112x128xf32, #tpu.memory_space<hbm>>
        %dma_wait3A_1359 = arith.constant 0 : i32
        %dma_wait3A_1360 = arith.constant 0 : i32
        %dma_wait3A_1361 = tpu.memref_slice %arg10[%dma_wait3A_1350, %dma_wait3A_1359, %dma_wait3A_1360] : memref<2x112x128xf32, #tpu.memory_space<vmem>> -> memref<1x112x128xf32, #tpu.memory_space<vmem>>
        %dma_wait3A_1362 = tpu.memref_squeeze %dma_wait3A_1361 : memref<1x112x128xf32, #tpu.memory_space<vmem>> -> memref<112x128xf32, #tpu.memory_space<vmem>>
        tpu.wait_dma2 semaphore(%arg16 : memref<!tpu.dma_semaphore, #tpu.memory_space<semaphore_mem>>) src(%dma_wait3A_1362 : memref<112x128xf32, #tpu.memory_space<vmem>>) dst(%dma_wait3A_1358 : memref<112x128xf32, #tpu.memory_space<hbm>>)
      } else {
      }
      %scan3A_1321 = arith.constant 0 : i32
      %scan3A_1322 = arith.constant 0 : i32
      %scan3A_1323 = arith.constant 112 : i32
      %scan3A_1324 = arith.addi %scan3A_1322, %scan3A_1323 : i32
      %scan3A_1325 = arith.constant 1 : i32
      %scan3A_1326 = scf.for %scan3A_1345 = %scan3A_1322 to %scan3A_1324 step %scan3A_1325 iter_args(%scan3A_1346 = %scan3A_1321) -> (i32)  : i32 {
        %get3A = arith.constant 3 : i32
        %get3A_1347 = arith.index_cast %get3A : i32 to index
        %get3A_1348 = arith.index_cast %scan3A_1345 : i32 to index
        %get3A_1349 = arith.constant 0 : index
        %get3A_1350 = tpu.vector_load %arg8[%get3A_1347, %get3A_1348, %get3A_1349] {strides = array<i32>} : memref<4x112x64xf32, #tpu.memory_space<vmem>>, vector<16xf32>,
        %bitcast3A = vector.bitcast %get3A_1350 : vector<16xf32> to vector<16xi32>
        %get3A_1351 = arith.constant 3 : i32
        %get3A_1352 = arith.index_cast %get3A_1351 : i32 to index
        %get3A_1353 = arith.index_cast %scan3A_1345 : i32 to index
        %get3A_1354 = arith.constant 0 : index
        %get3A_1355 = tpu.vector_load %arg9[%get3A_1352, %get3A_1353, %get3A_1354] {strides = array<i32>} : memref<4x112x64xf32, #tpu.memory_space<vmem>>, vector<16xf32>,
        %bitcast3A_1356 = vector.bitcast %get3A_1355 : vector<16xf32> to vector<16xi32>
        %shift_left3A = arith.constant 16 : i32
        %shift_left3A_1357 = vector.broadcast %shift_left3A : i32 to vector<16xi32>
        %shift_left3A_1358 = arith.shli %bitcast3A, %shift_left3A_1357 : vector<16xi32>
        %bitcast3A_1359 = vector.bitcast %shift_left3A_1358 : vector<16xi32> to vector<16xf32>
        %shift_left3A_1360 = arith.constant 16 : i32
        %shift_left3A_1361 = vector.broadcast %shift_left3A_1360 : i32 to vector<16xi32>
        %shift_left3A_1362 = arith.shli %bitcast3A_1356, %shift_left3A_1361 : vector<16xi32>
        %bitcast3A_1363 = vector.bitcast %shift_left3A_1362 : vector<16xi32> to vector<16xf32>
        %add3A_1364 = arith.addf %bitcast3A_1359, %bitcast3A_1363 : vector<16xf32>
        %and3A = arith.constant -65536 : i32
        %and3A_1365 = vector.broadcast %and3A : i32 to vector<16xi32>
        %and3A_1366 = arith.andi %bitcast3A, %and3A_1365 : vector<16xi32>
        %bitcast3A_1367 = vector.bitcast %and3A_1366 : vector<16xi32> to vector<16xf32>
        %and3A_1368 = arith.constant -65536 : i32
        %and3A_1369 = vector.broadcast %and3A_1368 : i32 to vector<16xi32>
        %and3A_1370 = arith.andi %bitcast3A_1356, %and3A_1369 : vector<16xi32>
        %bitcast3A_1371 = vector.bitcast %and3A_1370 : vector<16xi32> to vector<16xf32>
        %add3A_1372 = arith.addf %bitcast3A_1367, %bitcast3A_1371 : vector<16xf32>
        %swap3A = arith.constant 1 : i32
        %swap3A_1373 = arith.index_cast %swap3A : i32 to index
        %swap3A_1374 = arith.index_cast %scan3A_1345 : i32 to index
        %swap3A_1375 = arith.constant 0 : index
        %swap3A_1376 = tpu.vector_load %arg10[%swap3A_1373, %swap3A_1374, %swap3A_1375] {strides = array<i32>} : memref<2x112x128xf32, #tpu.memory_space<vmem>>, vector<16xf32>,
        tpu.vector_store %arg10[%swap3A_1373, %swap3A_1374, %swap3A_1375], %add3A_1364 {strides = array<i32>} : memref<2x112x128xf32, #tpu.memory_space<vmem>>, vector<16xf32>,
        %swap3A_1377 = arith.constant 1 : i32
        %swap3A_1378 = arith.index_cast %swap3A_1377 : i32 to index
        %swap3A_1379 = arith.index_cast %scan3A_1345 : i32 to index
        %swap3A_1380 = arith.constant 64 : index
        %swap3A_1381 = tpu.vector_load %arg10[%swap3A_1378, %swap3A_1379, %swap3A_1380] {strides = array<i32>} : memref<2x112x128xf32, #tpu.memory_space<vmem>>, vector<16xf32>,
        tpu.vector_store %arg10[%swap3A_1378, %swap3A_1379, %swap3A_1380], %add3A_1372 {strides = array<i32>} : memref<2x112x128xf32, #tpu.memory_space<vmem>>, vector<16xf32>,
        %get3A_1382 = arith.constant 3 : i32
        %get3A_1383 = arith.index_cast %get3A_1382 : i32 to index
        %get3A_1384 = arith.index_cast %scan3A_1345 : i32 to index
        %get3A_1385 = arith.constant 16 : index
        %get3A_1386 = tpu.vector_load %arg8[%get3A_1383, %get3A_1384, %get3A_1385] {strides = array<i32>} : memref<4x112x64xf32, #tpu.memory_space<vmem>>, vector<16xf32>,
        %bitcast3A_1387 = vector.bitcast %get3A_1386 : vector<16xf32> to vector<16xi32>
        %get3A_1388 = arith.constant 3 : i32
        %get3A_1389 = arith.index_cast %get3A_1388 : i32 to index
        %get3A_1390 = arith.index_cast %scan3A_1345 : i32 to index
        %get3A_1391 = arith.constant 16 : index
        %get3A_1392 = tpu.vector_load %arg9[%get3A_1389, %get3A_1390, %get3A_1391] {strides = array<i32>} : memref<4x112x64xf32, #tpu.memory_space<vmem>>, vector<16xf32>,
        %bitcast3A_1393 = vector.bitcast %get3A_1392 : vector<16xf32> to vector<16xi32>
        %shift_left3A_1394 = arith.constant 16 : i32
        %shift_left3A_1395 = vector.broadcast %shift_left3A_1394 : i32 to vector<16xi32>
        %shift_left3A_1396 = arith.shli %bitcast3A_1387, %shift_left3A_1395 : vector<16xi32>
        %bitcast3A_1397 = vector.bitcast %shift_left3A_1396 : vector<16xi32> to vector<16xf32>
        %shift_left3A_1398 = arith.constant 16 : i32
        %shift_left3A_1399 = vector.broadcast %shift_left3A_1398 : i32 to vector<16xi32>
        %shift_left3A_1400 = arith.shli %bitcast3A_1393, %shift_left3A_1399 : vector<16xi32>
        %bitcast3A_1401 = vector.bitcast %shift_left3A_1400 : vector<16xi32> to vector<16xf32>
        %add3A_1402 = arith.addf %bitcast3A_1397, %bitcast3A_1401 : vector<16xf32>
        %and3A_1403 = arith.constant -65536 : i32
        %and3A_1404 = vector.broadcast %and3A_1403 : i32 to vector<16xi32>
        %and3A_1405 = arith.andi %bitcast3A_1387, %and3A_1404 : vector<16xi32>
        %bitcast3A_1406 = vector.bitcast %and3A_1405 : vector<16xi32> to vector<16xf32>
        %and3A_1407 = arith.constant -65536 : i32
        %and3A_1408 = vector.broadcast %and3A_1407 : i32 to vector<16xi32>
        %and3A_1409 = arith.andi %bitcast3A_1393, %and3A_1408 : vector<16xi32>
        %bitcast3A_1410 = vector.bitcast %and3A_1409 : vector<16xi32> to vector<16xf32>
        %add3A_1411 = arith.addf %bitcast3A_1406, %bitcast3A_1410 : vector<16xf32>
        %swap3A_1412 = arith.constant 1 : i32
        %swap3A_1413 = arith.index_cast %swap3A_1412 : i32 to index
        %swap3A_1414 = arith.index_cast %scan3A_1345 : i32 to index
        %swap3A_1415 = arith.constant 16 : index
        %swap3A_1416 = tpu.vector_load %arg10[%swap3A_1413, %swap3A_1414, %swap3A_1415] {strides = array<i32>} : memref<2x112x128xf32, #tpu.memory_space<vmem>>, vector<16xf32>,
        tpu.vector_store %arg10[%swap3A_1413, %swap3A_1414, %swap3A_1415], %add3A_1402 {strides = array<i32>} : memref<2x112x128xf32, #tpu.memory_space<vmem>>, vector<16xf32>,
        %swap3A_1417 = arith.constant 1 : i32
        %swap3A_1418 = arith.index_cast %swap3A_1417 : i32 to index
        %swap3A_1419 = arith.index_cast %scan3A_1345 : i32 to index
        %swap3A_1420 = arith.constant 80 : index
        %swap3A_1421 = tpu.vector_load %arg10[%swap3A_1418, %swap3A_1419, %swap3A_1420] {strides = array<i32>} : memref<2x112x128xf32, #tpu.memory_space<vmem>>, vector<16xf32>,
        tpu.vector_store %arg10[%swap3A_1418, %swap3A_1419, %swap3A_1420], %add3A_1411 {strides = array<i32>} : memref<2x112x128xf32, #tpu.memory_space<vmem>>, vector<16xf32>,
        %get3A_1422 = arith.constant 3 : i32
        %get3A_1423 = arith.index_cast %get3A_1422 : i32 to index
        %get3A_1424 = arith.index_cast %scan3A_1345 : i32 to index
        %get3A_1425 = arith.constant 32 : index
        %get3A_1426 = tpu.vector_load %arg8[%get3A_1423, %get3A_1424, %get3A_1425] {strides = array<i32>} : memref<4x112x64xf32, #tpu.memory_space<vmem>>, vector<16xf32>,
        %bitcast3A_1427 = vector.bitcast %get3A_1426 : vector<16xf32> to vector<16xi32>
        %get3A_1428 = arith.constant 3 : i32
        %get3A_1429 = arith.index_cast %get3A_1428 : i32 to index
        %get3A_1430 = arith.index_cast %scan3A_1345 : i32 to index
        %get3A_1431 = arith.constant 32 : index
        %get3A_1432 = tpu.vector_load %arg9[%get3A_1429, %get3A_1430, %get3A_1431] {strides = array<i32>} : memref<4x112x64xf32, #tpu.memory_space<vmem>>, vector<16xf32>,
        %bitcast3A_1433 = vector.bitcast %get3A_1432 : vector<16xf32> to vector<16xi32>
        %shift_left3A_1434 = arith.constant 16 : i32
        %shift_left3A_1435 = vector.broadcast %shift_left3A_1434 : i32 to vector<16xi32>
        %shift_left3A_1436 = arith.shli %bitcast3A_1427, %shift_left3A_1435 : vector<16xi32>
        %bitcast3A_1437 = vector.bitcast %shift_left3A_1436 : vector<16xi32> to vector<16xf32>
        %shift_left3A_1438 = arith.constant 16 : i32
        %shift_left3A_1439 = vector.broadcast %shift_left3A_1438 : i32 to vector<16xi32>
        %shift_left3A_1440 = arith.shli %bitcast3A_1433, %shift_left3A_1439 : vector<16xi32>
        %bitcast3A_1441 = vector.bitcast %shift_left3A_1440 : vector<16xi32> to vector<16xf32>
        %add3A_1442 = arith.addf %bitcast3A_1437, %bitcast3A_1441 : vector<16xf32>
        %and3A_1443 = arith.constant -65536 : i32
        %and3A_1444 = vector.broadcast %and3A_1443 : i32 to vector<16xi32>
        %and3A_1445 = arith.andi %bitcast3A_1427, %and3A_1444 : vector<16xi32>
        %bitcast3A_1446 = vector.bitcast %and3A_1445 : vector<16xi32> to vector<16xf32>
        %and3A_1447 = arith.constant -65536 : i32
        %and3A_1448 = vector.broadcast %and3A_1447 : i32 to vector<16xi32>
        %and3A_1449 = arith.andi %bitcast3A_1433, %and3A_1448 : vector<16xi32>
        %bitcast3A_1450 = vector.bitcast %and3A_1449 : vector<16xi32> to vector<16xf32>
        %add3A_1451 = arith.addf %bitcast3A_1446, %bitcast3A_1450 : vector<16xf32>
        %swap3A_1452 = arith.constant 1 : i32
        %swap3A_1453 = arith.index_cast %swap3A_1452 : i32 to index
        %swap3A_1454 = arith.index_cast %scan3A_1345 : i32 to index
        %swap3A_1455 = arith.constant 32 : index
        %swap3A_1456 = tpu.vector_load %arg10[%swap3A_1453, %swap3A_1454, %swap3A_1455] {strides = array<i32>} : memref<2x112x128xf32, #tpu.memory_space<vmem>>, vector<16xf32>,
        tpu.vector_store %arg10[%swap3A_1453, %swap3A_1454, %swap3A_1455], %add3A_1442 {strides = array<i32>} : memref<2x112x128xf32, #tpu.memory_space<vmem>>, vector<16xf32>,
        %swap3A_1457 = arith.constant 1 : i32
        %swap3A_1458 = arith.index_cast %swap3A_1457 : i32 to index
        %swap3A_1459 = arith.index_cast %scan3A_1345 : i32 to index
        %swap3A_1460 = arith.constant 96 : index
        %swap3A_1461 = tpu.vector_load %arg10[%swap3A_1458, %swap3A_1459, %swap3A_1460] {strides = array<i32>} : memref<2x112x128xf32, #tpu.memory_space<vmem>>, vector<16xf32>,
        tpu.vector_store %arg10[%swap3A_1458, %swap3A_1459, %swap3A_1460], %add3A_1451 {strides = array<i32>} : memref<2x112x128xf32, #tpu.memory_space<vmem>>, vector<16xf32>,
        %get3A_1462 = arith.constant 3 : i32
        %get3A_1463 = arith.index_cast %get3A_1462 : i32 to index
        %get3A_1464 = arith.index_cast %scan3A_1345 : i32 to index
        %get3A_1465 = arith.constant 48 : index
        %get3A_1466 = tpu.vector_load %arg8[%get3A_1463, %get3A_1464, %get3A_1465] {strides = array<i32>} : memref<4x112x64xf32, #tpu.memory_space<vmem>>, vector<16xf32>,
        %bitcast3A_1467 = vector.bitcast %get3A_1466 : vector<16xf32> to vector<16xi32>
        %get3A_1468 = arith.constant 3 : i32
        %get3A_1469 = arith.index_cast %get3A_1468 : i32 to index
        %get3A_1470 = arith.index_cast %scan3A_1345 : i32 to index
        %get3A_1471 = arith.constant 48 : index
        %get3A_1472 = tpu.vector_load %arg9[%get3A_1469, %get3A_1470, %get3A_1471] {strides = array<i32>} : memref<4x112x64xf32, #tpu.memory_space<vmem>>, vector<16xf32>,
        %bitcast3A_1473 = vector.bitcast %get3A_1472 : vector<16xf32> to vector<16xi32>
        %shift_left3A_1474 = arith.constant 16 : i32
        %shift_left3A_1475 = vector.broadcast %shift_left3A_1474 : i32 to vector<16xi32>
        %shift_left3A_1476 = arith.shli %bitcast3A_1467, %shift_left3A_1475 : vector<16xi32>
        %bitcast3A_1477 = vector.bitcast %shift_left3A_1476 : vector<16xi32> to vector<16xf32>
        %shift_left3A_1478 = arith.constant 16 : i32
        %shift_left3A_1479 = vector.broadcast %shift_left3A_1478 : i32 to vector<16xi32>
        %shift_left3A_1480 = arith.shli %bitcast3A_1473, %shift_left3A_1479 : vector<16xi32>
        %bitcast3A_1481 = vector.bitcast %shift_left3A_1480 : vector<16xi32> to vector<16xf32>
        %add3A_1482 = arith.addf %bitcast3A_1477, %bitcast3A_1481 : vector<16xf32>
        %and3A_1483 = arith.constant -65536 : i32
        %and3A_1484 = vector.broadcast %and3A_1483 : i32 to vector<16xi32>
        %and3A_1485 = arith.andi %bitcast3A_1467, %and3A_1484 : vector<16xi32>
        %bitcast3A_1486 = vector.bitcast %and3A_1485 : vector<16xi32> to vector<16xf32>
        %and3A_1487 = arith.constant -65536 : i32
        %and3A_1488 = vector.broadcast %and3A_1487 : i32 to vector<16xi32>
        %and3A_1489 = arith.andi %bitcast3A_1473, %and3A_1488 : vector<16xi32>
        %bitcast3A_1490 = vector.bitcast %and3A_1489 : vector<16xi32> to vector<16xf32>
        %add3A_1491 = arith.addf %bitcast3A_1486, %bitcast3A_1490 : vector<16xf32>
        %swap3A_1492 = arith.constant 1 : i32
        %swap3A_1493 = arith.index_cast %swap3A_1492 : i32 to index
        %swap3A_1494 = arith.index_cast %scan3A_1345 : i32 to index
        %swap3A_1495 = arith.constant 48 : index
        %swap3A_1496 = tpu.vector_load %arg10[%swap3A_1493, %swap3A_1494, %swap3A_1495] {strides = array<i32>} : memref<2x112x128xf32, #tpu.memory_space<vmem>>, vector<16xf32>,
        tpu.vector_store %arg10[%swap3A_1493, %swap3A_1494, %swap3A_1495], %add3A_1482 {strides = array<i32>} : memref<2x112x128xf32, #tpu.memory_space<vmem>>, vector<16xf32>,
        %swap3A_1497 = arith.constant 1 : i32
        %swap3A_1498 = arith.index_cast %swap3A_1497 : i32 to index
        %swap3A_1499 = arith.index_cast %scan3A_1345 : i32 to index
        %swap3A_1500 = arith.constant 112 : index
        %swap3A_1501 = tpu.vector_load %arg10[%swap3A_1498, %swap3A_1499, %swap3A_1500] {strides = array<i32>} : memref<2x112x128xf32, #tpu.memory_space<vmem>>, vector<16xf32>,
        tpu.vector_store %arg10[%swap3A_1498, %swap3A_1499, %swap3A_1500], %add3A_1491 {strides = array<i32>} : memref<2x112x128xf32, #tpu.memory_space<vmem>>, vector<16xf32>,
        %scan3A_1502 = arith.constant 0 : i32
        scf.yield %scan3A_1502 : i32
      }
      %scan3A_1327 = arith.constant 112 : i32
      %mul3A_1328 = arith.constant 112 : i32
      %mul3A_1329 = arith.muli %add3A_1152, %mul3A_1328 : i32
      %add3A_1330 = arith.addi %min3A_3, %mul3A_1329 : i32
      %dma_start3A_1331 = arith.constant 1 : i32
      %dma_start3A_1332 = arith.constant 0 : i32
      %dma_start3A_1333 = arith.constant 0 : i32
      %dma_start3A_1334 = tpu.memref_slice %arg10[%dma_start3A_1331, %dma_start3A_1332, %dma_start3A_1333] : memref<2x112x128xf32, #tpu.memory_space<vmem>> -> memref<1x112x128xf32, #tpu.memory_space<vmem>>
      %dma_start3A_1335 = tpu.memref_squeeze %dma_start3A_1334 : memref<1x112x128xf32, #tpu.memory_space<vmem>> -> memref<112x128xf32, #tpu.memory_space<vmem>>
      %dma_start3A_1336 = arith.constant 0 : i32
      %dma_start3A_1337 = tpu.memref_slice %arg4[%add3A_1330, %dma_start3A_1336] : memref<100000x128xf32, #tpu.memory_space<hbm>> -> memref<112x128xf32, #tpu.memory_space<hbm>>
      %dma_start3A_1338 = arith.constant 0 : i32
      %dma_start3A_1339 = tpu.memref_slice %arg4[%add3A_1330, %dma_start3A_1338] : memref<100000x128xf32, #tpu.memory_space<hbm>> -> memref<112x128xf32, #tpu.memory_space<hbm>>
      %dma_start3A_1340 = arith.constant 0 : i32
      %dma_start3A_1341 = arith.constant 0 : i32
      %dma_start3A_1342 = tpu.memref_slice %arg10[%dma_start3A_1331, %dma_start3A_1340, %dma_start3A_1341] : memref<2x112x128xf32, #tpu.memory_space<vmem>> -> memref<1x112x128xf32, #tpu.memory_space<vmem>>
      %dma_start3A_1343 = tpu.memref_squeeze %dma_start3A_1342 : memref<1x112x128xf32, #tpu.memory_space<vmem>> -> memref<112x128xf32, #tpu.memory_space<vmem>>
      tpu.enqueue_dma source(%dma_start3A_1343 : memref<112x128xf32, #tpu.memory_space<vmem>>) target(%dma_start3A_1339 : memref<112x128xf32, #tpu.memory_space<hbm>>) target_semaphore(%arg16 : memref<!tpu.dma_semaphore, #tpu.memory_space<semaphore_mem>>)
      %scan3A_1344 = arith.constant 0 : i32
      scf.yield %scan3A_1344 : i32
    }
    %scan3A_537 = arith.constant 7 : i32
    %add3A_538 = arith.constant 2912 : i32
    %add3A_539 = arith.addi %min3A_3, %add3A_538 : i32
    %dma_wait3A = arith.constant 0 : i32
    %dma_wait3A_540 = arith.constant 0 : i32
    %dma_wait3A_541 = arith.constant 0 : i32
    %dma_wait3A_542 = tpu.memref_slice %arg10[%dma_wait3A, %dma_wait3A_540, %dma_wait3A_541] : memref<2x112x128xf32, #tpu.memory_space<vmem>> -> memref<1x112x128xf32, #tpu.memory_space<vmem>>
    %dma_wait3A_543 = tpu.memref_squeeze %dma_wait3A_542 : memref<1x112x128xf32, #tpu.memory_space<vmem>> -> memref<112x128xf32, #tpu.memory_space<vmem>>
    %dma_wait3A_544 = arith.constant 0 : i32
    %dma_wait3A_545 = tpu.memref_slice %arg4[%add3A_539, %dma_wait3A_544] : memref<100000x128xf32, #tpu.memory_space<hbm>> -> memref<112x128xf32, #tpu.memory_space<hbm>>
    %dma_wait3A_546 = arith.constant 0 : i32
    %dma_wait3A_547 = tpu.memref_slice %arg4[%add3A_539, %dma_wait3A_546] : memref<100000x128xf32, #tpu.memory_space<hbm>> -> memref<112x128xf32, #tpu.memory_space<hbm>>
    %dma_wait3A_548 = arith.constant 0 : i32
    %dma_wait3A_549 = arith.constant 0 : i32
    %dma_wait3A_550 = tpu.memref_slice %arg10[%dma_wait3A, %dma_wait3A_548, %dma_wait3A_549] : memref<2x112x128xf32, #tpu.memory_space<vmem>> -> memref<1x112x128xf32, #tpu.memory_space<vmem>>
    %dma_wait3A_551 = tpu.memref_squeeze %dma_wait3A_550 : memref<1x112x128xf32, #tpu.memory_space<vmem>> -> memref<112x128xf32, #tpu.memory_space<vmem>>
    tpu.wait_dma2 semaphore(%arg15 : memref<!tpu.dma_semaphore, #tpu.memory_space<semaphore_mem>>) src(%dma_wait3A_551 : memref<112x128xf32, #tpu.memory_space<vmem>>) dst(%dma_wait3A_547 : memref<112x128xf32, #tpu.memory_space<hbm>>)
    %add3A_552 = arith.constant 3024 : i32
    %add3A_553 = arith.addi %min3A_3, %add3A_552 : i32
    %dma_wait3A_554 = arith.constant 1 : i32
    %dma_wait3A_555 = arith.constant 0 : i32
    %dma_wait3A_556 = arith.constant 0 : i32
    %dma_wait3A_557 = tpu.memref_slice %arg10[%dma_wait3A_554, %dma_wait3A_555, %dma_wait3A_556] : memref<2x112x128xf32, #tpu.memory_space<vmem>> -> memref<1x112x128xf32, #tpu.memory_space<vmem>>
    %dma_wait3A_558 = tpu.memref_squeeze %dma_wait3A_557 : memref<1x112x128xf32, #tpu.memory_space<vmem>> -> memref<112x128xf32, #tpu.memory_space<vmem>>
    %dma_wait3A_559 = arith.constant 0 : i32
    %dma_wait3A_560 = tpu.memref_slice %arg4[%add3A_553, %dma_wait3A_559] : memref<100000x128xf32, #tpu.memory_space<hbm>> -> memref<112x128xf32, #tpu.memory_space<hbm>>
    %dma_wait3A_561 = arith.constant 0 : i32
    %dma_wait3A_562 = tpu.memref_slice %arg4[%add3A_553, %dma_wait3A_561] : memref<100000x128xf32, #tpu.memory_space<hbm>> -> memref<112x128xf32, #tpu.memory_space<hbm>>
    %dma_wait3A_563 = arith.constant 0 : i32
    %dma_wait3A_564 = arith.constant 0 : i32
    %dma_wait3A_565 = tpu.memref_slice %arg10[%dma_wait3A_554, %dma_wait3A_563, %dma_wait3A_564] : memref<2x112x128xf32, #tpu.memory_space<vmem>> -> memref<1x112x128xf32, #tpu.memory_space<vmem>>
    %dma_wait3A_566 = tpu.memref_squeeze %dma_wait3A_565 : memref<1x112x128xf32, #tpu.memory_space<vmem>> -> memref<112x128xf32, #tpu.memory_space<vmem>>
    tpu.wait_dma2 semaphore(%arg16 : memref<!tpu.dma_semaphore, #tpu.memory_space<semaphore_mem>>) src(%dma_wait3A_566 : memref<112x128xf32, #tpu.memory_space<vmem>>) dst(%dma_wait3A_562 : memref<112x128xf32, #tpu.memory_space<hbm>>)
    return
  }
}

</mosaic_0001>

<sc_bundles>
// kernel: _encode.3.cloned.1.call-start
scs
__scs_entry_jumppad:
0x0: {  	(pc) =	sbr.rel $0x88, $3  }
0x1: {  	(tag) =	ssettag $0x0;
	lr =	simm.s32 $0x1  }
0x2: {  	[smem:$0x3F9F] =	sst lr;
	_ =	strace $0xD0000000  }
0x3: {  	_ = 	snop  }
0x4: {  	_ = 	snop  }
0x5: {  	_ = 	snop  }
0x6: {  	_ = 	snop  }
0x7: {  	_ = 	snop  }
__scs_overlays_trampoline_lowered:
0x8: {  	[smem:$0x3FAE] =	sst s0  }
0x9: {  	[smem:$0x3FAF] =	sst s1  }
0xa: {  	[smem:$0x3FB0] =	sst s2  }
0xb: {  	[smem:$0x3FB1] =	sst s3  }
0xc: {  	[smem:$0x3FB2] =	sst s4  }
0xd: {  	[smem:$0x3FB3] =	sst s5  }
0xe: {  	[smem:$0x3FB4] =	sst s6  }
0xf: {  	[smem:$0x3FB5] =	sst s7  }
0x10: {  	[smem:$0x3FB6] =	sst s8  }
0x11: {  	[smem:$0x3FB7] =	sst s9;
	s0 =	simm.s32 @!p0 $0x0  }
0x12: {  	s1 =	sld [smem:$0x3F9D];
	s0 =	simm.s32 @p0 $0x1  }
0x13: {  	[smem:$0x3FB8] =	sst s0;
	s0 =	simm.s32 @!p1 $0x0  }
0x14: {  	s2 =	sld [smem:$0x3F9C];
	s0 =	simm.s32 @p1 $0x1  }
0x15: {  	[smem:$0x3FB9] =	sst s0;
	s0 =	simm.s32 @!p2 $0x0  }
0x16: {  	s3 =	sld [smem:$0x3FDB];
	s0 =	simm.s32 @p2 $0x1  }
0x17: {  	s4 =	simm.s32 $0x1BF5;
	[smem:$0x3FBB] =	sst s0  }
0x18: {  	s0 =	sld [smem:$0x3F9E];
	_ =	swait.ge [sflag:s4], $0x0  }
0x19: {  	s7 =	sld [smem:$0x3F9F]  }
0x1a: {  	s8 =	sadd.s32 $0xFFFFE003, lr  }
0x1b: {  	s9 =	sadd.s32 $0xFFFFFEF7, lr;
	s5 =	simm.s32 $0xFFFFFFFF;
	p2 =	slt.u32 s8, $0xFFFFF086  }
0x1c: {  	p1 =	slt.u32 s9, $0xF7A;
	s5 =	simm.s32 @!p2 $0x0  }
0x1d: {  	s5 =	simm.s32 @p1 $0x1;
	p0 =	seq.s32 s7, s2  }
0x1e: {  	s7 =	smul.u32 @!p0 $0xF7A, s2;
	p2 =	seq.s32 @!p0 s5, $0x0  }
0x1f: {  	s9 =	smul.u32 $0xF7A, s1;
	s8 =	simm.s32 @!p0 $0x1BF5;
	p2 =	por !p2, p0  }
0x20: {  	[sflag:s8] =	ssyncset.s32 @!p0 $0xFFFFF086;
	s6 =	sadd.s32 @!p0 s3, s7;
	s7 =	simm.s32 @!p0 $0x108  }
0x21: {  	s3 =	sadd.s32 s3, s9;
	s6 =	sadd.s32 @!p0 $0x88, s6;
	s7 =	simm.s32 @p2 $0x1082  }
0x22: {  	[simem:s7], [sflag:s8] =	dma.local @!p0 [hbm:s6], $0xF7A  }
0x23: {  	s9 =	sor.u32 $0xD0000000, s2;
	s6 =	simm.s32 $0x108;
	_ =	swait.ge @!p0 [sflag:s8], $0x0  }
0x24: {  	s3 =	sadd.s32 $0x88, s3;
	s6 =	simm.s32 @!p1 $0x1082;
	[sflag:s4] =	ssyncset.s32 $0xFFFFF086  }
0x25: {  	[simem:s6], [sflag:s4] =	dma.local [hbm:s3], $0xF7A  }
0x26: {  	[smem:$0x3F9F] =	sst s1;
	(tag) =	ssettag s2;
	_ =	strace s9  }
0x27: {  	s1 =	sld [smem:$0x3FAF]  }
0x28: {  	s2 =	sld [smem:$0x3FB0]  }
0x29: {  	s4 =	sld [smem:$0x3FB2]  }
0x2a: {  	p0 =	seq.s32 s5, $0x0;
	s5 =	sld [smem:$0x3FB3]  }
0x2b: {  	s6 =	sld [smem:$0x3FB4]  }
0x2c: {  	s7 =	sld [smem:$0x3FB5]  }
0x2d: {  	s3 =	simm.s32 $0x108;
	s8 =	sld [smem:$0x3FB6]  }
0x2e: {  	s3 =	simm.s32 @!p0 $0x1082;
	s9 =	sld [smem:$0x3FB7]  }
0x2f: {  	lr =	sadd.s32 s0, s3;
	s0 =	sld [smem:$0x3FAE]  }
0x30: {  	s3 =	sld [smem:$0x3FB1]  }
0x31: {  	[smem:$0x3FBA] =	sst s10  }
0x32: {  	s10 =	sld [smem:$0x3FB8];
	_ =	sdelay $0x3  }
0x33: {  	p0 =	seq.s32 s10, $0x1;
	s10 =	sld [smem:$0x3FBA];
	_ =	sdelay $0x3  }
0x34: {  	[smem:$0x3FBA] =	sst s10  }
0x35: {  	s10 =	sld [smem:$0x3FB9];
	_ =	sdelay $0x3  }
0x36: {  	p1 =	seq.s32 s10, $0x1;
	s10 =	sld [smem:$0x3FBA];
	_ =	sdelay $0x3  }
0x37: {  	[smem:$0x3FBA] =	sst s10  }
0x38: {  	s10 =	sld [smem:$0x3FBB]  }
0x39: {  	_ = 	snop;
	(pc) =	sbr.ind lr, $3  }
0x3a: {  	_ = 	snop  }
0x3b: {  	_ = 	snop  }
0x3c: {  	p2 =	seq.s32 s10, $0x1;
	s10 =	sld [smem:$0x3FBA]  }
0x3d: {  	_ =	shalt  }
0x3e: {  	_ =	shalt  }
0x3f: {  	_ =	shalt  }
0x40: {  	_ =	shalt  }
0x41: {  	_ =	shalt  }
0x42: {  	_ =	shalt  }
0x43: {  	_ =	shalt  }
0x44: {  	_ =	shalt  }
0x45: {  	_ =	shalt  }
0x46: {  	_ =	shalt  }
0x47: {  	_ =	shalt  }
0x48: {  	_ =	shalt  }
0x49: {  	_ =	shalt  }
0x4a: {  	_ =	shalt  }
0x4b: {  	_ =	shalt  }
0x4c: {  	_ =	shalt  }
0x4d: {  	_ =	shalt  }
0x4e: {  	_ =	shalt  }
0x4f: {  	_ =	shalt  }
0x50: {  	_ =	shalt  }
0x51: {  	_ =	shalt  }
0x52: {  	_ =	shalt  }
0x53: {  	_ =	shalt  }
0x54: {  	_ =	shalt  }
0x55: {  	_ =	shalt  }
0x56: {  	_ =	shalt  }
0x57: {  	_ =	shalt  }
0x58: {  	_ =	shalt  }
0x59: {  	_ =	shalt  }
0x5a: {  	_ =	shalt  }
0x5b: {  	_ =	shalt  }
0x5c: {  	_ =	shalt  }
0x5d: {  	_ =	shalt  }
0x5e: {  	_ =	shalt  }
0x5f: {  	_ =	shalt  }
0x60: {  	_ =	shalt  }
0x61: {  	_ =	shalt  }
0x62: {  	_ =	shalt  }
0x63: {  	_ =	shalt  }
0x64: {  	_ =	shalt  }
0x65: {  	_ =	shalt  }
0x66: {  	_ =	shalt  }
0x67: {  	_ =	shalt  }
0x68: {  	_ =	shalt  }
0x69: {  	_ =	shalt  }
0x6a: {  	_ =	shalt  }
0x6b: {  	_ =	shalt  }
0x6c: {  	_ =	shalt  }
0x6d: {  	_ =	shalt  }
0x6e: {  	_ =	shalt  }
0x6f: {  	_ =	shalt  }
0x70: {  	_ =	shalt  }
0x71: {  	_ =	shalt  }
0x72: {  	_ =	shalt  }
0x73: {  	_ =	shalt  }
0x74: {  	_ =	shalt  }
0x75: {  	_ =	shalt  }
0x76: {  	_ =	shalt  }
0x77: {  	_ =	shalt  }
0x78: {  	_ =	shalt  }
0x79: {  	_ =	shalt  }
0x7a: {  	_ =	shalt  }
0x7b: {  	_ =	shalt  }
0x7c: {  	_ =	shalt  }
0x7d: {  	_ =	shalt  }
0x7e: {  	_ =	shalt  }
0x7f: {  	_ =	shalt  }
0x80: {  	_ =	shalt  }
0x81: {  	_ =	shalt  }
0x82: {  	_ =	shalt  }
0x83: {  	_ =	shalt  }
0x84: {  	_ =	shalt  }
0x85: {  	_ =	shalt  }
0x86: {  	_ =	shalt  }
0x87: {  	_ =	shalt  }
.Lfunc_end0:
.L_simem_size_0:
called_computation_lowered:
.L_overlay_start_0:
0x88: {  	s2 =	sld [smem:$0x3FD9]  }
0x89: {  	s3 =	sld [smem:$0x3FFE];
	_ =	sdelay $0x1  }
0x8a: {  	s1 =	srdreg.scid  }
0x8b: {  	s0 =	sand.u32 $0x1, s1  }
0x8c: {  	s17 =	sshll.u32 s0, $0xA;
	s2 =	sadd.s32 s3, s2  }
0x8d: {  	s2 =	sadd.s32 s2, s17  }
0x8e: {  	[smem:$0x3FC6] =	sst s2  }
0x8f: {  	_ = 	snop  }
0x90: {  	s2 =	sld [smem:$0x3FC9]  }
0x91: {  	s18 =	sld [smem:$0x3FD0];
	(tm) =	ssettm $0x1  }
0x92: {  	s4 =	sld [smem:$0x3FFB];
	_ =	sdelay $0x3  }
0x93: {  	_ =	strace s4  }
0x94: {  	s4 =	sld [smem:$0x3FFC];
	_ =	sdelay $0x3  }
0x95: {  	_ =	strace s4  }
0x96: {  	s4 =	sld [smem:$0x3FFD];
	_ =	sdelay $0x3  }
0x97: {  	_ =	strace s4  }
0x98: {  	_ =	strace $0x8FFFFFFF  }
0x99: {  	s19 =	sld [smem:$0x3FDB];
	_ =	sdelay $0x1  }
0x9a: {  	s5 =	simm.s32 $_scs_section_size  }
0x9b: {  	s6 =	simm.s32 $_size__tile_overlayer_lowered;
	s7 =	simm.s32 $_tile_overlayer_lowered  }
0x9c: {  	s22 =	simm.s32 $0x1BFF;
	s21 =	sshll.u32 s7, $0x1;
	s4 =	sadd.s32 s5, s19  }
0x9d: {  	s8 =	simm.s32 $0x0;
	s20 =	sshll.u32 s6, $0x1;
	s6 =	sadd.s32 s21, s4  }
0x9e: {  	[timem:s8], [sflag:s22] =	dma.local [hbm:s6], s20  }
0x9f: {  	_ =	swait.ge [sflag:s22], s20  }
0xa0: {  	s5 =	ssub.s32 $0x0, s20;
	[sflag:s22] =	ssyncset.done $0x0  }
0xa1: {  	[sflag:s22] =	ssyncadd.s32 s5;
	_ =	sdelay $0x1  }
0xa2: {  	s23 =	simm.s32 $0x1B8B  }
0xa3: {  	_ =	swait.ge [sflag:s23], $0x1  }
0xa4: {  	[sflag:s23] =	ssyncset.done $0x0  }
0xa5: {  	s25 =	simm.s32 $0x1B8E;
	s24 =	sld [smem:$0x3FFE];
	[sflag:s23] =	ssyncadd.s32 $0xFFFFFFFF  }
0xa6: {  	s26 =	simm.s32 $execute0_lowered;
	[smem:$0x3FD2] =	sst s25  }
0xa7: {  	s6 =	sshll.u32 s26, $0x1;
	_ =	strace $0x80000046;
	[dreg:$0x1] =	wrdreg $0xFFFFFFFF  }
0xa8: {  	s28 =	simm.s32 $_size_execute0_lowered;
	s4 =	sadd.s32 s4, s6;
	[dreg:$0x0] =	wrdreg $0x0  }
0xa9: {  	s6 =	sshll.u32 s28, $0x1;
	[dreg:$0x2] =	wrdreg s4  }
0xaa: {  	[dreg:$0x3] =	wrdreg s6  }
0xab: {  	[dreg:$0x4] =	wrdreg $0xC0  }
0xac: {  	_ =	task [dreg:s8], $0x5FFFF  }
0xad: {  	[dreg:$0x1] =	wrdreg $0xFFFFFFFF  }
0xae: {  	[dreg:$0x0] =	wrdreg $0x60  }
0xaf: {  	[dreg:$0x2] =	wrdreg s2  }
0xb0: {  	[dreg:$0x3] =	wrdreg s24  }
0xb1: {  	[dreg:$0x4] =	wrdreg s18  }
0xb2: {  	[dreg:$0x5] =	wrdreg $0x9  }
0xb3: {  	_ =	task.clear_ibuf [dreg:s8], $0x6FFFF;
	_ =	strace $0x90000046  }
0xb4: {  	s29 =	simm.s32 $0x9;
	_ =	strace $0x80000048  }
0xb5: {  	_ =	swait.ge [sflag:s29], $0x1  }
0xb6: {  	[sflag:s29] =	ssyncadd.s32 $0xFFFFFFFF  }
0xb7: {  	_ =	strace $0x90000048  }
0xb8: {  	_ =	sfence  }
0xb9: {  	s30 =	sld [smem:$0x0];
	_ =	sdelay $0x2  }
0xba: {  	s31 =	sshll.u32 s1, $0xD;
	s1 =	sshrl.u32 s1, $0x2  }
0xbb: {  	s3 =	sand.u32 $0x4000, s31;
	s1 =	sadd.s32 s1, s30  }
0xbc: {  	s0 =	sor.u32 s3, s0;
	s1 =	sshll.u32 s1, $0x11  }
0xbd: {  	s0 =	sor.u32 s1, s0  }
0xbe: {  	s0 =	sadd.s32 $0x8F2B, s0  }
0xbf: {  	[sflag:s0] =	ssyncadd.remote.s32 $0x1  }
0xc0: {  	_ =	sfence.sel $0xFFFF  }
0xc1: {  	[dreg:$0x0] =	wrdreg $0xFFFFFFFF;
	(pc) =	sbr.abs _section_cstart, $3  }
0xc2: {  	[dreg:$0x1] =	wrdreg $0xFFFFFFFF  }
0xc3: {  	_ =	task.clear_ibuf [dreg:s8], $0x2FFFF;
	_ =	strace $0x9FFFFFFF  }
0xc4: {  	(tm) =	ssettm $0x7FFFFFFF  }
0xc5: {  	_ =	shalt  }
tec
execute0_lowered:
.L_overlay_start_1:
0x0: {  	(tag) =	ssettag $0x1  }
0x1: {  	s0 =	srdreg.scid;
	s1 =	rddreg [dreg:$0x0]  }
0x2: {  	s2 =	stileid.u32;
	s5 =	rddreg [dreg:$0x1];
	s28 =	simm.s32 $0x10  }
0x3: {  	s29 =	simm.s32 $0x156C0;
	s30 =	simm.s32 $0xEAC0;
	s31 =	simm.s32 $0x15AC0  }
0x4: {  	s19 =	simm.s32 $0xF2C0;
	s0 =	sand.u32 $0x1, s0;
	s2 =	sshll.u32 s2, $0x1  }
0x5: {  	s8 =	simm.s32 $0x1;
	s9 =	simm.s32 $0x166C0;
	s3 =	sor.u32 s0, s2  }
0x6: {  	s10 =	simm.s32 $0x2;
	s0 =	ssub.s32 $0x2, s0;
	s4 =	smul.u32 $0xC40, s3  }
0x7: {  	s11 =	simm.s32 $0x19EC0;
	s2 =	rddreg [dreg:$0x2];
	s7 =	sshrl.u32 s0, $0x1  }
0x8: {  	s3 =	simm.s32 $0x0;
	s0 =	ssub.s32 s0, s7;
	s4 =	smin.u32 s4, $0x17A60  }
0x9: {  	[smem:$0x7FF] =	sst s3;
	s0 =	smax.u32 s0, $0x1;
	s6 =	sshrl.u32 s4, $0x3  }
0xa: {  	_ =	strace $0x80000047;
	[dreg:$0xd] =	wrdreg s0;
	s1 =	sadd.s32 s1, s6  }
0xb: {  	s12 =	simm.s32 $0x3;
	s6 =	sadd.s32 $0x30D4, s1;
	[dreg:$0x4] =	wrdreg s1  }
0xc: {  	s13 =	simm.s32 $0x5;
	s21 =	sadd.s32 $0x61A8, s1;
	[dreg:$0x5] =	wrdreg s6  }
0xd: {  	s14 =	simm.s32 $0x4;
	s22 =	sadd.s32 $0x927C, s1;
	[dreg:$0x6] =	wrdreg s21  }
0xe: {  	s17 =	simm.s32 $0x6;
	s23 =	sadd.s32 $0xC350, s1;
	[dreg:$0x7] =	wrdreg s22  }
0xf: {  	s18 =	simm.s32 $0x0;
	s24 =	sadd.s32 $0xF424, s1;
	[dreg:$0x8] =	wrdreg s23  }
0x10: {  	s5 =	sadd.s32 $0x400, s5;
	s25 =	sadd.s32 $0x124F8, s1;
	[dreg:$0x9] =	wrdreg s24  }
0x11: {  	s7 =	simm.s32 $0x162C0;
	s26 =	sadd.s32 $0x155CC, s1;
	[dreg:$0xa] =	wrdreg s25  }
0x12: {  	s15 =	sadd.s32 $0x70, s4;
	s1 =	sadd.s32 $0x186A0, s1;
	[dreg:$0xb] =	wrdreg s26  }
0x13: {  	s16 =	sadd.s32 $0xE0, s4;
	s0 =	simm.s32 $0x15EC0;
	[dreg:$0xc] =	wrdreg s1  }
0x14: {  	s25 =	simm.s32 $0x152C0;
	s26 =	simm.s32 $0xE6C0;
	s1 =	simm.s32 $0xEEC0  }
.LBB2_1:
0x15: {  	[dreg:$0xe] =	wrdreg s18  }
0x16: {  	s6 =	rddreg [dreg:$0x4];
	s18 =	simm.s32 $0x7  }
0x17: {  	[tilespmem:s3], [sflag:$0x7] =	stream.linear.gather [hbm4b:s6+s3], $0xC40, $0x38;
	[tilespmem:$0x1D6C0] =	vst v63  }
0x18: {  	_ =	swait.ge [sflag:s18], $0xC40  }
0x19: {  	[sflag:s18] =	ssyncset.done $0x0  }
0x1a: {  	s20 =	simm.s32 $0xC40;
	s22 =	rddreg [dreg:$0x5];
	[sflag:s18] =	ssyncadd.s32 $0xFFFFF3C0  }
0x1b: {  	[tilespmem:s20], [sflag:$0x7] =	stream.linear.gather [hbm4b:s22+s3], $0xC40, $0x38;
	[tilespmem:$0x1D6C0] =	vst v63  }
0x1c: {  	_ =	swait.ge [sflag:s18], $0xC40  }
0x1d: {  	[sflag:s18] =	ssyncset.done $0x0  }
0x1e: {  	s24 =	simm.s32 $0x1880;
	s23 =	rddreg [dreg:$0x6];
	[sflag:s18] =	ssyncadd.s32 $0xFFFFF3C0  }
0x1f: {  	[tilespmem:s24], [sflag:$0x7] =	stream.linear.gather [hbm4b:s23+s3], $0xC40, $0x38;
	[tilespmem:$0x1D6C0] =	vst v63  }
0x20: {  	_ =	swait.ge [sflag:s18], $0xC40  }
0x21: {  	[sflag:s18] =	ssyncset.done $0x0  }
0x22: {  	s22 =	simm.s32 $0x24C0;
	s21 =	rddreg [dreg:$0x7];
	[sflag:s18] =	ssyncadd.s32 $0xFFFFF3C0  }
0x23: {  	[tilespmem:s22], [sflag:$0x7] =	stream.linear.gather [hbm4b:s21+s3], $0xC40, $0x38;
	[tilespmem:$0x1D6C0] =	vst v63  }
0x24: {  	_ =	swait.ge [sflag:s18], $0xC40  }
0x25: {  	[sflag:s18] =	ssyncset.done $0x0  }
0x26: {  	s24 =	simm.s32 $0x3100;
	s23 =	rddreg [dreg:$0x8];
	[sflag:s18] =	ssyncadd.s32 $0xFFFFF3C0  }
0x27: {  	[tilespmem:s24], [sflag:$0x7] =	stream.linear.gather [hbm4b:s23+s3], $0xC40, $0x38;
	[tilespmem:$0x1D6C0] =	vst v63  }
0x28: {  	_ =	swait.ge [sflag:s18], $0xC40  }
0x29: {  	[sflag:s18] =	ssyncset.done $0x0  }
0x2a: {  	s22 =	simm.s32 $0x3D40;
	s21 =	rddreg [dreg:$0x9];
	[sflag:s18] =	ssyncadd.s32 $0xFFFFF3C0  }
0x2b: {  	[tilespmem:s22], [sflag:$0x7] =	stream.linear.gather [hbm4b:s21+s3], $0xC40, $0x38;
	[tilespmem:$0x1D6C0] =	vst v63  }
0x2c: {  	_ =	swait.ge [sflag:s18], $0xC40  }
0x2d: {  	[sflag:s18] =	ssyncset.done $0x0  }
0x2e: {  	s24 =	simm.s32 $0x4980;
	s23 =	rddreg [dreg:$0xa];
	[sflag:s18] =	ssyncadd.s32 $0xFFFFF3C0  }
0x2f: {  	[tilespmem:s24], [sflag:$0x7] =	stream.linear.gather [hbm4b:s23+s3], $0xC40, $0x38;
	[tilespmem:$0x1D6C0] =	vst v63  }
0x30: {  	_ =	swait.ge [sflag:s18], $0xC40  }
0x31: {  	[sflag:s18] =	ssyncset.done $0x0  }
0x32: {  	s22 =	simm.s32 $0x55C0;
	s21 =	rddreg [dreg:$0xb];
	[sflag:s18] =	ssyncadd.s32 $0xFFFFF3C0  }
0x33: {  	[tilespmem:s22], [sflag:$0x7] =	stream.linear.gather [hbm4b:s21+s3], $0xC40, $0x38;
	[tilespmem:$0x1D6C0] =	vst v63  }
0x34: {  	_ =	swait.ge [sflag:s18], $0xC40  }
0x35: {  	[sflag:s18] =	ssyncset.done $0x0  }
0x36: {  	s24 =	simm.s32 $0x6200;
	s23 =	rddreg [dreg:$0xc];
	[sflag:s18] =	ssyncadd.s32 $0xFFFFF3C0  }
0x37: {  	[tilespmem:s24], [sflag:$0x7] =	stream.linear.gather [hbm4b:s23+s3], $0xC40, $0x38;
	[tilespmem:$0x1D6C0] =	vst v63  }
0x38: {  	_ =	swait.ge [sflag:s18], $0xC40  }
0x39: {  	[sflag:s18] =	ssyncset.done $0x0  }
0x3a: {  	s6 =	simm.s32 $0x0;
	[sflag:s18] =	ssyncadd.s32 $0xFFFFF3C0  }
0x3b: {  	v0 =	vld [tilespmem:s6+$0x2520]  }
0x3c: {  	v1 =	vld [tilespmem:s6+$0x3160]  }
0x3d: {  	v2 =	vld [tilespmem:s6+$0x24C0]  }
0x3e: {  	v3 =	vld [tilespmem:s6+$0x3DA0]  }
0x3f: {  	v4 =	vld [tilespmem:s6+$0x49E0]  }
0x40: {  	v5 =	vld [tilespmem:s6+$0x5620]  }
0x41: {  	v6 =	vld [tilespmem:s6+$0x3100]  }
0x42: {  	v7 =	vld [tilespmem:s6+$0x6260]  }
0x43: {  	v8 =	vld [tilespmem:s6+$0x24D0]  }
0x44: {  	v9 =	vld [tilespmem:s6+$0x2500]  }
0x45: {  	v10 =	vld [tilespmem:s6+$0x2510]  }
0x46: {  	v11 =	vld [tilespmem:s6+$0x3150]  }
0x47: {  	v12 =	vld [tilespmem:s6+$0x3D40]  }
0x48: {  	v13 =	vld [tilespmem:s6+$0x3D50]  }
0x49: {  	v14 =	vld [tilespmem:s6+$0x3D60]  }
0x4a: {  	v15 =	vld [tilespmem:s6+$0x3D70]  }
0x4b: {  	v16 =	vld [tilespmem:s6+$0x3D80]  }
0x4c: {  	v17 =	vld [tilespmem:s6+$0x3D90]  }
0x4d: {  	v18 =	vld [tilespmem:s6+$0x4980]  }
0x4e: {  	v19 =	vld [tilespmem:s6+$0x4990]  }
0x4f: {  	v20 =	vld [tilespmem:s6+$0x49A0]  }
0x50: {  	v21 =	vld [tilespmem:s6+$0x49B0]  }
0x51: {  	v22 =	vld [tilespmem:s6+$0x49C0]  }
0x52: {  	v23 =	vld [tilespmem:s6+$0x49D0]  }
0x53: {  	v24 =	vld [tilespmem:s6+$0x0]  }
0x54: {  	v25 =	vld [tilespmem:s6+$0xC40]  }
0x55: {  	v26 =	vld [tilespmem:s6+$0x55C0]  }
0x56: {  	v27 =	vld [tilespmem:s6+$0x10];
	v0 =	vmul.u32 $0x5A0, v0;
	v1 =	vmul.u32 $0xA0, v1  }
0x57: {  	v28 =	vld [tilespmem:s6+$0xC50]  }
0x58: {  	v3 =	vshll.u32 v3, $0x5;
	v0 =	vadd.s32 v1, v0;
	v1 =	vld [tilespmem:s6+$0x3110]  }
0x59: {  	v4 =	vshll.u32 v4, $0x2;
	v0 =	vadd.s32 v3, v0;
	v3 =	vld [tilespmem:s6+$0x24E0]  }
0x5a: {  	v5 =	vshll.u32 v5, $0x1;
	v0 =	vadd.s32 v4, v0;
	v4 =	vld [tilespmem:s6+$0x3120]  }
0x5b: {  	v0 =	vadd.s32 v5, v0;
	v5 =	vld [tilespmem:s6+$0x24F0]  }
0x5c: {  	v2 =	vmul.u32 $0x5A0, v2;
	v0 =	vadd.s32 v7, v0;
	v7 =	vld [tilespmem:s6+$0x3130]  }
0x5d: {  	v29 =	vld [tilespmem:s6+$0x55D0];
	v6 =	vmul.u32 $0xA0, v6;
	v8 =	vmul.u32 $0x5A0, v8;
	v9 =	vmul.u32 $0x5A0, v9  }
0x5e: {  	v30 =	vld [tilespmem:s6+$0x20];
	v45 =	vshll.u32 v15, $0x5;
	v48 =	vshll.u32 v18, $0x2;
	v0 =	vadd.s32 $0x3322, v0  }
0x5f: {  	v51 =	vshll.u32 v21, $0x2;
	v54 =	vshll.u32 v22, $0x2;
	v56 =	vshll.u32 v23, $0x2;
	[tilespmem:s6+$0x7AE0] =	vst v0;
	v0 =	vld [tilespmem:s6+$0x3140]  }
0x60: {  	v31 =	vld [tilespmem:s6+$0xC60];
	v1 =	vmul.u32 $0xA0, v1;
	v3 =	vmul.u32 $0x5A0, v3;
	v4 =	vmul.u32 $0xA0, v4  }
0x61: {  	v32 =	vld [tilespmem:s6+$0x55E0];
	v58 =	vmul.u32 $0xB, v25;
	v5 =	vmul.u32 $0x5A0, v5;
	v7 =	vmul.u32 $0xA0, v7  }
0x62: {  	v33 =	vld [tilespmem:s6+$0x30];
	v2 =	vadd.s32 v6, v2;
	v1 =	vadd.s32 v1, v8;
	v3 =	vadd.s32 v4, v3  }
0x63: {  	v34 =	vld [tilespmem:s6+$0xC70];
	v4 =	vmul.u32 $0x5A0, v10;
	v5 =	vadd.s32 v7, v5;
	v7 =	vshll.u32 v12, $0x5  }
0x64: {  	v35 =	vld [tilespmem:s6+$0x55F0];
	v0 =	vmul.u32 $0xA0, v0;
	v2 =	vadd.s32 v7, v2;
	v7 =	vshll.u32 v13, $0x5  }
0x65: {  	v36 =	vld [tilespmem:s6+$0x5600];
	v10 =	vmul.u32 $0xA0, v11;
	v1 =	vadd.s32 v7, v1;
	v7 =	vshll.u32 v14, $0x5  }
0x66: {  	v47 =	vld [tilespmem:s6+$0xCA0];
	v0 =	vadd.s32 v0, v9;
	v3 =	vadd.s32 v7, v3;
	v7 =	vshll.u32 v16, $0x5  }
0x67: {  	v49 =	vld [tilespmem:s6+$0x6200];
	v4 =	vadd.s32 v10, v4;
	v0 =	vadd.s32 v7, v0;
	v7 =	vshll.u32 v17, $0x5  }
0x68: {  	v59 =	vshll.u32 v32, $0x1;
	v11 =	vld [tilespmem:s6+$0x50];
	v4 =	vadd.s32 v7, v4;
	v7 =	vshll.u32 v19, $0x2  }
0x69: {  	v50 =	vld [tilespmem:s6+$0x6210];
	v62 =	vmul.u32 $0xB, v31;
	v1 =	vadd.s32 v7, v1;
	v7 =	vshll.u32 v20, $0x2  }
0x6a: {  	v9 =	vld [tilespmem:s6+$0xC90];
	v2 =	vadd.s32 v48, v2;
	v3 =	vadd.s32 v7, v3;
	v7 =	vshll.u32 v26, $0x1  }
0x6b: {  	v46 =	vld [tilespmem:s6+$0x60];
	v12 =	vmul.u32 $0xB, v47;
	v5 =	vadd.s32 v45, v5;
	v2 =	vadd.s32 v7, v2  }
0x6c: {  	v52 =	vld [tilespmem:s6+$0x6220];
	v5 =	vadd.s32 v51, v5;
	v7 =	vshll.u32 v29, $0x1;
	v2 =	vadd.s32 v49, v2  }
0x6d: {  	v53 =	vld [tilespmem:s6+$0x6230];
	v11 =	vmul.u32 $0x6E, v11;
	v1 =	vadd.s32 v7, v1;
	v2 =	vadd.s32 $0x3322, v2  }
0x6e: {  	v55 =	vld [tilespmem:s6+$0x6240];
	v0 =	vadd.s32 v54, v0;
	v1 =	vadd.s32 v50, v1;
	[tilespmem:s6+$0x7A80] =	vst v2;
	v2 =	vmul.u32 $0x6E, v24  }
0x6f: {  	v10 =	vld [tilespmem:s6+$0x5610];
	v15 =	vadd.s32 v56, v4;
	v9 =	vmul.u32 $0xB, v9;
	v1 =	vadd.s32 $0x3322, v1  }
0x70: {  	v6 =	vld [tilespmem:s6+$0x40];
	v3 =	vadd.s32 v59, v3;
	[tilespmem:s6+$0x7A90] =	vst v1;
	v1 =	vshll.u32 v35, $0x1;
	v18 =	vadd.s32 v2, v58  }
0x71: {  	v8 =	vld [tilespmem:s6+$0xC80];
	v2 =	vadd.s32 v52, v3;
	v1 =	vadd.s32 v1, v5;
	v3 =	vshll.u32 v36, $0x1  }
0x72: {  	v7 =	vld [tilespmem:s6+$0x6250];
	v2 =	vadd.s32 $0x3322, v2;
	v0 =	vadd.s32 v3, v0;
	v1 =	vadd.s32 v53, v1  }
0x73: {  	v57 =	vld [tilespmem:s6+$0x1880];
	v3 =	vmul.u32 $0xB, v28;
	[tilespmem:s6+$0x7AA0] =	vst v2;
	v2 =	vmul.u32 $0x6E, v27;
	v1 =	vadd.s32 $0x3322, v1  }
0x74: {  	v60 =	vld [tilespmem:s6+$0x1890];
	v5 =	vshll.u32 v10, $0x1;
	v0 =	vadd.s32 v55, v0;
	[tilespmem:s6+$0x7AB0] =	vst v1;
	v1 =	vmul.u32 $0x6E, v30  }
0x75: {  	v61 =	vld [tilespmem:s6+$0x18A0];
	v0 =	vadd.s32 $0x3322, v0;
	v10 =	vadd.s32 v2, v3;
	v2 =	vadd.s32 v5, v15  }
0x76: {  	v4 =	vld [tilespmem:s6+$0x18B0];
	[tilespmem:s6+$0x7AC0] =	vst v0;
	v0 =	vmul.u32 $0xB, v34;
	v63 =	vadd.s32 v1, v62;
	v1 =	vmul.u32 $0x6E, v33  }
0x77: {  	v5 =	vld [tilespmem:s6+$0x18C0];
	v3 =	vmul.u32 $0x6E, v6;
	v2 =	vadd.s32 v7, v2;
	v7 =	vmul.u32 $0xB, v8  }
0x78: {  	v13 =	vmul.u32 $0x6E, v46;
	v6 =	vld [tilespmem:s6+$0x18D0];
	v2 =	vadd.s32 $0x3322, v2;
	v0 =	vadd.s32 v1, v0  }
0x79: {  	s20 =	simm.s32 $0x70;
	v8 =	vld [tilespmem:s6+$0x18E0];
	[tilespmem:s6+$0x7AD0] =	vst v2;
	v1 =	vadd.s32 v3, v7;
	v2 =	vadd.s32 v11, v9;
	v11 =	vadd.s32 v57, v18  }
0x7a: {  	s18 =	simm.s32 $0x380;
	v3 =	vadd.s32 v13, v12;
	v9 =	vadd.s32 v60, v10;
	v10 =	vadd.s32 v61, v63;
	v7 =	vld [tilespmem:s20+$0x2520];
	[tilespmem:s6+$0x6E40] =	vst v11  }
.LBB2_2:
0x7b: {  	p0 =	sne.s32 s18, $0x2F40;
	v11 =	vld [tilespmem:s20+$0x3160];
	[tilespmem:s6+$0x6E50] =	vst v9;
	v0 =	vadd.s32 v4, v0  }
0x7c: {  	v4 =	vld [tilespmem:s20+$0x24C0];
	[tilespmem:s6+$0x6E60] =	vst v10;
	v1 =	vadd.s32 v5, v1  }
0x7d: {  	v5 =	vld [tilespmem:s20+$0x3DA0];
	[tilespmem:s6+$0x6E70] =	vst v0;
	v0 =	vadd.s32 v6, v2  }
0x7e: {  	v2 =	vld [tilespmem:s20+$0x49E0];
	[tilespmem:s6+$0x6E80] =	vst v1;
	v1 =	vadd.s32 v8, v3  }
0x7f: {  	v3 =	vld [tilespmem:s20+$0x5620];
	[tilespmem:s6+$0x6E90] =	vst v0  }
0x80: {  	v6 =	vmul.u32 $0x5A0, v7;
	v0 =	vld [tilespmem:s20+$0x3100];
	v7 =	vmul.u32 $0xA0, v11;
	[tilespmem:s6+$0x6EA0] =	vst v1;
	s6 =	smov.u32 s20  }
0x81: {  	v1 =	vmul.u32 $0x5A0, v4;
	v4 =	vld [tilespmem:s6+$0x6260]  }
0x82: {  	v8 =	vld [tilespmem:s6+$0x24D0];
	v5 =	vshll.u32 v5, $0x5;
	v6 =	vadd.s32 v7, v6  }
0x83: {  	v7 =	vld [tilespmem:s6+$0x3110];
	v2 =	vshll.u32 v2, $0x2;
	v5 =	vadd.s32 v5, v6  }
0x84: {  	v6 =	vld [tilespmem:s6+$0x24E0];
	v3 =	vshll.u32 v3, $0x1;
	v2 =	vadd.s32 v2, v5  }
0x85: {  	v0 =	vmul.u32 $0xA0, v0;
	v5 =	vld [tilespmem:s6+$0x3120];
	v2 =	vadd.s32 v3, v2  }
0x86: {  	v3 =	vld [tilespmem:s6+$0x24F0];
	v2 =	vadd.s32 v4, v2  }
0x87: {  	v0 =	vadd.s32 v0, v1;
	v1 =	vmul.u32 $0x5A0, v8;
	v4 =	vld [tilespmem:s6+$0x3130];
	v2 =	vadd.s32 $0x3322, v2  }
0x88: {  	v7 =	vmul.u32 $0xA0, v7;
	v8 =	vld [tilespmem:s6+$0x2500];
	[tilespmem:s6+$0x7AE0] =	vst v2  }
0x89: {  	v2 =	vmul.u32 $0x5A0, v6;
	v6 =	vld [tilespmem:s6+$0x3140]  }
0x8a: {  	v1 =	vadd.s32 v7, v1;
	v5 =	vmul.u32 $0xA0, v5;
	v7 =	vld [tilespmem:s6+$0x2510]  }
0x8b: {  	v3 =	vmul.u32 $0x5A0, v3;
	v9 =	vld [tilespmem:s6+$0x3150]  }
0x8c: {  	v10 =	vld [tilespmem:s6+$0x3D40];
	v2 =	vadd.s32 v5, v2;
	v4 =	vmul.u32 $0xA0, v4  }
0x8d: {  	v5 =	vld [tilespmem:s6+$0x3D50];
	v8 =	vmul.u32 $0x5A0, v8  }
0x8e: {  	v11 =	vld [tilespmem:s6+$0x3D60];
	v3 =	vadd.s32 v4, v3;
	v4 =	vmul.u32 $0xA0, v6  }
0x8f: {  	v6 =	vld [tilespmem:s6+$0x3D70];
	v7 =	vmul.u32 $0x5A0, v7  }
0x90: {  	v12 =	vld [tilespmem:s6+$0x3D80];
	v4 =	vadd.s32 v4, v8;
	v8 =	vmul.u32 $0xA0, v9  }
0x91: {  	v9 =	vshll.u32 v10, $0x5;
	v10 =	vld [tilespmem:s6+$0x3D90]  }
0x92: {  	v13 =	vld [tilespmem:s6+$0x4980];
	v0 =	vadd.s32 v9, v0;
	v5 =	vshll.u32 v5, $0x5;
	v7 =	vadd.s32 v8, v7  }
0x93: {  	v8 =	vld [tilespmem:s6+$0x4990];
	v1 =	vadd.s32 v5, v1;
	v5 =	vshll.u32 v11, $0x5  }
0x94: {  	v9 =	vld [tilespmem:s6+$0x49A0];
	v2 =	vadd.s32 v5, v2;
	v5 =	vshll.u32 v6, $0x5  }
0x95: {  	v6 =	vld [tilespmem:s6+$0x49B0];
	v3 =	vadd.s32 v5, v3;
	v5 =	vshll.u32 v12, $0x5  }
0x96: {  	v11 =	vld [tilespmem:s6+$0x49C0];
	v4 =	vadd.s32 v5, v4;
	v5 =	vshll.u32 v10, $0x5  }
0x97: {  	v10 =	vshll.u32 v13, $0x2;
	v12 =	vld [tilespmem:s6+$0x49D0];
	v5 =	vadd.s32 v5, v7  }
0x98: {  	v7 =	vld [tilespmem:s6+$0x0];
	v0 =	vadd.s32 v10, v0;
	v8 =	vshll.u32 v8, $0x2  }
0x99: {  	v10 =	vld [tilespmem:s6+$0xC40];
	v1 =	vadd.s32 v8, v1;
	v8 =	vshll.u32 v9, $0x2  }
0x9a: {  	v9 =	vld [tilespmem:s6+$0x55C0];
	v2 =	vadd.s32 v8, v2;
	v6 =	vshll.u32 v6, $0x2  }
0x9b: {  	v8 =	vld [tilespmem:s6+$0x10];
	v3 =	vadd.s32 v6, v3;
	v6 =	vshll.u32 v11, $0x2  }
0x9c: {  	v11 =	vld [tilespmem:s6+$0xC50];
	v4 =	vadd.s32 v6, v4;
	v6 =	vshll.u32 v12, $0x2  }
0x9d: {  	v7 =	vmul.u32 $0x6E, v7;
	v12 =	vld [tilespmem:s6+$0x55D0];
	v5 =	vadd.s32 v6, v5  }
0x9e: {  	v6 =	vmul.u32 $0xB, v10;
	v10 =	vld [tilespmem:s6+$0x20]  }
0x9f: {  	v9 =	vshll.u32 v9, $0x1;
	v13 =	vld [tilespmem:s6+$0xC60]  }
0xa0: {  	v6 =	vadd.s32 v7, v6;
	v7 =	vadd.s32 v9, v0;
	v0 =	vmul.u32 $0x6E, v8;
	v8 =	vld [tilespmem:s6+$0x55E0]  }
0xa1: {  	v9 =	vmul.u32 $0xB, v11;
	v11 =	vld [tilespmem:s6+$0x30]  }
0xa2: {  	v12 =	vshll.u32 v12, $0x1;
	v14 =	vld [tilespmem:s6+$0xC70]  }
0xa3: {  	v9 =	vadd.s32 v0, v9;
	v12 =	vadd.s32 v12, v1;
	v0 =	vmul.u32 $0x6E, v10;
	v1 =	vld [tilespmem:s6+$0x55F0]  }
0xa4: {  	v10 =	vmul.u32 $0xB, v13;
	v13 =	vld [tilespmem:s6+$0x40]  }
0xa5: {  	v8 =	vshll.u32 v8, $0x1;
	v15 =	vld [tilespmem:s6+$0xC80]  }
0xa6: {  	v10 =	vadd.s32 v0, v10;
	v8 =	vadd.s32 v8, v2;
	v0 =	vmul.u32 $0x6E, v11;
	v2 =	vld [tilespmem:s6+$0x5600]  }
0xa7: {  	v11 =	vmul.u32 $0xB, v14;
	v14 =	vld [tilespmem:s6+$0x50]  }
0xa8: {  	v1 =	vshll.u32 v1, $0x1;
	v16 =	vld [tilespmem:s6+$0xC90]  }
0xa9: {  	v0 =	vadd.s32 v0, v11;
	v11 =	vadd.s32 v1, v3;
	v1 =	vmul.u32 $0x6E, v13;
	v3 =	vld [tilespmem:s6+$0x5610]  }
0xaa: {  	v13 =	vmul.u32 $0xB, v15;
	v15 =	vld [tilespmem:s6+$0x60]  }
0xab: {  	v2 =	vshll.u32 v2, $0x1;
	v17 =	vld [tilespmem:s6+$0xCA0]  }
0xac: {  	v18 =	vld [tilespmem:s6+$0x6200];
	v1 =	vadd.s32 v1, v13;
	v13 =	vadd.s32 v2, v4;
	v2 =	vmul.u32 $0x6E, v14  }
0xad: {  	v4 =	vld [tilespmem:s6+$0x6210];
	v14 =	vmul.u32 $0xB, v16  }
0xae: {  	v16 =	vld [tilespmem:s6+$0x6220];
	v3 =	vshll.u32 v3, $0x1  }
0xaf: {  	v19 =	vld [tilespmem:s6+$0x6230];
	v2 =	vadd.s32 v2, v14;
	v14 =	vadd.s32 v3, v5;
	v3 =	vmul.u32 $0x6E, v15  }
0xb0: {  	v5 =	vld [tilespmem:s6+$0x6240];
	v15 =	vmul.u32 $0xB, v17  }
0xb1: {  	v7 =	vadd.s32 v18, v7;
	v17 =	vld [tilespmem:s6+$0x6250]  }
0xb2: {  	v18 =	vld [tilespmem:s6+$0x1880];
	v7 =	vadd.s32 $0x3322, v7;
	v4 =	vadd.s32 v4, v12;
	v3 =	vadd.s32 v3, v15  }
0xb3: {  	[tilespmem:s6+$0x7A80] =	vst v7;
	v7 =	vld [tilespmem:s6+$0x1890];
	v4 =	vadd.s32 $0x3322, v4;
	v8 =	vadd.s32 v16, v8  }
0xb4: {  	[tilespmem:s6+$0x7A90] =	vst v4;
	v12 =	vld [tilespmem:s6+$0x18A0];
	v4 =	vadd.s32 $0x3322, v8;
	v8 =	vadd.s32 v19, v11  }
.Ltmp0:
0xb5: {  	[tilespmem:s6+$0x7AA0] =	vst v4;
	v4 =	vld [tilespmem:s6+$0x18B0];
	v8 =	vadd.s32 $0x3322, v8;
	v11 =	vadd.s32 v5, v13;
	(pc) =	sbr.rel @p0 .LBB2_2-.Ltmp0, $4  }
0xb6: {  	[tilespmem:s6+$0x7AB0] =	vst v8;
	v5 =	vld [tilespmem:s6+$0x18C0];
	v8 =	vadd.s32 $0x3322, v11;
	v11 =	vadd.s32 v17, v14  }
0xb7: {  	v13 =	vadd.s32 v18, v6;
	[tilespmem:s6+$0x7AC0] =	vst v8;
	v6 =	vld [tilespmem:s6+$0x18D0];
	v8 =	vadd.s32 $0x3322, v11  }
0xb8: {  	s20 =	sshra.s32 s18, $0x2;
	v9 =	vadd.s32 v7, v9;
	[tilespmem:s6+$0x7AD0] =	vst v8;
	v8 =	vld [tilespmem:s6+$0x18E0]  }
0xb9: {  	s18 =	sadd.s32 $0x1C0, s18;
	v7 =	vld [tilespmem:s20+$0x2520];
	[tilespmem:s6+$0x6E40] =	vst v13;
	v10 =	vadd.s32 v12, v10  }
0xba: {  	v11 =	vld [tilespmem:s20+$0x3160];
	[tilespmem:s6+$0x6E50] =	vst v9  }
0xbb: {  	v0 =	vadd.s32 v4, v0;
	v9 =	vld [tilespmem:s20+$0x24C0];
	[tilespmem:s6+$0x6E60] =	vst v10  }
0xbc: {  	v48 =	vadd.s32 v5, v1;
	v47 =	vld [tilespmem:s20+$0x3DA0];
	[tilespmem:s6+$0x6E70] =	vst v0  }
0xbd: {  	v50 =	vadd.s32 v6, v2;
	v49 =	vld [tilespmem:s20+$0x49E0];
	[tilespmem:s6+$0x6E80] =	vst v48  }
0xbe: {  	v52 =	vadd.s32 v8, v3;
	v51 =	vld [tilespmem:s20+$0x5620];
	[tilespmem:s6+$0x6E90] =	vst v50  }
0xbf: {  	v53 =	vld [tilespmem:s20+$0x3100];
	[tilespmem:s6+$0x6EA0] =	vst v52  }
0xc0: {  	v56 =	vld [tilespmem:s20+$0x6260]  }
0xc1: {  	v57 =	vld [tilespmem:s20+$0x24D0]  }
0xc2: {  	v58 =	vld [tilespmem:s20+$0x3110]  }
0xc3: {  	v59 =	vld [tilespmem:s20+$0x24E0]  }
0xc4: {  	v60 =	vld [tilespmem:s20+$0x3120]  }
0xc5: {  	v61 =	vld [tilespmem:s20+$0x24F0]  }
0xc6: {  	v62 =	vld [tilespmem:s20+$0x3130]  }
0xc7: {  	v63 =	vld [tilespmem:s20+$0x2500]  }
0xc8: {  	v40 =	vld [tilespmem:s20+$0x3140]  }
0xc9: {  	v10 =	vld [tilespmem:s20+$0x2510]  }
0xca: {  	v41 =	vld [tilespmem:s20+$0x3150]  }
0xcb: {  	v12 =	vld [tilespmem:s20+$0x3D40]  }
0xcc: {  	v13 =	vld [tilespmem:s20+$0x3D50]  }
0xcd: {  	v14 =	vld [tilespmem:s20+$0x3D60]  }
0xce: {  	v15 =	vld [tilespmem:s20+$0x3D70]  }
0xcf: {  	v16 =	vld [tilespmem:s20+$0x3D80]  }
0xd0: {  	v17 =	vld [tilespmem:s20+$0x3D90]  }
0xd1: {  	v18 =	vld [tilespmem:s20+$0x4980]  }
0xd2: {  	v19 =	vld [tilespmem:s20+$0x4990]  }
0xd3: {  	v20 =	vld [tilespmem:s20+$0x49A0]  }
0xd4: {  	v21 =	vld [tilespmem:s20+$0x49B0]  }
0xd5: {  	v22 =	vld [tilespmem:s20+$0x49C0]  }
0xd6: {  	v54 =	vmul.u32 $0x5A0, v7;
	v55 =	vmul.u32 $0xA0, v11;
	v23 =	vld [tilespmem:s20+$0x49D0]  }
0xd7: {  	v24 =	vld [tilespmem:s20+$0x0]  }
0xd8: {  	v25 =	vld [tilespmem:s20+$0xC40];
	v4 =	vshll.u32 v47, $0x5;
	v0 =	vadd.s32 v55, v54  }
0xd9: {  	v26 =	vld [tilespmem:s20+$0x55C0];
	v1 =	vshll.u32 v49, $0x2;
	v0 =	vadd.s32 v4, v0  }
0xda: {  	v27 =	vld [tilespmem:s20+$0x10];
	v2 =	vshll.u32 v51, $0x1;
	v0 =	vadd.s32 v1, v0  }
0xdb: {  	v28 =	vld [tilespmem:s20+$0xC50];
	v9 =	vmul.u32 $0x5A0, v9;
	v0 =	vadd.s32 v2, v0  }
0xdc: {  	v29 =	vld [tilespmem:s20+$0x55D0];
	v3 =	vmul.u32 $0xA0, v53;
	v0 =	vadd.s32 v56, v0;
	v7 =	vmul.u32 $0x5A0, v57  }
0xdd: {  	v30 =	vld [tilespmem:s20+$0x20];
	v5 =	vmul.u32 $0xA0, v58;
	v4 =	vmul.u32 $0x5A0, v59;
	v1 =	vmul.u32 $0xA0, v60  }
0xde: {  	v32 =	vld [tilespmem:s20+$0x55E0];
	v2 =	vmul.u32 $0x5A0, v61;
	v6 =	vmul.u32 $0xA0, v62;
	v8 =	vmul.u32 $0x5A0, v63  }
0xdf: {  	v35 =	vld [tilespmem:s20+$0x55F0];
	v43 =	vmul.u32 $0x5A0, v10;
	v44 =	vmul.u32 $0xA0, v41;
	v45 =	vshll.u32 v12, $0x5  }
0xe0: {  	v46 =	vld [tilespmem:s20+$0x5610];
	v47 =	vshll.u32 v13, $0x5;
	v48 =	vshll.u32 v14, $0x5;
	v49 =	vshll.u32 v15, $0x5  }
0xe1: {  	v31 =	vld [tilespmem:s20+$0xC60];
	v50 =	vshll.u32 v16, $0x5;
	v52 =	vshll.u32 v17, $0x5;
	v53 =	vshll.u32 v18, $0x2  }
0xe2: {  	v33 =	vld [tilespmem:s20+$0x30];
	v55 =	vshll.u32 v19, $0x2;
	v57 =	vshll.u32 v20, $0x2;
	v58 =	vshll.u32 v26, $0x1  }
0xe3: {  	v34 =	vld [tilespmem:s20+$0xC70];
	v60 =	vshll.u32 v21, $0x2;
	v62 =	vshll.u32 v29, $0x1;
	v21 =	vshll.u32 v22, $0x2  }
0xe4: {  	v42 =	vld [tilespmem:s20+$0x5600];
	v26 =	vshll.u32 v32, $0x1;
	v29 =	vshll.u32 v35, $0x1;
	v35 =	vshll.u32 v23, $0x2  }
0xe5: {  	v36 =	vld [tilespmem:s20+$0x40];
	v39 =	vmul.u32 $0x6E, v24;
	v41 =	vshll.u32 v46, $0x1;
	v46 =	vmul.u32 $0xB, v28  }
0xe6: {  	v37 =	vld [tilespmem:s20+$0x50];
	v0 =	vadd.s32 $0x3322, v0;
	v3 =	vadd.s32 v3, v9;
	v5 =	vadd.s32 v5, v7  }
0xe7: {  	v11 =	vld [tilespmem:s20+$0xC90];
	[tilespmem:s20+$0x7AE0] =	vst v0;
	v0 =	vmul.u32 $0xA0, v40;
	v1 =	vadd.s32 v1, v4;
	v2 =	vadd.s32 v6, v2  }
0xe8: {  	v54 =	vld [tilespmem:s20+$0x6210];
	v3 =	vadd.s32 v45, v3;
	v4 =	vadd.s32 v44, v43;
	v40 =	vmul.u32 $0xB, v25  }
0xe9: {  	v51 =	vld [tilespmem:s20+$0x6200];
	v7 =	vshll.u32 v42, $0x1;
	v45 =	vmul.u32 $0x6E, v27;
	v5 =	vadd.s32 v47, v5  }
0xea: {  	v10 =	vld [tilespmem:s20+$0x60];
	v1 =	vadd.s32 v48, v1;
	v2 =	vadd.s32 v49, v2;
	v4 =	vadd.s32 v52, v4  }
0xeb: {  	v56 =	vld [tilespmem:s20+$0x6220];
	v3 =	vadd.s32 v53, v3;
	v47 =	vmul.u32 $0x6E, v30;
	v48 =	vmul.u32 $0xB, v31  }
0xec: {  	v59 =	vld [tilespmem:s20+$0x6230];
	v49 =	vmul.u32 $0x6E, v33;
	v52 =	vmul.u32 $0x6E, v36;
	v0 =	vadd.s32 v0, v8  }
0xed: {  	v61 =	vld [tilespmem:s20+$0x6240];
	v5 =	vadd.s32 v55, v5;
	v1 =	vadd.s32 v57, v1;
	v3 =	vadd.s32 v58, v3  }
0xee: {  	v9 =	vld [tilespmem:s20+$0xC80];
	v2 =	vadd.s32 v60, v2;
	v53 =	vadd.s32 v45, v46;
	v0 =	vadd.s32 v50, v0  }
0xef: {  	v42 =	vld [tilespmem:s20+$0x18B0];
	v3 =	vadd.s32 v51, v3;
	v5 =	vadd.s32 v62, v5;
	v1 =	vadd.s32 v26, v1  }
0xf0: {  	v63 =	vld [tilespmem:s20+$0x6250];
	v2 =	vadd.s32 v29, v2;
	v3 =	vadd.s32 $0x3322, v3;
	v5 =	vadd.s32 v54, v5  }
0xf1: {  	v22 =	vld [tilespmem:s20+$0x1880];
	v51 =	vmul.u32 $0xB, v34;
	v1 =	vadd.s32 v56, v1;
	[tilespmem:s20+$0x7A80] =	vst v3;
	v5 =	vadd.s32 $0x3322, v5  }
0xf2: {  	v44 =	vld [tilespmem:s20+$0x18C0];
	v0 =	vadd.s32 v21, v0;
	v2 =	vadd.s32 v59, v2;
	v1 =	vadd.s32 $0x3322, v1;
	[tilespmem:s20+$0x7A90] =	vst v5  }
0xf3: {  	v13 =	vld [tilespmem:s20+$0xCA0];
	v0 =	vadd.s32 v7, v0;
	v2 =	vadd.s32 $0x3322, v2;
	v55 =	vadd.s32 v49, v51;
	[tilespmem:s20+$0x7AA0] =	vst v1  }
0xf4: {  	v32 =	vld [tilespmem:s20+$0x1890];
	v9 =	vmul.u32 $0xB, v9;
	v0 =	vadd.s32 v61, v0;
	[tilespmem:s20+$0x7AB0] =	vst v2;
	v6 =	vadd.s32 v42, v55  }
0xf5: {  	v38 =	vld [tilespmem:s20+$0x18A0];
	v3 =	vadd.s32 v35, v4;
	v1 =	vadd.s32 v39, v40;
	v0 =	vadd.s32 $0x3322, v0;
	[tilespmem:s20+$0x6E70] =	vst v6  }
0xf6: {  	v50 =	vld [tilespmem:s20+$0x18D0];
	v3 =	vadd.s32 v41, v3;
	v56 =	vadd.s32 v52, v9;
	v1 =	vadd.s32 v22, v1;
	[tilespmem:s20+$0x7AC0] =	vst v0  }
0xf7: {  	v57 =	vmul.u32 $0x6E, v37;
	v54 =	vld [tilespmem:s20+$0x18E0];
	v43 =	vadd.s32 v63, v3;
	v62 =	vadd.s32 v44, v56;
	[tilespmem:s20+$0x6E40] =	vst v1  }
0xf8: {  	v58 =	vmul.u32 $0xB, v11;
	v60 =	vmul.u32 $0xB, v13;
	v2 =	vadd.s32 $0x3322, v43;
	[tilespmem:s20+$0x6E80] =	vst v62  }
0xf9: {  	v59 =	vmul.u32 $0x6E, v10;
	v0 =	vadd.s32 v47, v48;
	[tilespmem:s20+$0x7AD0] =	vst v2;
	v2 =	vadd.s32 v32, v53  }
0xfa: {  	v61 =	vadd.s32 v57, v58;
	v0 =	vadd.s32 v38, v0;
	[tilespmem:s20+$0x6E50] =	vst v2  }
0xfb: {  	[tilespmem:s20+$0x6E60] =	vst v0;
	v2 =	vadd.s32 v59, v60;
	v0 =	vadd.s32 v50, v61  }
0xfc: {  	v63 =	vadd.s32 v54, v2;
	[tilespmem:s20+$0x6E90] =	vst v0  }
0xfd: {  	s18 =	simm.s32 $0x86C0;
	[tilespmem:s20+$0x6EA0] =	vst v63;
	s20 =	simm.s32 $0x6E40  }
0xfe: {  	[tilespmem:s18], [sflag:$0x1] =	stream.indirect.gather [hbm4b:s5+s28], $0x40, s20, s28, $0xb8;
	[tilespmem:$0x1D6C0] =	vst v63  }
0xff: {  	s21 =	simm.s32 $0x7A80;
	s22 =	simm.s32 $0xF6C0  }
0x100: {  	[tilespmem:s22], [sflag:$0x1] =	stream.indirect.gather [hbm4b:s5+s28], $0x40, s21, s28, $0xb8;
	[tilespmem:$0x1D6C0] =	vst v63  }
0x101: {  	s23 =	simm.s32 $0x6E50;
	s24 =	simm.s32 $0x8AC0  }
0x102: {  	[tilespmem:s24], [sflag:$0x1] =	stream.indirect.gather [hbm4b:s5+s28], $0x40, s23, s28, $0xb8;
	[tilespmem:$0x1D6C0] =	vst v63  }
0x103: {  	s18 =	simm.s32 $0x7A90;
	s20 =	simm.s32 $0xFAC0  }
0x104: {  	[tilespmem:s20], [sflag:$0x1] =	stream.indirect.gather [hbm4b:s5+s28], $0x40, s18, s28, $0xb8;
	[tilespmem:$0x1D6C0] =	vst v63  }
0x105: {  	s21 =	simm.s32 $0x6E60;
	s22 =	simm.s32 $0x8EC0  }
0x106: {  	[tilespmem:s22], [sflag:$0x1] =	stream.indirect.gather [hbm4b:s5+s28], $0x40, s21, s28, $0xb8;
	[tilespmem:$0x1D6C0] =	vst v63  }
0x107: {  	s23 =	simm.s32 $0x7AA0;
	s24 =	simm.s32 $0xFEC0  }
0x108: {  	[tilespmem:s24], [sflag:$0x1] =	stream.indirect.gather [hbm4b:s5+s28], $0x40, s23, s28, $0xb8;
	[tilespmem:$0x1D6C0] =	vst v63  }
0x109: {  	s18 =	simm.s32 $0x6E70;
	s20 =	simm.s32 $0x92C0  }
0x10a: {  	[tilespmem:s20], [sflag:$0x1] =	stream.indirect.gather [hbm4b:s5+s28], $0x40, s18, s28, $0xb8;
	[tilespmem:$0x1D6C0] =	vst v63  }
0x10b: {  	s21 =	simm.s32 $0x7AB0;
	s22 =	simm.s32 $0x102C0  }
0x10c: {  	[tilespmem:s22], [sflag:$0x1] =	stream.indirect.gather [hbm4b:s5+s28], $0x40, s21, s28, $0xb8;
	[tilespmem:$0x1D6C0] =	vst v63  }
0x10d: {  	s23 =	simm.s32 $0x6E80;
	s24 =	simm.s32 $0x96C0  }
0x10e: {  	[tilespmem:s24], [sflag:$0x1] =	stream.indirect.gather [hbm4b:s5+s28], $0x40, s23, s28, $0xb8;
	[tilespmem:$0x1D6C0] =	vst v63  }
0x10f: {  	s18 =	simm.s32 $0x7AC0;
	s20 =	simm.s32 $0x106C0  }
0x110: {  	[tilespmem:s20], [sflag:$0x1] =	stream.indirect.gather [hbm4b:s5+s28], $0x40, s18, s28, $0xb8;
	[tilespmem:$0x1D6C0] =	vst v63  }
0x111: {  	s21 =	simm.s32 $0x6E90;
	s22 =	simm.s32 $0x9AC0  }
0x112: {  	[tilespmem:s22], [sflag:$0x1] =	stream.indirect.gather [hbm4b:s5+s28], $0x40, s21, s28, $0xb8;
	[tilespmem:$0x1D6C0] =	vst v63  }
0x113: {  	s23 =	simm.s32 $0x7AD0;
	s24 =	simm.s32 $0x10AC0  }
0x114: {  	[tilespmem:s24], [sflag:$0x1] =	stream.indirect.gather [hbm4b:s5+s28], $0x40, s23, s28, $0xb8;
	[tilespmem:$0x1D6C0] =	vst v63  }
0x115: {  	s18 =	simm.s32 $0x6EA0;
	s20 =	simm.s32 $0x9EC0  }
0x116: {  	[tilespmem:s20], [sflag:$0x1] =	stream.indirect.gather [hbm4b:s5+s28], $0x40, s18, s28, $0xb8;
	[tilespmem:$0x1D6C0] =	vst v63  }
0x117: {  	s21 =	simm.s32 $0x7AE0;
	s22 =	simm.s32 $0x10EC0  }
0x118: {  	[tilespmem:s22], [sflag:$0x1] =	stream.indirect.gather [hbm4b:s5+s28], $0x40, s21, s28, $0xb8;
	[tilespmem:$0x1D6C0] =	vst v63  }
0x119: {  	s23 =	simm.s32 $0x6EB0;
	s24 =	simm.s32 $0xA2C0  }
0x11a: {  	[tilespmem:s24], [sflag:$0x2] =	stream.indirect.gather [hbm4b:s5+s28], $0x40, s23, s28, $0xb8;
	[tilespmem:$0x1D6C0] =	vst v63  }
0x11b: {  	s18 =	simm.s32 $0x7AF0;
	s20 =	simm.s32 $0x112C0  }
0x11c: {  	[tilespmem:s20], [sflag:$0x2] =	stream.indirect.gather [hbm4b:s5+s28], $0x40, s18, s28, $0xb8;
	[tilespmem:$0x1D6C0] =	vst v63  }
0x11d: {  	s21 =	simm.s32 $0x6EC0;
	s22 =	simm.s32 $0xA6C0  }
0x11e: {  	[tilespmem:s22], [sflag:$0x2] =	stream.indirect.gather [hbm4b:s5+s28], $0x40, s21, s28, $0xb8;
	[tilespmem:$0x1D6C0] =	vst v63  }
0x11f: {  	s23 =	simm.s32 $0x7B00;
	s24 =	simm.s32 $0x116C0  }
0x120: {  	[tilespmem:s24], [sflag:$0x2] =	stream.indirect.gather [hbm4b:s5+s28], $0x40, s23, s28, $0xb8;
	[tilespmem:$0x1D6C0] =	vst v63  }
0x121: {  	s18 =	simm.s32 $0x6ED0;
	s20 =	simm.s32 $0xAAC0  }
0x122: {  	[tilespmem:s20], [sflag:$0x2] =	stream.indirect.gather [hbm4b:s5+s28], $0x40, s18, s28, $0xb8;
	[tilespmem:$0x1D6C0] =	vst v63  }
0x123: {  	s21 =	simm.s32 $0x7B10;
	s22 =	simm.s32 $0x11AC0  }
0x124: {  	[tilespmem:s22], [sflag:$0x2] =	stream.indirect.gather [hbm4b:s5+s28], $0x40, s21, s28, $0xb8;
	[tilespmem:$0x1D6C0] =	vst v63  }
0x125: {  	s23 =	simm.s32 $0x6EE0;
	s24 =	simm.s32 $0xAEC0  }
0x126: {  	[tilespmem:s24], [sflag:$0x2] =	stream.indirect.gather [hbm4b:s5+s28], $0x40, s23, s28, $0xb8;
	[tilespmem:$0x1D6C0] =	vst v63  }
0x127: {  	s18 =	simm.s32 $0x7B20;
	s20 =	simm.s32 $0x11EC0  }
0x128: {  	[tilespmem:s20], [sflag:$0x2] =	stream.indirect.gather [hbm4b:s5+s28], $0x40, s18, s28, $0xb8;
	[tilespmem:$0x1D6C0] =	vst v63  }
0x129: {  	s21 =	simm.s32 $0x6EF0;
	s22 =	simm.s32 $0xB2C0  }
0x12a: {  	[tilespmem:s22], [sflag:$0x2] =	stream.indirect.gather [hbm4b:s5+s28], $0x40, s21, s28, $0xb8;
	[tilespmem:$0x1D6C0] =	vst v63  }
0x12b: {  	s23 =	simm.s32 $0x7B30;
	s24 =	simm.s32 $0x122C0  }
0x12c: {  	[tilespmem:s24], [sflag:$0x2] =	stream.indirect.gather [hbm4b:s5+s28], $0x40, s23, s28, $0xb8;
	[tilespmem:$0x1D6C0] =	vst v63  }
0x12d: {  	s18 =	simm.s32 $0x6F00;
	s20 =	simm.s32 $0xB6C0  }
0x12e: {  	[tilespmem:s20], [sflag:$0x2] =	stream.indirect.gather [hbm4b:s5+s28], $0x40, s18, s28, $0xb8;
	[tilespmem:$0x1D6C0] =	vst v63  }
0x12f: {  	s21 =	simm.s32 $0x7B40;
	s22 =	simm.s32 $0x126C0  }
0x130: {  	[tilespmem:s22], [sflag:$0x2] =	stream.indirect.gather [hbm4b:s5+s28], $0x40, s21, s28, $0xb8;
	[tilespmem:$0x1D6C0] =	vst v63  }
0x131: {  	s23 =	simm.s32 $0x6F10;
	s24 =	simm.s32 $0xBAC0  }
0x132: {  	[tilespmem:s24], [sflag:$0x2] =	stream.indirect.gather [hbm4b:s5+s28], $0x40, s23, s28, $0xb8;
	[tilespmem:$0x1D6C0] =	vst v63  }
0x133: {  	s18 =	simm.s32 $0x7B50;
	s20 =	simm.s32 $0x12AC0  }
0x134: {  	[tilespmem:s20], [sflag:$0x2] =	stream.indirect.gather [hbm4b:s5+s28], $0x40, s18, s28, $0xb8;
	[tilespmem:$0x1D6C0] =	vst v63  }
0x135: {  	s21 =	simm.s32 $0x6F20;
	s22 =	simm.s32 $0xBEC0  }
0x136: {  	[tilespmem:s22], [sflag:$0x3] =	stream.indirect.gather [hbm4b:s5+s28], $0x40, s21, s28, $0xb8;
	[tilespmem:$0x1D6C0] =	vst v63  }
0x137: {  	s23 =	simm.s32 $0x7B60;
	s24 =	simm.s32 $0x12EC0  }
0x138: {  	[tilespmem:s24], [sflag:$0x3] =	stream.indirect.gather [hbm4b:s5+s28], $0x40, s23, s28, $0xb8;
	[tilespmem:$0x1D6C0] =	vst v63  }
0x139: {  	s18 =	simm.s32 $0x6F30;
	s20 =	simm.s32 $0xC2C0  }
0x13a: {  	[tilespmem:s20], [sflag:$0x3] =	stream.indirect.gather [hbm4b:s5+s28], $0x40, s18, s28, $0xb8;
	[tilespmem:$0x1D6C0] =	vst v63  }
0x13b: {  	s21 =	simm.s32 $0x7B70;
	s22 =	simm.s32 $0x132C0  }
0x13c: {  	[tilespmem:s22], [sflag:$0x3] =	stream.indirect.gather [hbm4b:s5+s28], $0x40, s21, s28, $0xb8;
	[tilespmem:$0x1D6C0] =	vst v63  }
0x13d: {  	s23 =	simm.s32 $0x6F40;
	s24 =	simm.s32 $0xC6C0  }
0x13e: {  	[tilespmem:s24], [sflag:$0x3] =	stream.indirect.gather [hbm4b:s5+s28], $0x40, s23, s28, $0xb8;
	[tilespmem:$0x1D6C0] =	vst v63  }
0x13f: {  	s18 =	simm.s32 $0x7B80;
	s20 =	simm.s32 $0x136C0  }
0x140: {  	[tilespmem:s20], [sflag:$0x3] =	stream.indirect.gather [hbm4b:s5+s28], $0x40, s18, s28, $0xb8;
	[tilespmem:$0x1D6C0] =	vst v63  }
0x141: {  	s21 =	simm.s32 $0x6F50;
	s22 =	simm.s32 $0xCAC0  }
0x142: {  	[tilespmem:s22], [sflag:$0x3] =	stream.indirect.gather [hbm4b:s5+s28], $0x40, s21, s28, $0xb8;
	[tilespmem:$0x1D6C0] =	vst v63  }
0x143: {  	s23 =	simm.s32 $0x7B90;
	s24 =	simm.s32 $0x13AC0  }
0x144: {  	[tilespmem:s24], [sflag:$0x3] =	stream.indirect.gather [hbm4b:s5+s28], $0x40, s23, s28, $0xb8;
	[tilespmem:$0x1D6C0] =	vst v63  }
0x145: {  	s18 =	simm.s32 $0x6F60;
	s20 =	simm.s32 $0xCEC0  }
0x146: {  	[tilespmem:s20], [sflag:$0x3] =	stream.indirect.gather [hbm4b:s5+s28], $0x40, s18, s28, $0xb8;
	[tilespmem:$0x1D6C0] =	vst v63  }
0x147: {  	s21 =	simm.s32 $0x7BA0;
	s22 =	simm.s32 $0x13EC0  }
0x148: {  	[tilespmem:s22], [sflag:$0x3] =	stream.indirect.gather [hbm4b:s5+s28], $0x40, s21, s28, $0xb8;
	[tilespmem:$0x1D6C0] =	vst v63  }
0x149: {  	s23 =	simm.s32 $0x6F70;
	s24 =	simm.s32 $0xD2C0  }
0x14a: {  	[tilespmem:s24], [sflag:$0x3] =	stream.indirect.gather [hbm4b:s5+s28], $0x40, s23, s28, $0xb8;
	[tilespmem:$0x1D6C0] =	vst v63  }
0x14b: {  	s18 =	simm.s32 $0x7BB0;
	s20 =	simm.s32 $0x142C0  }
0x14c: {  	[tilespmem:s20], [sflag:$0x3] =	stream.indirect.gather [hbm4b:s5+s28], $0x40, s18, s28, $0xb8;
	[tilespmem:$0x1D6C0] =	vst v63  }
0x14d: {  	s21 =	simm.s32 $0x6F80;
	s22 =	simm.s32 $0xD6C0  }
0x14e: {  	[tilespmem:s22], [sflag:$0x3] =	stream.indirect.gather [hbm4b:s5+s28], $0x40, s21, s28, $0xb8;
	[tilespmem:$0x1D6C0] =	vst v63  }
0x14f: {  	s6 =	simm.s32 $0x0;
	s23 =	simm.s32 $0x7BC0;
	s24 =	simm.s32 $0x146C0  }
0x150: {  	[tilespmem:s24], [sflag:$0x3] =	stream.indirect.gather [hbm4b:s5+s28], $0x40, s23, s28, $0xb8;
	[tilespmem:$0x1D6C0] =	vst v63  }
.LBB2_4:
0x151: {  	s20 =	smul.u32 $0x1C0, s6;
	_ =	sdelay $0x1  }
0x152: {  	s21 =	simm.s32 $0xDAC0;
	s18 =	sadd.s32 $0x6F90, s20  }
0x153: {  	[tilespmem:s21], [sflag:$0x4] =	stream.indirect.gather [hbm4b:s5+s28], $0x40, s18, s28, $0xb8;
	[tilespmem:$0x1D6C0] =	vst v63  }
0x154: {  	s24 =	simm.s32 $0x14AC0;
	s23 =	sadd.s32 $0x7BD0, s20  }
0x155: {  	[tilespmem:s24], [sflag:$0x4] =	stream.indirect.gather [hbm4b:s5+s28], $0x40, s23, s28, $0xb8;
	[tilespmem:$0x1D6C0] =	vst v63  }
0x156: {  	s22 =	simm.s32 $0xDEC0;
	s21 =	sadd.s32 $0x6FA0, s20  }
0x157: {  	[tilespmem:s22], [sflag:$0x4] =	stream.indirect.gather [hbm4b:s5+s28], $0x40, s21, s28, $0xb8;
	[tilespmem:$0x1D6C0] =	vst v63  }
0x158: {  	s23 =	sadd.s32 $0x7BE0, s20;
	s24 =	simm.s32 $0x14EC0  }
0x159: {  	[tilespmem:s24], [sflag:$0x4] =	stream.indirect.gather [hbm4b:s5+s28], $0x40, s23, s28, $0xb8;
	[tilespmem:$0x1D6C0] =	vst v63  }
0x15a: {  	s22 =	sadd.s32 $0x6FB0, s20;
	s23 =	simm.s32 $0xE2C0  }
0x15b: {  	[tilespmem:s23], [sflag:$0x4] =	stream.indirect.gather [hbm4b:s5+s28], $0x40, s22, s28, $0xb8;
	[tilespmem:$0x1D6C0] =	vst v63  }
0x15c: {  	s24 =	sadd.s32 $0x7BF0, s20  }
0x15d: {  	[tilespmem:s25], [sflag:$0x4] =	stream.indirect.gather [hbm4b:s5+s28], $0x40, s24, s28, $0xb8;
	[tilespmem:$0x1D6C0] =	vst v63  }
0x15e: {  	s21 =	sadd.s32 $0x6FC0, s20  }
0x15f: {  	[tilespmem:s26], [sflag:$0x4] =	stream.indirect.gather [hbm4b:s5+s28], $0x40, s21, s28, $0xb8;
	[tilespmem:$0x1D6C0] =	vst v63  }
0x160: {  	s22 =	sadd.s32 $0x7C00, s20  }
0x161: {  	[tilespmem:s29], [sflag:$0x4] =	stream.indirect.gather [hbm4b:s5+s28], $0x40, s22, s28, $0xb8;
	[tilespmem:$0x1D6C0] =	vst v63  }
0x162: {  	s23 =	sadd.s32 $0x6FD0, s20  }
0x163: {  	[tilespmem:s30], [sflag:$0x4] =	stream.indirect.gather [hbm4b:s5+s28], $0x40, s23, s28, $0xb8;
	[tilespmem:$0x1D6C0] =	vst v63  }
0x164: {  	s24 =	sadd.s32 $0x7C10, s20  }
0x165: {  	[tilespmem:s31], [sflag:$0x4] =	stream.indirect.gather [hbm4b:s5+s28], $0x40, s24, s28, $0xb8;
	[tilespmem:$0x1D6C0] =	vst v63  }
0x166: {  	s21 =	sadd.s32 $0x6FE0, s20  }
0x167: {  	[tilespmem:s1], [sflag:$0x4] =	stream.indirect.gather [hbm4b:s5+s28], $0x40, s21, s28, $0xb8;
	[tilespmem:$0x1D6C0] =	vst v63  }
0x168: {  	s22 =	sadd.s32 $0x7C20, s20  }
0x169: {  	[tilespmem:s0], [sflag:$0x4] =	stream.indirect.gather [hbm4b:s5+s28], $0x40, s22, s28, $0xb8;
	[tilespmem:$0x1D6C0] =	vst v63  }
0x16a: {  	s23 =	sadd.s32 $0x6FF0, s20  }
0x16b: {  	[tilespmem:s19], [sflag:$0x4] =	stream.indirect.gather [hbm4b:s5+s28], $0x40, s23, s28, $0xb8;
	[tilespmem:$0x1D6C0] =	vst v63  }
0x16c: {  	s24 =	sadd.s32 $0x7C30, s20  }
0x16d: {  	[tilespmem:s7], [sflag:$0x4] =	stream.indirect.gather [hbm4b:s5+s28], $0x40, s24, s28, $0xb8;
	[tilespmem:$0x1D6C0] =	vst v63  }
0x16e: {  	_ =	swait.ge [sflag:s8], $0x400  }
0x16f: {  	[sflag:s8] =	ssyncset.done $0x0  }
0x170: {  	[sflag:s8] =	ssyncadd.s32 $0xFFFFFC00  }
0x171: {  	_ =	swait.ge [sflag:s8], $0x400  }
0x172: {  	[sflag:s8] =	ssyncset.done $0x0  }
0x173: {  	[sflag:s8] =	ssyncadd.s32 $0xFFFFFC00  }
0x174: {  	_ =	swait.ge [sflag:s8], $0x400  }
0x175: {  	[sflag:s8] =	ssyncset.done $0x0  }
0x176: {  	[sflag:s8] =	ssyncadd.s32 $0xFFFFFC00  }
0x177: {  	_ =	swait.ge [sflag:s8], $0x400  }
0x178: {  	[sflag:s8] =	ssyncset.done $0x0  }
0x179: {  	[sflag:s8] =	ssyncadd.s32 $0xFFFFFC00  }
0x17a: {  	_ =	swait.ge [sflag:s8], $0x400  }
0x17b: {  	[sflag:s8] =	ssyncset.done $0x0  }
0x17c: {  	[sflag:s8] =	ssyncadd.s32 $0xFFFFFC00  }
0x17d: {  	_ =	swait.ge [sflag:s8], $0x400  }
0x17e: {  	[sflag:s8] =	ssyncset.done $0x0  }
0x17f: {  	[sflag:s8] =	ssyncadd.s32 $0xFFFFFC00  }
0x180: {  	_ =	swait.ge [sflag:s8], $0x400  }
0x181: {  	[sflag:s8] =	ssyncset.done $0x0  }
0x182: {  	[sflag:s8] =	ssyncadd.s32 $0xFFFFFC00  }
0x183: {  	_ =	swait.ge [sflag:s8], $0x400  }
0x184: {  	[sflag:s8] =	ssyncset.done $0x0  }
0x185: {  	[sflag:s8] =	ssyncadd.s32 $0xFFFFFC00  }
0x186: {  	_ =	swait.ge [sflag:s8], $0x400  }
0x187: {  	[sflag:s8] =	ssyncset.done $0x0  }
0x188: {  	[sflag:s8] =	ssyncadd.s32 $0xFFFFFC00  }
0x189: {  	_ =	swait.ge [sflag:s8], $0x400  }
0x18a: {  	[sflag:s8] =	ssyncset.done $0x0  }
0x18b: {  	[sflag:s8] =	ssyncadd.s32 $0xFFFFFC00  }
0x18c: {  	_ =	swait.ge [sflag:s8], $0x400  }
0x18d: {  	[sflag:s8] =	ssyncset.done $0x0  }
0x18e: {  	[sflag:s8] =	ssyncadd.s32 $0xFFFFFC00  }
0x18f: {  	_ =	swait.ge [sflag:s8], $0x400  }
0x190: {  	[sflag:s8] =	ssyncset.done $0x0  }
0x191: {  	[sflag:s8] =	ssyncadd.s32 $0xFFFFFC00  }
0x192: {  	_ =	swait.ge [sflag:s8], $0x400  }
0x193: {  	[sflag:s8] =	ssyncset.done $0x0  }
0x194: {  	[sflag:s8] =	ssyncadd.s32 $0xFFFFFC00  }
0x195: {  	_ =	swait.ge [sflag:s8], $0x400  }
0x196: {  	p1 =	seq.s32 s6, $0x0;
	[sflag:s8] =	ssyncset.done $0x0  }
0x197: {  	s18 =	simm.s32 @!p1 $0x5;
	[sflag:s8] =	ssyncadd.s32 $0xFFFFFC00  }
0x198: {  	_ =	swait.ge @!p1 [sflag:s18], $0x3800  }
0x199: {  	[sflag:s18] =	ssyncset.done @!p1 $0x0  }
0x19a: {  	s22 =	simm.s32 $0x0;
	[sflag:s18] =	ssyncadd.s32 @!p1 $0xFFFFC800  }
0x19b: {  	v0 =	vld [tilespmem:s22+$0x86C0]  }
0x19c: {  	v1 =	vld [tilespmem:s22+$0xF6C0];
	_ =	sdelay $0x4  }
0x19d: {  	v2 =	vshll.u32 v0, $0x10;
	v3 =	vshll.u32 v1, $0x10  }
0x19e: {  	v0 =	vand.u32 $0xFFFF0000, v0;
	v1 =	vand.u32 $0xFFFF0000, v1;
	v2 =	vadd.f32 v3, v2  }
0x19f: {  	s21 =	simm.s32 $0x16700;
	v0 =	vadd.f32 v1, v0  }
0x1a0: {  	[tilespmem:s21+$0xFFFFFFC0] =	vst v2  }
0x1a1: {  	[tilespmem:s21+$0x0] =	vst v0  }
0x1a2: {  	v0 =	vld [tilespmem:s22+$0x86D0]  }
0x1a3: {  	v1 =	vld [tilespmem:s22+$0xF6D0];
	_ =	sdelay $0x4  }
0x1a4: {  	v2 =	vshll.u32 v0, $0x10;
	v3 =	vshll.u32 v1, $0x10  }
0x1a5: {  	v0 =	vand.u32 $0xFFFF0000, v0;
	v1 =	vand.u32 $0xFFFF0000, v1;
	v2 =	vadd.f32 v3, v2  }
0x1a6: {  	v0 =	vadd.f32 v1, v0  }
0x1a7: {  	[tilespmem:s21+$0xFFFFFFD0] =	vst v2  }
0x1a8: {  	[tilespmem:s21+$0x10] =	vst v0  }
0x1a9: {  	v0 =	vld [tilespmem:s22+$0x86E0]  }
0x1aa: {  	v1 =	vld [tilespmem:s22+$0xF6E0];
	_ =	sdelay $0x4  }
0x1ab: {  	v2 =	vshll.u32 v0, $0x10;
	v3 =	vshll.u32 v1, $0x10  }
0x1ac: {  	v0 =	vand.u32 $0xFFFF0000, v0;
	v1 =	vand.u32 $0xFFFF0000, v1;
	v2 =	vadd.f32 v3, v2  }
0x1ad: {  	v0 =	vadd.f32 v1, v0  }
0x1ae: {  	[tilespmem:s21+$0xFFFFFFE0] =	vst v2  }
0x1af: {  	[tilespmem:s21+$0x20] =	vst v0  }
0x1b0: {  	v0 =	vld [tilespmem:s22+$0x86F0]  }
0x1b1: {  	s23 =	simm.s32 $0x100;
	s18 =	sadd.s32 $0x150, s20;
	v1 =	vld [tilespmem:s22+$0xF6F0];
	s22 =	simm.s32 $0x16700  }
.LBB2_5:
0x1b2: {  	p0 =	sne.s32 s23, $0x6F00  }
0x1b3: {  	s21 =	sadd.s32 $0x80, s21;
	s24 =	smov.u32 s23;
	s23 =	sadd.s32 $0x100, s23  }
0x1b4: {  	_ =	sdelay $0x1  }
0x1b5: {  	v2 =	vshll.u32 v0, $0x10;
	v0 =	vand.u32 $0xFFFF0000, v0  }
0x1b6: {  	v3 =	vshll.u32 v1, $0x10;
	v1 =	vand.u32 $0xFFFF0000, v1  }
0x1b7: {  	v2 =	vadd.f32 v3, v2;
	v0 =	vadd.f32 v1, v0;
	_ =	sdelay $0x1  }
0x1b8: {  	[tilespmem:s22+$0xFFFFFFF0] =	vst v2  }
0x1b9: {  	s24 =	sshra.s32 s24, $0x2;
	[tilespmem:s22+$0x30] =	vst v0;
	s22 =	smov.u32 s21  }
0x1ba: {  	v0 =	vld [tilespmem:s24+$0x86C0]  }
0x1bb: {  	v1 =	vld [tilespmem:s24+$0xF6C0];
	_ =	sdelay $0x3  }
0x1bc: {  	v2 =	vshll.u32 v0, $0x10;
	v0 =	vand.u32 $0xFFFF0000, v0  }
0x1bd: {  	v3 =	vshll.u32 v1, $0x10;
	v1 =	vand.u32 $0xFFFF0000, v1  }
0x1be: {  	v2 =	vadd.f32 v3, v2;
	v0 =	vadd.f32 v1, v0;
	_ =	sdelay $0x1  }
0x1bf: {  	[tilespmem:s21+$0xFFFFFFC0] =	vst v2  }
0x1c0: {  	[tilespmem:s21+$0x0] =	vst v0  }
0x1c1: {  	v0 =	vld [tilespmem:s24+$0x86D0]  }
0x1c2: {  	v1 =	vld [tilespmem:s24+$0xF6D0];
	_ =	sdelay $0x3  }
0x1c3: {  	v2 =	vshll.u32 v0, $0x10;
	v0 =	vand.u32 $0xFFFF0000, v0  }
0x1c4: {  	v3 =	vshll.u32 v1, $0x10;
	v1 =	vand.u32 $0xFFFF0000, v1  }
0x1c5: {  	v2 =	vadd.f32 v3, v2;
	v0 =	vadd.f32 v1, v0;
	_ =	sdelay $0x1  }
0x1c6: {  	[tilespmem:s21+$0xFFFFFFD0] =	vst v2  }
0x1c7: {  	[tilespmem:s21+$0x10] =	vst v0  }
0x1c8: {  	v0 =	vld [tilespmem:s24+$0x86E0]  }
0x1c9: {  	v1 =	vld [tilespmem:s24+$0xF6E0];
	_ =	sdelay $0x3  }
0x1ca: {  	v2 =	vshll.u32 v0, $0x10;
	v0 =	vand.u32 $0xFFFF0000, v0  }
0x1cb: {  	v3 =	vshll.u32 v1, $0x10;
	v1 =	vand.u32 $0xFFFF0000, v1  }
0x1cc: {  	v2 =	vadd.f32 v3, v2;
	v0 =	vadd.f32 v1, v0  }
.Ltmp1:
0x1cd: {  	(pc) =	sbr.rel @p0 .LBB2_5-.Ltmp1, $4  }
0x1ce: {  	[tilespmem:s21+$0xFFFFFFE0] =	vst v2  }
0x1cf: {  	[tilespmem:s21+$0x20] =	vst v0  }
0x1d0: {  	v0 =	vld [tilespmem:s24+$0x86F0]  }
0x1d1: {  	v1 =	vld [tilespmem:s24+$0xF6F0]  }
0x1d2: {  	_ =	sdelay $0x3  }
0x1d3: {  	v2 =	vshll.u32 v0, $0x10;
	v3 =	vshll.u32 v1, $0x10  }
0x1d4: {  	v0 =	vand.u32 $0xFFFF0000, v0;
	v1 =	vand.u32 $0xFFFF0000, v1;
	v2 =	vadd.f32 v3, v2  }
0x1d5: {  	s21 =	sadd.s32 s4, s20;
	v0 =	vadd.f32 v1, v0  }
0x1d6: {  	s21 =	sshll.u32 s21, $0x4;
	[tilespmem:s22+$0xFFFFFFF0] =	vst v2  }
0x1d7: {  	p0 =	seq.s32 s6, $0x6;
	s21 =	sadd.s32 s2, s21;
	[tilespmem:s22+$0x30] =	vst v0  }
0x1d8: {  	[hbm4b:s21+s3] =	stream.linear.scatter [tilespmem:s9], [sflag:$0x5], $0x3800, $0x38;
	[tilespmem:$0x1D6C0] =	vst v63  }
0x1d9: {  	s23 =	simm.s32 @!p0 $0x86C0;
	s22 =	simm.s32 @!p0 $0x10;
	s21 =	sadd.s32 @!p0 $0x7000, s20  }
0x1da: {  	[tilespmem:s23], [sflag:$0x1] =	stream.indirect.gather @!p0 [hbm4b:s5+s22], $0x40, s21, s22, $0xb8;
	[tilespmem:$0x1D6C0] =	vst v63  }
0x1db: {  	s21 =	sadd.s32 @!p0 $0x7C40, s20;
	s23 =	simm.s32 @!p0 $0xF6C0  }
0x1dc: {  	[tilespmem:s23], [sflag:$0x1] =	stream.indirect.gather @!p0 [hbm4b:s5+s22], $0x40, s21, s22, $0xb8;
	[tilespmem:$0x1D6C0] =	vst v63  }
0x1dd: {  	s21 =	sadd.s32 @!p0 $0x7010, s20;
	s23 =	simm.s32 @!p0 $0x8AC0  }
0x1de: {  	[tilespmem:s23], [sflag:$0x1] =	stream.indirect.gather @!p0 [hbm4b:s5+s22], $0x40, s21, s22, $0xb8;
	[tilespmem:$0x1D6C0] =	vst v63  }
0x1df: {  	s21 =	sadd.s32 @!p0 $0x7C50, s20;
	s23 =	simm.s32 @!p0 $0xFAC0  }
0x1e0: {  	[tilespmem:s23], [sflag:$0x1] =	stream.indirect.gather @!p0 [hbm4b:s5+s22], $0x40, s21, s22, $0xb8;
	[tilespmem:$0x1D6C0] =	vst v63  }
0x1e1: {  	s21 =	sadd.s32 @!p0 $0x7020, s20;
	s23 =	simm.s32 @!p0 $0x8EC0  }
0x1e2: {  	[tilespmem:s23], [sflag:$0x1] =	stream.indirect.gather @!p0 [hbm4b:s5+s22], $0x40, s21, s22, $0xb8;
	[tilespmem:$0x1D6C0] =	vst v63  }
0x1e3: {  	s21 =	sadd.s32 @!p0 $0x7C60, s20;
	s23 =	simm.s32 @!p0 $0xFEC0  }
0x1e4: {  	[tilespmem:s23], [sflag:$0x1] =	stream.indirect.gather @!p0 [hbm4b:s5+s22], $0x40, s21, s22, $0xb8;
	[tilespmem:$0x1D6C0] =	vst v63  }
0x1e5: {  	s21 =	sadd.s32 @!p0 $0x7030, s20;
	s23 =	simm.s32 @!p0 $0x92C0  }
0x1e6: {  	[tilespmem:s23], [sflag:$0x1] =	stream.indirect.gather @!p0 [hbm4b:s5+s22], $0x40, s21, s22, $0xb8;
	[tilespmem:$0x1D6C0] =	vst v63  }
0x1e7: {  	s21 =	sadd.s32 @!p0 $0x7C70, s20;
	s23 =	simm.s32 @!p0 $0x102C0  }
0x1e8: {  	[tilespmem:s23], [sflag:$0x1] =	stream.indirect.gather @!p0 [hbm4b:s5+s22], $0x40, s21, s22, $0xb8;
	[tilespmem:$0x1D6C0] =	vst v63  }
0x1e9: {  	s21 =	sadd.s32 @!p0 $0x7040, s20;
	s23 =	simm.s32 @!p0 $0x96C0  }
0x1ea: {  	[tilespmem:s23], [sflag:$0x1] =	stream.indirect.gather @!p0 [hbm4b:s5+s22], $0x40, s21, s22, $0xb8;
	[tilespmem:$0x1D6C0] =	vst v63  }
0x1eb: {  	s21 =	sadd.s32 @!p0 $0x7C80, s20;
	s23 =	simm.s32 @!p0 $0x106C0  }
0x1ec: {  	[tilespmem:s23], [sflag:$0x1] =	stream.indirect.gather @!p0 [hbm4b:s5+s22], $0x40, s21, s22, $0xb8;
	[tilespmem:$0x1D6C0] =	vst v63  }
0x1ed: {  	s21 =	sadd.s32 @!p0 $0x7050, s20;
	s23 =	simm.s32 @!p0 $0x9AC0  }
0x1ee: {  	[tilespmem:s23], [sflag:$0x1] =	stream.indirect.gather @!p0 [hbm4b:s5+s22], $0x40, s21, s22, $0xb8;
	[tilespmem:$0x1D6C0] =	vst v63  }
0x1ef: {  	s21 =	sadd.s32 @!p0 $0x7C90, s20;
	s23 =	simm.s32 @!p0 $0x10AC0  }
0x1f0: {  	[tilespmem:s23], [sflag:$0x1] =	stream.indirect.gather @!p0 [hbm4b:s5+s22], $0x40, s21, s22, $0xb8;
	[tilespmem:$0x1D6C0] =	vst v63  }
0x1f1: {  	s21 =	sadd.s32 @!p0 $0x7060, s20;
	s23 =	simm.s32 @!p0 $0x9EC0  }
0x1f2: {  	[tilespmem:s23], [sflag:$0x1] =	stream.indirect.gather @!p0 [hbm4b:s5+s22], $0x40, s21, s22, $0xb8;
	[tilespmem:$0x1D6C0] =	vst v63  }
0x1f3: {  	s21 =	sadd.s32 @!p0 $0x7CA0, s20;
	s23 =	simm.s32 @!p0 $0x10EC0  }
0x1f4: {  	[tilespmem:s23], [sflag:$0x1] =	stream.indirect.gather @!p0 [hbm4b:s5+s22], $0x40, s21, s22, $0xb8;
	[tilespmem:$0x1D6C0] =	vst v63  }
0x1f5: {  	_ =	swait.ge [sflag:s10], $0x400  }
0x1f6: {  	[sflag:s10] =	ssyncset.done $0x0  }
0x1f7: {  	[sflag:s10] =	ssyncadd.s32 $0xFFFFFC00  }
0x1f8: {  	_ =	swait.ge [sflag:s10], $0x400  }
0x1f9: {  	[sflag:s10] =	ssyncset.done $0x0  }
0x1fa: {  	[sflag:s10] =	ssyncadd.s32 $0xFFFFFC00  }
0x1fb: {  	_ =	swait.ge [sflag:s10], $0x400  }
0x1fc: {  	[sflag:s10] =	ssyncset.done $0x0  }
0x1fd: {  	[sflag:s10] =	ssyncadd.s32 $0xFFFFFC00  }
0x1fe: {  	_ =	swait.ge [sflag:s10], $0x400  }
0x1ff: {  	[sflag:s10] =	ssyncset.done $0x0  }
0x200: {  	[sflag:s10] =	ssyncadd.s32 $0xFFFFFC00  }
0x201: {  	_ =	swait.ge [sflag:s10], $0x400  }
0x202: {  	[sflag:s10] =	ssyncset.done $0x0  }
0x203: {  	[sflag:s10] =	ssyncadd.s32 $0xFFFFFC00  }
0x204: {  	_ =	swait.ge [sflag:s10], $0x400  }
0x205: {  	[sflag:s10] =	ssyncset.done $0x0  }
0x206: {  	[sflag:s10] =	ssyncadd.s32 $0xFFFFFC00  }
0x207: {  	_ =	swait.ge [sflag:s10], $0x400  }
0x208: {  	[sflag:s10] =	ssyncset.done $0x0  }
0x209: {  	[sflag:s10] =	ssyncadd.s32 $0xFFFFFC00  }
0x20a: {  	_ =	swait.ge [sflag:s10], $0x400  }
0x20b: {  	[sflag:s10] =	ssyncset.done $0x0  }
0x20c: {  	[sflag:s10] =	ssyncadd.s32 $0xFFFFFC00  }
0x20d: {  	_ =	swait.ge [sflag:s10], $0x400  }
0x20e: {  	[sflag:s10] =	ssyncset.done $0x0  }
0x20f: {  	[sflag:s10] =	ssyncadd.s32 $0xFFFFFC00  }
0x210: {  	_ =	swait.ge [sflag:s10], $0x400  }
0x211: {  	[sflag:s10] =	ssyncset.done $0x0  }
0x212: {  	[sflag:s10] =	ssyncadd.s32 $0xFFFFFC00  }
0x213: {  	_ =	swait.ge [sflag:s10], $0x400  }
0x214: {  	[sflag:s10] =	ssyncset.done $0x0  }
0x215: {  	[sflag:s10] =	ssyncadd.s32 $0xFFFFFC00  }
0x216: {  	_ =	swait.ge [sflag:s10], $0x400  }
0x217: {  	[sflag:s10] =	ssyncset.done $0x0  }
0x218: {  	[sflag:s10] =	ssyncadd.s32 $0xFFFFFC00  }
0x219: {  	_ =	swait.ge [sflag:s10], $0x400  }
0x21a: {  	[sflag:s10] =	ssyncset.done $0x0  }
0x21b: {  	[sflag:s10] =	ssyncadd.s32 $0xFFFFFC00  }
0x21c: {  	_ =	swait.ge [sflag:s10], $0x400  }
0x21d: {  	[sflag:s10] =	ssyncset.done $0x0  }
0x21e: {  	s21 =	simm.s32 @!p1 $0x6;
	[sflag:s10] =	ssyncadd.s32 $0xFFFFFC00  }
0x21f: {  	_ =	swait.ge @!p1 [sflag:s21], $0x3800  }
0x220: {  	[sflag:s21] =	ssyncset.done @!p1 $0x0  }
0x221: {  	s24 =	simm.s32 $0x0;
	[sflag:s21] =	ssyncadd.s32 @!p1 $0xFFFFC800  }
0x222: {  	v0 =	vld [tilespmem:s24+$0xA2C0]  }
0x223: {  	v1 =	vld [tilespmem:s24+$0x112C0];
	_ =	sdelay $0x4  }
0x224: {  	v2 =	vshll.u32 v0, $0x10;
	v3 =	vshll.u32 v1, $0x10  }
0x225: {  	v0 =	vand.u32 $0xFFFF0000, v0;
	v1 =	vand.u32 $0xFFFF0000, v1;
	v2 =	vadd.f32 v3, v2  }
0x226: {  	s21 =	simm.s32 $0x19F30;
	v0 =	vadd.f32 v1, v0  }
0x227: {  	[tilespmem:s21+$0xFFFFFF90] =	vst v2  }
0x228: {  	[tilespmem:s21+$0xFFFFFFD0] =	vst v0  }
0x229: {  	v0 =	vld [tilespmem:s24+$0xA2D0]  }
0x22a: {  	v1 =	vld [tilespmem:s24+$0x112D0];
	_ =	sdelay $0x4  }
0x22b: {  	v2 =	vshll.u32 v0, $0x10;
	v3 =	vshll.u32 v1, $0x10  }
0x22c: {  	v0 =	vand.u32 $0xFFFF0000, v0;
	v1 =	vand.u32 $0xFFFF0000, v1;
	v2 =	vadd.f32 v3, v2  }
0x22d: {  	v0 =	vadd.f32 v1, v0  }
0x22e: {  	[tilespmem:s21+$0xFFFFFFA0] =	vst v2  }
0x22f: {  	[tilespmem:s21+$0xFFFFFFE0] =	vst v0  }
0x230: {  	v0 =	vld [tilespmem:s24+$0xA2E0]  }
0x231: {  	v1 =	vld [tilespmem:s24+$0x112E0];
	_ =	sdelay $0x4  }
0x232: {  	v2 =	vshll.u32 v0, $0x10;
	v3 =	vshll.u32 v1, $0x10  }
0x233: {  	v0 =	vand.u32 $0xFFFF0000, v0;
	v1 =	vand.u32 $0xFFFF0000, v1;
	v2 =	vadd.f32 v3, v2  }
0x234: {  	v0 =	vadd.f32 v1, v0  }
0x235: {  	[tilespmem:s21+$0xFFFFFFB0] =	vst v2  }
0x236: {  	[tilespmem:s21+$0xFFFFFFF0] =	vst v0  }
0x237: {  	v0 =	vld [tilespmem:s24+$0xA2F0]  }
0x238: {  	s23 =	simm.s32 $0x100;
	s22 =	simm.s32 $0x19F30;
	v1 =	vld [tilespmem:s24+$0x112F0]  }
.LBB2_7:
0x239: {  	p1 =	sne.s32 s23, $0x6F00  }
0x23a: {  	s21 =	sadd.s32 $0x80, s21;
	s24 =	smov.u32 s23;
	s23 =	sadd.s32 $0x100, s23  }
0x23b: {  	_ =	sdelay $0x1  }
0x23c: {  	v2 =	vshll.u32 v0, $0x10;
	v0 =	vand.u32 $0xFFFF0000, v0  }
0x23d: {  	v3 =	vshll.u32 v1, $0x10;
	v1 =	vand.u32 $0xFFFF0000, v1  }
0x23e: {  	v2 =	vadd.f32 v3, v2;
	v0 =	vadd.f32 v1, v0;
	_ =	sdelay $0x1  }
0x23f: {  	[tilespmem:s22+$0xFFFFFFC0] =	vst v2  }
0x240: {  	s24 =	sshra.s32 s24, $0x2;
	[tilespmem:s22+$0x0] =	vst v0;
	s22 =	smov.u32 s21  }
0x241: {  	v0 =	vld [tilespmem:s24+$0xA2C0]  }
0x242: {  	v1 =	vld [tilespmem:s24+$0x112C0];
	_ =	sdelay $0x3  }
0x243: {  	v2 =	vshll.u32 v0, $0x10;
	v0 =	vand.u32 $0xFFFF0000, v0  }
0x244: {  	v3 =	vshll.u32 v1, $0x10;
	v1 =	vand.u32 $0xFFFF0000, v1  }
0x245: {  	v2 =	vadd.f32 v3, v2;
	v0 =	vadd.f32 v1, v0;
	_ =	sdelay $0x1  }
0x246: {  	[tilespmem:s21+$0xFFFFFF90] =	vst v2  }
0x247: {  	[tilespmem:s21+$0xFFFFFFD0] =	vst v0  }
0x248: {  	v0 =	vld [tilespmem:s24+$0xA2D0]  }
0x249: {  	v1 =	vld [tilespmem:s24+$0x112D0];
	_ =	sdelay $0x3  }
0x24a: {  	v2 =	vshll.u32 v0, $0x10;
	v0 =	vand.u32 $0xFFFF0000, v0  }
0x24b: {  	v3 =	vshll.u32 v1, $0x10;
	v1 =	vand.u32 $0xFFFF0000, v1  }
0x24c: {  	v2 =	vadd.f32 v3, v2;
	v0 =	vadd.f32 v1, v0;
	_ =	sdelay $0x1  }
0x24d: {  	[tilespmem:s21+$0xFFFFFFA0] =	vst v2  }
0x24e: {  	[tilespmem:s21+$0xFFFFFFE0] =	vst v0  }
0x24f: {  	v0 =	vld [tilespmem:s24+$0xA2E0]  }
0x250: {  	v1 =	vld [tilespmem:s24+$0x112E0];
	_ =	sdelay $0x3  }
0x251: {  	v2 =	vshll.u32 v0, $0x10;
	v0 =	vand.u32 $0xFFFF0000, v0  }
0x252: {  	v3 =	vshll.u32 v1, $0x10;
	v1 =	vand.u32 $0xFFFF0000, v1  }
0x253: {  	v2 =	vadd.f32 v3, v2;
	v0 =	vadd.f32 v1, v0  }
.Ltmp2:
0x254: {  	(pc) =	sbr.rel @p1 .LBB2_7-.Ltmp2, $4  }
0x255: {  	[tilespmem:s21+$0xFFFFFFB0] =	vst v2  }
0x256: {  	[tilespmem:s21+$0xFFFFFFF0] =	vst v0  }
0x257: {  	v0 =	vld [tilespmem:s24+$0xA2F0]  }
0x258: {  	v1 =	vld [tilespmem:s24+$0x112F0]  }
0x259: {  	_ =	sdelay $0x3  }
0x25a: {  	v2 =	vshll.u32 v0, $0x10;
	v3 =	vshll.u32 v1, $0x10  }
0x25b: {  	v0 =	vand.u32 $0xFFFF0000, v0;
	v1 =	vand.u32 $0xFFFF0000, v1;
	v2 =	vadd.f32 v3, v2  }
0x25c: {  	s21 =	sadd.s32 s20, s15;
	v0 =	vadd.f32 v1, v0  }
0x25d: {  	s21 =	sshll.u32 s21, $0x4;
	[tilespmem:s22+$0xFFFFFFC0] =	vst v2  }
0x25e: {  	s21 =	sadd.s32 s2, s21;
	[tilespmem:s22+$0x0] =	vst v0  }
0x25f: {  	[hbm4b:s21+s3] =	stream.linear.scatter [tilespmem:s11], [sflag:$0x6], $0x3800, $0x38;
	[tilespmem:$0x1D6C0] =	vst v63  }
0x260: {  	s23 =	simm.s32 @!p0 $0xA2C0;
	s22 =	simm.s32 @!p0 $0x10;
	s21 =	sadd.s32 @!p0 $0x7070, s20  }
0x261: {  	[tilespmem:s23], [sflag:$0x2] =	stream.indirect.gather @!p0 [hbm4b:s5+s22], $0x40, s21, s22, $0xb8;
	[tilespmem:$0x1D6C0] =	vst v63  }
0x262: {  	s21 =	sadd.s32 @!p0 $0x7CB0, s20;
	s23 =	simm.s32 @!p0 $0x112C0  }
0x263: {  	[tilespmem:s23], [sflag:$0x2] =	stream.indirect.gather @!p0 [hbm4b:s5+s22], $0x40, s21, s22, $0xb8;
	[tilespmem:$0x1D6C0] =	vst v63  }
0x264: {  	s21 =	sadd.s32 @!p0 $0x7080, s20;
	s23 =	simm.s32 @!p0 $0xA6C0  }
0x265: {  	[tilespmem:s23], [sflag:$0x2] =	stream.indirect.gather @!p0 [hbm4b:s5+s22], $0x40, s21, s22, $0xb8;
	[tilespmem:$0x1D6C0] =	vst v63  }
0x266: {  	s21 =	sadd.s32 @!p0 $0x7CC0, s20;
	s23 =	simm.s32 @!p0 $0x116C0  }
0x267: {  	[tilespmem:s23], [sflag:$0x2] =	stream.indirect.gather @!p0 [hbm4b:s5+s22], $0x40, s21, s22, $0xb8;
	[tilespmem:$0x1D6C0] =	vst v63  }
0x268: {  	s21 =	sadd.s32 @!p0 $0x7090, s20;
	s23 =	simm.s32 @!p0 $0xAAC0  }
0x269: {  	[tilespmem:s23], [sflag:$0x2] =	stream.indirect.gather @!p0 [hbm4b:s5+s22], $0x40, s21, s22, $0xb8;
	[tilespmem:$0x1D6C0] =	vst v63  }
0x26a: {  	s21 =	sadd.s32 @!p0 $0x7CD0, s20;
	s23 =	simm.s32 @!p0 $0x11AC0  }
0x26b: {  	[tilespmem:s23], [sflag:$0x2] =	stream.indirect.gather @!p0 [hbm4b:s5+s22], $0x40, s21, s22, $0xb8;
	[tilespmem:$0x1D6C0] =	vst v63  }
0x26c: {  	s21 =	sadd.s32 @!p0 $0x70A0, s20;
	s23 =	simm.s32 @!p0 $0xAEC0  }
0x26d: {  	[tilespmem:s23], [sflag:$0x2] =	stream.indirect.gather @!p0 [hbm4b:s5+s22], $0x40, s21, s22, $0xb8;
	[tilespmem:$0x1D6C0] =	vst v63  }
0x26e: {  	s21 =	sadd.s32 @!p0 $0x7CE0, s20;
	s23 =	simm.s32 @!p0 $0x11EC0  }
0x26f: {  	[tilespmem:s23], [sflag:$0x2] =	stream.indirect.gather @!p0 [hbm4b:s5+s22], $0x40, s21, s22, $0xb8;
	[tilespmem:$0x1D6C0] =	vst v63  }
0x270: {  	s21 =	sadd.s32 @!p0 $0x70B0, s20;
	s23 =	simm.s32 @!p0 $0xB2C0  }
0x271: {  	[tilespmem:s23], [sflag:$0x2] =	stream.indirect.gather @!p0 [hbm4b:s5+s22], $0x40, s21, s22, $0xb8;
	[tilespmem:$0x1D6C0] =	vst v63  }
0x272: {  	s21 =	sadd.s32 @!p0 $0x7CF0, s20;
	s23 =	simm.s32 @!p0 $0x122C0  }
0x273: {  	[tilespmem:s23], [sflag:$0x2] =	stream.indirect.gather @!p0 [hbm4b:s5+s22], $0x40, s21, s22, $0xb8;
	[tilespmem:$0x1D6C0] =	vst v63  }
0x274: {  	s21 =	sadd.s32 @!p0 $0x70C0, s20;
	s23 =	simm.s32 @!p0 $0xB6C0  }
0x275: {  	[tilespmem:s23], [sflag:$0x2] =	stream.indirect.gather @!p0 [hbm4b:s5+s22], $0x40, s21, s22, $0xb8;
	[tilespmem:$0x1D6C0] =	vst v63  }
0x276: {  	s21 =	sadd.s32 @!p0 $0x7D00, s20;
	s23 =	simm.s32 @!p0 $0x126C0  }
0x277: {  	[tilespmem:s23], [sflag:$0x2] =	stream.indirect.gather @!p0 [hbm4b:s5+s22], $0x40, s21, s22, $0xb8;
	[tilespmem:$0x1D6C0] =	vst v63  }
0x278: {  	s21 =	sadd.s32 @!p0 $0x70D0, s20;
	s23 =	simm.s32 @!p0 $0xBAC0  }
0x279: {  	[tilespmem:s23], [sflag:$0x2] =	stream.indirect.gather @!p0 [hbm4b:s5+s22], $0x40, s21, s22, $0xb8;
	[tilespmem:$0x1D6C0] =	vst v63  }
0x27a: {  	s21 =	sadd.s32 @!p0 $0x7D10, s20;
	s23 =	simm.s32 @!p0 $0x12AC0  }
0x27b: {  	[tilespmem:s23], [sflag:$0x2] =	stream.indirect.gather @!p0 [hbm4b:s5+s22], $0x40, s21, s22, $0xb8;
	[tilespmem:$0x1D6C0] =	vst v63  }
0x27c: {  	_ =	swait.ge [sflag:s12], $0x400  }
0x27d: {  	[sflag:s12] =	ssyncset.done $0x0  }
0x27e: {  	[sflag:s12] =	ssyncadd.s32 $0xFFFFFC00  }
0x27f: {  	_ =	swait.ge [sflag:s12], $0x400  }
0x280: {  	[sflag:s12] =	ssyncset.done $0x0  }
0x281: {  	[sflag:s12] =	ssyncadd.s32 $0xFFFFFC00  }
0x282: {  	_ =	swait.ge [sflag:s12], $0x400  }
0x283: {  	[sflag:s12] =	ssyncset.done $0x0  }
0x284: {  	[sflag:s12] =	ssyncadd.s32 $0xFFFFFC00  }
0x285: {  	_ =	swait.ge [sflag:s12], $0x400  }
0x286: {  	[sflag:s12] =	ssyncset.done $0x0  }
0x287: {  	[sflag:s12] =	ssyncadd.s32 $0xFFFFFC00  }
0x288: {  	_ =	swait.ge [sflag:s12], $0x400  }
0x289: {  	[sflag:s12] =	ssyncset.done $0x0  }
0x28a: {  	[sflag:s12] =	ssyncadd.s32 $0xFFFFFC00  }
0x28b: {  	_ =	swait.ge [sflag:s12], $0x400  }
0x28c: {  	[sflag:s12] =	ssyncset.done $0x0  }
0x28d: {  	[sflag:s12] =	ssyncadd.s32 $0xFFFFFC00  }
0x28e: {  	_ =	swait.ge [sflag:s12], $0x400  }
0x28f: {  	[sflag:s12] =	ssyncset.done $0x0  }
0x290: {  	[sflag:s12] =	ssyncadd.s32 $0xFFFFFC00  }
0x291: {  	_ =	swait.ge [sflag:s12], $0x400  }
0x292: {  	[sflag:s12] =	ssyncset.done $0x0  }
0x293: {  	[sflag:s12] =	ssyncadd.s32 $0xFFFFFC00  }
0x294: {  	_ =	swait.ge [sflag:s12], $0x400  }
0x295: {  	[sflag:s12] =	ssyncset.done $0x0  }
0x296: {  	[sflag:s12] =	ssyncadd.s32 $0xFFFFFC00  }
0x297: {  	_ =	swait.ge [sflag:s12], $0x400  }
0x298: {  	[sflag:s12] =	ssyncset.done $0x0  }
0x299: {  	[sflag:s12] =	ssyncadd.s32 $0xFFFFFC00  }
0x29a: {  	_ =	swait.ge [sflag:s12], $0x400  }
0x29b: {  	[sflag:s12] =	ssyncset.done $0x0  }
0x29c: {  	[sflag:s12] =	ssyncadd.s32 $0xFFFFFC00  }
0x29d: {  	_ =	swait.ge [sflag:s12], $0x400  }
0x29e: {  	[sflag:s12] =	ssyncset.done $0x0  }
0x29f: {  	[sflag:s12] =	ssyncadd.s32 $0xFFFFFC00  }
0x2a0: {  	_ =	swait.ge [sflag:s12], $0x400  }
0x2a1: {  	[sflag:s12] =	ssyncset.done $0x0  }
0x2a2: {  	[sflag:s12] =	ssyncadd.s32 $0xFFFFFC00  }
0x2a3: {  	_ =	swait.ge [sflag:s12], $0x400  }
0x2a4: {  	[sflag:s12] =	ssyncset.done $0x0  }
0x2a5: {  	[sflag:s12] =	ssyncadd.s32 $0xFFFFFC00  }
0x2a6: {  	_ =	swait.ge [sflag:s13], $0x3800  }
0x2a7: {  	[sflag:s13] =	ssyncset.done $0x0  }
0x2a8: {  	s24 =	simm.s32 $0x0;
	[sflag:s13] =	ssyncadd.s32 $0xFFFFC800  }
0x2a9: {  	v0 =	vld [tilespmem:s24+$0xBEC0]  }
0x2aa: {  	v1 =	vld [tilespmem:s24+$0x12EC0];
	_ =	sdelay $0x4  }
0x2ab: {  	v2 =	vshll.u32 v0, $0x10;
	v3 =	vshll.u32 v1, $0x10  }
0x2ac: {  	v0 =	vand.u32 $0xFFFF0000, v0;
	v1 =	vand.u32 $0xFFFF0000, v1;
	v2 =	vadd.f32 v3, v2  }
0x2ad: {  	s21 =	simm.s32 $0x16700;
	v0 =	vadd.f32 v1, v0  }
0x2ae: {  	[tilespmem:s21+$0xFFFFFFC0] =	vst v2  }
0x2af: {  	[tilespmem:s21+$0x0] =	vst v0  }
0x2b0: {  	v0 =	vld [tilespmem:s24+$0xBED0]  }
0x2b1: {  	v1 =	vld [tilespmem:s24+$0x12ED0];
	_ =	sdelay $0x4  }
0x2b2: {  	v2 =	vshll.u32 v0, $0x10;
	v3 =	vshll.u32 v1, $0x10  }
0x2b3: {  	v0 =	vand.u32 $0xFFFF0000, v0;
	v1 =	vand.u32 $0xFFFF0000, v1;
	v2 =	vadd.f32 v3, v2  }
0x2b4: {  	v0 =	vadd.f32 v1, v0  }
0x2b5: {  	[tilespmem:s21+$0xFFFFFFD0] =	vst v2  }
0x2b6: {  	[tilespmem:s21+$0x10] =	vst v0  }
0x2b7: {  	v0 =	vld [tilespmem:s24+$0xBEE0]  }
0x2b8: {  	v1 =	vld [tilespmem:s24+$0x12EE0];
	_ =	sdelay $0x4  }
0x2b9: {  	v2 =	vshll.u32 v0, $0x10;
	v3 =	vshll.u32 v1, $0x10  }
0x2ba: {  	v0 =	vand.u32 $0xFFFF0000, v0;
	v1 =	vand.u32 $0xFFFF0000, v1;
	v2 =	vadd.f32 v3, v2  }
0x2bb: {  	v0 =	vadd.f32 v1, v0  }
0x2bc: {  	[tilespmem:s21+$0xFFFFFFE0] =	vst v2  }
0x2bd: {  	[tilespmem:s21+$0x20] =	vst v0  }
0x2be: {  	v0 =	vld [tilespmem:s24+$0xBEF0]  }
0x2bf: {  	s23 =	simm.s32 $0x100;
	s22 =	simm.s32 $0x16700;
	v1 =	vld [tilespmem:s24+$0x12EF0]  }
.LBB2_9:
0x2c0: {  	p1 =	sne.s32 s23, $0x6F00  }
0x2c1: {  	s21 =	sadd.s32 $0x80, s21;
	s24 =	smov.u32 s23;
	s23 =	sadd.s32 $0x100, s23  }
0x2c2: {  	_ =	sdelay $0x1  }
0x2c3: {  	v2 =	vshll.u32 v0, $0x10;
	v0 =	vand.u32 $0xFFFF0000, v0  }
0x2c4: {  	v3 =	vshll.u32 v1, $0x10;
	v1 =	vand.u32 $0xFFFF0000, v1  }
0x2c5: {  	v2 =	vadd.f32 v3, v2;
	v0 =	vadd.f32 v1, v0;
	_ =	sdelay $0x1  }
0x2c6: {  	[tilespmem:s22+$0xFFFFFFF0] =	vst v2  }
0x2c7: {  	s24 =	sshra.s32 s24, $0x2;
	[tilespmem:s22+$0x30] =	vst v0;
	s22 =	smov.u32 s21  }
0x2c8: {  	v0 =	vld [tilespmem:s24+$0xBEC0]  }
0x2c9: {  	v1 =	vld [tilespmem:s24+$0x12EC0];
	_ =	sdelay $0x3  }
0x2ca: {  	v2 =	vshll.u32 v0, $0x10;
	v0 =	vand.u32 $0xFFFF0000, v0  }
0x2cb: {  	v3 =	vshll.u32 v1, $0x10;
	v1 =	vand.u32 $0xFFFF0000, v1  }
0x2cc: {  	v2 =	vadd.f32 v3, v2;
	v0 =	vadd.f32 v1, v0;
	_ =	sdelay $0x1  }
0x2cd: {  	[tilespmem:s21+$0xFFFFFFC0] =	vst v2  }
0x2ce: {  	[tilespmem:s21+$0x0] =	vst v0  }
0x2cf: {  	v0 =	vld [tilespmem:s24+$0xBED0]  }
0x2d0: {  	v1 =	vld [tilespmem:s24+$0x12ED0];
	_ =	sdelay $0x3  }
0x2d1: {  	v2 =	vshll.u32 v0, $0x10;
	v0 =	vand.u32 $0xFFFF0000, v0  }
0x2d2: {  	v3 =	vshll.u32 v1, $0x10;
	v1 =	vand.u32 $0xFFFF0000, v1  }
0x2d3: {  	v2 =	vadd.f32 v3, v2;
	v0 =	vadd.f32 v1, v0;
	_ =	sdelay $0x1  }
0x2d4: {  	[tilespmem:s21+$0xFFFFFFD0] =	vst v2  }
0x2d5: {  	[tilespmem:s21+$0x10] =	vst v0  }
0x2d6: {  	v0 =	vld [tilespmem:s24+$0xBEE0]  }
0x2d7: {  	v1 =	vld [tilespmem:s24+$0x12EE0];
	_ =	sdelay $0x3  }
0x2d8: {  	v2 =	vshll.u32 v0, $0x10;
	v0 =	vand.u32 $0xFFFF0000, v0  }
0x2d9: {  	v3 =	vshll.u32 v1, $0x10;
	v1 =	vand.u32 $0xFFFF0000, v1  }
0x2da: {  	v2 =	vadd.f32 v3, v2;
	v0 =	vadd.f32 v1, v0  }
.Ltmp3:
0x2db: {  	(pc) =	sbr.rel @p1 .LBB2_9-.Ltmp3, $4  }
0x2dc: {  	[tilespmem:s21+$0xFFFFFFE0] =	vst v2  }
0x2dd: {  	[tilespmem:s21+$0x20] =	vst v0  }
0x2de: {  	v0 =	vld [tilespmem:s24+$0xBEF0]  }
0x2df: {  	v1 =	vld [tilespmem:s24+$0x12EF0]  }
0x2e0: {  	_ =	sdelay $0x3  }
0x2e1: {  	v2 =	vshll.u32 v0, $0x10;
	v3 =	vshll.u32 v1, $0x10  }
0x2e2: {  	v0 =	vand.u32 $0xFFFF0000, v0;
	v1 =	vand.u32 $0xFFFF0000, v1;
	v2 =	vadd.f32 v3, v2  }
0x2e3: {  	s21 =	sadd.s32 s20, s16;
	v0 =	vadd.f32 v1, v0  }
0x2e4: {  	s21 =	sshll.u32 s21, $0x4;
	[tilespmem:s22+$0xFFFFFFF0] =	vst v2  }
0x2e5: {  	s21 =	sadd.s32 s2, s21;
	[tilespmem:s22+$0x30] =	vst v0  }
0x2e6: {  	[hbm4b:s21+s3] =	stream.linear.scatter [tilespmem:s9], [sflag:$0x5], $0x3800, $0x38;
	[tilespmem:$0x1D6C0] =	vst v63  }
0x2e7: {  	s23 =	simm.s32 @!p0 $0xBEC0;
	s22 =	simm.s32 @!p0 $0x10;
	s21 =	sadd.s32 @!p0 $0x70E0, s20  }
0x2e8: {  	[tilespmem:s23], [sflag:$0x3] =	stream.indirect.gather @!p0 [hbm4b:s5+s22], $0x40, s21, s22, $0xb8;
	[tilespmem:$0x1D6C0] =	vst v63  }
0x2e9: {  	s21 =	sadd.s32 @!p0 $0x7D20, s20;
	s23 =	simm.s32 @!p0 $0x12EC0  }
0x2ea: {  	[tilespmem:s23], [sflag:$0x3] =	stream.indirect.gather @!p0 [hbm4b:s5+s22], $0x40, s21, s22, $0xb8;
	[tilespmem:$0x1D6C0] =	vst v63  }
0x2eb: {  	s21 =	sadd.s32 @!p0 $0x70F0, s20;
	s23 =	simm.s32 @!p0 $0xC2C0  }
0x2ec: {  	[tilespmem:s23], [sflag:$0x3] =	stream.indirect.gather @!p0 [hbm4b:s5+s22], $0x40, s21, s22, $0xb8;
	[tilespmem:$0x1D6C0] =	vst v63  }
0x2ed: {  	s21 =	sadd.s32 @!p0 $0x7D30, s20;
	s23 =	simm.s32 @!p0 $0x132C0  }
0x2ee: {  	[tilespmem:s23], [sflag:$0x3] =	stream.indirect.gather @!p0 [hbm4b:s5+s22], $0x40, s21, s22, $0xb8;
	[tilespmem:$0x1D6C0] =	vst v63  }
0x2ef: {  	s21 =	sadd.s32 @!p0 $0x7100, s20;
	s23 =	simm.s32 @!p0 $0xC6C0  }
0x2f0: {  	[tilespmem:s23], [sflag:$0x3] =	stream.indirect.gather @!p0 [hbm4b:s5+s22], $0x40, s21, s22, $0xb8;
	[tilespmem:$0x1D6C0] =	vst v63  }
0x2f1: {  	s21 =	sadd.s32 @!p0 $0x7D40, s20;
	s23 =	simm.s32 @!p0 $0x136C0  }
0x2f2: {  	[tilespmem:s23], [sflag:$0x3] =	stream.indirect.gather @!p0 [hbm4b:s5+s22], $0x40, s21, s22, $0xb8;
	[tilespmem:$0x1D6C0] =	vst v63  }
0x2f3: {  	s21 =	sadd.s32 @!p0 $0x7110, s20;
	s23 =	simm.s32 @!p0 $0xCAC0  }
0x2f4: {  	[tilespmem:s23], [sflag:$0x3] =	stream.indirect.gather @!p0 [hbm4b:s5+s22], $0x40, s21, s22, $0xb8;
	[tilespmem:$0x1D6C0] =	vst v63  }
0x2f5: {  	s21 =	sadd.s32 @!p0 $0x7D50, s20;
	s23 =	simm.s32 @!p0 $0x13AC0  }
0x2f6: {  	[tilespmem:s23], [sflag:$0x3] =	stream.indirect.gather @!p0 [hbm4b:s5+s22], $0x40, s21, s22, $0xb8;
	[tilespmem:$0x1D6C0] =	vst v63  }
0x2f7: {  	s21 =	sadd.s32 @!p0 $0x7120, s20;
	s23 =	simm.s32 @!p0 $0xCEC0  }
0x2f8: {  	[tilespmem:s23], [sflag:$0x3] =	stream.indirect.gather @!p0 [hbm4b:s5+s22], $0x40, s21, s22, $0xb8;
	[tilespmem:$0x1D6C0] =	vst v63  }
0x2f9: {  	s21 =	sadd.s32 @!p0 $0x7D60, s20;
	s23 =	simm.s32 @!p0 $0x13EC0  }
0x2fa: {  	[tilespmem:s23], [sflag:$0x3] =	stream.indirect.gather @!p0 [hbm4b:s5+s22], $0x40, s21, s22, $0xb8;
	[tilespmem:$0x1D6C0] =	vst v63  }
0x2fb: {  	s21 =	sadd.s32 @!p0 $0x7130, s20;
	s23 =	simm.s32 @!p0 $0xD2C0  }
0x2fc: {  	[tilespmem:s23], [sflag:$0x3] =	stream.indirect.gather @!p0 [hbm4b:s5+s22], $0x40, s21, s22, $0xb8;
	[tilespmem:$0x1D6C0] =	vst v63  }
0x2fd: {  	s21 =	sadd.s32 @!p0 $0x7D70, s20;
	s23 =	simm.s32 @!p0 $0x142C0  }
0x2fe: {  	[tilespmem:s23], [sflag:$0x3] =	stream.indirect.gather @!p0 [hbm4b:s5+s22], $0x40, s21, s22, $0xb8;
	[tilespmem:$0x1D6C0] =	vst v63  }
0x2ff: {  	s21 =	sadd.s32 @!p0 $0x7140, s20;
	s23 =	simm.s32 @!p0 $0xD6C0  }
0x300: {  	[tilespmem:s23], [sflag:$0x3] =	stream.indirect.gather @!p0 [hbm4b:s5+s22], $0x40, s21, s22, $0xb8;
	[tilespmem:$0x1D6C0] =	vst v63  }
0x301: {  	s20 =	sadd.s32 @!p0 $0x7D80, s20;
	s21 =	simm.s32 @!p0 $0x146C0  }
0x302: {  	[tilespmem:s21], [sflag:$0x3] =	stream.indirect.gather @!p0 [hbm4b:s5+s22], $0x40, s20, s22, $0xb8;
	[tilespmem:$0x1D6C0] =	vst v63  }
0x303: {  	_ =	swait.ge [sflag:s14], $0x400  }
0x304: {  	[sflag:s14] =	ssyncset.done $0x0  }
0x305: {  	[sflag:s14] =	ssyncadd.s32 $0xFFFFFC00  }
0x306: {  	_ =	swait.ge [sflag:s14], $0x400  }
0x307: {  	[sflag:s14] =	ssyncset.done $0x0  }
0x308: {  	[sflag:s14] =	ssyncadd.s32 $0xFFFFFC00  }
0x309: {  	_ =	swait.ge [sflag:s14], $0x400  }
0x30a: {  	[sflag:s14] =	ssyncset.done $0x0  }
0x30b: {  	[sflag:s14] =	ssyncadd.s32 $0xFFFFFC00  }
0x30c: {  	_ =	swait.ge [sflag:s14], $0x400  }
0x30d: {  	[sflag:s14] =	ssyncset.done $0x0  }
0x30e: {  	[sflag:s14] =	ssyncadd.s32 $0xFFFFFC00  }
0x30f: {  	_ =	swait.ge [sflag:s14], $0x400  }
0x310: {  	[sflag:s14] =	ssyncset.done $0x0  }
0x311: {  	[sflag:s14] =	ssyncadd.s32 $0xFFFFFC00  }
0x312: {  	_ =	swait.ge [sflag:s14], $0x400  }
0x313: {  	[sflag:s14] =	ssyncset.done $0x0  }
0x314: {  	[sflag:s14] =	ssyncadd.s32 $0xFFFFFC00  }
0x315: {  	_ =	swait.ge [sflag:s14], $0x400  }
0x316: {  	[sflag:s14] =	ssyncset.done $0x0  }
0x317: {  	[sflag:s14] =	ssyncadd.s32 $0xFFFFFC00  }
0x318: {  	_ =	swait.ge [sflag:s14], $0x400  }
0x319: {  	[sflag:s14] =	ssyncset.done $0x0  }
0x31a: {  	[sflag:s14] =	ssyncadd.s32 $0xFFFFFC00  }
0x31b: {  	_ =	swait.ge [sflag:s14], $0x400  }
0x31c: {  	[sflag:s14] =	ssyncset.done $0x0  }
0x31d: {  	[sflag:s14] =	ssyncadd.s32 $0xFFFFFC00  }
0x31e: {  	_ =	swait.ge [sflag:s14], $0x400  }
0x31f: {  	[sflag:s14] =	ssyncset.done $0x0  }
0x320: {  	[sflag:s14] =	ssyncadd.s32 $0xFFFFFC00  }
0x321: {  	_ =	swait.ge [sflag:s14], $0x400  }
0x322: {  	[sflag:s14] =	ssyncset.done $0x0  }
0x323: {  	[sflag:s14] =	ssyncadd.s32 $0xFFFFFC00  }
0x324: {  	_ =	swait.ge [sflag:s14], $0x400  }
0x325: {  	[sflag:s14] =	ssyncset.done $0x0  }
0x326: {  	[sflag:s14] =	ssyncadd.s32 $0xFFFFFC00  }
0x327: {  	_ =	swait.ge [sflag:s14], $0x400  }
0x328: {  	[sflag:s14] =	ssyncset.done $0x0  }
0x329: {  	[sflag:s14] =	ssyncadd.s32 $0xFFFFFC00  }
0x32a: {  	_ =	swait.ge [sflag:s14], $0x400  }
0x32b: {  	[sflag:s14] =	ssyncset.done $0x0  }
0x32c: {  	[sflag:s14] =	ssyncadd.s32 $0xFFFFFC00  }
0x32d: {  	_ =	swait.ge [sflag:s17], $0x3800  }
0x32e: {  	[sflag:s17] =	ssyncset.done $0x0  }
0x32f: {  	s24 =	simm.s32 $0x0;
	[sflag:s17] =	ssyncadd.s32 $0xFFFFC800  }
0x330: {  	v0 =	vld [tilespmem:s24+$0xDAC0]  }
0x331: {  	v1 =	vld [tilespmem:s24+$0x14AC0];
	_ =	sdelay $0x4  }
0x332: {  	v2 =	vshll.u32 v0, $0x10;
	v3 =	vshll.u32 v1, $0x10  }
0x333: {  	v0 =	vand.u32 $0xFFFF0000, v0;
	v1 =	vand.u32 $0xFFFF0000, v1;
	v2 =	vadd.f32 v3, v2  }
0x334: {  	s20 =	simm.s32 $0x19F30;
	v0 =	vadd.f32 v1, v0  }
0x335: {  	[tilespmem:s20+$0xFFFFFF90] =	vst v2  }
0x336: {  	[tilespmem:s20+$0xFFFFFFD0] =	vst v0  }
0x337: {  	v0 =	vld [tilespmem:s24+$0xDAD0]  }
0x338: {  	v1 =	vld [tilespmem:s24+$0x14AD0];
	_ =	sdelay $0x4  }
0x339: {  	v2 =	vshll.u32 v0, $0x10;
	v3 =	vshll.u32 v1, $0x10  }
0x33a: {  	v0 =	vand.u32 $0xFFFF0000, v0;
	v1 =	vand.u32 $0xFFFF0000, v1;
	v2 =	vadd.f32 v3, v2  }
0x33b: {  	v0 =	vadd.f32 v1, v0  }
0x33c: {  	[tilespmem:s20+$0xFFFFFFA0] =	vst v2  }
0x33d: {  	[tilespmem:s20+$0xFFFFFFE0] =	vst v0  }
0x33e: {  	v0 =	vld [tilespmem:s24+$0xDAE0]  }
0x33f: {  	v1 =	vld [tilespmem:s24+$0x14AE0];
	_ =	sdelay $0x4  }
0x340: {  	v2 =	vshll.u32 v0, $0x10;
	v3 =	vshll.u32 v1, $0x10  }
0x341: {  	v0 =	vand.u32 $0xFFFF0000, v0;
	v1 =	vand.u32 $0xFFFF0000, v1;
	v2 =	vadd.f32 v3, v2  }
0x342: {  	v0 =	vadd.f32 v1, v0  }
0x343: {  	[tilespmem:s20+$0xFFFFFFB0] =	vst v2  }
0x344: {  	[tilespmem:s20+$0xFFFFFFF0] =	vst v0  }
0x345: {  	v0 =	vld [tilespmem:s24+$0xDAF0]  }
0x346: {  	s22 =	simm.s32 $0x100;
	s21 =	simm.s32 $0x19F30;
	v1 =	vld [tilespmem:s24+$0x14AF0]  }
.LBB2_11:
0x347: {  	p0 =	sne.s32 s22, $0x6F00  }
0x348: {  	s20 =	sadd.s32 $0x80, s20;
	s23 =	smov.u32 s22;
	s22 =	sadd.s32 $0x100, s22  }
0x349: {  	_ =	sdelay $0x1  }
0x34a: {  	v2 =	vshll.u32 v0, $0x10;
	v0 =	vand.u32 $0xFFFF0000, v0  }
0x34b: {  	v3 =	vshll.u32 v1, $0x10;
	v1 =	vand.u32 $0xFFFF0000, v1  }
0x34c: {  	v2 =	vadd.f32 v3, v2;
	v0 =	vadd.f32 v1, v0;
	_ =	sdelay $0x1  }
0x34d: {  	[tilespmem:s21+$0xFFFFFFC0] =	vst v2  }
0x34e: {  	s23 =	sshra.s32 s23, $0x2;
	[tilespmem:s21+$0x0] =	vst v0;
	s21 =	smov.u32 s20  }
0x34f: {  	v0 =	vld [tilespmem:s23+$0xDAC0]  }
0x350: {  	v1 =	vld [tilespmem:s23+$0x14AC0];
	_ =	sdelay $0x3  }
0x351: {  	v2 =	vshll.u32 v0, $0x10;
	v0 =	vand.u32 $0xFFFF0000, v0  }
0x352: {  	v3 =	vshll.u32 v1, $0x10;
	v1 =	vand.u32 $0xFFFF0000, v1  }
0x353: {  	v2 =	vadd.f32 v3, v2;
	v0 =	vadd.f32 v1, v0;
	_ =	sdelay $0x1  }
0x354: {  	[tilespmem:s20+$0xFFFFFF90] =	vst v2  }
0x355: {  	[tilespmem:s20+$0xFFFFFFD0] =	vst v0  }
0x356: {  	v0 =	vld [tilespmem:s23+$0xDAD0]  }
0x357: {  	v1 =	vld [tilespmem:s23+$0x14AD0];
	_ =	sdelay $0x3  }
0x358: {  	v2 =	vshll.u32 v0, $0x10;
	v0 =	vand.u32 $0xFFFF0000, v0  }
0x359: {  	v3 =	vshll.u32 v1, $0x10;
	v1 =	vand.u32 $0xFFFF0000, v1  }
0x35a: {  	v2 =	vadd.f32 v3, v2;
	v0 =	vadd.f32 v1, v0;
	_ =	sdelay $0x1  }
0x35b: {  	[tilespmem:s20+$0xFFFFFFA0] =	vst v2  }
0x35c: {  	[tilespmem:s20+$0xFFFFFFE0] =	vst v0  }
0x35d: {  	v0 =	vld [tilespmem:s23+$0xDAE0]  }
0x35e: {  	v1 =	vld [tilespmem:s23+$0x14AE0];
	_ =	sdelay $0x3  }
0x35f: {  	v2 =	vshll.u32 v0, $0x10;
	v0 =	vand.u32 $0xFFFF0000, v0  }
0x360: {  	v3 =	vshll.u32 v1, $0x10;
	v1 =	vand.u32 $0xFFFF0000, v1  }
0x361: {  	v2 =	vadd.f32 v3, v2;
	v0 =	vadd.f32 v1, v0  }
.Ltmp4:
0x362: {  	(pc) =	sbr.rel @p0 .LBB2_11-.Ltmp4, $4  }
0x363: {  	[tilespmem:s20+$0xFFFFFFB0] =	vst v2  }
0x364: {  	[tilespmem:s20+$0xFFFFFFF0] =	vst v0  }
0x365: {  	v0 =	vld [tilespmem:s23+$0xDAF0]  }
0x366: {  	v1 =	vld [tilespmem:s23+$0x14AF0]  }
0x367: {  	_ =	sdelay $0x2  }
0x368: {  	s6 =	sadd.s32 $0x1, s6  }
0x369: {  	p0 =	sne.s32 s6, $0x7;
	v2 =	vshll.u32 v0, $0x10;
	v3 =	vshll.u32 v1, $0x10  }
.Ltmp5:
0x36a: {  	v62 =	vand.u32 $0xFFFF0000, v0;
	v63 =	vand.u32 $0xFFFF0000, v1;
	v2 =	vadd.f32 v3, v2;
	(pc) =	sbr.rel @p0 .LBB2_4-.Ltmp5, $4  }
0x36b: {  	s18 =	sadd.s32 s4, s18;
	v0 =	vadd.f32 v63, v62  }
0x36c: {  	s18 =	sshll.u32 s18, $0x4;
	[tilespmem:s21+$0xFFFFFFC0] =	vst v2  }
0x36d: {  	s18 =	sadd.s32 s2, s18;
	[tilespmem:s21+$0x0] =	vst v0  }
0x36e: {  	[hbm4b:s18+s3] =	stream.linear.scatter [tilespmem:s11], [sflag:$0x6], $0x3800, $0x38;
	[tilespmem:$0x1D6C0] =	vst v63  }
0x36f: {  	_ =	swait.ge [sflag:s13], $0x3800  }
0x370: {  	[sflag:s13] =	ssyncset.done $0x0  }
0x371: {  	[sflag:s13] =	ssyncadd.s32 $0xFFFFC800  }
0x372: {  	_ =	swait.ge [sflag:s17], $0x3800  }
0x373: {  	s18 =	rddreg [dreg:$0xe]  }
0x374: {  	s6 =	rddreg [dreg:$0xd];
	s18 =	sadd.s32 $0x1, s18  }
0x375: {  	p0 =	sne.s32 s18, s6  }
.Ltmp6:
0x376: {  	_ = 	snop;
	(pc) =	sbr.rel @p0 .LBB2_1-.Ltmp6, $3  }
0x377: {  	_ =	sdelay $0x1  }
0x378: {  	[sflag:s17] =	ssyncset.done $0x0  }
0x379: {  	[sflag:s17] =	ssyncadd.s32 $0xFFFFC800  }
0x37a: {  	_ =	sfence.sel $0x180000  }
0x37b: {  	[bflag:$0x0] =	sbarrier.arrive $0xFFFF  }
0x37c: {  	_ =	strace $0x90000047  }
0x37d: {  	s0 =	stileid.u32;
	[bflag:$0x2] =	sbarrier.arrive $0xFFFF  }
0x37e: {  	p0 =	sne.s32 s0, $0x0;
	s0 =	rddreg [dreg:$0x3]  }
0x37f: {  	s0 =	sadd.s32 @!p0 $0x100000, s0  }
0x380: {  	[sflag:s0] =	ssyncadd.tile.s32 @!p0 $0x1;
	_ =	shalt  }
.Lfunc_end2:
_tile_overlayer_lowered:
.L_overlay_start_2:
0x381: {  	(tag) =	ssettag $0x2  }
0x382: {  	s0 =	rddreg [dreg:$0x0];
	s2 =	stileid.u32  }
0x383: {  	s1 =	rddreg [dreg:$0x1];
	p0 =	sne.s32 s2, $0x0  }
0x384: {  	s3 =	rddreg [dreg:$0x2];
	[bflag:$0x3] =	sbarrier.arrive $0xFFFF;
	s2 =	simm.s32 @!p0 $0x1C07  }
0x385: {  	[timem:s3], [sflag:s2] =	dma.local @!p0 [hbm:s0], s1  }
0x386: {  	s0 =	simm.s32 @!p0 $0x7  }
0x387: {  	_ =	swait.ge @!p0 [sflag:s0], s1  }
0x388: {  	s1 =	ssub.s32 @!p0 $0x0, s1;
	[sflag:s0] =	ssyncset.done @!p0 $0x0  }
0x389: {  	[sflag:s0] =	ssyncadd.s32 @!p0 s1  }
0x38a: {  	[bflag:$0x3] =	sbarrier.arrive $0xFFFF  }
0x38b: {  	_ =	shalt  }

</sc_bundles>
